<compile_context>
chip_gen: v7x
topology: tpu7x:2x2x1
jax: 0.10.2.dev20260603
libtpu: 0.0.44.dev20260713+nightly
codegen_flags: <defaults>
</compile_context>

<pallas_src>
import functools

import jax
import jax.numpy as jnp
from jax import lax
from jax.experimental import pallas as pl
from jax.experimental.pallas import tpu as pltpu
from jax.experimental.pallas import tpu_sc as plsc

_W = 256
_NGRP = 8
_TPG = 16


def kernel(batch, table):
    B, = batch.shape
    V, D = table.shape
    NTILE = _NGRP * _TPG
    V_PHYS = ((V + 127) // 128) * 128

    info = plsc.get_sparse_core_info()
    NC, NS = info.num_cores, info.num_subcores
    NW = NC * NS
    r_per_w = V // NW
    max_col0 = V_PHYS - _W
    assert max_col0 % 128 == 0

    mesh = plsc.VectorSubcoreMesh(core_axis_name="c", subcore_axis_name="s")

    @functools.partial(
        pl.kernel,
        mesh=mesh,
        out_type=jax.ShapeDtypeStruct((B, D), jnp.float32),
        compiler_params=pltpu.CompilerParams(needs_layout_passes=False),
        scratch_types=[
            pltpu.VMEM((B,), jnp.int32),
            pltpu.VMEM((B + 16,), jnp.int32),
            pltpu.VMEM((B,), jnp.int32),
            pltpu.VMEM((B + 16,), jnp.int32),
            pltpu.VMEM((B,), jnp.int32),
            pltpu.VMEM((16,), jnp.int32),
            pltpu.VMEM((16,), jnp.int32),
            pltpu.VMEM((32, D), jnp.float32),
            pltpu.VMEM((16 * D,), jnp.int32),
            pltpu.VMEM((D, _W), jnp.float32),
            pltpu.VMEM((D, _W), jnp.float32),
            pltpu.SemaphoreType.DMA,
            pltpu.SemaphoreType.DMA,
            pltpu.SemaphoreType.DMA,
        ],
    )
    def gather_kernel(idx_hbm, table_t_hbm, out_hbm, gidx, locv, locp,
                      lv2, lp2, tv, tp, staging, dummy, slab0, slab1,
                      ssem0, ssem1, osem):
        slabs = (slab0, slab1)
        ssems = (ssem0, ssem1)
        wid = lax.axis_index("s") * NC + lax.axis_index("c")
        lo = wid * r_per_w
        hi = lo + r_per_w
        t_start = lo // _W

        pltpu.sync_copy(idx_hbm, gidx)
        for _ in range(2):
            pltpu.make_async_copy(
                idx_hbm.at[pl.ds(0, 16 * D)], dummy, osem
            ).start()

        lane16 = lax.iota(jnp.int32, 16)

        def tile_col0(t_idx):
            return pl.multiple_of(
                jnp.minimum((t_start + t_idx) * _W, max_col0), 128
            )

        def fire(t_idx, slot):
            pltpu.make_async_copy(
                table_t_hbm.at[:, pl.ds(tile_col0(t_idx), _W)],
                slabs[slot], ssems[slot],
            ).start()

        def drain(slot):
            pltpu.make_async_copy(
                table_t_hbm.at[:, pl.ds(0, _W)], slabs[slot], ssems[slot]
            ).wait()

        fire(0, 0)

        def scan_a(c, cnt):
            vec = gidx[pl.ds(c * 16, 16)]
            mask = (vec >= lo) & (vec < hi)
            m = plsc.all_reduce_population_count(mask)[0]

            @pl.when(m > 0)
            def _():
                plsc.store_compressed(locv.at[pl.ds(cnt, 16)], vec, mask=mask)
                plsc.store_compressed(
                    locp.at[pl.ds(cnt, 16)], lane16 + c * 16, mask=mask
                )

            return cnt + m

        cnt = lax.fori_loop(0, B // 16, scan_a, 0)
        locv[pl.ds(cnt, 16)] = jnp.full((16,), -1, jnp.int32)

        def group(gi, gc_grp):
            g_lo = t_start + gi * _TPG

            def scan_b(c, cnt2):
                vec = locv[pl.ds(c * 16, 16)]
                pos = locp[pl.ds(c * 16, 16)]
                tile_of = vec // _W
                mask = (tile_of >= g_lo) & (tile_of < g_lo + _TPG)
                m = plsc.all_reduce_population_count(mask)[0]

                @pl.when(m > 0)
                def _():
                    plsc.store_compressed(
                        lv2.at[pl.ds(cnt2, 16)], vec, mask=mask
                    )
                    plsc.store_compressed(
                        lp2.at[pl.ds(cnt2, 16)], pos, mask=mask
                    )

                return cnt2 + m

            cnt2 = lax.fori_loop(0, (cnt + 15) // 16, scan_b, 0)
            lv2[pl.ds(cnt2, 16)] = jnp.full((16,), -1, jnp.int32)

            def pair(pp, gc_in):
                gc_box = [gc_in]
                for parity in range(2):
                    t_idx = gi * _TPG + pp * 2 + parity
                    slot = parity
                    drain(slot)
                    fire(t_idx + 1, 1 - parity)
                    t_g = t_start + t_idx
                    col0 = tile_col0(t_idx)

                    def scan_c(c, gc, slot=slot, t_g=t_g, col0=col0):
                        vec = lv2[pl.ds(c * 16, 16)]
                        mask = (vec // _W) == t_g
                        m16 = plsc.all_reduce_population_count(mask)[0]

                        @pl.when(m16 > 0)
                        def _():
                            pos = lp2[pl.ds(c * 16, 16)]
                            plsc.store_compressed(
                                tv.at[pl.ds(0, 16)], vec, mask=mask
                            )
                            plsc.store_compressed(
                                tp.at[pl.ds(0, 16)], pos, mask=mask
                            )
                            tvv = tv[pl.ds(0, 16)]
                            tpv = tp[pl.ds(0, 16)]
                            lvalid = lane16 < m16
                            jv = jnp.where(
                                lvalid,
                                jnp.clip(tvv - col0, 0, _W - 1),
                                jnp.full((16,), tvv[0] - col0, jnp.int32),
                            )
                            tp2 = jnp.where(
                                lvalid, tpv,
                                jnp.full((16,), tpv[0], jnp.int32),
                            )
                            base = (gc % 2) * 16
                            pltpu.make_async_copy(
                                idx_hbm.at[pl.ds(0, 16 * D)], dummy, osem
                            ).wait()
                            for l in range(16):
                                j = jnp.full((16,), jv[l], jnp.int32)
                                for t4 in range(D // 16):
                                    g = plsc.load_gather(
                                        slabs[slot], [lane16 + 16 * t4, j]
                                    )
                                    staging[base + l, pl.ds(16 * t4, 16)] = g
                            for l in range(16):
                                pltpu.make_async_copy(
                                    staging.at[pl.ds(base + l, 1)],
                                    out_hbm.at[pl.ds(tp2[l], 1)],
                                    osem,
                                ).start()

                        return gc + jnp.where(m16 > 0, 1, 0)

                    gc_box[0] = lax.fori_loop(
                        0, (cnt2 + 15) // 16, scan_c, gc_box[0]
                    )
                return gc_box[0]

            return lax.fori_loop(0, _TPG // 2, pair, gc_grp)

        lax.fori_loop(0, _NGRP, group, 0)

        drain(NTILE % 2)
        for _ in range(2):
            pltpu.make_async_copy(
                idx_hbm.at[pl.ds(0, 16 * D)], dummy, osem
            ).wait()

    return gather_kernel(batch.astype(jnp.int32), table.T)

# --- scband reference (transcript-rebuilt; emitter-appended) ---
"""Pipeline reference for scband-class-embedder-17068200034647 (READ-ONLY COPY).

The authoritative reference and input builder live on the scoring server;
editing this copy changes nothing except your own understanding.
"""

import jax, jax.numpy as jnp
import numpy as np

CLS_DIM = 1000000
EMB_DIM = 64
BATCH = 16384

def setup_inputs(seed: int = 0) -> dict:
    key = jax.random.key(seed)
    k_idx, k_tab = jax.random.split(key)
    batch = jax.random.randint(k_idx, (BATCH,), 0, CLS_DIM, dtype=jnp.int64 if jax.config.jax_enable_x64 else jnp.int32)
    table = jax.random.normal(k_tab, (CLS_DIM, EMB_DIM), dtype=jnp.float32)
    return {"batch": batch, "table": table}

def reference(batch, table):
    # nn.Embedding lookup: emb = table[batch]
    emb = jnp.take(table, batch, axis=0)
    # BatchDrop with p_dropb=0.0 (eval / no-drop) is identity
    return emb

if __name__ == "__main__":
    import jax
    _d = setup_inputs()
    print(jax.jit(kernel)(*tuple(_d.values())))

</pallas_src>

<mosaic_0001>
#map = affine_map<(d0, d1) -> (0)>
#map1 = affine_map<(d0, d1) -> (0, 0)>
module attributes {stable_mosaic.version = 14 : i64} {
  func.func @gather_kernel(%arg0: i32, %arg1: i32, %arg2: memref<16384xi32, #tpu.memory_space<hbm>>, %arg3: memref<64x1000000xf32, #tpu.memory_space<hbm>>, %arg4: memref<16384x64xf32, #tpu.memory_space<hbm>>, %arg5: memref<16384xi32, #tpu.memory_space<vmem>>, %arg6: memref<16400xi32, #tpu.memory_space<vmem>>, %arg7: memref<16384xi32, #tpu.memory_space<vmem>>, %arg8: memref<16400xi32, #tpu.memory_space<vmem>>, %arg9: memref<16384xi32, #tpu.memory_space<vmem>>, %arg10: memref<16xi32, #tpu.memory_space<vmem>>, %arg11: memref<16xi32, #tpu.memory_space<vmem>>, %arg12: memref<32x64xf32, #tpu.memory_space<vmem>>, %arg13: memref<1024xi32, #tpu.memory_space<vmem>>, %arg14: memref<64x256xf32, #tpu.memory_space<vmem>>, %arg15: memref<64x256xf32, #tpu.memory_space<vmem>>, %arg16: memref<!tpu.dma_semaphore, #tpu.memory_space<semaphore_mem>>, %arg17: memref<!tpu.dma_semaphore, #tpu.memory_space<semaphore_mem>>, %arg18: memref<!tpu.dma_semaphore, #tpu.memory_space<semaphore_mem>>) attributes {dimension_semantics = [#tpu.dimension_semantics<core_parallel>, #tpu.dimension_semantics<subcore_parallel>], iteration_bounds = array<i64: 2, 16>, scalar_prefetch = 0 : i64, scratch_operands = 14 : i64, tpu.core_type = #tpu.core_type<sc_vector_subcore>, window_params = [{transform_indices = #map}, {transform_indices = #map1}, {transform_indices = #map1}]} {
    %mul3A = arith.constant 2 : i32
    %mul3A_0 = arith.muli %arg1, %mul3A : i32
    %add3A = arith.addi %mul3A_0, %arg0 : i32
    %mul3A_1 = arith.constant 31250 : i32
    %mul3A_2 = arith.muli %add3A, %mul3A_1 : i32
    %add3A_3 = arith.constant 31250 : i32
    %add3A_4 = arith.addi %mul3A_2, %add3A_3 : i32
    %jit3A = arith.constant 256 : i32
    %div3A = arith.divsi %mul3A_2, %jit3A : i32
    %sign3A = arith.constant 0 : i32
    %sign3A_5 = arith.cmpi sgt, %mul3A_2, %sign3A : i32
    %sign3A_6 = arith.extui %sign3A_5 : i1 to i32
    %sign3A_7 = arith.constant 0 : i32
    %sign3A_8 = arith.cmpi slt, %mul3A_2, %sign3A_7 : i32
    %sign3A_9 = arith.extui %sign3A_8 : i1 to i32
    %sign3A_10 = arith.subi %sign3A_6, %sign3A_9 : i32
    %sign3A_11 = arith.constant 0 : i32
    %sign3A_12 = arith.cmpi sgt, %jit3A, %sign3A_11 : i32
    %sign3A_13 = arith.extui %sign3A_12 : i1 to i32
    %sign3A_14 = arith.constant 0 : i32
    %sign3A_15 = arith.cmpi slt, %jit3A, %sign3A_14 : i32
    %sign3A_16 = arith.extui %sign3A_15 : i1 to i32
    %sign3A_17 = arith.subi %sign3A_13, %sign3A_16 : i32
    %ne3A = arith.cmpi ne, %sign3A_10, %sign3A_17 : i32
    %rem3A = arith.remsi %mul3A_2, %jit3A : i32
    %ne3A_18 = arith.constant 0 : i32
    %ne3A_19 = arith.cmpi ne, %rem3A, %ne3A_18 : i32
    %and3A = arith.andi %ne3A, %ne3A_19 : i1
    %sub3A = arith.constant 1 : i32
    %sub3A_20 = arith.subi %div3A, %sub3A : i32
    %select_n3A = arith.select %and3A, %sub3A_20, %div3A : i32
    "tpu.region"() ({
      %run_scoped3A = tpu.sem_alloc : memref<!tpu.dma_semaphore, #tpu.memory_space<semaphore_mem>>
      tpu.enqueue_dma source(%arg2 : memref<16384xi32, #tpu.memory_space<hbm>>) target(%arg5 : memref<16384xi32, #tpu.memory_space<vmem>>) target_semaphore(%run_scoped3A : memref<!tpu.dma_semaphore, #tpu.memory_space<semaphore_mem>>)
      tpu.wait_dma2 semaphore(%run_scoped3A : memref<!tpu.dma_semaphore, #tpu.memory_space<semaphore_mem>>) src(%arg2 : memref<16384xi32, #tpu.memory_space<hbm>>) dst(%arg5 : memref<16384xi32, #tpu.memory_space<vmem>>)
      tpu.yield
    }) : () -> ()
    %dma_start3A = arith.constant 0 : i32
    %dma_start3A_21 = tpu.memref_slice %arg2[%dma_start3A] : memref<16384xi32, #tpu.memory_space<hbm>> -> memref<1024xi32, #tpu.memory_space<hbm>>
    %dma_start3A_22 = arith.constant 0 : i32
    %dma_start3A_23 = tpu.memref_slice %arg2[%dma_start3A_22] : memref<16384xi32, #tpu.memory_space<hbm>> -> memref<1024xi32, #tpu.memory_space<hbm>>
    tpu.enqueue_dma source(%dma_start3A_23 : memref<1024xi32, #tpu.memory_space<hbm>>) target(%arg13 : memref<1024xi32, #tpu.memory_space<vmem>>) target_semaphore(%arg18 : memref<!tpu.dma_semaphore, #tpu.memory_space<semaphore_mem>>)
    %dma_start3A_24 = arith.constant 0 : i32
    %dma_start3A_25 = tpu.memref_slice %arg2[%dma_start3A_24] : memref<16384xi32, #tpu.memory_space<hbm>> -> memref<1024xi32, #tpu.memory_space<hbm>>
    %dma_start3A_26 = arith.constant 0 : i32
    %dma_start3A_27 = tpu.memref_slice %arg2[%dma_start3A_26] : memref<16384xi32, #tpu.memory_space<hbm>> -> memref<1024xi32, #tpu.memory_space<hbm>>
    tpu.enqueue_dma source(%dma_start3A_27 : memref<1024xi32, #tpu.memory_space<hbm>>) target(%arg13 : memref<1024xi32, #tpu.memory_space<vmem>>) target_semaphore(%arg18 : memref<!tpu.dma_semaphore, #tpu.memory_space<semaphore_mem>>)
    %iota3A = tpu.iota {dimensions = array<i32: 0>} : vector<16xi32>
    %add3A_28 = arith.constant 0 : i32
    %add3A_29 = arith.addi %select_n3A, %add3A_28 : i32
    %mul3A_30 = arith.constant 256 : i32
    %mul3A_31 = arith.muli %add3A_29, %mul3A_30 : i32
    %min3A = arith.constant 999808 : i32
    %min3A_32 = arith.minsi %mul3A_31, %min3A : i32
    %multiple_of3A = tpu.assume_multiple %min3A_32, 128 : i32
    %dma_start3A_33 = arith.constant 0 : i32
    %dma_start3A_34 = tpu.memref_slice %arg3[%dma_start3A_33, %multiple_of3A] : memref<64x1000000xf32, #tpu.memory_space<hbm>> -> memref<64x256xf32, #tpu.memory_space<hbm>>
    %dma_start3A_35 = arith.constant 0 : i32
    %dma_start3A_36 = tpu.memref_slice %arg3[%dma_start3A_35, %multiple_of3A] : memref<64x1000000xf32, #tpu.memory_space<hbm>> -> memref<64x256xf32, #tpu.memory_space<hbm>>
    tpu.enqueue_dma source(%dma_start3A_36 : memref<64x256xf32, #tpu.memory_space<hbm>>) target(%arg14 : memref<64x256xf32, #tpu.memory_space<vmem>>) target_semaphore(%arg16 : memref<!tpu.dma_semaphore, #tpu.memory_space<semaphore_mem>>)
    %scan3A = arith.constant 0 : i32
    %scan3A_37 = arith.constant 0 : i32
    %scan3A_38 = arith.constant 1024 : i32
    %scan3A_39 = arith.addi %scan3A_37, %scan3A_38 : i32
    %scan3A_40 = arith.constant 1 : i32
    %scan3A_41 = scf.for %scan3A_65 = %scan3A_37 to %scan3A_39 step %scan3A_40 iter_args(%scan3A_66 = %scan3A) -> (i32)  : i32 {
      %mul3A_67 = arith.constant 16 : i32
      %mul3A_68 = arith.muli %scan3A_65, %mul3A_67 : i32
      %get3A = arith.index_cast %mul3A_68 : i32 to index
      %get3A_69 = tpu.vector_load %arg5[%get3A] {strides = array<i32>} : memref<16384xi32, #tpu.memory_space<vmem>>, vector<16xi32>,
      %ge3A = vector.broadcast %mul3A_2 : i32 to vector<16xi32>
      %ge3A_70 = arith.cmpi sge, %get3A_69, %ge3A : vector<16xi32>
      %lt3A = vector.broadcast %add3A_4 : i32 to vector<16xi32>
      %lt3A_71 = arith.cmpi slt, %get3A_69, %lt3A : vector<16xi32>
      %and3A_72 = arith.andi %ge3A_70, %lt3A_71 : vector<16xi1>
      %all_reduce_population_count3A = tpu.all_reduce %and3A_72 {dim = 0 : i64, kind = #tpu.reduction_kind<sum>} : vector<16xi1> -> vector<16xi32>
      %slice3A = vector.extract_strided_slice %all_reduce_population_count3A {offsets = [0], sizes = [1], strides = [1]} : vector<16xi32> to vector<1xi32>
      %squeeze3A = vector.extract %slice3A[0] : i32 from vector<1xi32>
      %gt3A = arith.constant 0 : i32
      %gt3A_73 = arith.cmpi sgt, %squeeze3A, %gt3A : i32
      %convert_element_type3A = arith.extui %gt3A_73 : i1 to i32
      %cond3A = arith.constant 0 : i32
      %cond3A_74 = arith.cmpi ne, %convert_element_type3A, %cond3A : i32
      scf.if %cond3A_74 {
        %swap3A_76 = arith.index_cast %scan3A_66 : i32 to index
        %swap3A_77 = tpu.vector_load %arg6[%swap3A_76] masked %and3A_72 {strides = array<i32>} : memref<16400xi32, #tpu.memory_space<vmem>>, vector<16xi32>, vector<16xi1>
        tpu.vector_store %arg6[%swap3A_76], %get3A_69 masked %and3A_72 {strides = array<i32>} : memref<16400xi32, #tpu.memory_space<vmem>>, vector<16xi32>, vector<16xi1>
        %mul3A_78 = arith.constant 16 : i32
        %mul3A_79 = arith.muli %scan3A_65, %mul3A_78 : i32
        %add3A_80 = vector.broadcast %mul3A_79 : i32 to vector<16xi32>
        %add3A_81 = arith.addi %iota3A, %add3A_80 : vector<16xi32>
        %swap3A_82 = arith.index_cast %scan3A_66 : i32 to index
        %swap3A_83 = tpu.vector_load %arg7[%swap3A_82] masked %and3A_72 {strides = array<i32>} : memref<16384xi32, #tpu.memory_space<vmem>>, vector<16xi32>, vector<16xi1>
        tpu.vector_store %arg7[%swap3A_82], %add3A_81 masked %and3A_72 {strides = array<i32>} : memref<16384xi32, #tpu.memory_space<vmem>>, vector<16xi32>, vector<16xi1>
      } else {
      }
      %add3A_75 = arith.addi %scan3A_66, %squeeze3A : i32
      scf.yield %add3A_75 : i32
    }
    %scan3A_42 = arith.constant 1024 : i32
    %broadcast_in_dim3A = arith.constant -1 : i32
    %broadcast_in_dim3A_43 = vector.broadcast %broadcast_in_dim3A : i32 to vector<16xi32>
    %swap3A = arith.index_cast %scan3A_41 : i32 to index
    %swap3A_44 = tpu.vector_load %arg6[%swap3A] {strides = array<i32>} : memref<16400xi32, #tpu.memory_space<vmem>>, vector<16xi32>,
    tpu.vector_store %arg6[%swap3A], %broadcast_in_dim3A_43 {strides = array<i32>} : memref<16400xi32, #tpu.memory_space<vmem>>, vector<16xi32>,
    %scan3A_45 = arith.constant 0 : i32
    %scan3A_46 = arith.constant 0 : i32
    %scan3A_47 = arith.constant 8 : i32
    %scan3A_48 = arith.addi %scan3A_46, %scan3A_47 : i32
    %scan3A_49 = arith.constant 1 : i32
    %scan3A_50 = scf.for %scan3A_65 = %scan3A_46 to %scan3A_48 step %scan3A_49 iter_args(%scan3A_66 = %scan3A_45) -> (i32)  : i32 {
      %mul3A_67 = arith.constant 16 : i32
      %mul3A_68 = arith.muli %scan3A_65, %mul3A_67 : i32
      %add3A_69 = arith.addi %select_n3A, %mul3A_68 : i32
      %add3A_70 = arith.constant 15 : i32
      %add3A_71 = arith.addi %scan3A_41, %add3A_70 : i32
      %jit3A_72 = arith.constant 16 : i32
      %div3A_73 = arith.divsi %add3A_71, %jit3A_72 : i32
      %sign3A_74 = arith.constant 0 : i32
      %sign3A_75 = arith.cmpi sgt, %add3A_71, %sign3A_74 : i32
      %sign3A_76 = arith.extui %sign3A_75 : i1 to i32
      %sign3A_77 = arith.constant 0 : i32
      %sign3A_78 = arith.cmpi slt, %add3A_71, %sign3A_77 : i32
      %sign3A_79 = arith.extui %sign3A_78 : i1 to i32
      %sign3A_80 = arith.subi %sign3A_76, %sign3A_79 : i32
      %sign3A_81 = arith.constant 0 : i32
      %sign3A_82 = arith.cmpi sgt, %jit3A_72, %sign3A_81 : i32
      %sign3A_83 = arith.extui %sign3A_82 : i1 to i32
      %sign3A_84 = arith.constant 0 : i32
      %sign3A_85 = arith.cmpi slt, %jit3A_72, %sign3A_84 : i32
      %sign3A_86 = arith.extui %sign3A_85 : i1 to i32
      %sign3A_87 = arith.subi %sign3A_83, %sign3A_86 : i32
      %ne3A_88 = arith.cmpi ne, %sign3A_80, %sign3A_87 : i32
      %rem3A_89 = arith.remsi %add3A_71, %jit3A_72 : i32
      %ne3A_90 = arith.constant 0 : i32
      %ne3A_91 = arith.cmpi ne, %rem3A_89, %ne3A_90 : i32
      %and3A_92 = arith.andi %ne3A_88, %ne3A_91 : i1
      %sub3A_93 = arith.constant 1 : i32
      %sub3A_94 = arith.subi %div3A_73, %sub3A_93 : i32
      %select_n3A_95 = arith.select %and3A_92, %sub3A_94, %div3A_73 : i32
      %while3A = arith.constant 0 : i32
      %while3A_96 = arith.constant 0 : i32
      %while3A_97 = arith.subi %select_n3A_95, %while3A : i32
      %while3A_98 = arith.addi %while3A, %while3A_97 : i32
      %while3A_99 = arith.constant 1 : i32
      %while3A_100 = arith.divsi %while3A_97, %while3A_99 : i32
      %while3A_101 = arith.muli %while3A_100, %while3A_99 : i32
      %while3A_102 = arith.addi %while3A, %while3A_101 : i32
      %while3A_103 = arith.constant 1 : i32
      %while3A_104 = scf.for %while3A_117 = %while3A to %while3A_102 step %while3A_103 iter_args(%while3A_118 = %while3A_96) -> (i32)  : i32 {
        %mul3A_119 = arith.constant 16 : i32
        %mul3A_120 = arith.muli %while3A_117, %mul3A_119 : i32
        %get3A = arith.index_cast %mul3A_120 : i32 to index
        %get3A_121 = tpu.vector_load %arg6[%get3A] {strides = array<i32>} : memref<16400xi32, #tpu.memory_space<vmem>>, vector<16xi32>,
        %mul3A_122 = arith.constant 16 : i32
        %mul3A_123 = arith.muli %while3A_117, %mul3A_122 : i32
        %get3A_124 = arith.index_cast %mul3A_123 : i32 to index
        %get3A_125 = tpu.vector_load %arg7[%get3A_124] {strides = array<i32>} : memref<16384xi32, #tpu.memory_space<vmem>>, vector<16xi32>,
        %jit3A_126 = arith.constant 256 : i32
        %div3A_127 = vector.broadcast %jit3A_126 : i32 to vector<16xi32>
        %div3A_128 = arith.divsi %get3A_121, %div3A_127 : vector<16xi32>
        %sign3A_129 = arith.constant 0 : i32
        %sign3A_130 = vector.broadcast %sign3A_129 : i32 to vector<16xi32>
        %sign3A_131 = arith.cmpi sgt, %get3A_121, %sign3A_130 : vector<16xi32>
        %sign3A_132 = arith.extui %sign3A_131 : vector<16xi1> to vector<16xi32>
        %sign3A_133 = arith.constant 0 : i32
        %sign3A_134 = vector.broadcast %sign3A_133 : i32 to vector<16xi32>
        %sign3A_135 = arith.cmpi slt, %get3A_121, %sign3A_134 : vector<16xi32>
        %sign3A_136 = arith.extui %sign3A_135 : vector<16xi1> to vector<16xi32>
        %sign3A_137 = arith.subi %sign3A_132, %sign3A_136 : vector<16xi32>
        %sign3A_138 = arith.constant 0 : i32
        %sign3A_139 = arith.cmpi sgt, %jit3A_126, %sign3A_138 : i32
        %sign3A_140 = arith.extui %sign3A_139 : i1 to i32
        %sign3A_141 = arith.constant 0 : i32
        %sign3A_142 = arith.cmpi slt, %jit3A_126, %sign3A_141 : i32
        %sign3A_143 = arith.extui %sign3A_142 : i1 to i32
        %sign3A_144 = arith.subi %sign3A_140, %sign3A_143 : i32
        %ne3A_145 = vector.broadcast %sign3A_144 : i32 to vector<16xi32>
        %ne3A_146 = arith.cmpi ne, %sign3A_137, %ne3A_145 : vector<16xi32>
        %rem3A_147 = vector.broadcast %jit3A_126 : i32 to vector<16xi32>
        %rem3A_148 = arith.remsi %get3A_121, %rem3A_147 : vector<16xi32>
        %ne3A_149 = arith.constant 0 : i32
        %ne3A_150 = vector.broadcast %ne3A_149 : i32 to vector<16xi32>
        %ne3A_151 = arith.cmpi ne, %rem3A_148, %ne3A_150 : vector<16xi32>
        %and3A_152 = arith.andi %ne3A_146, %ne3A_151 : vector<16xi1>
        %sub3A_153 = arith.constant 1 : i32
        %sub3A_154 = vector.broadcast %sub3A_153 : i32 to vector<16xi32>
        %sub3A_155 = arith.subi %div3A_128, %sub3A_154 : vector<16xi32>
        %select_n3A_156 = arith.select %and3A_152, %sub3A_155, %div3A_128 : vector<16xi1>, vector<16xi32>
        %ge3A = vector.broadcast %add3A_69 : i32 to vector<16xi32>
        %ge3A_157 = arith.cmpi sge, %select_n3A_156, %ge3A : vector<16xi32>
        %add3A_158 = arith.constant 16 : i32
        %add3A_159 = arith.addi %add3A_69, %add3A_158 : i32
        %lt3A = vector.broadcast %add3A_159 : i32 to vector<16xi32>
        %lt3A_160 = arith.cmpi slt, %select_n3A_156, %lt3A : vector<16xi32>
        %and3A_161 = arith.andi %ge3A_157, %lt3A_160 : vector<16xi1>
        %all_reduce_population_count3A = tpu.all_reduce %and3A_161 {dim = 0 : i64, kind = #tpu.reduction_kind<sum>} : vector<16xi1> -> vector<16xi32>
        %slice3A = vector.extract_strided_slice %all_reduce_population_count3A {offsets = [0], sizes = [1], strides = [1]} : vector<16xi32> to vector<1xi32>
        %squeeze3A = vector.extract %slice3A[0] : i32 from vector<1xi32>
        %gt3A = arith.constant 0 : i32
        %gt3A_162 = arith.cmpi sgt, %squeeze3A, %gt3A : i32
        %convert_element_type3A = arith.extui %gt3A_162 : i1 to i32
        %cond3A = arith.constant 0 : i32
        %cond3A_163 = arith.cmpi ne, %convert_element_type3A, %cond3A : i32
        scf.if %cond3A_163 {
          %swap3A_165 = arith.index_cast %while3A_118 : i32 to index
          %swap3A_166 = tpu.vector_load %arg8[%swap3A_165] masked %and3A_161 {strides = array<i32>} : memref<16400xi32, #tpu.memory_space<vmem>>, vector<16xi32>, vector<16xi1>
          tpu.vector_store %arg8[%swap3A_165], %get3A_121 masked %and3A_161 {strides = array<i32>} : memref<16400xi32, #tpu.memory_space<vmem>>, vector<16xi32>, vector<16xi1>
          %swap3A_167 = arith.index_cast %while3A_118 : i32 to index
          %swap3A_168 = tpu.vector_load %arg9[%swap3A_167] masked %and3A_161 {strides = array<i32>} : memref<16384xi32, #tpu.memory_space<vmem>>, vector<16xi32>, vector<16xi1>
          tpu.vector_store %arg9[%swap3A_167], %get3A_125 masked %and3A_161 {strides = array<i32>} : memref<16384xi32, #tpu.memory_space<vmem>>, vector<16xi32>, vector<16xi1>
        } else {
        }
        %add3A_164 = arith.addi %while3A_118, %squeeze3A : i32
        scf.yield %add3A_164 : i32
      }
      %while3A_105 = arith.constant 1 : i32
      %while3A_106 = scf.for %while3A_117 = %while3A_102 to %while3A_98 step %while3A_105 iter_args(%while3A_118 = %while3A_104) -> (i32)  : i32 {
        %mul3A_119 = arith.constant 16 : i32
        %mul3A_120 = arith.muli %while3A_117, %mul3A_119 : i32
        %get3A = arith.index_cast %mul3A_120 : i32 to index
        %get3A_121 = tpu.vector_load %arg6[%get3A] {strides = array<i32>} : memref<16400xi32, #tpu.memory_space<vmem>>, vector<16xi32>,
        %mul3A_122 = arith.constant 16 : i32
        %mul3A_123 = arith.muli %while3A_117, %mul3A_122 : i32
        %get3A_124 = arith.index_cast %mul3A_123 : i32 to index
        %get3A_125 = tpu.vector_load %arg7[%get3A_124] {strides = array<i32>} : memref<16384xi32, #tpu.memory_space<vmem>>, vector<16xi32>,
        %jit3A_126 = arith.constant 256 : i32
        %div3A_127 = vector.broadcast %jit3A_126 : i32 to vector<16xi32>
        %div3A_128 = arith.divsi %get3A_121, %div3A_127 : vector<16xi32>
        %sign3A_129 = arith.constant 0 : i32
        %sign3A_130 = vector.broadcast %sign3A_129 : i32 to vector<16xi32>
        %sign3A_131 = arith.cmpi sgt, %get3A_121, %sign3A_130 : vector<16xi32>
        %sign3A_132 = arith.extui %sign3A_131 : vector<16xi1> to vector<16xi32>
        %sign3A_133 = arith.constant 0 : i32
        %sign3A_134 = vector.broadcast %sign3A_133 : i32 to vector<16xi32>
        %sign3A_135 = arith.cmpi slt, %get3A_121, %sign3A_134 : vector<16xi32>
        %sign3A_136 = arith.extui %sign3A_135 : vector<16xi1> to vector<16xi32>
        %sign3A_137 = arith.subi %sign3A_132, %sign3A_136 : vector<16xi32>
        %sign3A_138 = arith.constant 0 : i32
        %sign3A_139 = arith.cmpi sgt, %jit3A_126, %sign3A_138 : i32
        %sign3A_140 = arith.extui %sign3A_139 : i1 to i32
        %sign3A_141 = arith.constant 0 : i32
        %sign3A_142 = arith.cmpi slt, %jit3A_126, %sign3A_141 : i32
        %sign3A_143 = arith.extui %sign3A_142 : i1 to i32
        %sign3A_144 = arith.subi %sign3A_140, %sign3A_143 : i32
        %ne3A_145 = vector.broadcast %sign3A_144 : i32 to vector<16xi32>
        %ne3A_146 = arith.cmpi ne, %sign3A_137, %ne3A_145 : vector<16xi32>
        %rem3A_147 = vector.broadcast %jit3A_126 : i32 to vector<16xi32>
        %rem3A_148 = arith.remsi %get3A_121, %rem3A_147 : vector<16xi32>
        %ne3A_149 = arith.constant 0 : i32
        %ne3A_150 = vector.broadcast %ne3A_149 : i32 to vector<16xi32>
        %ne3A_151 = arith.cmpi ne, %rem3A_148, %ne3A_150 : vector<16xi32>
        %and3A_152 = arith.andi %ne3A_146, %ne3A_151 : vector<16xi1>
        %sub3A_153 = arith.constant 1 : i32
        %sub3A_154 = vector.broadcast %sub3A_153 : i32 to vector<16xi32>
        %sub3A_155 = arith.subi %div3A_128, %sub3A_154 : vector<16xi32>
        %select_n3A_156 = arith.select %and3A_152, %sub3A_155, %div3A_128 : vector<16xi1>, vector<16xi32>
        %ge3A = vector.broadcast %add3A_69 : i32 to vector<16xi32>
        %ge3A_157 = arith.cmpi sge, %select_n3A_156, %ge3A : vector<16xi32>
        %add3A_158 = arith.constant 16 : i32
        %add3A_159 = arith.addi %add3A_69, %add3A_158 : i32
        %lt3A = vector.broadcast %add3A_159 : i32 to vector<16xi32>
        %lt3A_160 = arith.cmpi slt, %select_n3A_156, %lt3A : vector<16xi32>
        %and3A_161 = arith.andi %ge3A_157, %lt3A_160 : vector<16xi1>
        %all_reduce_population_count3A = tpu.all_reduce %and3A_161 {dim = 0 : i64, kind = #tpu.reduction_kind<sum>} : vector<16xi1> -> vector<16xi32>
        %slice3A = vector.extract_strided_slice %all_reduce_population_count3A {offsets = [0], sizes = [1], strides = [1]} : vector<16xi32> to vector<1xi32>
        %squeeze3A = vector.extract %slice3A[0] : i32 from vector<1xi32>
        %gt3A = arith.constant 0 : i32
        %gt3A_162 = arith.cmpi sgt, %squeeze3A, %gt3A : i32
        %convert_element_type3A = arith.extui %gt3A_162 : i1 to i32
        %cond3A = arith.constant 0 : i32
        %cond3A_163 = arith.cmpi ne, %convert_element_type3A, %cond3A : i32
        scf.if %cond3A_163 {
          %swap3A_165 = arith.index_cast %while3A_118 : i32 to index
          %swap3A_166 = tpu.vector_load %arg8[%swap3A_165] masked %and3A_161 {strides = array<i32>} : memref<16400xi32, #tpu.memory_space<vmem>>, vector<16xi32>, vector<16xi1>
          tpu.vector_store %arg8[%swap3A_165], %get3A_121 masked %and3A_161 {strides = array<i32>} : memref<16400xi32, #tpu.memory_space<vmem>>, vector<16xi32>, vector<16xi1>
          %swap3A_167 = arith.index_cast %while3A_118 : i32 to index
          %swap3A_168 = tpu.vector_load %arg9[%swap3A_167] masked %and3A_161 {strides = array<i32>} : memref<16384xi32, #tpu.memory_space<vmem>>, vector<16xi32>, vector<16xi1>
          tpu.vector_store %arg9[%swap3A_167], %get3A_125 masked %and3A_161 {strides = array<i32>} : memref<16384xi32, #tpu.memory_space<vmem>>, vector<16xi32>, vector<16xi1>
        } else {
        }
        %add3A_164 = arith.addi %while3A_118, %squeeze3A : i32
        scf.yield %add3A_164 : i32
      }
      %broadcast_in_dim3A_107 = arith.constant -1 : i32
      %broadcast_in_dim3A_108 = vector.broadcast %broadcast_in_dim3A_107 : i32 to vector<16xi32>
      %swap3A_109 = arith.index_cast %while3A_106 : i32 to index
      %swap3A_110 = tpu.vector_load %arg8[%swap3A_109] {strides = array<i32>} : memref<16400xi32, #tpu.memory_space<vmem>>, vector<16xi32>,
      tpu.vector_store %arg8[%swap3A_109], %broadcast_in_dim3A_108 {strides = array<i32>} : memref<16400xi32, #tpu.memory_space<vmem>>, vector<16xi32>,
      %scan3A_111 = arith.constant 0 : i32
      %scan3A_112 = arith.constant 8 : i32
      %scan3A_113 = arith.addi %scan3A_111, %scan3A_112 : i32
      %scan3A_114 = arith.constant 1 : i32
      %scan3A_115 = scf.for %scan3A_117 = %scan3A_111 to %scan3A_113 step %scan3A_114 iter_args(%scan3A_118 = %scan3A_66) -> (i32)  : i32 {
        %mul3A_119 = arith.constant 16 : i32
        %mul3A_120 = arith.muli %scan3A_65, %mul3A_119 : i32
        %mul3A_121 = arith.constant 2 : i32
        %mul3A_122 = arith.muli %scan3A_117, %mul3A_121 : i32
        %add3A_123 = arith.addi %mul3A_120, %mul3A_122 : i32
        %add3A_124 = arith.constant 0 : i32
        %add3A_125 = arith.addi %add3A_123, %add3A_124 : i32
        %dma_wait3A_126 = arith.constant 0 : i32
        %dma_wait3A_127 = arith.constant 0 : i32
        %dma_wait3A_128 = tpu.memref_slice %arg3[%dma_wait3A_126, %dma_wait3A_127] : memref<64x1000000xf32, #tpu.memory_space<hbm>> -> memref<64x256xf32, #tpu.memory_space<hbm>>
        %dma_wait3A_129 = arith.constant 0 : i32
        %dma_wait3A_130 = arith.constant 0 : i32
        %dma_wait3A_131 = tpu.memref_slice %arg3[%dma_wait3A_129, %dma_wait3A_130] : memref<64x1000000xf32, #tpu.memory_space<hbm>> -> memref<64x256xf32, #tpu.memory_space<hbm>>
        tpu.wait_dma2 semaphore(%arg16 : memref<!tpu.dma_semaphore, #tpu.memory_space<semaphore_mem>>) src(%dma_wait3A_131 : memref<64x256xf32, #tpu.memory_space<hbm>>) dst(%arg14 : memref<64x256xf32, #tpu.memory_space<vmem>>)
        %add3A_132 = arith.constant 1 : i32
        %add3A_133 = arith.addi %add3A_125, %add3A_132 : i32
        %add3A_134 = arith.addi %select_n3A, %add3A_133 : i32
        %mul3A_135 = arith.constant 256 : i32
        %mul3A_136 = arith.muli %add3A_134, %mul3A_135 : i32
        %min3A_137 = arith.constant 999808 : i32
        %min3A_138 = arith.minsi %mul3A_136, %min3A_137 : i32
        %multiple_of3A_139 = tpu.assume_multiple %min3A_138, 128 : i32
        %dma_start3A_140 = arith.constant 0 : i32
        %dma_start3A_141 = tpu.memref_slice %arg3[%dma_start3A_140, %multiple_of3A_139] : memref<64x1000000xf32, #tpu.memory_space<hbm>> -> memref<64x256xf32, #tpu.memory_space<hbm>>
        %dma_start3A_142 = arith.constant 0 : i32
        %dma_start3A_143 = tpu.memref_slice %arg3[%dma_start3A_142, %multiple_of3A_139] : memref<64x1000000xf32, #tpu.memory_space<hbm>> -> memref<64x256xf32, #tpu.memory_space<hbm>>
        tpu.enqueue_dma source(%dma_start3A_143 : memref<64x256xf32, #tpu.memory_space<hbm>>) target(%arg15 : memref<64x256xf32, #tpu.memory_space<vmem>>) target_semaphore(%arg17 : memref<!tpu.dma_semaphore, #tpu.memory_space<semaphore_mem>>)
        %add3A_144 = arith.addi %select_n3A, %add3A_125 : i32
        %add3A_145 = arith.addi %select_n3A, %add3A_125 : i32
        %mul3A_146 = arith.constant 256 : i32
        %mul3A_147 = arith.muli %add3A_145, %mul3A_146 : i32
        %min3A_148 = arith.constant 999808 : i32
        %min3A_149 = arith.minsi %mul3A_147, %min3A_148 : i32
        %multiple_of3A_150 = tpu.assume_multiple %min3A_149, 128 : i32
        %add3A_151 = arith.constant 15 : i32
        %add3A_152 = arith.addi %while3A_106, %add3A_151 : i32
        %jit3A_153 = arith.constant 16 : i32
        %div3A_154 = arith.divsi %add3A_152, %jit3A_153 : i32
        %sign3A_155 = arith.constant 0 : i32
        %sign3A_156 = arith.cmpi sgt, %add3A_152, %sign3A_155 : i32
        %sign3A_157 = arith.extui %sign3A_156 : i1 to i32
        %sign3A_158 = arith.constant 0 : i32
        %sign3A_159 = arith.cmpi slt, %add3A_152, %sign3A_158 : i32
        %sign3A_160 = arith.extui %sign3A_159 : i1 to i32
        %sign3A_161 = arith.subi %sign3A_157, %sign3A_160 : i32
        %sign3A_162 = arith.constant 0 : i32
        %sign3A_163 = arith.cmpi sgt, %jit3A_153, %sign3A_162 : i32
        %sign3A_164 = arith.extui %sign3A_163 : i1 to i32
        %sign3A_165 = arith.constant 0 : i32
        %sign3A_166 = arith.cmpi slt, %jit3A_153, %sign3A_165 : i32
        %sign3A_167 = arith.extui %sign3A_166 : i1 to i32
        %sign3A_168 = arith.subi %sign3A_164, %sign3A_167 : i32
        %ne3A_169 = arith.cmpi ne, %sign3A_161, %sign3A_168 : i32
        %rem3A_170 = arith.remsi %add3A_152, %jit3A_153 : i32
        %ne3A_171 = arith.constant 0 : i32
        %ne3A_172 = arith.cmpi ne, %rem3A_170, %ne3A_171 : i32
        %and3A_173 = arith.andi %ne3A_169, %ne3A_172 : i1
        %sub3A_174 = arith.constant 1 : i32
        %sub3A_175 = arith.subi %div3A_154, %sub3A_174 : i32
        %select_n3A_176 = arith.select %and3A_173, %sub3A_175, %div3A_154 : i32
        %while3A_177 = arith.constant 0 : i32
        %while3A_178 = arith.subi %select_n3A_176, %while3A_177 : i32
        %while3A_179 = arith.addi %while3A_177, %while3A_178 : i32
        %while3A_180 = arith.constant 1 : i32
        %while3A_181 = arith.divsi %while3A_178, %while3A_180 : i32
        %while3A_182 = arith.muli %while3A_181, %while3A_180 : i32
        %while3A_183 = arith.addi %while3A_177, %while3A_182 : i32
        %while3A_184 = arith.constant 1 : i32
        %while3A_185 = scf.for %while3A_257 = %while3A_177 to %while3A_183 step %while3A_184 iter_args(%while3A_258 = %scan3A_118) -> (i32)  : i32 {
          %mul3A_259 = arith.constant 16 : i32
          %mul3A_260 = arith.muli %while3A_257, %mul3A_259 : i32
          %get3A = arith.index_cast %mul3A_260 : i32 to index
          %get3A_261 = tpu.vector_load %arg8[%get3A] {strides = array<i32>} : memref<16400xi32, #tpu.memory_space<vmem>>, vector<16xi32>,
          %jit3A_262 = arith.constant 256 : i32
          %div3A_263 = vector.broadcast %jit3A_262 : i32 to vector<16xi32>
          %div3A_264 = arith.divsi %get3A_261, %div3A_263 : vector<16xi32>
          %sign3A_265 = arith.constant 0 : i32
          %sign3A_266 = vector.broadcast %sign3A_265 : i32 to vector<16xi32>
          %sign3A_267 = arith.cmpi sgt, %get3A_261, %sign3A_266 : vector<16xi32>
          %sign3A_268 = arith.extui %sign3A_267 : vector<16xi1> to vector<16xi32>
          %sign3A_269 = arith.constant 0 : i32
          %sign3A_270 = vector.broadcast %sign3A_269 : i32 to vector<16xi32>
          %sign3A_271 = arith.cmpi slt, %get3A_261, %sign3A_270 : vector<16xi32>
          %sign3A_272 = arith.extui %sign3A_271 : vector<16xi1> to vector<16xi32>
          %sign3A_273 = arith.subi %sign3A_268, %sign3A_272 : vector<16xi32>
          %sign3A_274 = arith.constant 0 : i32
          %sign3A_275 = arith.cmpi sgt, %jit3A_262, %sign3A_274 : i32
          %sign3A_276 = arith.extui %sign3A_275 : i1 to i32
          %sign3A_277 = arith.constant 0 : i32
          %sign3A_278 = arith.cmpi slt, %jit3A_262, %sign3A_277 : i32
          %sign3A_279 = arith.extui %sign3A_278 : i1 to i32
          %sign3A_280 = arith.subi %sign3A_276, %sign3A_279 : i32
          %ne3A_281 = vector.broadcast %sign3A_280 : i32 to vector<16xi32>
          %ne3A_282 = arith.cmpi ne, %sign3A_273, %ne3A_281 : vector<16xi32>
          %rem3A_283 = vector.broadcast %jit3A_262 : i32 to vector<16xi32>
          %rem3A_284 = arith.remsi %get3A_261, %rem3A_283 : vector<16xi32>
          %ne3A_285 = arith.constant 0 : i32
          %ne3A_286 = vector.broadcast %ne3A_285 : i32 to vector<16xi32>
          %ne3A_287 = arith.cmpi ne, %rem3A_284, %ne3A_286 : vector<16xi32>
          %and3A_288 = arith.andi %ne3A_282, %ne3A_287 : vector<16xi1>
          %sub3A_289 = arith.constant 1 : i32
          %sub3A_290 = vector.broadcast %sub3A_289 : i32 to vector<16xi32>
          %sub3A_291 = arith.subi %div3A_264, %sub3A_290 : vector<16xi32>
          %select_n3A_292 = arith.select %and3A_288, %sub3A_291, %div3A_264 : vector<16xi1>, vector<16xi32>
          %eq3A = vector.broadcast %add3A_144 : i32 to vector<16xi32>
          %eq3A_293 = arith.cmpi eq, %select_n3A_292, %eq3A : vector<16xi32>
          %all_reduce_population_count3A = tpu.all_reduce %eq3A_293 {dim = 0 : i64, kind = #tpu.reduction_kind<sum>} : vector<16xi1> -> vector<16xi32>
          %slice3A = vector.extract_strided_slice %all_reduce_population_count3A {offsets = [0], sizes = [1], strides = [1]} : vector<16xi32> to vector<1xi32>
          %squeeze3A = vector.extract %slice3A[0] : i32 from vector<1xi32>
          %gt3A = arith.constant 0 : i32
          %gt3A_294 = arith.cmpi sgt, %squeeze3A, %gt3A : i32
          %convert_element_type3A = arith.extui %gt3A_294 : i1 to i32
          %cond3A = arith.constant 0 : i32
          %cond3A_295 = arith.cmpi ne, %convert_element_type3A, %cond3A : i32
          scf.if %cond3A_295 {
            %mul3A_302 = arith.constant 16 : i32
            %mul3A_303 = arith.muli %while3A_257, %mul3A_302 : i32
            %get3A_304 = arith.index_cast %mul3A_303 : i32 to index
            %get3A_305 = tpu.vector_load %arg9[%get3A_304] {strides = array<i32>} : memref<16384xi32, #tpu.memory_space<vmem>>, vector<16xi32>,
            %swap3A_306 = arith.constant 0 : index
            %swap3A_307 = tpu.vector_load %arg10[%swap3A_306] masked %eq3A_293 {strides = array<i32>} : memref<16xi32, #tpu.memory_space<vmem>>, vector<16xi32>, vector<16xi1>
            tpu.vector_store %arg10[%swap3A_306], %get3A_261 masked %eq3A_293 {strides = array<i32>} : memref<16xi32, #tpu.memory_space<vmem>>, vector<16xi32>, vector<16xi1>
            %swap3A_308 = arith.constant 0 : index
            %swap3A_309 = tpu.vector_load %arg11[%swap3A_308] masked %eq3A_293 {strides = array<i32>} : memref<16xi32, #tpu.memory_space<vmem>>, vector<16xi32>, vector<16xi1>
            tpu.vector_store %arg11[%swap3A_308], %get3A_305 masked %eq3A_293 {strides = array<i32>} : memref<16xi32, #tpu.memory_space<vmem>>, vector<16xi32>, vector<16xi1>
            %get3A_310 = arith.constant 0 : index
            %get3A_311 = tpu.vector_load %arg10[%get3A_310] {strides = array<i32>} : memref<16xi32, #tpu.memory_space<vmem>>, vector<16xi32>,
            %get3A_312 = arith.constant 0 : index
            %get3A_313 = tpu.vector_load %arg11[%get3A_312] {strides = array<i32>} : memref<16xi32, #tpu.memory_space<vmem>>, vector<16xi32>,
            %lt3A = vector.broadcast %squeeze3A : i32 to vector<16xi32>
            %lt3A_314 = arith.cmpi slt, %iota3A, %lt3A : vector<16xi32>
            %sub3A_315 = vector.broadcast %multiple_of3A_150 : i32 to vector<16xi32>
            %sub3A_316 = arith.subi %get3A_311, %sub3A_315 : vector<16xi32>
            %jit3A_317 = arith.constant 0 : i32
            %jit3A_318 = arith.constant 255 : i32
            %max3A = vector.broadcast %jit3A_317 : i32 to vector<16xi32>
            %max3A_319 = arith.maxsi %max3A, %sub3A_316 : vector<16xi32>
            %min3A_320 = vector.broadcast %jit3A_318 : i32 to vector<16xi32>
            %min3A_321 = arith.minsi %min3A_320, %max3A_319 : vector<16xi32>
            %slice3A_322 = vector.extract_strided_slice %get3A_311 {offsets = [0], sizes = [1], strides = [1]} : vector<16xi32> to vector<1xi32>
            %squeeze3A_323 = vector.extract %slice3A_322[0] : i32 from vector<1xi32>
            %sub3A_324 = arith.subi %squeeze3A_323, %multiple_of3A_150 : i32
            %broadcast_in_dim3A_325 = vector.broadcast %sub3A_324 : i32 to vector<16xi32>
            %select_n3A_326 = arith.select %lt3A_314, %min3A_321, %broadcast_in_dim3A_325 : vector<16xi1>, vector<16xi32>
            %slice3A_327 = vector.extract_strided_slice %get3A_313 {offsets = [0], sizes = [1], strides = [1]} : vector<16xi32> to vector<1xi32>
            %squeeze3A_328 = vector.extract %slice3A_327[0] : i32 from vector<1xi32>
            %broadcast_in_dim3A_329 = vector.broadcast %squeeze3A_328 : i32 to vector<16xi32>
            %select_n3A_330 = arith.select %lt3A_314, %get3A_313, %broadcast_in_dim3A_329 : vector<16xi1>, vector<16xi32>
            %jit3A_331 = arith.constant 2 : i32
            %eq3A_332 = arith.constant 0 : i32
            %eq3A_333 = arith.cmpi eq, %jit3A_331, %eq3A_332 : i32
            %jit3A_334 = arith.constant 1 : i32
            %select_n3A_335 = arith.select %eq3A_333, %jit3A_334, %jit3A_331 : i32
            %rem3A_336 = arith.remsi %while3A_258, %select_n3A_335 : i32
            %ne3A_337 = arith.constant 0 : i32
            %ne3A_338 = arith.cmpi ne, %rem3A_336, %ne3A_337 : i32
            %lt3A_339 = arith.constant 0 : i32
            %lt3A_340 = arith.cmpi slt, %rem3A_336, %lt3A_339 : i32
            %lt3A_341 = arith.constant 0 : i32
            %lt3A_342 = arith.cmpi slt, %select_n3A_335, %lt3A_341 : i32
            %ne3A_343 = arith.xori %lt3A_340, %lt3A_342 : i1
            %and3A_344 = arith.andi %ne3A_343, %ne3A_338 : i1
            %add3A_345 = arith.addi %rem3A_336, %select_n3A_335 : i32
            %select_n3A_346 = arith.select %and3A_344, %add3A_345, %rem3A_336 : i32
            %mul3A_347 = arith.constant 16 : i32
            %mul3A_348 = arith.muli %select_n3A_346, %mul3A_347 : i32
            %dma_wait3A_349 = arith.constant 0 : i32
            %dma_wait3A_350 = tpu.memref_slice %arg2[%dma_wait3A_349] : memref<16384xi32, #tpu.memory_space<hbm>> -> memref<1024xi32, #tpu.memory_space<hbm>>
            %dma_wait3A_351 = arith.constant 0 : i32
            %dma_wait3A_352 = tpu.memref_slice %arg2[%dma_wait3A_351] : memref<16384xi32, #tpu.memory_space<hbm>> -> memref<1024xi32, #tpu.memory_space<hbm>>
            tpu.wait_dma2 semaphore(%arg18 : memref<!tpu.dma_semaphore, #tpu.memory_space<semaphore_mem>>) src(%dma_wait3A_352 : memref<1024xi32, #tpu.memory_space<hbm>>) dst(%arg13 : memref<1024xi32, #tpu.memory_space<vmem>>)
            %slice3A_353 = vector.extract_strided_slice %select_n3A_326 {offsets = [0], sizes = [1], strides = [1]} : vector<16xi32> to vector<1xi32>
            %squeeze3A_354 = vector.extract %slice3A_353[0] : i32 from vector<1xi32>
            %broadcast_in_dim3A_355 = vector.broadcast %squeeze3A_354 : i32 to vector<16xi32>
            %add3A_356 = arith.constant 0 : i32
            %add3A_357 = vector.broadcast %add3A_356 : i32 to vector<16xi32>
            %add3A_358 = arith.addi %iota3A, %add3A_357 : vector<16xi32>
            %gather3A = tpu.vector_load_idx %arg14[%add3A_358, %broadcast_in_dim3A_355] : memref<64x256xf32, #tpu.memory_space<vmem>>[vector<16xi32>, vector<16xi32>], vector<16xf32>,
            %add3A_359 = arith.constant 0 : i32
            %add3A_360 = arith.addi %mul3A_348, %add3A_359 : i32
            %swap3A_361 = arith.index_cast %add3A_360 : i32 to index
            %swap3A_362 = arith.constant 0 : index
            %swap3A_363 = tpu.vector_load %arg12[%swap3A_361, %swap3A_362] {strides = array<i32>} : memref<32x64xf32, #tpu.memory_space<vmem>>, vector<16xf32>,
            tpu.vector_store %arg12[%swap3A_361, %swap3A_362], %gather3A {strides = array<i32>} : memref<32x64xf32, #tpu.memory_space<vmem>>, vector<16xf32>,
            %add3A_364 = arith.constant 16 : i32
            %add3A_365 = vector.broadcast %add3A_364 : i32 to vector<16xi32>
            %add3A_366 = arith.addi %iota3A, %add3A_365 : vector<16xi32>
            %gather3A_367 = tpu.vector_load_idx %arg14[%add3A_366, %broadcast_in_dim3A_355] : memref<64x256xf32, #tpu.memory_space<vmem>>[vector<16xi32>, vector<16xi32>], vector<16xf32>,
            %add3A_368 = arith.constant 0 : i32
            %add3A_369 = arith.addi %mul3A_348, %add3A_368 : i32
            %swap3A_370 = arith.index_cast %add3A_369 : i32 to index
            %swap3A_371 = arith.constant 16 : index
            %swap3A_372 = tpu.vector_load %arg12[%swap3A_370, %swap3A_371] {strides = array<i32>} : memref<32x64xf32, #tpu.memory_space<vmem>>, vector<16xf32>,
            tpu.vector_store %arg12[%swap3A_370, %swap3A_371], %gather3A_367 {strides = array<i32>} : memref<32x64xf32, #tpu.memory_space<vmem>>, vector<16xf32>,
            %add3A_373 = arith.constant 32 : i32
            %add3A_374 = vector.broadcast %add3A_373 : i32 to vector<16xi32>
            %add3A_375 = arith.addi %iota3A, %add3A_374 : vector<16xi32>
            %gather3A_376 = tpu.vector_load_idx %arg14[%add3A_375, %broadcast_in_dim3A_355] : memref<64x256xf32, #tpu.memory_space<vmem>>[vector<16xi32>, vector<16xi32>], vector<16xf32>,
            %add3A_377 = arith.constant 0 : i32
            %add3A_378 = arith.addi %mul3A_348, %add3A_377 : i32
            %swap3A_379 = arith.index_cast %add3A_378 : i32 to index
            %swap3A_380 = arith.constant 32 : index
            %swap3A_381 = tpu.vector_load %arg12[%swap3A_379, %swap3A_380] {strides = array<i32>} : memref<32x64xf32, #tpu.memory_space<vmem>>, vector<16xf32>,
            tpu.vector_store %arg12[%swap3A_379, %swap3A_380], %gather3A_376 {strides = array<i32>} : memref<32x64xf32, #tpu.memory_space<vmem>>, vector<16xf32>,
            %add3A_382 = arith.constant 48 : i32
            %add3A_383 = vector.broadcast %add3A_382 : i32 to vector<16xi32>
            %add3A_384 = arith.addi %iota3A, %add3A_383 : vector<16xi32>
            %gather3A_385 = tpu.vector_load_idx %arg14[%add3A_384, %broadcast_in_dim3A_355] : memref<64x256xf32, #tpu.memory_space<vmem>>[vector<16xi32>, vector<16xi32>], vector<16xf32>,
            %add3A_386 = arith.constant 0 : i32
            %add3A_387 = arith.addi %mul3A_348, %add3A_386 : i32
            %swap3A_388 = arith.index_cast %add3A_387 : i32 to index
            %swap3A_389 = arith.constant 48 : index
            %swap3A_390 = tpu.vector_load %arg12[%swap3A_388, %swap3A_389] {strides = array<i32>} : memref<32x64xf32, #tpu.memory_space<vmem>>, vector<16xf32>,
            tpu.vector_store %arg12[%swap3A_388, %swap3A_389], %gather3A_385 {strides = array<i32>} : memref<32x64xf32, #tpu.memory_space<vmem>>, vector<16xf32>,
            %slice3A_391 = vector.extract_strided_slice %select_n3A_326 {offsets = [1], sizes = [1], strides = [1]} : vector<16xi32> to vector<1xi32>
            %squeeze3A_392 = vector.extract %slice3A_391[0] : i32 from vector<1xi32>
            %broadcast_in_dim3A_393 = vector.broadcast %squeeze3A_392 : i32 to vector<16xi32>
            %add3A_394 = arith.constant 0 : i32
            %add3A_395 = vector.broadcast %add3A_394 : i32 to vector<16xi32>
            %add3A_396 = arith.addi %iota3A, %add3A_395 : vector<16xi32>
            %gather3A_397 = tpu.vector_load_idx %arg14[%add3A_396, %broadcast_in_dim3A_393] : memref<64x256xf32, #tpu.memory_space<vmem>>[vector<16xi32>, vector<16xi32>], vector<16xf32>,
            %add3A_398 = arith.constant 1 : i32
            %add3A_399 = arith.addi %mul3A_348, %add3A_398 : i32
            %swap3A_400 = arith.index_cast %add3A_399 : i32 to index
            %swap3A_401 = arith.constant 0 : index
            %swap3A_402 = tpu.vector_load %arg12[%swap3A_400, %swap3A_401] {strides = array<i32>} : memref<32x64xf32, #tpu.memory_space<vmem>>, vector<16xf32>,
            tpu.vector_store %arg12[%swap3A_400, %swap3A_401], %gather3A_397 {strides = array<i32>} : memref<32x64xf32, #tpu.memory_space<vmem>>, vector<16xf32>,
            %add3A_403 = arith.constant 16 : i32
            %add3A_404 = vector.broadcast %add3A_403 : i32 to vector<16xi32>
            %add3A_405 = arith.addi %iota3A, %add3A_404 : vector<16xi32>
            %gather3A_406 = tpu.vector_load_idx %arg14[%add3A_405, %broadcast_in_dim3A_393] : memref<64x256xf32, #tpu.memory_space<vmem>>[vector<16xi32>, vector<16xi32>], vector<16xf32>,
            %add3A_407 = arith.constant 1 : i32
            %add3A_408 = arith.addi %mul3A_348, %add3A_407 : i32
            %swap3A_409 = arith.index_cast %add3A_408 : i32 to index
            %swap3A_410 = arith.constant 16 : index
            %swap3A_411 = tpu.vector_load %arg12[%swap3A_409, %swap3A_410] {strides = array<i32>} : memref<32x64xf32, #tpu.memory_space<vmem>>, vector<16xf32>,
            tpu.vector_store %arg12[%swap3A_409, %swap3A_410], %gather3A_406 {strides = array<i32>} : memref<32x64xf32, #tpu.memory_space<vmem>>, vector<16xf32>,
            %add3A_412 = arith.constant 32 : i32
            %add3A_413 = vector.broadcast %add3A_412 : i32 to vector<16xi32>
            %add3A_414 = arith.addi %iota3A, %add3A_413 : vector<16xi32>
            %gather3A_415 = tpu.vector_load_idx %arg14[%add3A_414, %broadcast_in_dim3A_393] : memref<64x256xf32, #tpu.memory_space<vmem>>[vector<16xi32>, vector<16xi32>], vector<16xf32>,
            %add3A_416 = arith.constant 1 : i32
            %add3A_417 = arith.addi %mul3A_348, %add3A_416 : i32
            %swap3A_418 = arith.index_cast %add3A_417 : i32 to index
            %swap3A_419 = arith.constant 32 : index
            %swap3A_420 = tpu.vector_load %arg12[%swap3A_418, %swap3A_419] {strides = array<i32>} : memref<32x64xf32, #tpu.memory_space<vmem>>, vector<16xf32>,
            tpu.vector_store %arg12[%swap3A_418, %swap3A_419], %gather3A_415 {strides = array<i32>} : memref<32x64xf32, #tpu.memory_space<vmem>>, vector<16xf32>,
            %add3A_421 = arith.constant 48 : i32
            %add3A_422 = vector.broadcast %add3A_421 : i32 to vector<16xi32>
            %add3A_423 = arith.addi %iota3A, %add3A_422 : vector<16xi32>
            %gather3A_424 = tpu.vector_load_idx %arg14[%add3A_423, %broadcast_in_dim3A_393] : memref<64x256xf32, #tpu.memory_space<vmem>>[vector<16xi32>, vector<16xi32>], vector<16xf32>,
            %add3A_425 = arith.constant 1 : i32
            %add3A_426 = arith.addi %mul3A_348, %add3A_425 : i32
            %swap3A_427 = arith.index_cast %add3A_426 : i32 to index
            %swap3A_428 = arith.constant 48 : index
            %swap3A_429 = tpu.vector_load %arg12[%swap3A_427, %swap3A_428] {strides = array<i32>} : memref<32x64xf32, #tpu.memory_space<vmem>>, vector<16xf32>,
            tpu.vector_store %arg12[%swap3A_427, %swap3A_428], %gather3A_424 {strides = array<i32>} : memref<32x64xf32, #tpu.memory_space<vmem>>, vector<16xf32>,
            %slice3A_430 = vector.extract_strided_slice %select_n3A_326 {offsets = [2], sizes = [1], strides = [1]} : vector<16xi32> to vector<1xi32>
            %squeeze3A_431 = vector.extract %slice3A_430[0] : i32 from vector<1xi32>
            %broadcast_in_dim3A_432 = vector.broadcast %squeeze3A_431 : i32 to vector<16xi32>
            %add3A_433 = arith.constant 0 : i32
            %add3A_434 = vector.broadcast %add3A_433 : i32 to vector<16xi32>
            %add3A_435 = arith.addi %iota3A, %add3A_434 : vector<16xi32>
            %gather3A_436 = tpu.vector_load_idx %arg14[%add3A_435, %broadcast_in_dim3A_432] : memref<64x256xf32, #tpu.memory_space<vmem>>[vector<16xi32>, vector<16xi32>], vector<16xf32>,
            %add3A_437 = arith.constant 2 : i32
            %add3A_438 = arith.addi %mul3A_348, %add3A_437 : i32
            %swap3A_439 = arith.index_cast %add3A_438 : i32 to index
            %swap3A_440 = arith.constant 0 : index
            %swap3A_441 = tpu.vector_load %arg12[%swap3A_439, %swap3A_440] {strides = array<i32>} : memref<32x64xf32, #tpu.memory_space<vmem>>, vector<16xf32>,
            tpu.vector_store %arg12[%swap3A_439, %swap3A_440], %gather3A_436 {strides = array<i32>} : memref<32x64xf32, #tpu.memory_space<vmem>>, vector<16xf32>,
            %add3A_442 = arith.constant 16 : i32
            %add3A_443 = vector.broadcast %add3A_442 : i32 to vector<16xi32>
            %add3A_444 = arith.addi %iota3A, %add3A_443 : vector<16xi32>
            %gather3A_445 = tpu.vector_load_idx %arg14[%add3A_444, %broadcast_in_dim3A_432] : memref<64x256xf32, #tpu.memory_space<vmem>>[vector<16xi32>, vector<16xi32>], vector<16xf32>,
            %add3A_446 = arith.constant 2 : i32
            %add3A_447 = arith.addi %mul3A_348, %add3A_446 : i32
            %swap3A_448 = arith.index_cast %add3A_447 : i32 to index
            %swap3A_449 = arith.constant 16 : index
            %swap3A_450 = tpu.vector_load %arg12[%swap3A_448, %swap3A_449] {strides = array<i32>} : memref<32x64xf32, #tpu.memory_space<vmem>>, vector<16xf32>,
            tpu.vector_store %arg12[%swap3A_448, %swap3A_449], %gather3A_445 {strides = array<i32>} : memref<32x64xf32, #tpu.memory_space<vmem>>, vector<16xf32>,
            %add3A_451 = arith.constant 32 : i32
            %add3A_452 = vector.broadcast %add3A_451 : i32 to vector<16xi32>
            %add3A_453 = arith.addi %iota3A, %add3A_452 : vector<16xi32>
            %gather3A_454 = tpu.vector_load_idx %arg14[%add3A_453, %broadcast_in_dim3A_432] : memref<64x256xf32, #tpu.memory_space<vmem>>[vector<16xi32>, vector<16xi32>], vector<16xf32>,
            %add3A_455 = arith.constant 2 : i32
            %add3A_456 = arith.addi %mul3A_348, %add3A_455 : i32
            %swap3A_457 = arith.index_cast %add3A_456 : i32 to index
            %swap3A_458 = arith.constant 32 : index
            %swap3A_459 = tpu.vector_load %arg12[%swap3A_457, %swap3A_458] {strides = array<i32>} : memref<32x64xf32, #tpu.memory_space<vmem>>, vector<16xf32>,
            tpu.vector_store %arg12[%swap3A_457, %swap3A_458], %gather3A_454 {strides = array<i32>} : memref<32x64xf32, #tpu.memory_space<vmem>>, vector<16xf32>,
            %add3A_460 = arith.constant 48 : i32
            %add3A_461 = vector.broadcast %add3A_460 : i32 to vector<16xi32>
            %add3A_462 = arith.addi %iota3A, %add3A_461 : vector<16xi32>
            %gather3A_463 = tpu.vector_load_idx %arg14[%add3A_462, %broadcast_in_dim3A_432] : memref<64x256xf32, #tpu.memory_space<vmem>>[vector<16xi32>, vector<16xi32>], vector<16xf32>,
            %add3A_464 = arith.constant 2 : i32
            %add3A_465 = arith.addi %mul3A_348, %add3A_464 : i32
            %swap3A_466 = arith.index_cast %add3A_465 : i32 to index
            %swap3A_467 = arith.constant 48 : index
            %swap3A_468 = tpu.vector_load %arg12[%swap3A_466, %swap3A_467] {strides = array<i32>} : memref<32x64xf32, #tpu.memory_space<vmem>>, vector<16xf32>,
            tpu.vector_store %arg12[%swap3A_466, %swap3A_467], %gather3A_463 {strides = array<i32>} : memref<32x64xf32, #tpu.memory_space<vmem>>, vector<16xf32>,
            %slice3A_469 = vector.extract_strided_slice %select_n3A_326 {offsets = [3], sizes = [1], strides = [1]} : vector<16xi32> to vector<1xi32>
            %squeeze3A_470 = vector.extract %slice3A_469[0] : i32 from vector<1xi32>
            %broadcast_in_dim3A_471 = vector.broadcast %squeeze3A_470 : i32 to vector<16xi32>
            %add3A_472 = arith.constant 0 : i32
            %add3A_473 = vector.broadcast %add3A_472 : i32 to vector<16xi32>
            %add3A_474 = arith.addi %iota3A, %add3A_473 : vector<16xi32>
            %gather3A_475 = tpu.vector_load_idx %arg14[%add3A_474, %broadcast_in_dim3A_471] : memref<64x256xf32, #tpu.memory_space<vmem>>[vector<16xi32>, vector<16xi32>], vector<16xf32>,
            %add3A_476 = arith.constant 3 : i32
            %add3A_477 = arith.addi %mul3A_348, %add3A_476 : i32
            %swap3A_478 = arith.index_cast %add3A_477 : i32 to index
            %swap3A_479 = arith.constant 0 : index
            %swap3A_480 = tpu.vector_load %arg12[%swap3A_478, %swap3A_479] {strides = array<i32>} : memref<32x64xf32, #tpu.memory_space<vmem>>, vector<16xf32>,
            tpu.vector_store %arg12[%swap3A_478, %swap3A_479], %gather3A_475 {strides = array<i32>} : memref<32x64xf32, #tpu.memory_space<vmem>>, vector<16xf32>,
            %add3A_481 = arith.constant 16 : i32
            %add3A_482 = vector.broadcast %add3A_481 : i32 to vector<16xi32>
            %add3A_483 = arith.addi %iota3A, %add3A_482 : vector<16xi32>
            %gather3A_484 = tpu.vector_load_idx %arg14[%add3A_483, %broadcast_in_dim3A_471] : memref<64x256xf32, #tpu.memory_space<vmem>>[vector<16xi32>, vector<16xi32>], vector<16xf32>,
            %add3A_485 = arith.constant 3 : i32
            %add3A_486 = arith.addi %mul3A_348, %add3A_485 : i32
            %swap3A_487 = arith.index_cast %add3A_486 : i32 to index
            %swap3A_488 = arith.constant 16 : index
            %swap3A_489 = tpu.vector_load %arg12[%swap3A_487, %swap3A_488] {strides = array<i32>} : memref<32x64xf32, #tpu.memory_space<vmem>>, vector<16xf32>,
            tpu.vector_store %arg12[%swap3A_487, %swap3A_488], %gather3A_484 {strides = array<i32>} : memref<32x64xf32, #tpu.memory_space<vmem>>, vector<16xf32>,
            %add3A_490 = arith.constant 32 : i32
            %add3A_491 = vector.broadcast %add3A_490 : i32 to vector<16xi32>
            %add3A_492 = arith.addi %iota3A, %add3A_491 : vector<16xi32>
            %gather3A_493 = tpu.vector_load_idx %arg14[%add3A_492, %broadcast_in_dim3A_471] : memref<64x256xf32, #tpu.memory_space<vmem>>[vector<16xi32>, vector<16xi32>], vector<16xf32>,
            %add3A_494 = arith.constant 3 : i32
            %add3A_495 = arith.addi %mul3A_348, %add3A_494 : i32
            %swap3A_496 = arith.index_cast %add3A_495 : i32 to index
            %swap3A_497 = arith.constant 32 : index
            %swap3A_498 = tpu.vector_load %arg12[%swap3A_496, %swap3A_497] {strides = array<i32>} : memref<32x64xf32, #tpu.memory_space<vmem>>, vector<16xf32>,
            tpu.vector_store %arg12[%swap3A_496, %swap3A_497], %gather3A_493 {strides = array<i32>} : memref<32x64xf32, #tpu.memory_space<vmem>>, vector<16xf32>,
            %add3A_499 = arith.constant 48 : i32
            %add3A_500 = vector.broadcast %add3A_499 : i32 to vector<16xi32>
            %add3A_501 = arith.addi %iota3A, %add3A_500 : vector<16xi32>
            %gather3A_502 = tpu.vector_load_idx %arg14[%add3A_501, %broadcast_in_dim3A_471] : memref<64x256xf32, #tpu.memory_space<vmem>>[vector<16xi32>, vector<16xi32>], vector<16xf32>,
            %add3A_503 = arith.constant 3 : i32
            %add3A_504 = arith.addi %mul3A_348, %add3A_503 : i32
            %swap3A_505 = arith.index_cast %add3A_504 : i32 to index
            %swap3A_506 = arith.constant 48 : index
            %swap3A_507 = tpu.vector_load %arg12[%swap3A_505, %swap3A_506] {strides = array<i32>} : memref<32x64xf32, #tpu.memory_space<vmem>>, vector<16xf32>,
            tpu.vector_store %arg12[%swap3A_505, %swap3A_506], %gather3A_502 {strides = array<i32>} : memref<32x64xf32, #tpu.memory_space<vmem>>, vector<16xf32>,
            %slice3A_508 = vector.extract_strided_slice %select_n3A_326 {offsets = [4], sizes = [1], strides = [1]} : vector<16xi32> to vector<1xi32>
            %squeeze3A_509 = vector.extract %slice3A_508[0] : i32 from vector<1xi32>
            %broadcast_in_dim3A_510 = vector.broadcast %squeeze3A_509 : i32 to vector<16xi32>
            %add3A_511 = arith.constant 0 : i32
            %add3A_512 = vector.broadcast %add3A_511 : i32 to vector<16xi32>
            %add3A_513 = arith.addi %iota3A, %add3A_512 : vector<16xi32>
            %gather3A_514 = tpu.vector_load_idx %arg14[%add3A_513, %broadcast_in_dim3A_510] : memref<64x256xf32, #tpu.memory_space<vmem>>[vector<16xi32>, vector<16xi32>], vector<16xf32>,
            %add3A_515 = arith.constant 4 : i32
            %add3A_516 = arith.addi %mul3A_348, %add3A_515 : i32
            %swap3A_517 = arith.index_cast %add3A_516 : i32 to index
            %swap3A_518 = arith.constant 0 : index
            %swap3A_519 = tpu.vector_load %arg12[%swap3A_517, %swap3A_518] {strides = array<i32>} : memref<32x64xf32, #tpu.memory_space<vmem>>, vector<16xf32>,
            tpu.vector_store %arg12[%swap3A_517, %swap3A_518], %gather3A_514 {strides = array<i32>} : memref<32x64xf32, #tpu.memory_space<vmem>>, vector<16xf32>,
            %add3A_520 = arith.constant 16 : i32
            %add3A_521 = vector.broadcast %add3A_520 : i32 to vector<16xi32>
            %add3A_522 = arith.addi %iota3A, %add3A_521 : vector<16xi32>
            %gather3A_523 = tpu.vector_load_idx %arg14[%add3A_522, %broadcast_in_dim3A_510] : memref<64x256xf32, #tpu.memory_space<vmem>>[vector<16xi32>, vector<16xi32>], vector<16xf32>,
            %add3A_524 = arith.constant 4 : i32
            %add3A_525 = arith.addi %mul3A_348, %add3A_524 : i32
            %swap3A_526 = arith.index_cast %add3A_525 : i32 to index
            %swap3A_527 = arith.constant 16 : index
            %swap3A_528 = tpu.vector_load %arg12[%swap3A_526, %swap3A_527] {strides = array<i32>} : memref<32x64xf32, #tpu.memory_space<vmem>>, vector<16xf32>,
            tpu.vector_store %arg12[%swap3A_526, %swap3A_527], %gather3A_523 {strides = array<i32>} : memref<32x64xf32, #tpu.memory_space<vmem>>, vector<16xf32>,
            %add3A_529 = arith.constant 32 : i32
            %add3A_530 = vector.broadcast %add3A_529 : i32 to vector<16xi32>
            %add3A_531 = arith.addi %iota3A, %add3A_530 : vector<16xi32>
            %gather3A_532 = tpu.vector_load_idx %arg14[%add3A_531, %broadcast_in_dim3A_510] : memref<64x256xf32, #tpu.memory_space<vmem>>[vector<16xi32>, vector<16xi32>], vector<16xf32>,
            %add3A_533 = arith.constant 4 : i32
            %add3A_534 = arith.addi %mul3A_348, %add3A_533 : i32
            %swap3A_535 = arith.index_cast %add3A_534 : i32 to index
            %swap3A_536 = arith.constant 32 : index
            %swap3A_537 = tpu.vector_load %arg12[%swap3A_535, %swap3A_536] {strides = array<i32>} : memref<32x64xf32, #tpu.memory_space<vmem>>, vector<16xf32>,
            tpu.vector_store %arg12[%swap3A_535, %swap3A_536], %gather3A_532 {strides = array<i32>} : memref<32x64xf32, #tpu.memory_space<vmem>>, vector<16xf32>,
            %add3A_538 = arith.constant 48 : i32
            %add3A_539 = vector.broadcast %add3A_538 : i32 to vector<16xi32>
            %add3A_540 = arith.addi %iota3A, %add3A_539 : vector<16xi32>
            %gather3A_541 = tpu.vector_load_idx %arg14[%add3A_540, %broadcast_in_dim3A_510] : memref<64x256xf32, #tpu.memory_space<vmem>>[vector<16xi32>, vector<16xi32>], vector<16xf32>,
            %add3A_542 = arith.constant 4 : i32
            %add3A_543 = arith.addi %mul3A_348, %add3A_542 : i32
            %swap3A_544 = arith.index_cast %add3A_543 : i32 to index
            %swap3A_545 = arith.constant 48 : index
            %swap3A_546 = tpu.vector_load %arg12[%swap3A_544, %swap3A_545] {strides = array<i32>} : memref<32x64xf32, #tpu.memory_space<vmem>>, vector<16xf32>,
            tpu.vector_store %arg12[%swap3A_544, %swap3A_545], %gather3A_541 {strides = array<i32>} : memref<32x64xf32, #tpu.memory_space<vmem>>, vector<16xf32>,
            %slice3A_547 = vector.extract_strided_slice %select_n3A_326 {offsets = [5], sizes = [1], strides = [1]} : vector<16xi32> to vector<1xi32>
            %squeeze3A_548 = vector.extract %slice3A_547[0] : i32 from vector<1xi32>
            %broadcast_in_dim3A_549 = vector.broadcast %squeeze3A_548 : i32 to vector<16xi32>
            %add3A_550 = arith.constant 0 : i32
            %add3A_551 = vector.broadcast %add3A_550 : i32 to vector<16xi32>
            %add3A_552 = arith.addi %iota3A, %add3A_551 : vector<16xi32>
            %gather3A_553 = tpu.vector_load_idx %arg14[%add3A_552, %broadcast_in_dim3A_549] : memref<64x256xf32, #tpu.memory_space<vmem>>[vector<16xi32>, vector<16xi32>], vector<16xf32>,
            %add3A_554 = arith.constant 5 : i32
            %add3A_555 = arith.addi %mul3A_348, %add3A_554 : i32
            %swap3A_556 = arith.index_cast %add3A_555 : i32 to index
            %swap3A_557 = arith.constant 0 : index
            %swap3A_558 = tpu.vector_load %arg12[%swap3A_556, %swap3A_557] {strides = array<i32>} : memref<32x64xf32, #tpu.memory_space<vmem>>, vector<16xf32>,
            tpu.vector_store %arg12[%swap3A_556, %swap3A_557], %gather3A_553 {strides = array<i32>} : memref<32x64xf32, #tpu.memory_space<vmem>>, vector<16xf32>,
            %add3A_559 = arith.constant 16 : i32
            %add3A_560 = vector.broadcast %add3A_559 : i32 to vector<16xi32>
            %add3A_561 = arith.addi %iota3A, %add3A_560 : vector<16xi32>
            %gather3A_562 = tpu.vector_load_idx %arg14[%add3A_561, %broadcast_in_dim3A_549] : memref<64x256xf32, #tpu.memory_space<vmem>>[vector<16xi32>, vector<16xi32>], vector<16xf32>,
            %add3A_563 = arith.constant 5 : i32
            %add3A_564 = arith.addi %mul3A_348, %add3A_563 : i32
            %swap3A_565 = arith.index_cast %add3A_564 : i32 to index
            %swap3A_566 = arith.constant 16 : index
            %swap3A_567 = tpu.vector_load %arg12[%swap3A_565, %swap3A_566] {strides = array<i32>} : memref<32x64xf32, #tpu.memory_space<vmem>>, vector<16xf32>,
            tpu.vector_store %arg12[%swap3A_565, %swap3A_566], %gather3A_562 {strides = array<i32>} : memref<32x64xf32, #tpu.memory_space<vmem>>, vector<16xf32>,
            %add3A_568 = arith.constant 32 : i32
            %add3A_569 = vector.broadcast %add3A_568 : i32 to vector<16xi32>
            %add3A_570 = arith.addi %iota3A, %add3A_569 : vector<16xi32>
            %gather3A_571 = tpu.vector_load_idx %arg14[%add3A_570, %broadcast_in_dim3A_549] : memref<64x256xf32, #tpu.memory_space<vmem>>[vector<16xi32>, vector<16xi32>], vector<16xf32>,
            %add3A_572 = arith.constant 5 : i32
            %add3A_573 = arith.addi %mul3A_348, %add3A_572 : i32
            %swap3A_574 = arith.index_cast %add3A_573 : i32 to index
            %swap3A_575 = arith.constant 32 : index
            %swap3A_576 = tpu.vector_load %arg12[%swap3A_574, %swap3A_575] {strides = array<i32>} : memref<32x64xf32, #tpu.memory_space<vmem>>, vector<16xf32>,
            tpu.vector_store %arg12[%swap3A_574, %swap3A_575], %gather3A_571 {strides = array<i32>} : memref<32x64xf32, #tpu.memory_space<vmem>>, vector<16xf32>,
            %add3A_577 = arith.constant 48 : i32
            %add3A_578 = vector.broadcast %add3A_577 : i32 to vector<16xi32>
            %add3A_579 = arith.addi %iota3A, %add3A_578 : vector<16xi32>
            %gather3A_580 = tpu.vector_load_idx %arg14[%add3A_579, %broadcast_in_dim3A_549] : memref<64x256xf32, #tpu.memory_space<vmem>>[vector<16xi32>, vector<16xi32>], vector<16xf32>,
            %add3A_581 = arith.constant 5 : i32
            %add3A_582 = arith.addi %mul3A_348, %add3A_581 : i32
            %swap3A_583 = arith.index_cast %add3A_582 : i32 to index
            %swap3A_584 = arith.constant 48 : index
            %swap3A_585 = tpu.vector_load %arg12[%swap3A_583, %swap3A_584] {strides = array<i32>} : memref<32x64xf32, #tpu.memory_space<vmem>>, vector<16xf32>,
            tpu.vector_store %arg12[%swap3A_583, %swap3A_584], %gather3A_580 {strides = array<i32>} : memref<32x64xf32, #tpu.memory_space<vmem>>, vector<16xf32>,
            %slice3A_586 = vector.extract_strided_slice %select_n3A_326 {offsets = [6], sizes = [1], strides = [1]} : vector<16xi32> to vector<1xi32>
            %squeeze3A_587 = vector.extract %slice3A_586[0] : i32 from vector<1xi32>
            %broadcast_in_dim3A_588 = vector.broadcast %squeeze3A_587 : i32 to vector<16xi32>
            %add3A_589 = arith.constant 0 : i32
            %add3A_590 = vector.broadcast %add3A_589 : i32 to vector<16xi32>
            %add3A_591 = arith.addi %iota3A, %add3A_590 : vector<16xi32>
            %gather3A_592 = tpu.vector_load_idx %arg14[%add3A_591, %broadcast_in_dim3A_588] : memref<64x256xf32, #tpu.memory_space<vmem>>[vector<16xi32>, vector<16xi32>], vector<16xf32>,
            %add3A_593 = arith.constant 6 : i32
            %add3A_594 = arith.addi %mul3A_348, %add3A_593 : i32
            %swap3A_595 = arith.index_cast %add3A_594 : i32 to index
            %swap3A_596 = arith.constant 0 : index
            %swap3A_597 = tpu.vector_load %arg12[%swap3A_595, %swap3A_596] {strides = array<i32>} : memref<32x64xf32, #tpu.memory_space<vmem>>, vector<16xf32>,
            tpu.vector_store %arg12[%swap3A_595, %swap3A_596], %gather3A_592 {strides = array<i32>} : memref<32x64xf32, #tpu.memory_space<vmem>>, vector<16xf32>,
            %add3A_598 = arith.constant 16 : i32
            %add3A_599 = vector.broadcast %add3A_598 : i32 to vector<16xi32>
            %add3A_600 = arith.addi %iota3A, %add3A_599 : vector<16xi32>
            %gather3A_601 = tpu.vector_load_idx %arg14[%add3A_600, %broadcast_in_dim3A_588] : memref<64x256xf32, #tpu.memory_space<vmem>>[vector<16xi32>, vector<16xi32>], vector<16xf32>,
            %add3A_602 = arith.constant 6 : i32
            %add3A_603 = arith.addi %mul3A_348, %add3A_602 : i32
            %swap3A_604 = arith.index_cast %add3A_603 : i32 to index
            %swap3A_605 = arith.constant 16 : index
            %swap3A_606 = tpu.vector_load %arg12[%swap3A_604, %swap3A_605] {strides = array<i32>} : memref<32x64xf32, #tpu.memory_space<vmem>>, vector<16xf32>,
            tpu.vector_store %arg12[%swap3A_604, %swap3A_605], %gather3A_601 {strides = array<i32>} : memref<32x64xf32, #tpu.memory_space<vmem>>, vector<16xf32>,
            %add3A_607 = arith.constant 32 : i32
            %add3A_608 = vector.broadcast %add3A_607 : i32 to vector<16xi32>
            %add3A_609 = arith.addi %iota3A, %add3A_608 : vector<16xi32>
            %gather3A_610 = tpu.vector_load_idx %arg14[%add3A_609, %broadcast_in_dim3A_588] : memref<64x256xf32, #tpu.memory_space<vmem>>[vector<16xi32>, vector<16xi32>], vector<16xf32>,
            %add3A_611 = arith.constant 6 : i32
            %add3A_612 = arith.addi %mul3A_348, %add3A_611 : i32
            %swap3A_613 = arith.index_cast %add3A_612 : i32 to index
            %swap3A_614 = arith.constant 32 : index
            %swap3A_615 = tpu.vector_load %arg12[%swap3A_613, %swap3A_614] {strides = array<i32>} : memref<32x64xf32, #tpu.memory_space<vmem>>, vector<16xf32>,
            tpu.vector_store %arg12[%swap3A_613, %swap3A_614], %gather3A_610 {strides = array<i32>} : memref<32x64xf32, #tpu.memory_space<vmem>>, vector<16xf32>,
            %add3A_616 = arith.constant 48 : i32
            %add3A_617 = vector.broadcast %add3A_616 : i32 to vector<16xi32>
            %add3A_618 = arith.addi %iota3A, %add3A_617 : vector<16xi32>
            %gather3A_619 = tpu.vector_load_idx %arg14[%add3A_618, %broadcast_in_dim3A_588] : memref<64x256xf32, #tpu.memory_space<vmem>>[vector<16xi32>, vector<16xi32>], vector<16xf32>,
            %add3A_620 = arith.constant 6 : i32
            %add3A_621 = arith.addi %mul3A_348, %add3A_620 : i32
            %swap3A_622 = arith.index_cast %add3A_621 : i32 to index
            %swap3A_623 = arith.constant 48 : index
            %swap3A_624 = tpu.vector_load %arg12[%swap3A_622, %swap3A_623] {strides = array<i32>} : memref<32x64xf32, #tpu.memory_space<vmem>>, vector<16xf32>,
            tpu.vector_store %arg12[%swap3A_622, %swap3A_623], %gather3A_619 {strides = array<i32>} : memref<32x64xf32, #tpu.memory_space<vmem>>, vector<16xf32>,
            %slice3A_625 = vector.extract_strided_slice %select_n3A_326 {offsets = [7], sizes = [1], strides = [1]} : vector<16xi32> to vector<1xi32>
            %squeeze3A_626 = vector.extract %slice3A_625[0] : i32 from vector<1xi32>
            %broadcast_in_dim3A_627 = vector.broadcast %squeeze3A_626 : i32 to vector<16xi32>
            %add3A_628 = arith.constant 0 : i32
            %add3A_629 = vector.broadcast %add3A_628 : i32 to vector<16xi32>
            %add3A_630 = arith.addi %iota3A, %add3A_629 : vector<16xi32>
            %gather3A_631 = tpu.vector_load_idx %arg14[%add3A_630, %broadcast_in_dim3A_627] : memref<64x256xf32, #tpu.memory_space<vmem>>[vector<16xi32>, vector<16xi32>], vector<16xf32>,
            %add3A_632 = arith.constant 7 : i32
            %add3A_633 = arith.addi %mul3A_348, %add3A_632 : i32
            %swap3A_634 = arith.index_cast %add3A_633 : i32 to index
            %swap3A_635 = arith.constant 0 : index
            %swap3A_636 = tpu.vector_load %arg12[%swap3A_634, %swap3A_635] {strides = array<i32>} : memref<32x64xf32, #tpu.memory_space<vmem>>, vector<16xf32>,
            tpu.vector_store %arg12[%swap3A_634, %swap3A_635], %gather3A_631 {strides = array<i32>} : memref<32x64xf32, #tpu.memory_space<vmem>>, vector<16xf32>,
            %add3A_637 = arith.constant 16 : i32
            %add3A_638 = vector.broadcast %add3A_637 : i32 to vector<16xi32>
            %add3A_639 = arith.addi %iota3A, %add3A_638 : vector<16xi32>
            %gather3A_640 = tpu.vector_load_idx %arg14[%add3A_639, %broadcast_in_dim3A_627] : memref<64x256xf32, #tpu.memory_space<vmem>>[vector<16xi32>, vector<16xi32>], vector<16xf32>,
            %add3A_641 = arith.constant 7 : i32
            %add3A_642 = arith.addi %mul3A_348, %add3A_641 : i32
            %swap3A_643 = arith.index_cast %add3A_642 : i32 to index
            %swap3A_644 = arith.constant 16 : index
            %swap3A_645 = tpu.vector_load %arg12[%swap3A_643, %swap3A_644] {strides = array<i32>} : memref<32x64xf32, #tpu.memory_space<vmem>>, vector<16xf32>,
            tpu.vector_store %arg12[%swap3A_643, %swap3A_644], %gather3A_640 {strides = array<i32>} : memref<32x64xf32, #tpu.memory_space<vmem>>, vector<16xf32>,
            %add3A_646 = arith.constant 32 : i32
            %add3A_647 = vector.broadcast %add3A_646 : i32 to vector<16xi32>
            %add3A_648 = arith.addi %iota3A, %add3A_647 : vector<16xi32>
            %gather3A_649 = tpu.vector_load_idx %arg14[%add3A_648, %broadcast_in_dim3A_627] : memref<64x256xf32, #tpu.memory_space<vmem>>[vector<16xi32>, vector<16xi32>], vector<16xf32>,
            %add3A_650 = arith.constant 7 : i32
            %add3A_651 = arith.addi %mul3A_348, %add3A_650 : i32
            %swap3A_652 = arith.index_cast %add3A_651 : i32 to index
            %swap3A_653 = arith.constant 32 : index
            %swap3A_654 = tpu.vector_load %arg12[%swap3A_652, %swap3A_653] {strides = array<i32>} : memref<32x64xf32, #tpu.memory_space<vmem>>, vector<16xf32>,
            tpu.vector_store %arg12[%swap3A_652, %swap3A_653], %gather3A_649 {strides = array<i32>} : memref<32x64xf32, #tpu.memory_space<vmem>>, vector<16xf32>,
            %add3A_655 = arith.constant 48 : i32
            %add3A_656 = vector.broadcast %add3A_655 : i32 to vector<16xi32>
            %add3A_657 = arith.addi %iota3A, %add3A_656 : vector<16xi32>
            %gather3A_658 = tpu.vector_load_idx %arg14[%add3A_657, %broadcast_in_dim3A_627] : memref<64x256xf32, #tpu.memory_space<vmem>>[vector<16xi32>, vector<16xi32>], vector<16xf32>,
            %add3A_659 = arith.constant 7 : i32
            %add3A_660 = arith.addi %mul3A_348, %add3A_659 : i32
            %swap3A_661 = arith.index_cast %add3A_660 : i32 to index
            %swap3A_662 = arith.constant 48 : index
            %swap3A_663 = tpu.vector_load %arg12[%swap3A_661, %swap3A_662] {strides = array<i32>} : memref<32x64xf32, #tpu.memory_space<vmem>>, vector<16xf32>,
            tpu.vector_store %arg12[%swap3A_661, %swap3A_662], %gather3A_658 {strides = array<i32>} : memref<32x64xf32, #tpu.memory_space<vmem>>, vector<16xf32>,
            %slice3A_664 = vector.extract_strided_slice %select_n3A_326 {offsets = [8], sizes = [1], strides = [1]} : vector<16xi32> to vector<1xi32>
            %squeeze3A_665 = vector.extract %slice3A_664[0] : i32 from vector<1xi32>
            %broadcast_in_dim3A_666 = vector.broadcast %squeeze3A_665 : i32 to vector<16xi32>
            %add3A_667 = arith.constant 0 : i32
            %add3A_668 = vector.broadcast %add3A_667 : i32 to vector<16xi32>
            %add3A_669 = arith.addi %iota3A, %add3A_668 : vector<16xi32>
            %gather3A_670 = tpu.vector_load_idx %arg14[%add3A_669, %broadcast_in_dim3A_666] : memref<64x256xf32, #tpu.memory_space<vmem>>[vector<16xi32>, vector<16xi32>], vector<16xf32>,
            %add3A_671 = arith.constant 8 : i32
            %add3A_672 = arith.addi %mul3A_348, %add3A_671 : i32
            %swap3A_673 = arith.index_cast %add3A_672 : i32 to index
            %swap3A_674 = arith.constant 0 : index
            %swap3A_675 = tpu.vector_load %arg12[%swap3A_673, %swap3A_674] {strides = array<i32>} : memref<32x64xf32, #tpu.memory_space<vmem>>, vector<16xf32>,
            tpu.vector_store %arg12[%swap3A_673, %swap3A_674], %gather3A_670 {strides = array<i32>} : memref<32x64xf32, #tpu.memory_space<vmem>>, vector<16xf32>,
            %add3A_676 = arith.constant 16 : i32
            %add3A_677 = vector.broadcast %add3A_676 : i32 to vector<16xi32>
            %add3A_678 = arith.addi %iota3A, %add3A_677 : vector<16xi32>
            %gather3A_679 = tpu.vector_load_idx %arg14[%add3A_678, %broadcast_in_dim3A_666] : memref<64x256xf32, #tpu.memory_space<vmem>>[vector<16xi32>, vector<16xi32>], vector<16xf32>,
            %add3A_680 = arith.constant 8 : i32
            %add3A_681 = arith.addi %mul3A_348, %add3A_680 : i32
            %swap3A_682 = arith.index_cast %add3A_681 : i32 to index
            %swap3A_683 = arith.constant 16 : index
            %swap3A_684 = tpu.vector_load %arg12[%swap3A_682, %swap3A_683] {strides = array<i32>} : memref<32x64xf32, #tpu.memory_space<vmem>>, vector<16xf32>,
            tpu.vector_store %arg12[%swap3A_682, %swap3A_683], %gather3A_679 {strides = array<i32>} : memref<32x64xf32, #tpu.memory_space<vmem>>, vector<16xf32>,
            %add3A_685 = arith.constant 32 : i32
            %add3A_686 = vector.broadcast %add3A_685 : i32 to vector<16xi32>
            %add3A_687 = arith.addi %iota3A, %add3A_686 : vector<16xi32>
            %gather3A_688 = tpu.vector_load_idx %arg14[%add3A_687, %broadcast_in_dim3A_666] : memref<64x256xf32, #tpu.memory_space<vmem>>[vector<16xi32>, vector<16xi32>], vector<16xf32>,
            %add3A_689 = arith.constant 8 : i32
            %add3A_690 = arith.addi %mul3A_348, %add3A_689 : i32
            %swap3A_691 = arith.index_cast %add3A_690 : i32 to index
            %swap3A_692 = arith.constant 32 : index
            %swap3A_693 = tpu.vector_load %arg12[%swap3A_691, %swap3A_692] {strides = array<i32>} : memref<32x64xf32, #tpu.memory_space<vmem>>, vector<16xf32>,
            tpu.vector_store %arg12[%swap3A_691, %swap3A_692], %gather3A_688 {strides = array<i32>} : memref<32x64xf32, #tpu.memory_space<vmem>>, vector<16xf32>,
            %add3A_694 = arith.constant 48 : i32
            %add3A_695 = vector.broadcast %add3A_694 : i32 to vector<16xi32>
            %add3A_696 = arith.addi %iota3A, %add3A_695 : vector<16xi32>
            %gather3A_697 = tpu.vector_load_idx %arg14[%add3A_696, %broadcast_in_dim3A_666] : memref<64x256xf32, #tpu.memory_space<vmem>>[vector<16xi32>, vector<16xi32>], vector<16xf32>,
            %add3A_698 = arith.constant 8 : i32
            %add3A_699 = arith.addi %mul3A_348, %add3A_698 : i32
            %swap3A_700 = arith.index_cast %add3A_699 : i32 to index
            %swap3A_701 = arith.constant 48 : index
            %swap3A_702 = tpu.vector_load %arg12[%swap3A_700, %swap3A_701] {strides = array<i32>} : memref<32x64xf32, #tpu.memory_space<vmem>>, vector<16xf32>,
            tpu.vector_store %arg12[%swap3A_700, %swap3A_701], %gather3A_697 {strides = array<i32>} : memref<32x64xf32, #tpu.memory_space<vmem>>, vector<16xf32>,
            %slice3A_703 = vector.extract_strided_slice %select_n3A_326 {offsets = [9], sizes = [1], strides = [1]} : vector<16xi32> to vector<1xi32>
            %squeeze3A_704 = vector.extract %slice3A_703[0] : i32 from vector<1xi32>
            %broadcast_in_dim3A_705 = vector.broadcast %squeeze3A_704 : i32 to vector<16xi32>
            %add3A_706 = arith.constant 0 : i32
            %add3A_707 = vector.broadcast %add3A_706 : i32 to vector<16xi32>
            %add3A_708 = arith.addi %iota3A, %add3A_707 : vector<16xi32>
            %gather3A_709 = tpu.vector_load_idx %arg14[%add3A_708, %broadcast_in_dim3A_705] : memref<64x256xf32, #tpu.memory_space<vmem>>[vector<16xi32>, vector<16xi32>], vector<16xf32>,
            %add3A_710 = arith.constant 9 : i32
            %add3A_711 = arith.addi %mul3A_348, %add3A_710 : i32
            %swap3A_712 = arith.index_cast %add3A_711 : i32 to index
            %swap3A_713 = arith.constant 0 : index
            %swap3A_714 = tpu.vector_load %arg12[%swap3A_712, %swap3A_713] {strides = array<i32>} : memref<32x64xf32, #tpu.memory_space<vmem>>, vector<16xf32>,
            tpu.vector_store %arg12[%swap3A_712, %swap3A_713], %gather3A_709 {strides = array<i32>} : memref<32x64xf32, #tpu.memory_space<vmem>>, vector<16xf32>,
            %add3A_715 = arith.constant 16 : i32
            %add3A_716 = vector.broadcast %add3A_715 : i32 to vector<16xi32>
            %add3A_717 = arith.addi %iota3A, %add3A_716 : vector<16xi32>
            %gather3A_718 = tpu.vector_load_idx %arg14[%add3A_717, %broadcast_in_dim3A_705] : memref<64x256xf32, #tpu.memory_space<vmem>>[vector<16xi32>, vector<16xi32>], vector<16xf32>,
            %add3A_719 = arith.constant 9 : i32
            %add3A_720 = arith.addi %mul3A_348, %add3A_719 : i32
            %swap3A_721 = arith.index_cast %add3A_720 : i32 to index
            %swap3A_722 = arith.constant 16 : index
            %swap3A_723 = tpu.vector_load %arg12[%swap3A_721, %swap3A_722] {strides = array<i32>} : memref<32x64xf32, #tpu.memory_space<vmem>>, vector<16xf32>,
            tpu.vector_store %arg12[%swap3A_721, %swap3A_722], %gather3A_718 {strides = array<i32>} : memref<32x64xf32, #tpu.memory_space<vmem>>, vector<16xf32>,
            %add3A_724 = arith.constant 32 : i32
            %add3A_725 = vector.broadcast %add3A_724 : i32 to vector<16xi32>
            %add3A_726 = arith.addi %iota3A, %add3A_725 : vector<16xi32>
            %gather3A_727 = tpu.vector_load_idx %arg14[%add3A_726, %broadcast_in_dim3A_705] : memref<64x256xf32, #tpu.memory_space<vmem>>[vector<16xi32>, vector<16xi32>], vector<16xf32>,
            %add3A_728 = arith.constant 9 : i32
            %add3A_729 = arith.addi %mul3A_348, %add3A_728 : i32
            %swap3A_730 = arith.index_cast %add3A_729 : i32 to index
            %swap3A_731 = arith.constant 32 : index
            %swap3A_732 = tpu.vector_load %arg12[%swap3A_730, %swap3A_731] {strides = array<i32>} : memref<32x64xf32, #tpu.memory_space<vmem>>, vector<16xf32>,
            tpu.vector_store %arg12[%swap3A_730, %swap3A_731], %gather3A_727 {strides = array<i32>} : memref<32x64xf32, #tpu.memory_space<vmem>>, vector<16xf32>,
            %add3A_733 = arith.constant 48 : i32
            %add3A_734 = vector.broadcast %add3A_733 : i32 to vector<16xi32>
            %add3A_735 = arith.addi %iota3A, %add3A_734 : vector<16xi32>
            %gather3A_736 = tpu.vector_load_idx %arg14[%add3A_735, %broadcast_in_dim3A_705] : memref<64x256xf32, #tpu.memory_space<vmem>>[vector<16xi32>, vector<16xi32>], vector<16xf32>,
            %add3A_737 = arith.constant 9 : i32
            %add3A_738 = arith.addi %mul3A_348, %add3A_737 : i32
            %swap3A_739 = arith.index_cast %add3A_738 : i32 to index
            %swap3A_740 = arith.constant 48 : index
            %swap3A_741 = tpu.vector_load %arg12[%swap3A_739, %swap3A_740] {strides = array<i32>} : memref<32x64xf32, #tpu.memory_space<vmem>>, vector<16xf32>,
            tpu.vector_store %arg12[%swap3A_739, %swap3A_740], %gather3A_736 {strides = array<i32>} : memref<32x64xf32, #tpu.memory_space<vmem>>, vector<16xf32>,
            %slice3A_742 = vector.extract_strided_slice %select_n3A_326 {offsets = [10], sizes = [1], strides = [1]} : vector<16xi32> to vector<1xi32>
            %squeeze3A_743 = vector.extract %slice3A_742[0] : i32 from vector<1xi32>
            %broadcast_in_dim3A_744 = vector.broadcast %squeeze3A_743 : i32 to vector<16xi32>
            %add3A_745 = arith.constant 0 : i32
            %add3A_746 = vector.broadcast %add3A_745 : i32 to vector<16xi32>
            %add3A_747 = arith.addi %iota3A, %add3A_746 : vector<16xi32>
            %gather3A_748 = tpu.vector_load_idx %arg14[%add3A_747, %broadcast_in_dim3A_744] : memref<64x256xf32, #tpu.memory_space<vmem>>[vector<16xi32>, vector<16xi32>], vector<16xf32>,
            %add3A_749 = arith.constant 10 : i32
            %add3A_750 = arith.addi %mul3A_348, %add3A_749 : i32
            %swap3A_751 = arith.index_cast %add3A_750 : i32 to index
            %swap3A_752 = arith.constant 0 : index
            %swap3A_753 = tpu.vector_load %arg12[%swap3A_751, %swap3A_752] {strides = array<i32>} : memref<32x64xf32, #tpu.memory_space<vmem>>, vector<16xf32>,
            tpu.vector_store %arg12[%swap3A_751, %swap3A_752], %gather3A_748 {strides = array<i32>} : memref<32x64xf32, #tpu.memory_space<vmem>>, vector<16xf32>,
            %add3A_754 = arith.constant 16 : i32
            %add3A_755 = vector.broadcast %add3A_754 : i32 to vector<16xi32>
            %add3A_756 = arith.addi %iota3A, %add3A_755 : vector<16xi32>
            %gather3A_757 = tpu.vector_load_idx %arg14[%add3A_756, %broadcast_in_dim3A_744] : memref<64x256xf32, #tpu.memory_space<vmem>>[vector<16xi32>, vector<16xi32>], vector<16xf32>,
            %add3A_758 = arith.constant 10 : i32
            %add3A_759 = arith.addi %mul3A_348, %add3A_758 : i32
            %swap3A_760 = arith.index_cast %add3A_759 : i32 to index
            %swap3A_761 = arith.constant 16 : index
            %swap3A_762 = tpu.vector_load %arg12[%swap3A_760, %swap3A_761] {strides = array<i32>} : memref<32x64xf32, #tpu.memory_space<vmem>>, vector<16xf32>,
            tpu.vector_store %arg12[%swap3A_760, %swap3A_761], %gather3A_757 {strides = array<i32>} : memref<32x64xf32, #tpu.memory_space<vmem>>, vector<16xf32>,
            %add3A_763 = arith.constant 32 : i32
            %add3A_764 = vector.broadcast %add3A_763 : i32 to vector<16xi32>
            %add3A_765 = arith.addi %iota3A, %add3A_764 : vector<16xi32>
            %gather3A_766 = tpu.vector_load_idx %arg14[%add3A_765, %broadcast_in_dim3A_744] : memref<64x256xf32, #tpu.memory_space<vmem>>[vector<16xi32>, vector<16xi32>], vector<16xf32>,
            %add3A_767 = arith.constant 10 : i32
            %add3A_768 = arith.addi %mul3A_348, %add3A_767 : i32
            %swap3A_769 = arith.index_cast %add3A_768 : i32 to index
            %swap3A_770 = arith.constant 32 : index
            %swap3A_771 = tpu.vector_load %arg12[%swap3A_769, %swap3A_770] {strides = array<i32>} : memref<32x64xf32, #tpu.memory_space<vmem>>, vector<16xf32>,
            tpu.vector_store %arg12[%swap3A_769, %swap3A_770], %gather3A_766 {strides = array<i32>} : memref<32x64xf32, #tpu.memory_space<vmem>>, vector<16xf32>,
            %add3A_772 = arith.constant 48 : i32
            %add3A_773 = vector.broadcast %add3A_772 : i32 to vector<16xi32>
            %add3A_774 = arith.addi %iota3A, %add3A_773 : vector<16xi32>
            %gather3A_775 = tpu.vector_load_idx %arg14[%add3A_774, %broadcast_in_dim3A_744] : memref<64x256xf32, #tpu.memory_space<vmem>>[vector<16xi32>, vector<16xi32>], vector<16xf32>,
            %add3A_776 = arith.constant 10 : i32
            %add3A_777 = arith.addi %mul3A_348, %add3A_776 : i32
            %swap3A_778 = arith.index_cast %add3A_777 : i32 to index
            %swap3A_779 = arith.constant 48 : index
            %swap3A_780 = tpu.vector_load %arg12[%swap3A_778, %swap3A_779] {strides = array<i32>} : memref<32x64xf32, #tpu.memory_space<vmem>>, vector<16xf32>,
            tpu.vector_store %arg12[%swap3A_778, %swap3A_779], %gather3A_775 {strides = array<i32>} : memref<32x64xf32, #tpu.memory_space<vmem>>, vector<16xf32>,
            %slice3A_781 = vector.extract_strided_slice %select_n3A_326 {offsets = [11], sizes = [1], strides = [1]} : vector<16xi32> to vector<1xi32>
            %squeeze3A_782 = vector.extract %slice3A_781[0] : i32 from vector<1xi32>
            %broadcast_in_dim3A_783 = vector.broadcast %squeeze3A_782 : i32 to vector<16xi32>
            %add3A_784 = arith.constant 0 : i32
            %add3A_785 = vector.broadcast %add3A_784 : i32 to vector<16xi32>
            %add3A_786 = arith.addi %iota3A, %add3A_785 : vector<16xi32>
            %gather3A_787 = tpu.vector_load_idx %arg14[%add3A_786, %broadcast_in_dim3A_783] : memref<64x256xf32, #tpu.memory_space<vmem>>[vector<16xi32>, vector<16xi32>], vector<16xf32>,
            %add3A_788 = arith.constant 11 : i32
            %add3A_789 = arith.addi %mul3A_348, %add3A_788 : i32
            %swap3A_790 = arith.index_cast %add3A_789 : i32 to index
            %swap3A_791 = arith.constant 0 : index
            %swap3A_792 = tpu.vector_load %arg12[%swap3A_790, %swap3A_791] {strides = array<i32>} : memref<32x64xf32, #tpu.memory_space<vmem>>, vector<16xf32>,
            tpu.vector_store %arg12[%swap3A_790, %swap3A_791], %gather3A_787 {strides = array<i32>} : memref<32x64xf32, #tpu.memory_space<vmem>>, vector<16xf32>,
            %add3A_793 = arith.constant 16 : i32
            %add3A_794 = vector.broadcast %add3A_793 : i32 to vector<16xi32>
            %add3A_795 = arith.addi %iota3A, %add3A_794 : vector<16xi32>
            %gather3A_796 = tpu.vector_load_idx %arg14[%add3A_795, %broadcast_in_dim3A_783] : memref<64x256xf32, #tpu.memory_space<vmem>>[vector<16xi32>, vector<16xi32>], vector<16xf32>,
            %add3A_797 = arith.constant 11 : i32
            %add3A_798 = arith.addi %mul3A_348, %add3A_797 : i32
            %swap3A_799 = arith.index_cast %add3A_798 : i32 to index
            %swap3A_800 = arith.constant 16 : index
            %swap3A_801 = tpu.vector_load %arg12[%swap3A_799, %swap3A_800] {strides = array<i32>} : memref<32x64xf32, #tpu.memory_space<vmem>>, vector<16xf32>,
            tpu.vector_store %arg12[%swap3A_799, %swap3A_800], %gather3A_796 {strides = array<i32>} : memref<32x64xf32, #tpu.memory_space<vmem>>, vector<16xf32>,
            %add3A_802 = arith.constant 32 : i32
            %add3A_803 = vector.broadcast %add3A_802 : i32 to vector<16xi32>
            %add3A_804 = arith.addi %iota3A, %add3A_803 : vector<16xi32>
            %gather3A_805 = tpu.vector_load_idx %arg14[%add3A_804, %broadcast_in_dim3A_783] : memref<64x256xf32, #tpu.memory_space<vmem>>[vector<16xi32>, vector<16xi32>], vector<16xf32>,
            %add3A_806 = arith.constant 11 : i32
            %add3A_807 = arith.addi %mul3A_348, %add3A_806 : i32
            %swap3A_808 = arith.index_cast %add3A_807 : i32 to index
            %swap3A_809 = arith.constant 32 : index
            %swap3A_810 = tpu.vector_load %arg12[%swap3A_808, %swap3A_809] {strides = array<i32>} : memref<32x64xf32, #tpu.memory_space<vmem>>, vector<16xf32>,
            tpu.vector_store %arg12[%swap3A_808, %swap3A_809], %gather3A_805 {strides = array<i32>} : memref<32x64xf32, #tpu.memory_space<vmem>>, vector<16xf32>,
            %add3A_811 = arith.constant 48 : i32
            %add3A_812 = vector.broadcast %add3A_811 : i32 to vector<16xi32>
            %add3A_813 = arith.addi %iota3A, %add3A_812 : vector<16xi32>
            %gather3A_814 = tpu.vector_load_idx %arg14[%add3A_813, %broadcast_in_dim3A_783] : memref<64x256xf32, #tpu.memory_space<vmem>>[vector<16xi32>, vector<16xi32>], vector<16xf32>,
            %add3A_815 = arith.constant 11 : i32
            %add3A_816 = arith.addi %mul3A_348, %add3A_815 : i32
            %swap3A_817 = arith.index_cast %add3A_816 : i32 to index
            %swap3A_818 = arith.constant 48 : index
            %swap3A_819 = tpu.vector_load %arg12[%swap3A_817, %swap3A_818] {strides = array<i32>} : memref<32x64xf32, #tpu.memory_space<vmem>>, vector<16xf32>,
            tpu.vector_store %arg12[%swap3A_817, %swap3A_818], %gather3A_814 {strides = array<i32>} : memref<32x64xf32, #tpu.memory_space<vmem>>, vector<16xf32>,
            %slice3A_820 = vector.extract_strided_slice %select_n3A_326 {offsets = [12], sizes = [1], strides = [1]} : vector<16xi32> to vector<1xi32>
            %squeeze3A_821 = vector.extract %slice3A_820[0] : i32 from vector<1xi32>
            %broadcast_in_dim3A_822 = vector.broadcast %squeeze3A_821 : i32 to vector<16xi32>
            %add3A_823 = arith.constant 0 : i32
            %add3A_824 = vector.broadcast %add3A_823 : i32 to vector<16xi32>
            %add3A_825 = arith.addi %iota3A, %add3A_824 : vector<16xi32>
            %gather3A_826 = tpu.vector_load_idx %arg14[%add3A_825, %broadcast_in_dim3A_822] : memref<64x256xf32, #tpu.memory_space<vmem>>[vector<16xi32>, vector<16xi32>], vector<16xf32>,
            %add3A_827 = arith.constant 12 : i32
            %add3A_828 = arith.addi %mul3A_348, %add3A_827 : i32
            %swap3A_829 = arith.index_cast %add3A_828 : i32 to index
            %swap3A_830 = arith.constant 0 : index
            %swap3A_831 = tpu.vector_load %arg12[%swap3A_829, %swap3A_830] {strides = array<i32>} : memref<32x64xf32, #tpu.memory_space<vmem>>, vector<16xf32>,
            tpu.vector_store %arg12[%swap3A_829, %swap3A_830], %gather3A_826 {strides = array<i32>} : memref<32x64xf32, #tpu.memory_space<vmem>>, vector<16xf32>,
            %add3A_832 = arith.constant 16 : i32
            %add3A_833 = vector.broadcast %add3A_832 : i32 to vector<16xi32>
            %add3A_834 = arith.addi %iota3A, %add3A_833 : vector<16xi32>
            %gather3A_835 = tpu.vector_load_idx %arg14[%add3A_834, %broadcast_in_dim3A_822] : memref<64x256xf32, #tpu.memory_space<vmem>>[vector<16xi32>, vector<16xi32>], vector<16xf32>,
            %add3A_836 = arith.constant 12 : i32
            %add3A_837 = arith.addi %mul3A_348, %add3A_836 : i32
            %swap3A_838 = arith.index_cast %add3A_837 : i32 to index
            %swap3A_839 = arith.constant 16 : index
            %swap3A_840 = tpu.vector_load %arg12[%swap3A_838, %swap3A_839] {strides = array<i32>} : memref<32x64xf32, #tpu.memory_space<vmem>>, vector<16xf32>,
            tpu.vector_store %arg12[%swap3A_838, %swap3A_839], %gather3A_835 {strides = array<i32>} : memref<32x64xf32, #tpu.memory_space<vmem>>, vector<16xf32>,
            %add3A_841 = arith.constant 32 : i32
            %add3A_842 = vector.broadcast %add3A_841 : i32 to vector<16xi32>
            %add3A_843 = arith.addi %iota3A, %add3A_842 : vector<16xi32>
            %gather3A_844 = tpu.vector_load_idx %arg14[%add3A_843, %broadcast_in_dim3A_822] : memref<64x256xf32, #tpu.memory_space<vmem>>[vector<16xi32>, vector<16xi32>], vector<16xf32>,
            %add3A_845 = arith.constant 12 : i32
            %add3A_846 = arith.addi %mul3A_348, %add3A_845 : i32
            %swap3A_847 = arith.index_cast %add3A_846 : i32 to index
            %swap3A_848 = arith.constant 32 : index
            %swap3A_849 = tpu.vector_load %arg12[%swap3A_847, %swap3A_848] {strides = array<i32>} : memref<32x64xf32, #tpu.memory_space<vmem>>, vector<16xf32>,
            tpu.vector_store %arg12[%swap3A_847, %swap3A_848], %gather3A_844 {strides = array<i32>} : memref<32x64xf32, #tpu.memory_space<vmem>>, vector<16xf32>,
            %add3A_850 = arith.constant 48 : i32
            %add3A_851 = vector.broadcast %add3A_850 : i32 to vector<16xi32>
            %add3A_852 = arith.addi %iota3A, %add3A_851 : vector<16xi32>
            %gather3A_853 = tpu.vector_load_idx %arg14[%add3A_852, %broadcast_in_dim3A_822] : memref<64x256xf32, #tpu.memory_space<vmem>>[vector<16xi32>, vector<16xi32>], vector<16xf32>,
            %add3A_854 = arith.constant 12 : i32
            %add3A_855 = arith.addi %mul3A_348, %add3A_854 : i32
            %swap3A_856 = arith.index_cast %add3A_855 : i32 to index
            %swap3A_857 = arith.constant 48 : index
            %swap3A_858 = tpu.vector_load %arg12[%swap3A_856, %swap3A_857] {strides = array<i32>} : memref<32x64xf32, #tpu.memory_space<vmem>>, vector<16xf32>,
            tpu.vector_store %arg12[%swap3A_856, %swap3A_857], %gather3A_853 {strides = array<i32>} : memref<32x64xf32, #tpu.memory_space<vmem>>, vector<16xf32>,
            %slice3A_859 = vector.extract_strided_slice %select_n3A_326 {offsets = [13], sizes = [1], strides = [1]} : vector<16xi32> to vector<1xi32>
            %squeeze3A_860 = vector.extract %slice3A_859[0] : i32 from vector<1xi32>
            %broadcast_in_dim3A_861 = vector.broadcast %squeeze3A_860 : i32 to vector<16xi32>
            %add3A_862 = arith.constant 0 : i32
            %add3A_863 = vector.broadcast %add3A_862 : i32 to vector<16xi32>
            %add3A_864 = arith.addi %iota3A, %add3A_863 : vector<16xi32>
            %gather3A_865 = tpu.vector_load_idx %arg14[%add3A_864, %broadcast_in_dim3A_861] : memref<64x256xf32, #tpu.memory_space<vmem>>[vector<16xi32>, vector<16xi32>], vector<16xf32>,
            %add3A_866 = arith.constant 13 : i32
            %add3A_867 = arith.addi %mul3A_348, %add3A_866 : i32
            %swap3A_868 = arith.index_cast %add3A_867 : i32 to index
            %swap3A_869 = arith.constant 0 : index
            %swap3A_870 = tpu.vector_load %arg12[%swap3A_868, %swap3A_869] {strides = array<i32>} : memref<32x64xf32, #tpu.memory_space<vmem>>, vector<16xf32>,
            tpu.vector_store %arg12[%swap3A_868, %swap3A_869], %gather3A_865 {strides = array<i32>} : memref<32x64xf32, #tpu.memory_space<vmem>>, vector<16xf32>,
            %add3A_871 = arith.constant 16 : i32
            %add3A_872 = vector.broadcast %add3A_871 : i32 to vector<16xi32>
            %add3A_873 = arith.addi %iota3A, %add3A_872 : vector<16xi32>
            %gather3A_874 = tpu.vector_load_idx %arg14[%add3A_873, %broadcast_in_dim3A_861] : memref<64x256xf32, #tpu.memory_space<vmem>>[vector<16xi32>, vector<16xi32>], vector<16xf32>,
            %add3A_875 = arith.constant 13 : i32
            %add3A_876 = arith.addi %mul3A_348, %add3A_875 : i32
            %swap3A_877 = arith.index_cast %add3A_876 : i32 to index
            %swap3A_878 = arith.constant 16 : index
            %swap3A_879 = tpu.vector_load %arg12[%swap3A_877, %swap3A_878] {strides = array<i32>} : memref<32x64xf32, #tpu.memory_space<vmem>>, vector<16xf32>,
            tpu.vector_store %arg12[%swap3A_877, %swap3A_878], %gather3A_874 {strides = array<i32>} : memref<32x64xf32, #tpu.memory_space<vmem>>, vector<16xf32>,
            %add3A_880 = arith.constant 32 : i32
            %add3A_881 = vector.broadcast %add3A_880 : i32 to vector<16xi32>
            %add3A_882 = arith.addi %iota3A, %add3A_881 : vector<16xi32>
            %gather3A_883 = tpu.vector_load_idx %arg14[%add3A_882, %broadcast_in_dim3A_861] : memref<64x256xf32, #tpu.memory_space<vmem>>[vector<16xi32>, vector<16xi32>], vector<16xf32>,
            %add3A_884 = arith.constant 13 : i32
            %add3A_885 = arith.addi %mul3A_348, %add3A_884 : i32
            %swap3A_886 = arith.index_cast %add3A_885 : i32 to index
            %swap3A_887 = arith.constant 32 : index
            %swap3A_888 = tpu.vector_load %arg12[%swap3A_886, %swap3A_887] {strides = array<i32>} : memref<32x64xf32, #tpu.memory_space<vmem>>, vector<16xf32>,
            tpu.vector_store %arg12[%swap3A_886, %swap3A_887], %gather3A_883 {strides = array<i32>} : memref<32x64xf32, #tpu.memory_space<vmem>>, vector<16xf32>,
            %add3A_889 = arith.constant 48 : i32
            %add3A_890 = vector.broadcast %add3A_889 : i32 to vector<16xi32>
            %add3A_891 = arith.addi %iota3A, %add3A_890 : vector<16xi32>
            %gather3A_892 = tpu.vector_load_idx %arg14[%add3A_891, %broadcast_in_dim3A_861] : memref<64x256xf32, #tpu.memory_space<vmem>>[vector<16xi32>, vector<16xi32>], vector<16xf32>,
            %add3A_893 = arith.constant 13 : i32
            %add3A_894 = arith.addi %mul3A_348, %add3A_893 : i32
            %swap3A_895 = arith.index_cast %add3A_894 : i32 to index
            %swap3A_896 = arith.constant 48 : index
            %swap3A_897 = tpu.vector_load %arg12[%swap3A_895, %swap3A_896] {strides = array<i32>} : memref<32x64xf32, #tpu.memory_space<vmem>>, vector<16xf32>,
            tpu.vector_store %arg12[%swap3A_895, %swap3A_896], %gather3A_892 {strides = array<i32>} : memref<32x64xf32, #tpu.memory_space<vmem>>, vector<16xf32>,
            %slice3A_898 = vector.extract_strided_slice %select_n3A_326 {offsets = [14], sizes = [1], strides = [1]} : vector<16xi32> to vector<1xi32>
            %squeeze3A_899 = vector.extract %slice3A_898[0] : i32 from vector<1xi32>
            %broadcast_in_dim3A_900 = vector.broadcast %squeeze3A_899 : i32 to vector<16xi32>
            %add3A_901 = arith.constant 0 : i32
            %add3A_902 = vector.broadcast %add3A_901 : i32 to vector<16xi32>
            %add3A_903 = arith.addi %iota3A, %add3A_902 : vector<16xi32>
            %gather3A_904 = tpu.vector_load_idx %arg14[%add3A_903, %broadcast_in_dim3A_900] : memref<64x256xf32, #tpu.memory_space<vmem>>[vector<16xi32>, vector<16xi32>], vector<16xf32>,
            %add3A_905 = arith.constant 14 : i32
            %add3A_906 = arith.addi %mul3A_348, %add3A_905 : i32
            %swap3A_907 = arith.index_cast %add3A_906 : i32 to index
            %swap3A_908 = arith.constant 0 : index
            %swap3A_909 = tpu.vector_load %arg12[%swap3A_907, %swap3A_908] {strides = array<i32>} : memref<32x64xf32, #tpu.memory_space<vmem>>, vector<16xf32>,
            tpu.vector_store %arg12[%swap3A_907, %swap3A_908], %gather3A_904 {strides = array<i32>} : memref<32x64xf32, #tpu.memory_space<vmem>>, vector<16xf32>,
            %add3A_910 = arith.constant 16 : i32
            %add3A_911 = vector.broadcast %add3A_910 : i32 to vector<16xi32>
            %add3A_912 = arith.addi %iota3A, %add3A_911 : vector<16xi32>
            %gather3A_913 = tpu.vector_load_idx %arg14[%add3A_912, %broadcast_in_dim3A_900] : memref<64x256xf32, #tpu.memory_space<vmem>>[vector<16xi32>, vector<16xi32>], vector<16xf32>,
            %add3A_914 = arith.constant 14 : i32
            %add3A_915 = arith.addi %mul3A_348, %add3A_914 : i32
            %swap3A_916 = arith.index_cast %add3A_915 : i32 to index
            %swap3A_917 = arith.constant 16 : index
            %swap3A_918 = tpu.vector_load %arg12[%swap3A_916, %swap3A_917] {strides = array<i32>} : memref<32x64xf32, #tpu.memory_space<vmem>>, vector<16xf32>,
            tpu.vector_store %arg12[%swap3A_916, %swap3A_917], %gather3A_913 {strides = array<i32>} : memref<32x64xf32, #tpu.memory_space<vmem>>, vector<16xf32>,
            %add3A_919 = arith.constant 32 : i32
            %add3A_920 = vector.broadcast %add3A_919 : i32 to vector<16xi32>
            %add3A_921 = arith.addi %iota3A, %add3A_920 : vector<16xi32>
            %gather3A_922 = tpu.vector_load_idx %arg14[%add3A_921, %broadcast_in_dim3A_900] : memref<64x256xf32, #tpu.memory_space<vmem>>[vector<16xi32>, vector<16xi32>], vector<16xf32>,
            %add3A_923 = arith.constant 14 : i32
            %add3A_924 = arith.addi %mul3A_348, %add3A_923 : i32
            %swap3A_925 = arith.index_cast %add3A_924 : i32 to index
            %swap3A_926 = arith.constant 32 : index
            %swap3A_927 = tpu.vector_load %arg12[%swap3A_925, %swap3A_926] {strides = array<i32>} : memref<32x64xf32, #tpu.memory_space<vmem>>, vector<16xf32>,
            tpu.vector_store %arg12[%swap3A_925, %swap3A_926], %gather3A_922 {strides = array<i32>} : memref<32x64xf32, #tpu.memory_space<vmem>>, vector<16xf32>,
            %add3A_928 = arith.constant 48 : i32
            %add3A_929 = vector.broadcast %add3A_928 : i32 to vector<16xi32>
            %add3A_930 = arith.addi %iota3A, %add3A_929 : vector<16xi32>
            %gather3A_931 = tpu.vector_load_idx %arg14[%add3A_930, %broadcast_in_dim3A_900] : memref<64x256xf32, #tpu.memory_space<vmem>>[vector<16xi32>, vector<16xi32>], vector<16xf32>,
            %add3A_932 = arith.constant 14 : i32
            %add3A_933 = arith.addi %mul3A_348, %add3A_932 : i32
            %swap3A_934 = arith.index_cast %add3A_933 : i32 to index
            %swap3A_935 = arith.constant 48 : index
            %swap3A_936 = tpu.vector_load %arg12[%swap3A_934, %swap3A_935] {strides = array<i32>} : memref<32x64xf32, #tpu.memory_space<vmem>>, vector<16xf32>,
            tpu.vector_store %arg12[%swap3A_934, %swap3A_935], %gather3A_931 {strides = array<i32>} : memref<32x64xf32, #tpu.memory_space<vmem>>, vector<16xf32>,
            %slice3A_937 = vector.extract_strided_slice %select_n3A_326 {offsets = [15], sizes = [1], strides = [1]} : vector<16xi32> to vector<1xi32>
            %squeeze3A_938 = vector.extract %slice3A_937[0] : i32 from vector<1xi32>
            %broadcast_in_dim3A_939 = vector.broadcast %squeeze3A_938 : i32 to vector<16xi32>
            %add3A_940 = arith.constant 0 : i32
            %add3A_941 = vector.broadcast %add3A_940 : i32 to vector<16xi32>
            %add3A_942 = arith.addi %iota3A, %add3A_941 : vector<16xi32>
            %gather3A_943 = tpu.vector_load_idx %arg14[%add3A_942, %broadcast_in_dim3A_939] : memref<64x256xf32, #tpu.memory_space<vmem>>[vector<16xi32>, vector<16xi32>], vector<16xf32>,
            %add3A_944 = arith.constant 15 : i32
            %add3A_945 = arith.addi %mul3A_348, %add3A_944 : i32
            %swap3A_946 = arith.index_cast %add3A_945 : i32 to index
            %swap3A_947 = arith.constant 0 : index
            %swap3A_948 = tpu.vector_load %arg12[%swap3A_946, %swap3A_947] {strides = array<i32>} : memref<32x64xf32, #tpu.memory_space<vmem>>, vector<16xf32>,
            tpu.vector_store %arg12[%swap3A_946, %swap3A_947], %gather3A_943 {strides = array<i32>} : memref<32x64xf32, #tpu.memory_space<vmem>>, vector<16xf32>,
            %add3A_949 = arith.constant 16 : i32
            %add3A_950 = vector.broadcast %add3A_949 : i32 to vector<16xi32>
            %add3A_951 = arith.addi %iota3A, %add3A_950 : vector<16xi32>
            %gather3A_952 = tpu.vector_load_idx %arg14[%add3A_951, %broadcast_in_dim3A_939] : memref<64x256xf32, #tpu.memory_space<vmem>>[vector<16xi32>, vector<16xi32>], vector<16xf32>,
            %add3A_953 = arith.constant 15 : i32
            %add3A_954 = arith.addi %mul3A_348, %add3A_953 : i32
            %swap3A_955 = arith.index_cast %add3A_954 : i32 to index
            %swap3A_956 = arith.constant 16 : index
            %swap3A_957 = tpu.vector_load %arg12[%swap3A_955, %swap3A_956] {strides = array<i32>} : memref<32x64xf32, #tpu.memory_space<vmem>>, vector<16xf32>,
            tpu.vector_store %arg12[%swap3A_955, %swap3A_956], %gather3A_952 {strides = array<i32>} : memref<32x64xf32, #tpu.memory_space<vmem>>, vector<16xf32>,
            %add3A_958 = arith.constant 32 : i32
            %add3A_959 = vector.broadcast %add3A_958 : i32 to vector<16xi32>
            %add3A_960 = arith.addi %iota3A, %add3A_959 : vector<16xi32>
            %gather3A_961 = tpu.vector_load_idx %arg14[%add3A_960, %broadcast_in_dim3A_939] : memref<64x256xf32, #tpu.memory_space<vmem>>[vector<16xi32>, vector<16xi32>], vector<16xf32>,
            %add3A_962 = arith.constant 15 : i32
            %add3A_963 = arith.addi %mul3A_348, %add3A_962 : i32
            %swap3A_964 = arith.index_cast %add3A_963 : i32 to index
            %swap3A_965 = arith.constant 32 : index
            %swap3A_966 = tpu.vector_load %arg12[%swap3A_964, %swap3A_965] {strides = array<i32>} : memref<32x64xf32, #tpu.memory_space<vmem>>, vector<16xf32>,
            tpu.vector_store %arg12[%swap3A_964, %swap3A_965], %gather3A_961 {strides = array<i32>} : memref<32x64xf32, #tpu.memory_space<vmem>>, vector<16xf32>,
            %add3A_967 = arith.constant 48 : i32
            %add3A_968 = vector.broadcast %add3A_967 : i32 to vector<16xi32>
            %add3A_969 = arith.addi %iota3A, %add3A_968 : vector<16xi32>
            %gather3A_970 = tpu.vector_load_idx %arg14[%add3A_969, %broadcast_in_dim3A_939] : memref<64x256xf32, #tpu.memory_space<vmem>>[vector<16xi32>, vector<16xi32>], vector<16xf32>,
            %add3A_971 = arith.constant 15 : i32
            %add3A_972 = arith.addi %mul3A_348, %add3A_971 : i32
            %swap3A_973 = arith.index_cast %add3A_972 : i32 to index
            %swap3A_974 = arith.constant 48 : index
            %swap3A_975 = tpu.vector_load %arg12[%swap3A_973, %swap3A_974] {strides = array<i32>} : memref<32x64xf32, #tpu.memory_space<vmem>>, vector<16xf32>,
            tpu.vector_store %arg12[%swap3A_973, %swap3A_974], %gather3A_970 {strides = array<i32>} : memref<32x64xf32, #tpu.memory_space<vmem>>, vector<16xf32>,
            %add3A_976 = arith.constant 0 : i32
            %add3A_977 = arith.addi %mul3A_348, %add3A_976 : i32
            %slice3A_978 = vector.extract_strided_slice %select_n3A_330 {offsets = [0], sizes = [1], strides = [1]} : vector<16xi32> to vector<1xi32>
            %squeeze3A_979 = vector.extract %slice3A_978[0] : i32 from vector<1xi32>
            %dma_start3A_980 = arith.constant 0 : i32
            %dma_start3A_981 = tpu.memref_slice %arg12[%add3A_977, %dma_start3A_980] : memref<32x64xf32, #tpu.memory_space<vmem>> -> memref<1x64xf32, #tpu.memory_space<vmem>>
            %dma_start3A_982 = arith.constant 0 : i32
            %dma_start3A_983 = tpu.memref_slice %arg4[%squeeze3A_979, %dma_start3A_982] : memref<16384x64xf32, #tpu.memory_space<hbm>> -> memref<1x64xf32, #tpu.memory_space<hbm>>
            %dma_start3A_984 = arith.constant 0 : i32
            %dma_start3A_985 = tpu.memref_slice %arg4[%squeeze3A_979, %dma_start3A_984] : memref<16384x64xf32, #tpu.memory_space<hbm>> -> memref<1x64xf32, #tpu.memory_space<hbm>>
            %dma_start3A_986 = arith.constant 0 : i32
            %dma_start3A_987 = tpu.memref_slice %arg12[%add3A_977, %dma_start3A_986] : memref<32x64xf32, #tpu.memory_space<vmem>> -> memref<1x64xf32, #tpu.memory_space<vmem>>
            tpu.enqueue_dma source(%dma_start3A_987 : memref<1x64xf32, #tpu.memory_space<vmem>>) target(%dma_start3A_985 : memref<1x64xf32, #tpu.memory_space<hbm>>) target_semaphore(%arg18 : memref<!tpu.dma_semaphore, #tpu.memory_space<semaphore_mem>>)
            %add3A_988 = arith.constant 1 : i32
            %add3A_989 = arith.addi %mul3A_348, %add3A_988 : i32
            %slice3A_990 = vector.extract_strided_slice %select_n3A_330 {offsets = [1], sizes = [1], strides = [1]} : vector<16xi32> to vector<1xi32>
            %squeeze3A_991 = vector.extract %slice3A_990[0] : i32 from vector<1xi32>
            %dma_start3A_992 = arith.constant 0 : i32
            %dma_start3A_993 = tpu.memref_slice %arg12[%add3A_989, %dma_start3A_992] : memref<32x64xf32, #tpu.memory_space<vmem>> -> memref<1x64xf32, #tpu.memory_space<vmem>>
            %dma_start3A_994 = arith.constant 0 : i32
            %dma_start3A_995 = tpu.memref_slice %arg4[%squeeze3A_991, %dma_start3A_994] : memref<16384x64xf32, #tpu.memory_space<hbm>> -> memref<1x64xf32, #tpu.memory_space<hbm>>
            %dma_start3A_996 = arith.constant 0 : i32
            %dma_start3A_997 = tpu.memref_slice %arg4[%squeeze3A_991, %dma_start3A_996] : memref<16384x64xf32, #tpu.memory_space<hbm>> -> memref<1x64xf32, #tpu.memory_space<hbm>>
            %dma_start3A_998 = arith.constant 0 : i32
            %dma_start3A_999 = tpu.memref_slice %arg12[%add3A_989, %dma_start3A_998] : memref<32x64xf32, #tpu.memory_space<vmem>> -> memref<1x64xf32, #tpu.memory_space<vmem>>
            tpu.enqueue_dma source(%dma_start3A_999 : memref<1x64xf32, #tpu.memory_space<vmem>>) target(%dma_start3A_997 : memref<1x64xf32, #tpu.memory_space<hbm>>) target_semaphore(%arg18 : memref<!tpu.dma_semaphore, #tpu.memory_space<semaphore_mem>>)
            %add3A_1000 = arith.constant 2 : i32
            %add3A_1001 = arith.addi %mul3A_348, %add3A_1000 : i32
            %slice3A_1002 = vector.extract_strided_slice %select_n3A_330 {offsets = [2], sizes = [1], strides = [1]} : vector<16xi32> to vector<1xi32>
            %squeeze3A_1003 = vector.extract %slice3A_1002[0] : i32 from vector<1xi32>
            %dma_start3A_1004 = arith.constant 0 : i32
            %dma_start3A_1005 = tpu.memref_slice %arg12[%add3A_1001, %dma_start3A_1004] : memref<32x64xf32, #tpu.memory_space<vmem>> -> memref<1x64xf32, #tpu.memory_space<vmem>>
            %dma_start3A_1006 = arith.constant 0 : i32
            %dma_start3A_1007 = tpu.memref_slice %arg4[%squeeze3A_1003, %dma_start3A_1006] : memref<16384x64xf32, #tpu.memory_space<hbm>> -> memref<1x64xf32, #tpu.memory_space<hbm>>
            %dma_start3A_1008 = arith.constant 0 : i32
            %dma_start3A_1009 = tpu.memref_slice %arg4[%squeeze3A_1003, %dma_start3A_1008] : memref<16384x64xf32, #tpu.memory_space<hbm>> -> memref<1x64xf32, #tpu.memory_space<hbm>>
            %dma_start3A_1010 = arith.constant 0 : i32
            %dma_start3A_1011 = tpu.memref_slice %arg12[%add3A_1001, %dma_start3A_1010] : memref<32x64xf32, #tpu.memory_space<vmem>> -> memref<1x64xf32, #tpu.memory_space<vmem>>
            tpu.enqueue_dma source(%dma_start3A_1011 : memref<1x64xf32, #tpu.memory_space<vmem>>) target(%dma_start3A_1009 : memref<1x64xf32, #tpu.memory_space<hbm>>) target_semaphore(%arg18 : memref<!tpu.dma_semaphore, #tpu.memory_space<semaphore_mem>>)
            %add3A_1012 = arith.constant 3 : i32
            %add3A_1013 = arith.addi %mul3A_348, %add3A_1012 : i32
            %slice3A_1014 = vector.extract_strided_slice %select_n3A_330 {offsets = [3], sizes = [1], strides = [1]} : vector<16xi32> to vector<1xi32>
            %squeeze3A_1015 = vector.extract %slice3A_1014[0] : i32 from vector<1xi32>
            %dma_start3A_1016 = arith.constant 0 : i32
            %dma_start3A_1017 = tpu.memref_slice %arg12[%add3A_1013, %dma_start3A_1016] : memref<32x64xf32, #tpu.memory_space<vmem>> -> memref<1x64xf32, #tpu.memory_space<vmem>>
            %dma_start3A_1018 = arith.constant 0 : i32
            %dma_start3A_1019 = tpu.memref_slice %arg4[%squeeze3A_1015, %dma_start3A_1018] : memref<16384x64xf32, #tpu.memory_space<hbm>> -> memref<1x64xf32, #tpu.memory_space<hbm>>
            %dma_start3A_1020 = arith.constant 0 : i32
            %dma_start3A_1021 = tpu.memref_slice %arg4[%squeeze3A_1015, %dma_start3A_1020] : memref<16384x64xf32, #tpu.memory_space<hbm>> -> memref<1x64xf32, #tpu.memory_space<hbm>>
            %dma_start3A_1022 = arith.constant 0 : i32
            %dma_start3A_1023 = tpu.memref_slice %arg12[%add3A_1013, %dma_start3A_1022] : memref<32x64xf32, #tpu.memory_space<vmem>> -> memref<1x64xf32, #tpu.memory_space<vmem>>
            tpu.enqueue_dma source(%dma_start3A_1023 : memref<1x64xf32, #tpu.memory_space<vmem>>) target(%dma_start3A_1021 : memref<1x64xf32, #tpu.memory_space<hbm>>) target_semaphore(%arg18 : memref<!tpu.dma_semaphore, #tpu.memory_space<semaphore_mem>>)
            %add3A_1024 = arith.constant 4 : i32
            %add3A_1025 = arith.addi %mul3A_348, %add3A_1024 : i32
            %slice3A_1026 = vector.extract_strided_slice %select_n3A_330 {offsets = [4], sizes = [1], strides = [1]} : vector<16xi32> to vector<1xi32>
            %squeeze3A_1027 = vector.extract %slice3A_1026[0] : i32 from vector<1xi32>
            %dma_start3A_1028 = arith.constant 0 : i32
            %dma_start3A_1029 = tpu.memref_slice %arg12[%add3A_1025, %dma_start3A_1028] : memref<32x64xf32, #tpu.memory_space<vmem>> -> memref<1x64xf32, #tpu.memory_space<vmem>>
            %dma_start3A_1030 = arith.constant 0 : i32
            %dma_start3A_1031 = tpu.memref_slice %arg4[%squeeze3A_1027, %dma_start3A_1030] : memref<16384x64xf32, #tpu.memory_space<hbm>> -> memref<1x64xf32, #tpu.memory_space<hbm>>
            %dma_start3A_1032 = arith.constant 0 : i32
            %dma_start3A_1033 = tpu.memref_slice %arg4[%squeeze3A_1027, %dma_start3A_1032] : memref<16384x64xf32, #tpu.memory_space<hbm>> -> memref<1x64xf32, #tpu.memory_space<hbm>>
            %dma_start3A_1034 = arith.constant 0 : i32
            %dma_start3A_1035 = tpu.memref_slice %arg12[%add3A_1025, %dma_start3A_1034] : memref<32x64xf32, #tpu.memory_space<vmem>> -> memref<1x64xf32, #tpu.memory_space<vmem>>
            tpu.enqueue_dma source(%dma_start3A_1035 : memref<1x64xf32, #tpu.memory_space<vmem>>) target(%dma_start3A_1033 : memref<1x64xf32, #tpu.memory_space<hbm>>) target_semaphore(%arg18 : memref<!tpu.dma_semaphore, #tpu.memory_space<semaphore_mem>>)
            %add3A_1036 = arith.constant 5 : i32
            %add3A_1037 = arith.addi %mul3A_348, %add3A_1036 : i32
            %slice3A_1038 = vector.extract_strided_slice %select_n3A_330 {offsets = [5], sizes = [1], strides = [1]} : vector<16xi32> to vector<1xi32>
            %squeeze3A_1039 = vector.extract %slice3A_1038[0] : i32 from vector<1xi32>
            %dma_start3A_1040 = arith.constant 0 : i32
            %dma_start3A_1041 = tpu.memref_slice %arg12[%add3A_1037, %dma_start3A_1040] : memref<32x64xf32, #tpu.memory_space<vmem>> -> memref<1x64xf32, #tpu.memory_space<vmem>>
            %dma_start3A_1042 = arith.constant 0 : i32
            %dma_start3A_1043 = tpu.memref_slice %arg4[%squeeze3A_1039, %dma_start3A_1042] : memref<16384x64xf32, #tpu.memory_space<hbm>> -> memref<1x64xf32, #tpu.memory_space<hbm>>
            %dma_start3A_1044 = arith.constant 0 : i32
            %dma_start3A_1045 = tpu.memref_slice %arg4[%squeeze3A_1039, %dma_start3A_1044] : memref<16384x64xf32, #tpu.memory_space<hbm>> -> memref<1x64xf32, #tpu.memory_space<hbm>>
            %dma_start3A_1046 = arith.constant 0 : i32
            %dma_start3A_1047 = tpu.memref_slice %arg12[%add3A_1037, %dma_start3A_1046] : memref<32x64xf32, #tpu.memory_space<vmem>> -> memref<1x64xf32, #tpu.memory_space<vmem>>
            tpu.enqueue_dma source(%dma_start3A_1047 : memref<1x64xf32, #tpu.memory_space<vmem>>) target(%dma_start3A_1045 : memref<1x64xf32, #tpu.memory_space<hbm>>) target_semaphore(%arg18 : memref<!tpu.dma_semaphore, #tpu.memory_space<semaphore_mem>>)
            %add3A_1048 = arith.constant 6 : i32
            %add3A_1049 = arith.addi %mul3A_348, %add3A_1048 : i32
            %slice3A_1050 = vector.extract_strided_slice %select_n3A_330 {offsets = [6], sizes = [1], strides = [1]} : vector<16xi32> to vector<1xi32>
            %squeeze3A_1051 = vector.extract %slice3A_1050[0] : i32 from vector<1xi32>
            %dma_start3A_1052 = arith.constant 0 : i32
            %dma_start3A_1053 = tpu.memref_slice %arg12[%add3A_1049, %dma_start3A_1052] : memref<32x64xf32, #tpu.memory_space<vmem>> -> memref<1x64xf32, #tpu.memory_space<vmem>>
            %dma_start3A_1054 = arith.constant 0 : i32
            %dma_start3A_1055 = tpu.memref_slice %arg4[%squeeze3A_1051, %dma_start3A_1054] : memref<16384x64xf32, #tpu.memory_space<hbm>> -> memref<1x64xf32, #tpu.memory_space<hbm>>
            %dma_start3A_1056 = arith.constant 0 : i32
            %dma_start3A_1057 = tpu.memref_slice %arg4[%squeeze3A_1051, %dma_start3A_1056] : memref<16384x64xf32, #tpu.memory_space<hbm>> -> memref<1x64xf32, #tpu.memory_space<hbm>>
            %dma_start3A_1058 = arith.constant 0 : i32
            %dma_start3A_1059 = tpu.memref_slice %arg12[%add3A_1049, %dma_start3A_1058] : memref<32x64xf32, #tpu.memory_space<vmem>> -> memref<1x64xf32, #tpu.memory_space<vmem>>
            tpu.enqueue_dma source(%dma_start3A_1059 : memref<1x64xf32, #tpu.memory_space<vmem>>) target(%dma_start3A_1057 : memref<1x64xf32, #tpu.memory_space<hbm>>) target_semaphore(%arg18 : memref<!tpu.dma_semaphore, #tpu.memory_space<semaphore_mem>>)
            %add3A_1060 = arith.constant 7 : i32
            %add3A_1061 = arith.addi %mul3A_348, %add3A_1060 : i32
            %slice3A_1062 = vector.extract_strided_slice %select_n3A_330 {offsets = [7], sizes = [1], strides = [1]} : vector<16xi32> to vector<1xi32>
            %squeeze3A_1063 = vector.extract %slice3A_1062[0] : i32 from vector<1xi32>
            %dma_start3A_1064 = arith.constant 0 : i32
            %dma_start3A_1065 = tpu.memref_slice %arg12[%add3A_1061, %dma_start3A_1064] : memref<32x64xf32, #tpu.memory_space<vmem>> -> memref<1x64xf32, #tpu.memory_space<vmem>>
            %dma_start3A_1066 = arith.constant 0 : i32
            %dma_start3A_1067 = tpu.memref_slice %arg4[%squeeze3A_1063, %dma_start3A_1066] : memref<16384x64xf32, #tpu.memory_space<hbm>> -> memref<1x64xf32, #tpu.memory_space<hbm>>
            %dma_start3A_1068 = arith.constant 0 : i32
            %dma_start3A_1069 = tpu.memref_slice %arg4[%squeeze3A_1063, %dma_start3A_1068] : memref<16384x64xf32, #tpu.memory_space<hbm>> -> memref<1x64xf32, #tpu.memory_space<hbm>>
            %dma_start3A_1070 = arith.constant 0 : i32
            %dma_start3A_1071 = tpu.memref_slice %arg12[%add3A_1061, %dma_start3A_1070] : memref<32x64xf32, #tpu.memory_space<vmem>> -> memref<1x64xf32, #tpu.memory_space<vmem>>
            tpu.enqueue_dma source(%dma_start3A_1071 : memref<1x64xf32, #tpu.memory_space<vmem>>) target(%dma_start3A_1069 : memref<1x64xf32, #tpu.memory_space<hbm>>) target_semaphore(%arg18 : memref<!tpu.dma_semaphore, #tpu.memory_space<semaphore_mem>>)
            %add3A_1072 = arith.constant 8 : i32
            %add3A_1073 = arith.addi %mul3A_348, %add3A_1072 : i32
            %slice3A_1074 = vector.extract_strided_slice %select_n3A_330 {offsets = [8], sizes = [1], strides = [1]} : vector<16xi32> to vector<1xi32>
            %squeeze3A_1075 = vector.extract %slice3A_1074[0] : i32 from vector<1xi32>
            %dma_start3A_1076 = arith.constant 0 : i32
            %dma_start3A_1077 = tpu.memref_slice %arg12[%add3A_1073, %dma_start3A_1076] : memref<32x64xf32, #tpu.memory_space<vmem>> -> memref<1x64xf32, #tpu.memory_space<vmem>>
            %dma_start3A_1078 = arith.constant 0 : i32
            %dma_start3A_1079 = tpu.memref_slice %arg4[%squeeze3A_1075, %dma_start3A_1078] : memref<16384x64xf32, #tpu.memory_space<hbm>> -> memref<1x64xf32, #tpu.memory_space<hbm>>
            %dma_start3A_1080 = arith.constant 0 : i32
            %dma_start3A_1081 = tpu.memref_slice %arg4[%squeeze3A_1075, %dma_start3A_1080] : memref<16384x64xf32, #tpu.memory_space<hbm>> -> memref<1x64xf32, #tpu.memory_space<hbm>>
            %dma_start3A_1082 = arith.constant 0 : i32
            %dma_start3A_1083 = tpu.memref_slice %arg12[%add3A_1073, %dma_start3A_1082] : memref<32x64xf32, #tpu.memory_space<vmem>> -> memref<1x64xf32, #tpu.memory_space<vmem>>
            tpu.enqueue_dma source(%dma_start3A_1083 : memref<1x64xf32, #tpu.memory_space<vmem>>) target(%dma_start3A_1081 : memref<1x64xf32, #tpu.memory_space<hbm>>) target_semaphore(%arg18 : memref<!tpu.dma_semaphore, #tpu.memory_space<semaphore_mem>>)
            %add3A_1084 = arith.constant 9 : i32
            %add3A_1085 = arith.addi %mul3A_348, %add3A_1084 : i32
            %slice3A_1086 = vector.extract_strided_slice %select_n3A_330 {offsets = [9], sizes = [1], strides = [1]} : vector<16xi32> to vector<1xi32>
            %squeeze3A_1087 = vector.extract %slice3A_1086[0] : i32 from vector<1xi32>
            %dma_start3A_1088 = arith.constant 0 : i32
            %dma_start3A_1089 = tpu.memref_slice %arg12[%add3A_1085, %dma_start3A_1088] : memref<32x64xf32, #tpu.memory_space<vmem>> -> memref<1x64xf32, #tpu.memory_space<vmem>>
            %dma_start3A_1090 = arith.constant 0 : i32
            %dma_start3A_1091 = tpu.memref_slice %arg4[%squeeze3A_1087, %dma_start3A_1090] : memref<16384x64xf32, #tpu.memory_space<hbm>> -> memref<1x64xf32, #tpu.memory_space<hbm>>
            %dma_start3A_1092 = arith.constant 0 : i32
            %dma_start3A_1093 = tpu.memref_slice %arg4[%squeeze3A_1087, %dma_start3A_1092] : memref<16384x64xf32, #tpu.memory_space<hbm>> -> memref<1x64xf32, #tpu.memory_space<hbm>>
            %dma_start3A_1094 = arith.constant 0 : i32
            %dma_start3A_1095 = tpu.memref_slice %arg12[%add3A_1085, %dma_start3A_1094] : memref<32x64xf32, #tpu.memory_space<vmem>> -> memref<1x64xf32, #tpu.memory_space<vmem>>
            tpu.enqueue_dma source(%dma_start3A_1095 : memref<1x64xf32, #tpu.memory_space<vmem>>) target(%dma_start3A_1093 : memref<1x64xf32, #tpu.memory_space<hbm>>) target_semaphore(%arg18 : memref<!tpu.dma_semaphore, #tpu.memory_space<semaphore_mem>>)
            %add3A_1096 = arith.constant 10 : i32
            %add3A_1097 = arith.addi %mul3A_348, %add3A_1096 : i32
            %slice3A_1098 = vector.extract_strided_slice %select_n3A_330 {offsets = [10], sizes = [1], strides = [1]} : vector<16xi32> to vector<1xi32>
            %squeeze3A_1099 = vector.extract %slice3A_1098[0] : i32 from vector<1xi32>
            %dma_start3A_1100 = arith.constant 0 : i32
            %dma_start3A_1101 = tpu.memref_slice %arg12[%add3A_1097, %dma_start3A_1100] : memref<32x64xf32, #tpu.memory_space<vmem>> -> memref<1x64xf32, #tpu.memory_space<vmem>>
            %dma_start3A_1102 = arith.constant 0 : i32
            %dma_start3A_1103 = tpu.memref_slice %arg4[%squeeze3A_1099, %dma_start3A_1102] : memref<16384x64xf32, #tpu.memory_space<hbm>> -> memref<1x64xf32, #tpu.memory_space<hbm>>
            %dma_start3A_1104 = arith.constant 0 : i32
            %dma_start3A_1105 = tpu.memref_slice %arg4[%squeeze3A_1099, %dma_start3A_1104] : memref<16384x64xf32, #tpu.memory_space<hbm>> -> memref<1x64xf32, #tpu.memory_space<hbm>>
            %dma_start3A_1106 = arith.constant 0 : i32
            %dma_start3A_1107 = tpu.memref_slice %arg12[%add3A_1097, %dma_start3A_1106] : memref<32x64xf32, #tpu.memory_space<vmem>> -> memref<1x64xf32, #tpu.memory_space<vmem>>
            tpu.enqueue_dma source(%dma_start3A_1107 : memref<1x64xf32, #tpu.memory_space<vmem>>) target(%dma_start3A_1105 : memref<1x64xf32, #tpu.memory_space<hbm>>) target_semaphore(%arg18 : memref<!tpu.dma_semaphore, #tpu.memory_space<semaphore_mem>>)
            %add3A_1108 = arith.constant 11 : i32
            %add3A_1109 = arith.addi %mul3A_348, %add3A_1108 : i32
            %slice3A_1110 = vector.extract_strided_slice %select_n3A_330 {offsets = [11], sizes = [1], strides = [1]} : vector<16xi32> to vector<1xi32>
            %squeeze3A_1111 = vector.extract %slice3A_1110[0] : i32 from vector<1xi32>
            %dma_start3A_1112 = arith.constant 0 : i32
            %dma_start3A_1113 = tpu.memref_slice %arg12[%add3A_1109, %dma_start3A_1112] : memref<32x64xf32, #tpu.memory_space<vmem>> -> memref<1x64xf32, #tpu.memory_space<vmem>>
            %dma_start3A_1114 = arith.constant 0 : i32
            %dma_start3A_1115 = tpu.memref_slice %arg4[%squeeze3A_1111, %dma_start3A_1114] : memref<16384x64xf32, #tpu.memory_space<hbm>> -> memref<1x64xf32, #tpu.memory_space<hbm>>
            %dma_start3A_1116 = arith.constant 0 : i32
            %dma_start3A_1117 = tpu.memref_slice %arg4[%squeeze3A_1111, %dma_start3A_1116] : memref<16384x64xf32, #tpu.memory_space<hbm>> -> memref<1x64xf32, #tpu.memory_space<hbm>>
            %dma_start3A_1118 = arith.constant 0 : i32
            %dma_start3A_1119 = tpu.memref_slice %arg12[%add3A_1109, %dma_start3A_1118] : memref<32x64xf32, #tpu.memory_space<vmem>> -> memref<1x64xf32, #tpu.memory_space<vmem>>
            tpu.enqueue_dma source(%dma_start3A_1119 : memref<1x64xf32, #tpu.memory_space<vmem>>) target(%dma_start3A_1117 : memref<1x64xf32, #tpu.memory_space<hbm>>) target_semaphore(%arg18 : memref<!tpu.dma_semaphore, #tpu.memory_space<semaphore_mem>>)
            %add3A_1120 = arith.constant 12 : i32
            %add3A_1121 = arith.addi %mul3A_348, %add3A_1120 : i32
            %slice3A_1122 = vector.extract_strided_slice %select_n3A_330 {offsets = [12], sizes = [1], strides = [1]} : vector<16xi32> to vector<1xi32>
            %squeeze3A_1123 = vector.extract %slice3A_1122[0] : i32 from vector<1xi32>
            %dma_start3A_1124 = arith.constant 0 : i32
            %dma_start3A_1125 = tpu.memref_slice %arg12[%add3A_1121, %dma_start3A_1124] : memref<32x64xf32, #tpu.memory_space<vmem>> -> memref<1x64xf32, #tpu.memory_space<vmem>>
            %dma_start3A_1126 = arith.constant 0 : i32
            %dma_start3A_1127 = tpu.memref_slice %arg4[%squeeze3A_1123, %dma_start3A_1126] : memref<16384x64xf32, #tpu.memory_space<hbm>> -> memref<1x64xf32, #tpu.memory_space<hbm>>
            %dma_start3A_1128 = arith.constant 0 : i32
            %dma_start3A_1129 = tpu.memref_slice %arg4[%squeeze3A_1123, %dma_start3A_1128] : memref<16384x64xf32, #tpu.memory_space<hbm>> -> memref<1x64xf32, #tpu.memory_space<hbm>>
            %dma_start3A_1130 = arith.constant 0 : i32
            %dma_start3A_1131 = tpu.memref_slice %arg12[%add3A_1121, %dma_start3A_1130] : memref<32x64xf32, #tpu.memory_space<vmem>> -> memref<1x64xf32, #tpu.memory_space<vmem>>
            tpu.enqueue_dma source(%dma_start3A_1131 : memref<1x64xf32, #tpu.memory_space<vmem>>) target(%dma_start3A_1129 : memref<1x64xf32, #tpu.memory_space<hbm>>) target_semaphore(%arg18 : memref<!tpu.dma_semaphore, #tpu.memory_space<semaphore_mem>>)
            %add3A_1132 = arith.constant 13 : i32
            %add3A_1133 = arith.addi %mul3A_348, %add3A_1132 : i32
            %slice3A_1134 = vector.extract_strided_slice %select_n3A_330 {offsets = [13], sizes = [1], strides = [1]} : vector<16xi32> to vector<1xi32>
            %squeeze3A_1135 = vector.extract %slice3A_1134[0] : i32 from vector<1xi32>
            %dma_start3A_1136 = arith.constant 0 : i32
            %dma_start3A_1137 = tpu.memref_slice %arg12[%add3A_1133, %dma_start3A_1136] : memref<32x64xf32, #tpu.memory_space<vmem>> -> memref<1x64xf32, #tpu.memory_space<vmem>>
            %dma_start3A_1138 = arith.constant 0 : i32
            %dma_start3A_1139 = tpu.memref_slice %arg4[%squeeze3A_1135, %dma_start3A_1138] : memref<16384x64xf32, #tpu.memory_space<hbm>> -> memref<1x64xf32, #tpu.memory_space<hbm>>
            %dma_start3A_1140 = arith.constant 0 : i32
            %dma_start3A_1141 = tpu.memref_slice %arg4[%squeeze3A_1135, %dma_start3A_1140] : memref<16384x64xf32, #tpu.memory_space<hbm>> -> memref<1x64xf32, #tpu.memory_space<hbm>>
            %dma_start3A_1142 = arith.constant 0 : i32
            %dma_start3A_1143 = tpu.memref_slice %arg12[%add3A_1133, %dma_start3A_1142] : memref<32x64xf32, #tpu.memory_space<vmem>> -> memref<1x64xf32, #tpu.memory_space<vmem>>
            tpu.enqueue_dma source(%dma_start3A_1143 : memref<1x64xf32, #tpu.memory_space<vmem>>) target(%dma_start3A_1141 : memref<1x64xf32, #tpu.memory_space<hbm>>) target_semaphore(%arg18 : memref<!tpu.dma_semaphore, #tpu.memory_space<semaphore_mem>>)
            %add3A_1144 = arith.constant 14 : i32
            %add3A_1145 = arith.addi %mul3A_348, %add3A_1144 : i32
            %slice3A_1146 = vector.extract_strided_slice %select_n3A_330 {offsets = [14], sizes = [1], strides = [1]} : vector<16xi32> to vector<1xi32>
            %squeeze3A_1147 = vector.extract %slice3A_1146[0] : i32 from vector<1xi32>
            %dma_start3A_1148 = arith.constant 0 : i32
            %dma_start3A_1149 = tpu.memref_slice %arg12[%add3A_1145, %dma_start3A_1148] : memref<32x64xf32, #tpu.memory_space<vmem>> -> memref<1x64xf32, #tpu.memory_space<vmem>>
            %dma_start3A_1150 = arith.constant 0 : i32
            %dma_start3A_1151 = tpu.memref_slice %arg4[%squeeze3A_1147, %dma_start3A_1150] : memref<16384x64xf32, #tpu.memory_space<hbm>> -> memref<1x64xf32, #tpu.memory_space<hbm>>
            %dma_start3A_1152 = arith.constant 0 : i32
            %dma_start3A_1153 = tpu.memref_slice %arg4[%squeeze3A_1147, %dma_start3A_1152] : memref<16384x64xf32, #tpu.memory_space<hbm>> -> memref<1x64xf32, #tpu.memory_space<hbm>>
            %dma_start3A_1154 = arith.constant 0 : i32
            %dma_start3A_1155 = tpu.memref_slice %arg12[%add3A_1145, %dma_start3A_1154] : memref<32x64xf32, #tpu.memory_space<vmem>> -> memref<1x64xf32, #tpu.memory_space<vmem>>
            tpu.enqueue_dma source(%dma_start3A_1155 : memref<1x64xf32, #tpu.memory_space<vmem>>) target(%dma_start3A_1153 : memref<1x64xf32, #tpu.memory_space<hbm>>) target_semaphore(%arg18 : memref<!tpu.dma_semaphore, #tpu.memory_space<semaphore_mem>>)
            %add3A_1156 = arith.constant 15 : i32
            %add3A_1157 = arith.addi %mul3A_348, %add3A_1156 : i32
            %slice3A_1158 = vector.extract_strided_slice %select_n3A_330 {offsets = [15], sizes = [1], strides = [1]} : vector<16xi32> to vector<1xi32>
            %squeeze3A_1159 = vector.extract %slice3A_1158[0] : i32 from vector<1xi32>
            %dma_start3A_1160 = arith.constant 0 : i32
            %dma_start3A_1161 = tpu.memref_slice %arg12[%add3A_1157, %dma_start3A_1160] : memref<32x64xf32, #tpu.memory_space<vmem>> -> memref<1x64xf32, #tpu.memory_space<vmem>>
            %dma_start3A_1162 = arith.constant 0 : i32
            %dma_start3A_1163 = tpu.memref_slice %arg4[%squeeze3A_1159, %dma_start3A_1162] : memref<16384x64xf32, #tpu.memory_space<hbm>> -> memref<1x64xf32, #tpu.memory_space<hbm>>
            %dma_start3A_1164 = arith.constant 0 : i32
            %dma_start3A_1165 = tpu.memref_slice %arg4[%squeeze3A_1159, %dma_start3A_1164] : memref<16384x64xf32, #tpu.memory_space<hbm>> -> memref<1x64xf32, #tpu.memory_space<hbm>>
            %dma_start3A_1166 = arith.constant 0 : i32
            %dma_start3A_1167 = tpu.memref_slice %arg12[%add3A_1157, %dma_start3A_1166] : memref<32x64xf32, #tpu.memory_space<vmem>> -> memref<1x64xf32, #tpu.memory_space<vmem>>
            tpu.enqueue_dma source(%dma_start3A_1167 : memref<1x64xf32, #tpu.memory_space<vmem>>) target(%dma_start3A_1165 : memref<1x64xf32, #tpu.memory_space<hbm>>) target_semaphore(%arg18 : memref<!tpu.dma_semaphore, #tpu.memory_space<semaphore_mem>>)
          } else {
          }
          %gt3A_296 = arith.constant 0 : i32
          %gt3A_297 = arith.cmpi sgt, %squeeze3A, %gt3A_296 : i32
          %jit3A_298 = arith.constant 1 : i32
          %jit3A_299 = arith.constant 0 : i32
          %select_n3A_300 = arith.select %gt3A_297, %jit3A_298, %jit3A_299 : i32
          %add3A_301 = arith.addi %while3A_258, %select_n3A_300 : i32
          scf.yield %add3A_301 : i32
        }
        %while3A_186 = arith.constant 1 : i32
        %while3A_187 = scf.for %while3A_257 = %while3A_183 to %while3A_179 step %while3A_186 iter_args(%while3A_258 = %while3A_185) -> (i32)  : i32 {
          %mul3A_259 = arith.constant 16 : i32
          %mul3A_260 = arith.muli %while3A_257, %mul3A_259 : i32
          %get3A = arith.index_cast %mul3A_260 : i32 to index
          %get3A_261 = tpu.vector_load %arg8[%get3A] {strides = array<i32>} : memref<16400xi32, #tpu.memory_space<vmem>>, vector<16xi32>,
          %jit3A_262 = arith.constant 256 : i32
          %div3A_263 = vector.broadcast %jit3A_262 : i32 to vector<16xi32>
          %div3A_264 = arith.divsi %get3A_261, %div3A_263 : vector<16xi32>
          %sign3A_265 = arith.constant 0 : i32
          %sign3A_266 = vector.broadcast %sign3A_265 : i32 to vector<16xi32>
          %sign3A_267 = arith.cmpi sgt, %get3A_261, %sign3A_266 : vector<16xi32>
          %sign3A_268 = arith.extui %sign3A_267 : vector<16xi1> to vector<16xi32>
          %sign3A_269 = arith.constant 0 : i32
          %sign3A_270 = vector.broadcast %sign3A_269 : i32 to vector<16xi32>
          %sign3A_271 = arith.cmpi slt, %get3A_261, %sign3A_270 : vector<16xi32>
          %sign3A_272 = arith.extui %sign3A_271 : vector<16xi1> to vector<16xi32>
          %sign3A_273 = arith.subi %sign3A_268, %sign3A_272 : vector<16xi32>
          %sign3A_274 = arith.constant 0 : i32
          %sign3A_275 = arith.cmpi sgt, %jit3A_262, %sign3A_274 : i32
          %sign3A_276 = arith.extui %sign3A_275 : i1 to i32
          %sign3A_277 = arith.constant 0 : i32
          %sign3A_278 = arith.cmpi slt, %jit3A_262, %sign3A_277 : i32
          %sign3A_279 = arith.extui %sign3A_278 : i1 to i32
          %sign3A_280 = arith.subi %sign3A_276, %sign3A_279 : i32
          %ne3A_281 = vector.broadcast %sign3A_280 : i32 to vector<16xi32>
          %ne3A_282 = arith.cmpi ne, %sign3A_273, %ne3A_281 : vector<16xi32>
          %rem3A_283 = vector.broadcast %jit3A_262 : i32 to vector<16xi32>
          %rem3A_284 = arith.remsi %get3A_261, %rem3A_283 : vector<16xi32>
          %ne3A_285 = arith.constant 0 : i32
          %ne3A_286 = vector.broadcast %ne3A_285 : i32 to vector<16xi32>
          %ne3A_287 = arith.cmpi ne, %rem3A_284, %ne3A_286 : vector<16xi32>
          %and3A_288 = arith.andi %ne3A_282, %ne3A_287 : vector<16xi1>
          %sub3A_289 = arith.constant 1 : i32
          %sub3A_290 = vector.broadcast %sub3A_289 : i32 to vector<16xi32>
          %sub3A_291 = arith.subi %div3A_264, %sub3A_290 : vector<16xi32>
          %select_n3A_292 = arith.select %and3A_288, %sub3A_291, %div3A_264 : vector<16xi1>, vector<16xi32>
          %eq3A = vector.broadcast %add3A_144 : i32 to vector<16xi32>
          %eq3A_293 = arith.cmpi eq, %select_n3A_292, %eq3A : vector<16xi32>
          %all_reduce_population_count3A = tpu.all_reduce %eq3A_293 {dim = 0 : i64, kind = #tpu.reduction_kind<sum>} : vector<16xi1> -> vector<16xi32>
          %slice3A = vector.extract_strided_slice %all_reduce_population_count3A {offsets = [0], sizes = [1], strides = [1]} : vector<16xi32> to vector<1xi32>
          %squeeze3A = vector.extract %slice3A[0] : i32 from vector<1xi32>
          %gt3A = arith.constant 0 : i32
          %gt3A_294 = arith.cmpi sgt, %squeeze3A, %gt3A : i32
          %convert_element_type3A = arith.extui %gt3A_294 : i1 to i32
          %cond3A = arith.constant 0 : i32
          %cond3A_295 = arith.cmpi ne, %convert_element_type3A, %cond3A : i32
          scf.if %cond3A_295 {
            %mul3A_302 = arith.constant 16 : i32
            %mul3A_303 = arith.muli %while3A_257, %mul3A_302 : i32
            %get3A_304 = arith.index_cast %mul3A_303 : i32 to index
            %get3A_305 = tpu.vector_load %arg9[%get3A_304] {strides = array<i32>} : memref<16384xi32, #tpu.memory_space<vmem>>, vector<16xi32>,
            %swap3A_306 = arith.constant 0 : index
            %swap3A_307 = tpu.vector_load %arg10[%swap3A_306] masked %eq3A_293 {strides = array<i32>} : memref<16xi32, #tpu.memory_space<vmem>>, vector<16xi32>, vector<16xi1>
            tpu.vector_store %arg10[%swap3A_306], %get3A_261 masked %eq3A_293 {strides = array<i32>} : memref<16xi32, #tpu.memory_space<vmem>>, vector<16xi32>, vector<16xi1>
            %swap3A_308 = arith.constant 0 : index
            %swap3A_309 = tpu.vector_load %arg11[%swap3A_308] masked %eq3A_293 {strides = array<i32>} : memref<16xi32, #tpu.memory_space<vmem>>, vector<16xi32>, vector<16xi1>
            tpu.vector_store %arg11[%swap3A_308], %get3A_305 masked %eq3A_293 {strides = array<i32>} : memref<16xi32, #tpu.memory_space<vmem>>, vector<16xi32>, vector<16xi1>
            %get3A_310 = arith.constant 0 : index
            %get3A_311 = tpu.vector_load %arg10[%get3A_310] {strides = array<i32>} : memref<16xi32, #tpu.memory_space<vmem>>, vector<16xi32>,
            %get3A_312 = arith.constant 0 : index
            %get3A_313 = tpu.vector_load %arg11[%get3A_312] {strides = array<i32>} : memref<16xi32, #tpu.memory_space<vmem>>, vector<16xi32>,
            %lt3A = vector.broadcast %squeeze3A : i32 to vector<16xi32>
            %lt3A_314 = arith.cmpi slt, %iota3A, %lt3A : vector<16xi32>
            %sub3A_315 = vector.broadcast %multiple_of3A_150 : i32 to vector<16xi32>
            %sub3A_316 = arith.subi %get3A_311, %sub3A_315 : vector<16xi32>
            %jit3A_317 = arith.constant 0 : i32
            %jit3A_318 = arith.constant 255 : i32
            %max3A = vector.broadcast %jit3A_317 : i32 to vector<16xi32>
            %max3A_319 = arith.maxsi %max3A, %sub3A_316 : vector<16xi32>
            %min3A_320 = vector.broadcast %jit3A_318 : i32 to vector<16xi32>
            %min3A_321 = arith.minsi %min3A_320, %max3A_319 : vector<16xi32>
            %slice3A_322 = vector.extract_strided_slice %get3A_311 {offsets = [0], sizes = [1], strides = [1]} : vector<16xi32> to vector<1xi32>
            %squeeze3A_323 = vector.extract %slice3A_322[0] : i32 from vector<1xi32>
            %sub3A_324 = arith.subi %squeeze3A_323, %multiple_of3A_150 : i32
            %broadcast_in_dim3A_325 = vector.broadcast %sub3A_324 : i32 to vector<16xi32>
            %select_n3A_326 = arith.select %lt3A_314, %min3A_321, %broadcast_in_dim3A_325 : vector<16xi1>, vector<16xi32>
            %slice3A_327 = vector.extract_strided_slice %get3A_313 {offsets = [0], sizes = [1], strides = [1]} : vector<16xi32> to vector<1xi32>
            %squeeze3A_328 = vector.extract %slice3A_327[0] : i32 from vector<1xi32>
            %broadcast_in_dim3A_329 = vector.broadcast %squeeze3A_328 : i32 to vector<16xi32>
            %select_n3A_330 = arith.select %lt3A_314, %get3A_313, %broadcast_in_dim3A_329 : vector<16xi1>, vector<16xi32>
            %jit3A_331 = arith.constant 2 : i32
            %eq3A_332 = arith.constant 0 : i32
            %eq3A_333 = arith.cmpi eq, %jit3A_331, %eq3A_332 : i32
            %jit3A_334 = arith.constant 1 : i32
            %select_n3A_335 = arith.select %eq3A_333, %jit3A_334, %jit3A_331 : i32
            %rem3A_336 = arith.remsi %while3A_258, %select_n3A_335 : i32
            %ne3A_337 = arith.constant 0 : i32
            %ne3A_338 = arith.cmpi ne, %rem3A_336, %ne3A_337 : i32
            %lt3A_339 = arith.constant 0 : i32
            %lt3A_340 = arith.cmpi slt, %rem3A_336, %lt3A_339 : i32
            %lt3A_341 = arith.constant 0 : i32
            %lt3A_342 = arith.cmpi slt, %select_n3A_335, %lt3A_341 : i32
            %ne3A_343 = arith.xori %lt3A_340, %lt3A_342 : i1
            %and3A_344 = arith.andi %ne3A_343, %ne3A_338 : i1
            %add3A_345 = arith.addi %rem3A_336, %select_n3A_335 : i32
            %select_n3A_346 = arith.select %and3A_344, %add3A_345, %rem3A_336 : i32
            %mul3A_347 = arith.constant 16 : i32
            %mul3A_348 = arith.muli %select_n3A_346, %mul3A_347 : i32
            %dma_wait3A_349 = arith.constant 0 : i32
            %dma_wait3A_350 = tpu.memref_slice %arg2[%dma_wait3A_349] : memref<16384xi32, #tpu.memory_space<hbm>> -> memref<1024xi32, #tpu.memory_space<hbm>>
            %dma_wait3A_351 = arith.constant 0 : i32
            %dma_wait3A_352 = tpu.memref_slice %arg2[%dma_wait3A_351] : memref<16384xi32, #tpu.memory_space<hbm>> -> memref<1024xi32, #tpu.memory_space<hbm>>
            tpu.wait_dma2 semaphore(%arg18 : memref<!tpu.dma_semaphore, #tpu.memory_space<semaphore_mem>>) src(%dma_wait3A_352 : memref<1024xi32, #tpu.memory_space<hbm>>) dst(%arg13 : memref<1024xi32, #tpu.memory_space<vmem>>)
            %slice3A_353 = vector.extract_strided_slice %select_n3A_326 {offsets = [0], sizes = [1], strides = [1]} : vector<16xi32> to vector<1xi32>
            %squeeze3A_354 = vector.extract %slice3A_353[0] : i32 from vector<1xi32>
            %broadcast_in_dim3A_355 = vector.broadcast %squeeze3A_354 : i32 to vector<16xi32>
            %add3A_356 = arith.constant 0 : i32
            %add3A_357 = vector.broadcast %add3A_356 : i32 to vector<16xi32>
            %add3A_358 = arith.addi %iota3A, %add3A_357 : vector<16xi32>
            %gather3A = tpu.vector_load_idx %arg14[%add3A_358, %broadcast_in_dim3A_355] : memref<64x256xf32, #tpu.memory_space<vmem>>[vector<16xi32>, vector<16xi32>], vector<16xf32>,
            %add3A_359 = arith.constant 0 : i32
            %add3A_360 = arith.addi %mul3A_348, %add3A_359 : i32
            %swap3A_361 = arith.index_cast %add3A_360 : i32 to index
            %swap3A_362 = arith.constant 0 : index
            %swap3A_363 = tpu.vector_load %arg12[%swap3A_361, %swap3A_362] {strides = array<i32>} : memref<32x64xf32, #tpu.memory_space<vmem>>, vector<16xf32>,
            tpu.vector_store %arg12[%swap3A_361, %swap3A_362], %gather3A {strides = array<i32>} : memref<32x64xf32, #tpu.memory_space<vmem>>, vector<16xf32>,
            %add3A_364 = arith.constant 16 : i32
            %add3A_365 = vector.broadcast %add3A_364 : i32 to vector<16xi32>
            %add3A_366 = arith.addi %iota3A, %add3A_365 : vector<16xi32>
            %gather3A_367 = tpu.vector_load_idx %arg14[%add3A_366, %broadcast_in_dim3A_355] : memref<64x256xf32, #tpu.memory_space<vmem>>[vector<16xi32>, vector<16xi32>], vector<16xf32>,
            %add3A_368 = arith.constant 0 : i32
            %add3A_369 = arith.addi %mul3A_348, %add3A_368 : i32
            %swap3A_370 = arith.index_cast %add3A_369 : i32 to index
            %swap3A_371 = arith.constant 16 : index
            %swap3A_372 = tpu.vector_load %arg12[%swap3A_370, %swap3A_371] {strides = array<i32>} : memref<32x64xf32, #tpu.memory_space<vmem>>, vector<16xf32>,
            tpu.vector_store %arg12[%swap3A_370, %swap3A_371], %gather3A_367 {strides = array<i32>} : memref<32x64xf32, #tpu.memory_space<vmem>>, vector<16xf32>,
            %add3A_373 = arith.constant 32 : i32
            %add3A_374 = vector.broadcast %add3A_373 : i32 to vector<16xi32>
            %add3A_375 = arith.addi %iota3A, %add3A_374 : vector<16xi32>
            %gather3A_376 = tpu.vector_load_idx %arg14[%add3A_375, %broadcast_in_dim3A_355] : memref<64x256xf32, #tpu.memory_space<vmem>>[vector<16xi32>, vector<16xi32>], vector<16xf32>,
            %add3A_377 = arith.constant 0 : i32
            %add3A_378 = arith.addi %mul3A_348, %add3A_377 : i32
            %swap3A_379 = arith.index_cast %add3A_378 : i32 to index
            %swap3A_380 = arith.constant 32 : index
            %swap3A_381 = tpu.vector_load %arg12[%swap3A_379, %swap3A_380] {strides = array<i32>} : memref<32x64xf32, #tpu.memory_space<vmem>>, vector<16xf32>,
            tpu.vector_store %arg12[%swap3A_379, %swap3A_380], %gather3A_376 {strides = array<i32>} : memref<32x64xf32, #tpu.memory_space<vmem>>, vector<16xf32>,
            %add3A_382 = arith.constant 48 : i32
            %add3A_383 = vector.broadcast %add3A_382 : i32 to vector<16xi32>
            %add3A_384 = arith.addi %iota3A, %add3A_383 : vector<16xi32>
            %gather3A_385 = tpu.vector_load_idx %arg14[%add3A_384, %broadcast_in_dim3A_355] : memref<64x256xf32, #tpu.memory_space<vmem>>[vector<16xi32>, vector<16xi32>], vector<16xf32>,
            %add3A_386 = arith.constant 0 : i32
            %add3A_387 = arith.addi %mul3A_348, %add3A_386 : i32
            %swap3A_388 = arith.index_cast %add3A_387 : i32 to index
            %swap3A_389 = arith.constant 48 : index
            %swap3A_390 = tpu.vector_load %arg12[%swap3A_388, %swap3A_389] {strides = array<i32>} : memref<32x64xf32, #tpu.memory_space<vmem>>, vector<16xf32>,
            tpu.vector_store %arg12[%swap3A_388, %swap3A_389], %gather3A_385 {strides = array<i32>} : memref<32x64xf32, #tpu.memory_space<vmem>>, vector<16xf32>,
            %slice3A_391 = vector.extract_strided_slice %select_n3A_326 {offsets = [1], sizes = [1], strides = [1]} : vector<16xi32> to vector<1xi32>
            %squeeze3A_392 = vector.extract %slice3A_391[0] : i32 from vector<1xi32>
            %broadcast_in_dim3A_393 = vector.broadcast %squeeze3A_392 : i32 to vector<16xi32>
            %add3A_394 = arith.constant 0 : i32
            %add3A_395 = vector.broadcast %add3A_394 : i32 to vector<16xi32>
            %add3A_396 = arith.addi %iota3A, %add3A_395 : vector<16xi32>
            %gather3A_397 = tpu.vector_load_idx %arg14[%add3A_396, %broadcast_in_dim3A_393] : memref<64x256xf32, #tpu.memory_space<vmem>>[vector<16xi32>, vector<16xi32>], vector<16xf32>,
            %add3A_398 = arith.constant 1 : i32
            %add3A_399 = arith.addi %mul3A_348, %add3A_398 : i32
            %swap3A_400 = arith.index_cast %add3A_399 : i32 to index
            %swap3A_401 = arith.constant 0 : index
            %swap3A_402 = tpu.vector_load %arg12[%swap3A_400, %swap3A_401] {strides = array<i32>} : memref<32x64xf32, #tpu.memory_space<vmem>>, vector<16xf32>,
            tpu.vector_store %arg12[%swap3A_400, %swap3A_401], %gather3A_397 {strides = array<i32>} : memref<32x64xf32, #tpu.memory_space<vmem>>, vector<16xf32>,
            %add3A_403 = arith.constant 16 : i32
            %add3A_404 = vector.broadcast %add3A_403 : i32 to vector<16xi32>
            %add3A_405 = arith.addi %iota3A, %add3A_404 : vector<16xi32>
            %gather3A_406 = tpu.vector_load_idx %arg14[%add3A_405, %broadcast_in_dim3A_393] : memref<64x256xf32, #tpu.memory_space<vmem>>[vector<16xi32>, vector<16xi32>], vector<16xf32>,
            %add3A_407 = arith.constant 1 : i32
            %add3A_408 = arith.addi %mul3A_348, %add3A_407 : i32
            %swap3A_409 = arith.index_cast %add3A_408 : i32 to index
            %swap3A_410 = arith.constant 16 : index
            %swap3A_411 = tpu.vector_load %arg12[%swap3A_409, %swap3A_410] {strides = array<i32>} : memref<32x64xf32, #tpu.memory_space<vmem>>, vector<16xf32>,
            tpu.vector_store %arg12[%swap3A_409, %swap3A_410], %gather3A_406 {strides = array<i32>} : memref<32x64xf32, #tpu.memory_space<vmem>>, vector<16xf32>,
            %add3A_412 = arith.constant 32 : i32
            %add3A_413 = vector.broadcast %add3A_412 : i32 to vector<16xi32>
            %add3A_414 = arith.addi %iota3A, %add3A_413 : vector<16xi32>
            %gather3A_415 = tpu.vector_load_idx %arg14[%add3A_414, %broadcast_in_dim3A_393] : memref<64x256xf32, #tpu.memory_space<vmem>>[vector<16xi32>, vector<16xi32>], vector<16xf32>,
            %add3A_416 = arith.constant 1 : i32
            %add3A_417 = arith.addi %mul3A_348, %add3A_416 : i32
            %swap3A_418 = arith.index_cast %add3A_417 : i32 to index
            %swap3A_419 = arith.constant 32 : index
            %swap3A_420 = tpu.vector_load %arg12[%swap3A_418, %swap3A_419] {strides = array<i32>} : memref<32x64xf32, #tpu.memory_space<vmem>>, vector<16xf32>,
            tpu.vector_store %arg12[%swap3A_418, %swap3A_419], %gather3A_415 {strides = array<i32>} : memref<32x64xf32, #tpu.memory_space<vmem>>, vector<16xf32>,
            %add3A_421 = arith.constant 48 : i32
            %add3A_422 = vector.broadcast %add3A_421 : i32 to vector<16xi32>
            %add3A_423 = arith.addi %iota3A, %add3A_422 : vector<16xi32>
            %gather3A_424 = tpu.vector_load_idx %arg14[%add3A_423, %broadcast_in_dim3A_393] : memref<64x256xf32, #tpu.memory_space<vmem>>[vector<16xi32>, vector<16xi32>], vector<16xf32>,
            %add3A_425 = arith.constant 1 : i32
            %add3A_426 = arith.addi %mul3A_348, %add3A_425 : i32
            %swap3A_427 = arith.index_cast %add3A_426 : i32 to index
            %swap3A_428 = arith.constant 48 : index
            %swap3A_429 = tpu.vector_load %arg12[%swap3A_427, %swap3A_428] {strides = array<i32>} : memref<32x64xf32, #tpu.memory_space<vmem>>, vector<16xf32>,
            tpu.vector_store %arg12[%swap3A_427, %swap3A_428], %gather3A_424 {strides = array<i32>} : memref<32x64xf32, #tpu.memory_space<vmem>>, vector<16xf32>,
            %slice3A_430 = vector.extract_strided_slice %select_n3A_326 {offsets = [2], sizes = [1], strides = [1]} : vector<16xi32> to vector<1xi32>
            %squeeze3A_431 = vector.extract %slice3A_430[0] : i32 from vector<1xi32>
            %broadcast_in_dim3A_432 = vector.broadcast %squeeze3A_431 : i32 to vector<16xi32>
            %add3A_433 = arith.constant 0 : i32
            %add3A_434 = vector.broadcast %add3A_433 : i32 to vector<16xi32>
            %add3A_435 = arith.addi %iota3A, %add3A_434 : vector<16xi32>
            %gather3A_436 = tpu.vector_load_idx %arg14[%add3A_435, %broadcast_in_dim3A_432] : memref<64x256xf32, #tpu.memory_space<vmem>>[vector<16xi32>, vector<16xi32>], vector<16xf32>,
            %add3A_437 = arith.constant 2 : i32
            %add3A_438 = arith.addi %mul3A_348, %add3A_437 : i32
            %swap3A_439 = arith.index_cast %add3A_438 : i32 to index
            %swap3A_440 = arith.constant 0 : index
            %swap3A_441 = tpu.vector_load %arg12[%swap3A_439, %swap3A_440] {strides = array<i32>} : memref<32x64xf32, #tpu.memory_space<vmem>>, vector<16xf32>,
            tpu.vector_store %arg12[%swap3A_439, %swap3A_440], %gather3A_436 {strides = array<i32>} : memref<32x64xf32, #tpu.memory_space<vmem>>, vector<16xf32>,
            %add3A_442 = arith.constant 16 : i32
            %add3A_443 = vector.broadcast %add3A_442 : i32 to vector<16xi32>
            %add3A_444 = arith.addi %iota3A, %add3A_443 : vector<16xi32>
            %gather3A_445 = tpu.vector_load_idx %arg14[%add3A_444, %broadcast_in_dim3A_432] : memref<64x256xf32, #tpu.memory_space<vmem>>[vector<16xi32>, vector<16xi32>], vector<16xf32>,
            %add3A_446 = arith.constant 2 : i32
            %add3A_447 = arith.addi %mul3A_348, %add3A_446 : i32
            %swap3A_448 = arith.index_cast %add3A_447 : i32 to index
            %swap3A_449 = arith.constant 16 : index
            %swap3A_450 = tpu.vector_load %arg12[%swap3A_448, %swap3A_449] {strides = array<i32>} : memref<32x64xf32, #tpu.memory_space<vmem>>, vector<16xf32>,
            tpu.vector_store %arg12[%swap3A_448, %swap3A_449], %gather3A_445 {strides = array<i32>} : memref<32x64xf32, #tpu.memory_space<vmem>>, vector<16xf32>,
            %add3A_451 = arith.constant 32 : i32
            %add3A_452 = vector.broadcast %add3A_451 : i32 to vector<16xi32>
            %add3A_453 = arith.addi %iota3A, %add3A_452 : vector<16xi32>
            %gather3A_454 = tpu.vector_load_idx %arg14[%add3A_453, %broadcast_in_dim3A_432] : memref<64x256xf32, #tpu.memory_space<vmem>>[vector<16xi32>, vector<16xi32>], vector<16xf32>,
            %add3A_455 = arith.constant 2 : i32
            %add3A_456 = arith.addi %mul3A_348, %add3A_455 : i32
            %swap3A_457 = arith.index_cast %add3A_456 : i32 to index
            %swap3A_458 = arith.constant 32 : index
            %swap3A_459 = tpu.vector_load %arg12[%swap3A_457, %swap3A_458] {strides = array<i32>} : memref<32x64xf32, #tpu.memory_space<vmem>>, vector<16xf32>,
            tpu.vector_store %arg12[%swap3A_457, %swap3A_458], %gather3A_454 {strides = array<i32>} : memref<32x64xf32, #tpu.memory_space<vmem>>, vector<16xf32>,
            %add3A_460 = arith.constant 48 : i32
            %add3A_461 = vector.broadcast %add3A_460 : i32 to vector<16xi32>
            %add3A_462 = arith.addi %iota3A, %add3A_461 : vector<16xi32>
            %gather3A_463 = tpu.vector_load_idx %arg14[%add3A_462, %broadcast_in_dim3A_432] : memref<64x256xf32, #tpu.memory_space<vmem>>[vector<16xi32>, vector<16xi32>], vector<16xf32>,
            %add3A_464 = arith.constant 2 : i32
            %add3A_465 = arith.addi %mul3A_348, %add3A_464 : i32
            %swap3A_466 = arith.index_cast %add3A_465 : i32 to index
            %swap3A_467 = arith.constant 48 : index
            %swap3A_468 = tpu.vector_load %arg12[%swap3A_466, %swap3A_467] {strides = array<i32>} : memref<32x64xf32, #tpu.memory_space<vmem>>, vector<16xf32>,
            tpu.vector_store %arg12[%swap3A_466, %swap3A_467], %gather3A_463 {strides = array<i32>} : memref<32x64xf32, #tpu.memory_space<vmem>>, vector<16xf32>,
            %slice3A_469 = vector.extract_strided_slice %select_n3A_326 {offsets = [3], sizes = [1], strides = [1]} : vector<16xi32> to vector<1xi32>
            %squeeze3A_470 = vector.extract %slice3A_469[0] : i32 from vector<1xi32>
            %broadcast_in_dim3A_471 = vector.broadcast %squeeze3A_470 : i32 to vector<16xi32>
            %add3A_472 = arith.constant 0 : i32
            %add3A_473 = vector.broadcast %add3A_472 : i32 to vector<16xi32>
            %add3A_474 = arith.addi %iota3A, %add3A_473 : vector<16xi32>
            %gather3A_475 = tpu.vector_load_idx %arg14[%add3A_474, %broadcast_in_dim3A_471] : memref<64x256xf32, #tpu.memory_space<vmem>>[vector<16xi32>, vector<16xi32>], vector<16xf32>,
            %add3A_476 = arith.constant 3 : i32
            %add3A_477 = arith.addi %mul3A_348, %add3A_476 : i32
            %swap3A_478 = arith.index_cast %add3A_477 : i32 to index
            %swap3A_479 = arith.constant 0 : index
            %swap3A_480 = tpu.vector_load %arg12[%swap3A_478, %swap3A_479] {strides = array<i32>} : memref<32x64xf32, #tpu.memory_space<vmem>>, vector<16xf32>,
            tpu.vector_store %arg12[%swap3A_478, %swap3A_479], %gather3A_475 {strides = array<i32>} : memref<32x64xf32, #tpu.memory_space<vmem>>, vector<16xf32>,
            %add3A_481 = arith.constant 16 : i32
            %add3A_482 = vector.broadcast %add3A_481 : i32 to vector<16xi32>
            %add3A_483 = arith.addi %iota3A, %add3A_482 : vector<16xi32>
            %gather3A_484 = tpu.vector_load_idx %arg14[%add3A_483, %broadcast_in_dim3A_471] : memref<64x256xf32, #tpu.memory_space<vmem>>[vector<16xi32>, vector<16xi32>], vector<16xf32>,
            %add3A_485 = arith.constant 3 : i32
            %add3A_486 = arith.addi %mul3A_348, %add3A_485 : i32
            %swap3A_487 = arith.index_cast %add3A_486 : i32 to index
            %swap3A_488 = arith.constant 16 : index
            %swap3A_489 = tpu.vector_load %arg12[%swap3A_487, %swap3A_488] {strides = array<i32>} : memref<32x64xf32, #tpu.memory_space<vmem>>, vector<16xf32>,
            tpu.vector_store %arg12[%swap3A_487, %swap3A_488], %gather3A_484 {strides = array<i32>} : memref<32x64xf32, #tpu.memory_space<vmem>>, vector<16xf32>,
            %add3A_490 = arith.constant 32 : i32
            %add3A_491 = vector.broadcast %add3A_490 : i32 to vector<16xi32>
            %add3A_492 = arith.addi %iota3A, %add3A_491 : vector<16xi32>
            %gather3A_493 = tpu.vector_load_idx %arg14[%add3A_492, %broadcast_in_dim3A_471] : memref<64x256xf32, #tpu.memory_space<vmem>>[vector<16xi32>, vector<16xi32>], vector<16xf32>,
            %add3A_494 = arith.constant 3 : i32
            %add3A_495 = arith.addi %mul3A_348, %add3A_494 : i32
            %swap3A_496 = arith.index_cast %add3A_495 : i32 to index
            %swap3A_497 = arith.constant 32 : index
            %swap3A_498 = tpu.vector_load %arg12[%swap3A_496, %swap3A_497] {strides = array<i32>} : memref<32x64xf32, #tpu.memory_space<vmem>>, vector<16xf32>,
            tpu.vector_store %arg12[%swap3A_496, %swap3A_497], %gather3A_493 {strides = array<i32>} : memref<32x64xf32, #tpu.memory_space<vmem>>, vector<16xf32>,
            %add3A_499 = arith.constant 48 : i32
            %add3A_500 = vector.broadcast %add3A_499 : i32 to vector<16xi32>
            %add3A_501 = arith.addi %iota3A, %add3A_500 : vector<16xi32>
            %gather3A_502 = tpu.vector_load_idx %arg14[%add3A_501, %broadcast_in_dim3A_471] : memref<64x256xf32, #tpu.memory_space<vmem>>[vector<16xi32>, vector<16xi32>], vector<16xf32>,
            %add3A_503 = arith.constant 3 : i32
            %add3A_504 = arith.addi %mul3A_348, %add3A_503 : i32
            %swap3A_505 = arith.index_cast %add3A_504 : i32 to index
            %swap3A_506 = arith.constant 48 : index
            %swap3A_507 = tpu.vector_load %arg12[%swap3A_505, %swap3A_506] {strides = array<i32>} : memref<32x64xf32, #tpu.memory_space<vmem>>, vector<16xf32>,
            tpu.vector_store %arg12[%swap3A_505, %swap3A_506], %gather3A_502 {strides = array<i32>} : memref<32x64xf32, #tpu.memory_space<vmem>>, vector<16xf32>,
            %slice3A_508 = vector.extract_strided_slice %select_n3A_326 {offsets = [4], sizes = [1], strides = [1]} : vector<16xi32> to vector<1xi32>
            %squeeze3A_509 = vector.extract %slice3A_508[0] : i32 from vector<1xi32>
            %broadcast_in_dim3A_510 = vector.broadcast %squeeze3A_509 : i32 to vector<16xi32>
            %add3A_511 = arith.constant 0 : i32
            %add3A_512 = vector.broadcast %add3A_511 : i32 to vector<16xi32>
            %add3A_513 = arith.addi %iota3A, %add3A_512 : vector<16xi32>
            %gather3A_514 = tpu.vector_load_idx %arg14[%add3A_513, %broadcast_in_dim3A_510] : memref<64x256xf32, #tpu.memory_space<vmem>>[vector<16xi32>, vector<16xi32>], vector<16xf32>,
            %add3A_515 = arith.constant 4 : i32
            %add3A_516 = arith.addi %mul3A_348, %add3A_515 : i32
            %swap3A_517 = arith.index_cast %add3A_516 : i32 to index
            %swap3A_518 = arith.constant 0 : index
            %swap3A_519 = tpu.vector_load %arg12[%swap3A_517, %swap3A_518] {strides = array<i32>} : memref<32x64xf32, #tpu.memory_space<vmem>>, vector<16xf32>,
            tpu.vector_store %arg12[%swap3A_517, %swap3A_518], %gather3A_514 {strides = array<i32>} : memref<32x64xf32, #tpu.memory_space<vmem>>, vector<16xf32>,
            %add3A_520 = arith.constant 16 : i32
            %add3A_521 = vector.broadcast %add3A_520 : i32 to vector<16xi32>
            %add3A_522 = arith.addi %iota3A, %add3A_521 : vector<16xi32>
            %gather3A_523 = tpu.vector_load_idx %arg14[%add3A_522, %broadcast_in_dim3A_510] : memref<64x256xf32, #tpu.memory_space<vmem>>[vector<16xi32>, vector<16xi32>], vector<16xf32>,
            %add3A_524 = arith.constant 4 : i32
            %add3A_525 = arith.addi %mul3A_348, %add3A_524 : i32
            %swap3A_526 = arith.index_cast %add3A_525 : i32 to index
            %swap3A_527 = arith.constant 16 : index
            %swap3A_528 = tpu.vector_load %arg12[%swap3A_526, %swap3A_527] {strides = array<i32>} : memref<32x64xf32, #tpu.memory_space<vmem>>, vector<16xf32>,
            tpu.vector_store %arg12[%swap3A_526, %swap3A_527], %gather3A_523 {strides = array<i32>} : memref<32x64xf32, #tpu.memory_space<vmem>>, vector<16xf32>,
            %add3A_529 = arith.constant 32 : i32
            %add3A_530 = vector.broadcast %add3A_529 : i32 to vector<16xi32>
            %add3A_531 = arith.addi %iota3A, %add3A_530 : vector<16xi32>
            %gather3A_532 = tpu.vector_load_idx %arg14[%add3A_531, %broadcast_in_dim3A_510] : memref<64x256xf32, #tpu.memory_space<vmem>>[vector<16xi32>, vector<16xi32>], vector<16xf32>,
            %add3A_533 = arith.constant 4 : i32
            %add3A_534 = arith.addi %mul3A_348, %add3A_533 : i32
            %swap3A_535 = arith.index_cast %add3A_534 : i32 to index
            %swap3A_536 = arith.constant 32 : index
            %swap3A_537 = tpu.vector_load %arg12[%swap3A_535, %swap3A_536] {strides = array<i32>} : memref<32x64xf32, #tpu.memory_space<vmem>>, vector<16xf32>,
            tpu.vector_store %arg12[%swap3A_535, %swap3A_536], %gather3A_532 {strides = array<i32>} : memref<32x64xf32, #tpu.memory_space<vmem>>, vector<16xf32>,
            %add3A_538 = arith.constant 48 : i32
            %add3A_539 = vector.broadcast %add3A_538 : i32 to vector<16xi32>
            %add3A_540 = arith.addi %iota3A, %add3A_539 : vector<16xi32>
            %gather3A_541 = tpu.vector_load_idx %arg14[%add3A_540, %broadcast_in_dim3A_510] : memref<64x256xf32, #tpu.memory_space<vmem>>[vector<16xi32>, vector<16xi32>], vector<16xf32>,
            %add3A_542 = arith.constant 4 : i32
            %add3A_543 = arith.addi %mul3A_348, %add3A_542 : i32
            %swap3A_544 = arith.index_cast %add3A_543 : i32 to index
            %swap3A_545 = arith.constant 48 : index
            %swap3A_546 = tpu.vector_load %arg12[%swap3A_544, %swap3A_545] {strides = array<i32>} : memref<32x64xf32, #tpu.memory_space<vmem>>, vector<16xf32>,
            tpu.vector_store %arg12[%swap3A_544, %swap3A_545], %gather3A_541 {strides = array<i32>} : memref<32x64xf32, #tpu.memory_space<vmem>>, vector<16xf32>,
            %slice3A_547 = vector.extract_strided_slice %select_n3A_326 {offsets = [5], sizes = [1], strides = [1]} : vector<16xi32> to vector<1xi32>
            %squeeze3A_548 = vector.extract %slice3A_547[0] : i32 from vector<1xi32>
            %broadcast_in_dim3A_549 = vector.broadcast %squeeze3A_548 : i32 to vector<16xi32>
            %add3A_550 = arith.constant 0 : i32
            %add3A_551 = vector.broadcast %add3A_550 : i32 to vector<16xi32>
            %add3A_552 = arith.addi %iota3A, %add3A_551 : vector<16xi32>
            %gather3A_553 = tpu.vector_load_idx %arg14[%add3A_552, %broadcast_in_dim3A_549] : memref<64x256xf32, #tpu.memory_space<vmem>>[vector<16xi32>, vector<16xi32>], vector<16xf32>,
            %add3A_554 = arith.constant 5 : i32
            %add3A_555 = arith.addi %mul3A_348, %add3A_554 : i32
            %swap3A_556 = arith.index_cast %add3A_555 : i32 to index
            %swap3A_557 = arith.constant 0 : index
            %swap3A_558 = tpu.vector_load %arg12[%swap3A_556, %swap3A_557] {strides = array<i32>} : memref<32x64xf32, #tpu.memory_space<vmem>>, vector<16xf32>,
            tpu.vector_store %arg12[%swap3A_556, %swap3A_557], %gather3A_553 {strides = array<i32>} : memref<32x64xf32, #tpu.memory_space<vmem>>, vector<16xf32>,
            %add3A_559 = arith.constant 16 : i32
            %add3A_560 = vector.broadcast %add3A_559 : i32 to vector<16xi32>
            %add3A_561 = arith.addi %iota3A, %add3A_560 : vector<16xi32>
            %gather3A_562 = tpu.vector_load_idx %arg14[%add3A_561, %broadcast_in_dim3A_549] : memref<64x256xf32, #tpu.memory_space<vmem>>[vector<16xi32>, vector<16xi32>], vector<16xf32>,
            %add3A_563 = arith.constant 5 : i32
            %add3A_564 = arith.addi %mul3A_348, %add3A_563 : i32
            %swap3A_565 = arith.index_cast %add3A_564 : i32 to index
            %swap3A_566 = arith.constant 16 : index
            %swap3A_567 = tpu.vector_load %arg12[%swap3A_565, %swap3A_566] {strides = array<i32>} : memref<32x64xf32, #tpu.memory_space<vmem>>, vector<16xf32>,
            tpu.vector_store %arg12[%swap3A_565, %swap3A_566], %gather3A_562 {strides = array<i32>} : memref<32x64xf32, #tpu.memory_space<vmem>>, vector<16xf32>,
            %add3A_568 = arith.constant 32 : i32
            %add3A_569 = vector.broadcast %add3A_568 : i32 to vector<16xi32>
            %add3A_570 = arith.addi %iota3A, %add3A_569 : vector<16xi32>
            %gather3A_571 = tpu.vector_load_idx %arg14[%add3A_570, %broadcast_in_dim3A_549] : memref<64x256xf32, #tpu.memory_space<vmem>>[vector<16xi32>, vector<16xi32>], vector<16xf32>,
            %add3A_572 = arith.constant 5 : i32
            %add3A_573 = arith.addi %mul3A_348, %add3A_572 : i32
            %swap3A_574 = arith.index_cast %add3A_573 : i32 to index
            %swap3A_575 = arith.constant 32 : index
            %swap3A_576 = tpu.vector_load %arg12[%swap3A_574, %swap3A_575] {strides = array<i32>} : memref<32x64xf32, #tpu.memory_space<vmem>>, vector<16xf32>,
            tpu.vector_store %arg12[%swap3A_574, %swap3A_575], %gather3A_571 {strides = array<i32>} : memref<32x64xf32, #tpu.memory_space<vmem>>, vector<16xf32>,
            %add3A_577 = arith.constant 48 : i32
            %add3A_578 = vector.broadcast %add3A_577 : i32 to vector<16xi32>
            %add3A_579 = arith.addi %iota3A, %add3A_578 : vector<16xi32>
            %gather3A_580 = tpu.vector_load_idx %arg14[%add3A_579, %broadcast_in_dim3A_549] : memref<64x256xf32, #tpu.memory_space<vmem>>[vector<16xi32>, vector<16xi32>], vector<16xf32>,
            %add3A_581 = arith.constant 5 : i32
            %add3A_582 = arith.addi %mul3A_348, %add3A_581 : i32
            %swap3A_583 = arith.index_cast %add3A_582 : i32 to index
            %swap3A_584 = arith.constant 48 : index
            %swap3A_585 = tpu.vector_load %arg12[%swap3A_583, %swap3A_584] {strides = array<i32>} : memref<32x64xf32, #tpu.memory_space<vmem>>, vector<16xf32>,
            tpu.vector_store %arg12[%swap3A_583, %swap3A_584], %gather3A_580 {strides = array<i32>} : memref<32x64xf32, #tpu.memory_space<vmem>>, vector<16xf32>,
            %slice3A_586 = vector.extract_strided_slice %select_n3A_326 {offsets = [6], sizes = [1], strides = [1]} : vector<16xi32> to vector<1xi32>
            %squeeze3A_587 = vector.extract %slice3A_586[0] : i32 from vector<1xi32>
            %broadcast_in_dim3A_588 = vector.broadcast %squeeze3A_587 : i32 to vector<16xi32>
            %add3A_589 = arith.constant 0 : i32
            %add3A_590 = vector.broadcast %add3A_589 : i32 to vector<16xi32>
            %add3A_591 = arith.addi %iota3A, %add3A_590 : vector<16xi32>
            %gather3A_592 = tpu.vector_load_idx %arg14[%add3A_591, %broadcast_in_dim3A_588] : memref<64x256xf32, #tpu.memory_space<vmem>>[vector<16xi32>, vector<16xi32>], vector<16xf32>,
            %add3A_593 = arith.constant 6 : i32
            %add3A_594 = arith.addi %mul3A_348, %add3A_593 : i32
            %swap3A_595 = arith.index_cast %add3A_594 : i32 to index
            %swap3A_596 = arith.constant 0 : index
            %swap3A_597 = tpu.vector_load %arg12[%swap3A_595, %swap3A_596] {strides = array<i32>} : memref<32x64xf32, #tpu.memory_space<vmem>>, vector<16xf32>,
            tpu.vector_store %arg12[%swap3A_595, %swap3A_596], %gather3A_592 {strides = array<i32>} : memref<32x64xf32, #tpu.memory_space<vmem>>, vector<16xf32>,
            %add3A_598 = arith.constant 16 : i32
            %add3A_599 = vector.broadcast %add3A_598 : i32 to vector<16xi32>
            %add3A_600 = arith.addi %iota3A, %add3A_599 : vector<16xi32>
            %gather3A_601 = tpu.vector_load_idx %arg14[%add3A_600, %broadcast_in_dim3A_588] : memref<64x256xf32, #tpu.memory_space<vmem>>[vector<16xi32>, vector<16xi32>], vector<16xf32>,
            %add3A_602 = arith.constant 6 : i32
            %add3A_603 = arith.addi %mul3A_348, %add3A_602 : i32
            %swap3A_604 = arith.index_cast %add3A_603 : i32 to index
            %swap3A_605 = arith.constant 16 : index
            %swap3A_606 = tpu.vector_load %arg12[%swap3A_604, %swap3A_605] {strides = array<i32>} : memref<32x64xf32, #tpu.memory_space<vmem>>, vector<16xf32>,
            tpu.vector_store %arg12[%swap3A_604, %swap3A_605], %gather3A_601 {strides = array<i32>} : memref<32x64xf32, #tpu.memory_space<vmem>>, vector<16xf32>,
            %add3A_607 = arith.constant 32 : i32
            %add3A_608 = vector.broadcast %add3A_607 : i32 to vector<16xi32>
            %add3A_609 = arith.addi %iota3A, %add3A_608 : vector<16xi32>
            %gather3A_610 = tpu.vector_load_idx %arg14[%add3A_609, %broadcast_in_dim3A_588] : memref<64x256xf32, #tpu.memory_space<vmem>>[vector<16xi32>, vector<16xi32>], vector<16xf32>,
            %add3A_611 = arith.constant 6 : i32
            %add3A_612 = arith.addi %mul3A_348, %add3A_611 : i32
            %swap3A_613 = arith.index_cast %add3A_612 : i32 to index
            %swap3A_614 = arith.constant 32 : index
            %swap3A_615 = tpu.vector_load %arg12[%swap3A_613, %swap3A_614] {strides = array<i32>} : memref<32x64xf32, #tpu.memory_space<vmem>>, vector<16xf32>,
            tpu.vector_store %arg12[%swap3A_613, %swap3A_614], %gather3A_610 {strides = array<i32>} : memref<32x64xf32, #tpu.memory_space<vmem>>, vector<16xf32>,
            %add3A_616 = arith.constant 48 : i32
            %add3A_617 = vector.broadcast %add3A_616 : i32 to vector<16xi32>
            %add3A_618 = arith.addi %iota3A, %add3A_617 : vector<16xi32>
            %gather3A_619 = tpu.vector_load_idx %arg14[%add3A_618, %broadcast_in_dim3A_588] : memref<64x256xf32, #tpu.memory_space<vmem>>[vector<16xi32>, vector<16xi32>], vector<16xf32>,
            %add3A_620 = arith.constant 6 : i32
            %add3A_621 = arith.addi %mul3A_348, %add3A_620 : i32
            %swap3A_622 = arith.index_cast %add3A_621 : i32 to index
            %swap3A_623 = arith.constant 48 : index
            %swap3A_624 = tpu.vector_load %arg12[%swap3A_622, %swap3A_623] {strides = array<i32>} : memref<32x64xf32, #tpu.memory_space<vmem>>, vector<16xf32>,
            tpu.vector_store %arg12[%swap3A_622, %swap3A_623], %gather3A_619 {strides = array<i32>} : memref<32x64xf32, #tpu.memory_space<vmem>>, vector<16xf32>,
            %slice3A_625 = vector.extract_strided_slice %select_n3A_326 {offsets = [7], sizes = [1], strides = [1]} : vector<16xi32> to vector<1xi32>
            %squeeze3A_626 = vector.extract %slice3A_625[0] : i32 from vector<1xi32>
            %broadcast_in_dim3A_627 = vector.broadcast %squeeze3A_626 : i32 to vector<16xi32>
            %add3A_628 = arith.constant 0 : i32
            %add3A_629 = vector.broadcast %add3A_628 : i32 to vector<16xi32>
            %add3A_630 = arith.addi %iota3A, %add3A_629 : vector<16xi32>
            %gather3A_631 = tpu.vector_load_idx %arg14[%add3A_630, %broadcast_in_dim3A_627] : memref<64x256xf32, #tpu.memory_space<vmem>>[vector<16xi32>, vector<16xi32>], vector<16xf32>,
            %add3A_632 = arith.constant 7 : i32
            %add3A_633 = arith.addi %mul3A_348, %add3A_632 : i32
            %swap3A_634 = arith.index_cast %add3A_633 : i32 to index
            %swap3A_635 = arith.constant 0 : index
            %swap3A_636 = tpu.vector_load %arg12[%swap3A_634, %swap3A_635] {strides = array<i32>} : memref<32x64xf32, #tpu.memory_space<vmem>>, vector<16xf32>,
            tpu.vector_store %arg12[%swap3A_634, %swap3A_635], %gather3A_631 {strides = array<i32>} : memref<32x64xf32, #tpu.memory_space<vmem>>, vector<16xf32>,
            %add3A_637 = arith.constant 16 : i32
            %add3A_638 = vector.broadcast %add3A_637 : i32 to vector<16xi32>
            %add3A_639 = arith.addi %iota3A, %add3A_638 : vector<16xi32>
            %gather3A_640 = tpu.vector_load_idx %arg14[%add3A_639, %broadcast_in_dim3A_627] : memref<64x256xf32, #tpu.memory_space<vmem>>[vector<16xi32>, vector<16xi32>], vector<16xf32>,
            %add3A_641 = arith.constant 7 : i32
            %add3A_642 = arith.addi %mul3A_348, %add3A_641 : i32
            %swap3A_643 = arith.index_cast %add3A_642 : i32 to index
            %swap3A_644 = arith.constant 16 : index
            %swap3A_645 = tpu.vector_load %arg12[%swap3A_643, %swap3A_644] {strides = array<i32>} : memref<32x64xf32, #tpu.memory_space<vmem>>, vector<16xf32>,
            tpu.vector_store %arg12[%swap3A_643, %swap3A_644], %gather3A_640 {strides = array<i32>} : memref<32x64xf32, #tpu.memory_space<vmem>>, vector<16xf32>,
            %add3A_646 = arith.constant 32 : i32
            %add3A_647 = vector.broadcast %add3A_646 : i32 to vector<16xi32>
            %add3A_648 = arith.addi %iota3A, %add3A_647 : vector<16xi32>
            %gather3A_649 = tpu.vector_load_idx %arg14[%add3A_648, %broadcast_in_dim3A_627] : memref<64x256xf32, #tpu.memory_space<vmem>>[vector<16xi32>, vector<16xi32>], vector<16xf32>,
            %add3A_650 = arith.constant 7 : i32
            %add3A_651 = arith.addi %mul3A_348, %add3A_650 : i32
            %swap3A_652 = arith.index_cast %add3A_651 : i32 to index
            %swap3A_653 = arith.constant 32 : index
            %swap3A_654 = tpu.vector_load %arg12[%swap3A_652, %swap3A_653] {strides = array<i32>} : memref<32x64xf32, #tpu.memory_space<vmem>>, vector<16xf32>,
            tpu.vector_store %arg12[%swap3A_652, %swap3A_653], %gather3A_649 {strides = array<i32>} : memref<32x64xf32, #tpu.memory_space<vmem>>, vector<16xf32>,
            %add3A_655 = arith.constant 48 : i32
            %add3A_656 = vector.broadcast %add3A_655 : i32 to vector<16xi32>
            %add3A_657 = arith.addi %iota3A, %add3A_656 : vector<16xi32>
            %gather3A_658 = tpu.vector_load_idx %arg14[%add3A_657, %broadcast_in_dim3A_627] : memref<64x256xf32, #tpu.memory_space<vmem>>[vector<16xi32>, vector<16xi32>], vector<16xf32>,
            %add3A_659 = arith.constant 7 : i32
            %add3A_660 = arith.addi %mul3A_348, %add3A_659 : i32
            %swap3A_661 = arith.index_cast %add3A_660 : i32 to index
            %swap3A_662 = arith.constant 48 : index
            %swap3A_663 = tpu.vector_load %arg12[%swap3A_661, %swap3A_662] {strides = array<i32>} : memref<32x64xf32, #tpu.memory_space<vmem>>, vector<16xf32>,
            tpu.vector_store %arg12[%swap3A_661, %swap3A_662], %gather3A_658 {strides = array<i32>} : memref<32x64xf32, #tpu.memory_space<vmem>>, vector<16xf32>,
            %slice3A_664 = vector.extract_strided_slice %select_n3A_326 {offsets = [8], sizes = [1], strides = [1]} : vector<16xi32> to vector<1xi32>
            %squeeze3A_665 = vector.extract %slice3A_664[0] : i32 from vector<1xi32>
            %broadcast_in_dim3A_666 = vector.broadcast %squeeze3A_665 : i32 to vector<16xi32>
            %add3A_667 = arith.constant 0 : i32
            %add3A_668 = vector.broadcast %add3A_667 : i32 to vector<16xi32>
            %add3A_669 = arith.addi %iota3A, %add3A_668 : vector<16xi32>
            %gather3A_670 = tpu.vector_load_idx %arg14[%add3A_669, %broadcast_in_dim3A_666] : memref<64x256xf32, #tpu.memory_space<vmem>>[vector<16xi32>, vector<16xi32>], vector<16xf32>,
            %add3A_671 = arith.constant 8 : i32
            %add3A_672 = arith.addi %mul3A_348, %add3A_671 : i32
            %swap3A_673 = arith.index_cast %add3A_672 : i32 to index
            %swap3A_674 = arith.constant 0 : index
            %swap3A_675 = tpu.vector_load %arg12[%swap3A_673, %swap3A_674] {strides = array<i32>} : memref<32x64xf32, #tpu.memory_space<vmem>>, vector<16xf32>,
            tpu.vector_store %arg12[%swap3A_673, %swap3A_674], %gather3A_670 {strides = array<i32>} : memref<32x64xf32, #tpu.memory_space<vmem>>, vector<16xf32>,
            %add3A_676 = arith.constant 16 : i32
            %add3A_677 = vector.broadcast %add3A_676 : i32 to vector<16xi32>
            %add3A_678 = arith.addi %iota3A, %add3A_677 : vector<16xi32>
            %gather3A_679 = tpu.vector_load_idx %arg14[%add3A_678, %broadcast_in_dim3A_666] : memref<64x256xf32, #tpu.memory_space<vmem>>[vector<16xi32>, vector<16xi32>], vector<16xf32>,
            %add3A_680 = arith.constant 8 : i32
            %add3A_681 = arith.addi %mul3A_348, %add3A_680 : i32
            %swap3A_682 = arith.index_cast %add3A_681 : i32 to index
            %swap3A_683 = arith.constant 16 : index
            %swap3A_684 = tpu.vector_load %arg12[%swap3A_682, %swap3A_683] {strides = array<i32>} : memref<32x64xf32, #tpu.memory_space<vmem>>, vector<16xf32>,
            tpu.vector_store %arg12[%swap3A_682, %swap3A_683], %gather3A_679 {strides = array<i32>} : memref<32x64xf32, #tpu.memory_space<vmem>>, vector<16xf32>,
            %add3A_685 = arith.constant 32 : i32
            %add3A_686 = vector.broadcast %add3A_685 : i32 to vector<16xi32>
            %add3A_687 = arith.addi %iota3A, %add3A_686 : vector<16xi32>
            %gather3A_688 = tpu.vector_load_idx %arg14[%add3A_687, %broadcast_in_dim3A_666] : memref<64x256xf32, #tpu.memory_space<vmem>>[vector<16xi32>, vector<16xi32>], vector<16xf32>,
            %add3A_689 = arith.constant 8 : i32
            %add3A_690 = arith.addi %mul3A_348, %add3A_689 : i32
            %swap3A_691 = arith.index_cast %add3A_690 : i32 to index
            %swap3A_692 = arith.constant 32 : index
            %swap3A_693 = tpu.vector_load %arg12[%swap3A_691, %swap3A_692] {strides = array<i32>} : memref<32x64xf32, #tpu.memory_space<vmem>>, vector<16xf32>,
            tpu.vector_store %arg12[%swap3A_691, %swap3A_692], %gather3A_688 {strides = array<i32>} : memref<32x64xf32, #tpu.memory_space<vmem>>, vector<16xf32>,
            %add3A_694 = arith.constant 48 : i32
            %add3A_695 = vector.broadcast %add3A_694 : i32 to vector<16xi32>
            %add3A_696 = arith.addi %iota3A, %add3A_695 : vector<16xi32>
            %gather3A_697 = tpu.vector_load_idx %arg14[%add3A_696, %broadcast_in_dim3A_666] : memref<64x256xf32, #tpu.memory_space<vmem>>[vector<16xi32>, vector<16xi32>], vector<16xf32>,
            %add3A_698 = arith.constant 8 : i32
            %add3A_699 = arith.addi %mul3A_348, %add3A_698 : i32
            %swap3A_700 = arith.index_cast %add3A_699 : i32 to index
            %swap3A_701 = arith.constant 48 : index
            %swap3A_702 = tpu.vector_load %arg12[%swap3A_700, %swap3A_701] {strides = array<i32>} : memref<32x64xf32, #tpu.memory_space<vmem>>, vector<16xf32>,
            tpu.vector_store %arg12[%swap3A_700, %swap3A_701], %gather3A_697 {strides = array<i32>} : memref<32x64xf32, #tpu.memory_space<vmem>>, vector<16xf32>,
            %slice3A_703 = vector.extract_strided_slice %select_n3A_326 {offsets = [9], sizes = [1], strides = [1]} : vector<16xi32> to vector<1xi32>
            %squeeze3A_704 = vector.extract %slice3A_703[0] : i32 from vector<1xi32>
            %broadcast_in_dim3A_705 = vector.broadcast %squeeze3A_704 : i32 to vector<16xi32>
            %add3A_706 = arith.constant 0 : i32
            %add3A_707 = vector.broadcast %add3A_706 : i32 to vector<16xi32>
            %add3A_708 = arith.addi %iota3A, %add3A_707 : vector<16xi32>
            %gather3A_709 = tpu.vector_load_idx %arg14[%add3A_708, %broadcast_in_dim3A_705] : memref<64x256xf32, #tpu.memory_space<vmem>>[vector<16xi32>, vector<16xi32>], vector<16xf32>,
            %add3A_710 = arith.constant 9 : i32
            %add3A_711 = arith.addi %mul3A_348, %add3A_710 : i32
            %swap3A_712 = arith.index_cast %add3A_711 : i32 to index
            %swap3A_713 = arith.constant 0 : index
            %swap3A_714 = tpu.vector_load %arg12[%swap3A_712, %swap3A_713] {strides = array<i32>} : memref<32x64xf32, #tpu.memory_space<vmem>>, vector<16xf32>,
            tpu.vector_store %arg12[%swap3A_712, %swap3A_713], %gather3A_709 {strides = array<i32>} : memref<32x64xf32, #tpu.memory_space<vmem>>, vector<16xf32>,
            %add3A_715 = arith.constant 16 : i32
            %add3A_716 = vector.broadcast %add3A_715 : i32 to vector<16xi32>
            %add3A_717 = arith.addi %iota3A, %add3A_716 : vector<16xi32>
            %gather3A_718 = tpu.vector_load_idx %arg14[%add3A_717, %broadcast_in_dim3A_705] : memref<64x256xf32, #tpu.memory_space<vmem>>[vector<16xi32>, vector<16xi32>], vector<16xf32>,
            %add3A_719 = arith.constant 9 : i32
            %add3A_720 = arith.addi %mul3A_348, %add3A_719 : i32
            %swap3A_721 = arith.index_cast %add3A_720 : i32 to index
            %swap3A_722 = arith.constant 16 : index
            %swap3A_723 = tpu.vector_load %arg12[%swap3A_721, %swap3A_722] {strides = array<i32>} : memref<32x64xf32, #tpu.memory_space<vmem>>, vector<16xf32>,
            tpu.vector_store %arg12[%swap3A_721, %swap3A_722], %gather3A_718 {strides = array<i32>} : memref<32x64xf32, #tpu.memory_space<vmem>>, vector<16xf32>,
            %add3A_724 = arith.constant 32 : i32
            %add3A_725 = vector.broadcast %add3A_724 : i32 to vector<16xi32>
            %add3A_726 = arith.addi %iota3A, %add3A_725 : vector<16xi32>
            %gather3A_727 = tpu.vector_load_idx %arg14[%add3A_726, %broadcast_in_dim3A_705] : memref<64x256xf32, #tpu.memory_space<vmem>>[vector<16xi32>, vector<16xi32>], vector<16xf32>,
            %add3A_728 = arith.constant 9 : i32
            %add3A_729 = arith.addi %mul3A_348, %add3A_728 : i32
            %swap3A_730 = arith.index_cast %add3A_729 : i32 to index
            %swap3A_731 = arith.constant 32 : index
            %swap3A_732 = tpu.vector_load %arg12[%swap3A_730, %swap3A_731] {strides = array<i32>} : memref<32x64xf32, #tpu.memory_space<vmem>>, vector<16xf32>,
            tpu.vector_store %arg12[%swap3A_730, %swap3A_731], %gather3A_727 {strides = array<i32>} : memref<32x64xf32, #tpu.memory_space<vmem>>, vector<16xf32>,
            %add3A_733 = arith.constant 48 : i32
            %add3A_734 = vector.broadcast %add3A_733 : i32 to vector<16xi32>
            %add3A_735 = arith.addi %iota3A, %add3A_734 : vector<16xi32>
            %gather3A_736 = tpu.vector_load_idx %arg14[%add3A_735, %broadcast_in_dim3A_705] : memref<64x256xf32, #tpu.memory_space<vmem>>[vector<16xi32>, vector<16xi32>], vector<16xf32>,
            %add3A_737 = arith.constant 9 : i32
            %add3A_738 = arith.addi %mul3A_348, %add3A_737 : i32
            %swap3A_739 = arith.index_cast %add3A_738 : i32 to index
            %swap3A_740 = arith.constant 48 : index
            %swap3A_741 = tpu.vector_load %arg12[%swap3A_739, %swap3A_740] {strides = array<i32>} : memref<32x64xf32, #tpu.memory_space<vmem>>, vector<16xf32>,
            tpu.vector_store %arg12[%swap3A_739, %swap3A_740], %gather3A_736 {strides = array<i32>} : memref<32x64xf32, #tpu.memory_space<vmem>>, vector<16xf32>,
            %slice3A_742 = vector.extract_strided_slice %select_n3A_326 {offsets = [10], sizes = [1], strides = [1]} : vector<16xi32> to vector<1xi32>
            %squeeze3A_743 = vector.extract %slice3A_742[0] : i32 from vector<1xi32>
            %broadcast_in_dim3A_744 = vector.broadcast %squeeze3A_743 : i32 to vector<16xi32>
            %add3A_745 = arith.constant 0 : i32
            %add3A_746 = vector.broadcast %add3A_745 : i32 to vector<16xi32>
            %add3A_747 = arith.addi %iota3A, %add3A_746 : vector<16xi32>
            %gather3A_748 = tpu.vector_load_idx %arg14[%add3A_747, %broadcast_in_dim3A_744] : memref<64x256xf32, #tpu.memory_space<vmem>>[vector<16xi32>, vector<16xi32>], vector<16xf32>,
            %add3A_749 = arith.constant 10 : i32
            %add3A_750 = arith.addi %mul3A_348, %add3A_749 : i32
            %swap3A_751 = arith.index_cast %add3A_750 : i32 to index
            %swap3A_752 = arith.constant 0 : index
            %swap3A_753 = tpu.vector_load %arg12[%swap3A_751, %swap3A_752] {strides = array<i32>} : memref<32x64xf32, #tpu.memory_space<vmem>>, vector<16xf32>,
            tpu.vector_store %arg12[%swap3A_751, %swap3A_752], %gather3A_748 {strides = array<i32>} : memref<32x64xf32, #tpu.memory_space<vmem>>, vector<16xf32>,
            %add3A_754 = arith.constant 16 : i32
            %add3A_755 = vector.broadcast %add3A_754 : i32 to vector<16xi32>
            %add3A_756 = arith.addi %iota3A, %add3A_755 : vector<16xi32>
            %gather3A_757 = tpu.vector_load_idx %arg14[%add3A_756, %broadcast_in_dim3A_744] : memref<64x256xf32, #tpu.memory_space<vmem>>[vector<16xi32>, vector<16xi32>], vector<16xf32>,
            %add3A_758 = arith.constant 10 : i32
            %add3A_759 = arith.addi %mul3A_348, %add3A_758 : i32
            %swap3A_760 = arith.index_cast %add3A_759 : i32 to index
            %swap3A_761 = arith.constant 16 : index
            %swap3A_762 = tpu.vector_load %arg12[%swap3A_760, %swap3A_761] {strides = array<i32>} : memref<32x64xf32, #tpu.memory_space<vmem>>, vector<16xf32>,
            tpu.vector_store %arg12[%swap3A_760, %swap3A_761], %gather3A_757 {strides = array<i32>} : memref<32x64xf32, #tpu.memory_space<vmem>>, vector<16xf32>,
            %add3A_763 = arith.constant 32 : i32
            %add3A_764 = vector.broadcast %add3A_763 : i32 to vector<16xi32>
            %add3A_765 = arith.addi %iota3A, %add3A_764 : vector<16xi32>
            %gather3A_766 = tpu.vector_load_idx %arg14[%add3A_765, %broadcast_in_dim3A_744] : memref<64x256xf32, #tpu.memory_space<vmem>>[vector<16xi32>, vector<16xi32>], vector<16xf32>,
            %add3A_767 = arith.constant 10 : i32
            %add3A_768 = arith.addi %mul3A_348, %add3A_767 : i32
            %swap3A_769 = arith.index_cast %add3A_768 : i32 to index
            %swap3A_770 = arith.constant 32 : index
            %swap3A_771 = tpu.vector_load %arg12[%swap3A_769, %swap3A_770] {strides = array<i32>} : memref<32x64xf32, #tpu.memory_space<vmem>>, vector<16xf32>,
            tpu.vector_store %arg12[%swap3A_769, %swap3A_770], %gather3A_766 {strides = array<i32>} : memref<32x64xf32, #tpu.memory_space<vmem>>, vector<16xf32>,
            %add3A_772 = arith.constant 48 : i32
            %add3A_773 = vector.broadcast %add3A_772 : i32 to vector<16xi32>
            %add3A_774 = arith.addi %iota3A, %add3A_773 : vector<16xi32>
            %gather3A_775 = tpu.vector_load_idx %arg14[%add3A_774, %broadcast_in_dim3A_744] : memref<64x256xf32, #tpu.memory_space<vmem>>[vector<16xi32>, vector<16xi32>], vector<16xf32>,
            %add3A_776 = arith.constant 10 : i32
            %add3A_777 = arith.addi %mul3A_348, %add3A_776 : i32
            %swap3A_778 = arith.index_cast %add3A_777 : i32 to index
            %swap3A_779 = arith.constant 48 : index
            %swap3A_780 = tpu.vector_load %arg12[%swap3A_778, %swap3A_779] {strides = array<i32>} : memref<32x64xf32, #tpu.memory_space<vmem>>, vector<16xf32>,
            tpu.vector_store %arg12[%swap3A_778, %swap3A_779], %gather3A_775 {strides = array<i32>} : memref<32x64xf32, #tpu.memory_space<vmem>>, vector<16xf32>,
            %slice3A_781 = vector.extract_strided_slice %select_n3A_326 {offsets = [11], sizes = [1], strides = [1]} : vector<16xi32> to vector<1xi32>
            %squeeze3A_782 = vector.extract %slice3A_781[0] : i32 from vector<1xi32>
            %broadcast_in_dim3A_783 = vector.broadcast %squeeze3A_782 : i32 to vector<16xi32>
            %add3A_784 = arith.constant 0 : i32
            %add3A_785 = vector.broadcast %add3A_784 : i32 to vector<16xi32>
            %add3A_786 = arith.addi %iota3A, %add3A_785 : vector<16xi32>
            %gather3A_787 = tpu.vector_load_idx %arg14[%add3A_786, %broadcast_in_dim3A_783] : memref<64x256xf32, #tpu.memory_space<vmem>>[vector<16xi32>, vector<16xi32>], vector<16xf32>,
            %add3A_788 = arith.constant 11 : i32
            %add3A_789 = arith.addi %mul3A_348, %add3A_788 : i32
            %swap3A_790 = arith.index_cast %add3A_789 : i32 to index
            %swap3A_791 = arith.constant 0 : index
            %swap3A_792 = tpu.vector_load %arg12[%swap3A_790, %swap3A_791] {strides = array<i32>} : memref<32x64xf32, #tpu.memory_space<vmem>>, vector<16xf32>,
            tpu.vector_store %arg12[%swap3A_790, %swap3A_791], %gather3A_787 {strides = array<i32>} : memref<32x64xf32, #tpu.memory_space<vmem>>, vector<16xf32>,
            %add3A_793 = arith.constant 16 : i32
            %add3A_794 = vector.broadcast %add3A_793 : i32 to vector<16xi32>
            %add3A_795 = arith.addi %iota3A, %add3A_794 : vector<16xi32>
            %gather3A_796 = tpu.vector_load_idx %arg14[%add3A_795, %broadcast_in_dim3A_783] : memref<64x256xf32, #tpu.memory_space<vmem>>[vector<16xi32>, vector<16xi32>], vector<16xf32>,
            %add3A_797 = arith.constant 11 : i32
            %add3A_798 = arith.addi %mul3A_348, %add3A_797 : i32
            %swap3A_799 = arith.index_cast %add3A_798 : i32 to index
            %swap3A_800 = arith.constant 16 : index
            %swap3A_801 = tpu.vector_load %arg12[%swap3A_799, %swap3A_800] {strides = array<i32>} : memref<32x64xf32, #tpu.memory_space<vmem>>, vector<16xf32>,
            tpu.vector_store %arg12[%swap3A_799, %swap3A_800], %gather3A_796 {strides = array<i32>} : memref<32x64xf32, #tpu.memory_space<vmem>>, vector<16xf32>,
            %add3A_802 = arith.constant 32 : i32
            %add3A_803 = vector.broadcast %add3A_802 : i32 to vector<16xi32>
            %add3A_804 = arith.addi %iota3A, %add3A_803 : vector<16xi32>
            %gather3A_805 = tpu.vector_load_idx %arg14[%add3A_804, %broadcast_in_dim3A_783] : memref<64x256xf32, #tpu.memory_space<vmem>>[vector<16xi32>, vector<16xi32>], vector<16xf32>,
            %add3A_806 = arith.constant 11 : i32
            %add3A_807 = arith.addi %mul3A_348, %add3A_806 : i32
            %swap3A_808 = arith.index_cast %add3A_807 : i32 to index
            %swap3A_809 = arith.constant 32 : index
            %swap3A_810 = tpu.vector_load %arg12[%swap3A_808, %swap3A_809] {strides = array<i32>} : memref<32x64xf32, #tpu.memory_space<vmem>>, vector<16xf32>,
            tpu.vector_store %arg12[%swap3A_808, %swap3A_809], %gather3A_805 {strides = array<i32>} : memref<32x64xf32, #tpu.memory_space<vmem>>, vector<16xf32>,
            %add3A_811 = arith.constant 48 : i32
            %add3A_812 = vector.broadcast %add3A_811 : i32 to vector<16xi32>
            %add3A_813 = arith.addi %iota3A, %add3A_812 : vector<16xi32>
            %gather3A_814 = tpu.vector_load_idx %arg14[%add3A_813, %broadcast_in_dim3A_783] : memref<64x256xf32, #tpu.memory_space<vmem>>[vector<16xi32>, vector<16xi32>], vector<16xf32>,
            %add3A_815 = arith.constant 11 : i32
            %add3A_816 = arith.addi %mul3A_348, %add3A_815 : i32
            %swap3A_817 = arith.index_cast %add3A_816 : i32 to index
            %swap3A_818 = arith.constant 48 : index
            %swap3A_819 = tpu.vector_load %arg12[%swap3A_817, %swap3A_818] {strides = array<i32>} : memref<32x64xf32, #tpu.memory_space<vmem>>, vector<16xf32>,
            tpu.vector_store %arg12[%swap3A_817, %swap3A_818], %gather3A_814 {strides = array<i32>} : memref<32x64xf32, #tpu.memory_space<vmem>>, vector<16xf32>,
            %slice3A_820 = vector.extract_strided_slice %select_n3A_326 {offsets = [12], sizes = [1], strides = [1]} : vector<16xi32> to vector<1xi32>
            %squeeze3A_821 = vector.extract %slice3A_820[0] : i32 from vector<1xi32>
            %broadcast_in_dim3A_822 = vector.broadcast %squeeze3A_821 : i32 to vector<16xi32>
            %add3A_823 = arith.constant 0 : i32
            %add3A_824 = vector.broadcast %add3A_823 : i32 to vector<16xi32>
            %add3A_825 = arith.addi %iota3A, %add3A_824 : vector<16xi32>
            %gather3A_826 = tpu.vector_load_idx %arg14[%add3A_825, %broadcast_in_dim3A_822] : memref<64x256xf32, #tpu.memory_space<vmem>>[vector<16xi32>, vector<16xi32>], vector<16xf32>,
            %add3A_827 = arith.constant 12 : i32
            %add3A_828 = arith.addi %mul3A_348, %add3A_827 : i32
            %swap3A_829 = arith.index_cast %add3A_828 : i32 to index
            %swap3A_830 = arith.constant 0 : index
            %swap3A_831 = tpu.vector_load %arg12[%swap3A_829, %swap3A_830] {strides = array<i32>} : memref<32x64xf32, #tpu.memory_space<vmem>>, vector<16xf32>,
            tpu.vector_store %arg12[%swap3A_829, %swap3A_830], %gather3A_826 {strides = array<i32>} : memref<32x64xf32, #tpu.memory_space<vmem>>, vector<16xf32>,
            %add3A_832 = arith.constant 16 : i32
            %add3A_833 = vector.broadcast %add3A_832 : i32 to vector<16xi32>
            %add3A_834 = arith.addi %iota3A, %add3A_833 : vector<16xi32>
            %gather3A_835 = tpu.vector_load_idx %arg14[%add3A_834, %broadcast_in_dim3A_822] : memref<64x256xf32, #tpu.memory_space<vmem>>[vector<16xi32>, vector<16xi32>], vector<16xf32>,
            %add3A_836 = arith.constant 12 : i32
            %add3A_837 = arith.addi %mul3A_348, %add3A_836 : i32
            %swap3A_838 = arith.index_cast %add3A_837 : i32 to index
            %swap3A_839 = arith.constant 16 : index
            %swap3A_840 = tpu.vector_load %arg12[%swap3A_838, %swap3A_839] {strides = array<i32>} : memref<32x64xf32, #tpu.memory_space<vmem>>, vector<16xf32>,
            tpu.vector_store %arg12[%swap3A_838, %swap3A_839], %gather3A_835 {strides = array<i32>} : memref<32x64xf32, #tpu.memory_space<vmem>>, vector<16xf32>,
            %add3A_841 = arith.constant 32 : i32
            %add3A_842 = vector.broadcast %add3A_841 : i32 to vector<16xi32>
            %add3A_843 = arith.addi %iota3A, %add3A_842 : vector<16xi32>
            %gather3A_844 = tpu.vector_load_idx %arg14[%add3A_843, %broadcast_in_dim3A_822] : memref<64x256xf32, #tpu.memory_space<vmem>>[vector<16xi32>, vector<16xi32>], vector<16xf32>,
            %add3A_845 = arith.constant 12 : i32
            %add3A_846 = arith.addi %mul3A_348, %add3A_845 : i32
            %swap3A_847 = arith.index_cast %add3A_846 : i32 to index
            %swap3A_848 = arith.constant 32 : index
            %swap3A_849 = tpu.vector_load %arg12[%swap3A_847, %swap3A_848] {strides = array<i32>} : memref<32x64xf32, #tpu.memory_space<vmem>>, vector<16xf32>,
            tpu.vector_store %arg12[%swap3A_847, %swap3A_848], %gather3A_844 {strides = array<i32>} : memref<32x64xf32, #tpu.memory_space<vmem>>, vector<16xf32>,
            %add3A_850 = arith.constant 48 : i32
            %add3A_851 = vector.broadcast %add3A_850 : i32 to vector<16xi32>
            %add3A_852 = arith.addi %iota3A, %add3A_851 : vector<16xi32>
            %gather3A_853 = tpu.vector_load_idx %arg14[%add3A_852, %broadcast_in_dim3A_822] : memref<64x256xf32, #tpu.memory_space<vmem>>[vector<16xi32>, vector<16xi32>], vector<16xf32>,
            %add3A_854 = arith.constant 12 : i32
            %add3A_855 = arith.addi %mul3A_348, %add3A_854 : i32
            %swap3A_856 = arith.index_cast %add3A_855 : i32 to index
            %swap3A_857 = arith.constant 48 : index
            %swap3A_858 = tpu.vector_load %arg12[%swap3A_856, %swap3A_857] {strides = array<i32>} : memref<32x64xf32, #tpu.memory_space<vmem>>, vector<16xf32>,
            tpu.vector_store %arg12[%swap3A_856, %swap3A_857], %gather3A_853 {strides = array<i32>} : memref<32x64xf32, #tpu.memory_space<vmem>>, vector<16xf32>,
            %slice3A_859 = vector.extract_strided_slice %select_n3A_326 {offsets = [13], sizes = [1], strides = [1]} : vector<16xi32> to vector<1xi32>
            %squeeze3A_860 = vector.extract %slice3A_859[0] : i32 from vector<1xi32>
            %broadcast_in_dim3A_861 = vector.broadcast %squeeze3A_860 : i32 to vector<16xi32>
            %add3A_862 = arith.constant 0 : i32
            %add3A_863 = vector.broadcast %add3A_862 : i32 to vector<16xi32>
            %add3A_864 = arith.addi %iota3A, %add3A_863 : vector<16xi32>
            %gather3A_865 = tpu.vector_load_idx %arg14[%add3A_864, %broadcast_in_dim3A_861] : memref<64x256xf32, #tpu.memory_space<vmem>>[vector<16xi32>, vector<16xi32>], vector<16xf32>,
            %add3A_866 = arith.constant 13 : i32
            %add3A_867 = arith.addi %mul3A_348, %add3A_866 : i32
            %swap3A_868 = arith.index_cast %add3A_867 : i32 to index
            %swap3A_869 = arith.constant 0 : index
            %swap3A_870 = tpu.vector_load %arg12[%swap3A_868, %swap3A_869] {strides = array<i32>} : memref<32x64xf32, #tpu.memory_space<vmem>>, vector<16xf32>,
            tpu.vector_store %arg12[%swap3A_868, %swap3A_869], %gather3A_865 {strides = array<i32>} : memref<32x64xf32, #tpu.memory_space<vmem>>, vector<16xf32>,
            %add3A_871 = arith.constant 16 : i32
            %add3A_872 = vector.broadcast %add3A_871 : i32 to vector<16xi32>
            %add3A_873 = arith.addi %iota3A, %add3A_872 : vector<16xi32>
            %gather3A_874 = tpu.vector_load_idx %arg14[%add3A_873, %broadcast_in_dim3A_861] : memref<64x256xf32, #tpu.memory_space<vmem>>[vector<16xi32>, vector<16xi32>], vector<16xf32>,
            %add3A_875 = arith.constant 13 : i32
            %add3A_876 = arith.addi %mul3A_348, %add3A_875 : i32
            %swap3A_877 = arith.index_cast %add3A_876 : i32 to index
            %swap3A_878 = arith.constant 16 : index
            %swap3A_879 = tpu.vector_load %arg12[%swap3A_877, %swap3A_878] {strides = array<i32>} : memref<32x64xf32, #tpu.memory_space<vmem>>, vector<16xf32>,
            tpu.vector_store %arg12[%swap3A_877, %swap3A_878], %gather3A_874 {strides = array<i32>} : memref<32x64xf32, #tpu.memory_space<vmem>>, vector<16xf32>,
            %add3A_880 = arith.constant 32 : i32
            %add3A_881 = vector.broadcast %add3A_880 : i32 to vector<16xi32>
            %add3A_882 = arith.addi %iota3A, %add3A_881 : vector<16xi32>
            %gather3A_883 = tpu.vector_load_idx %arg14[%add3A_882, %broadcast_in_dim3A_861] : memref<64x256xf32, #tpu.memory_space<vmem>>[vector<16xi32>, vector<16xi32>], vector<16xf32>,
            %add3A_884 = arith.constant 13 : i32
            %add3A_885 = arith.addi %mul3A_348, %add3A_884 : i32
            %swap3A_886 = arith.index_cast %add3A_885 : i32 to index
            %swap3A_887 = arith.constant 32 : index
            %swap3A_888 = tpu.vector_load %arg12[%swap3A_886, %swap3A_887] {strides = array<i32>} : memref<32x64xf32, #tpu.memory_space<vmem>>, vector<16xf32>,
            tpu.vector_store %arg12[%swap3A_886, %swap3A_887], %gather3A_883 {strides = array<i32>} : memref<32x64xf32, #tpu.memory_space<vmem>>, vector<16xf32>,
            %add3A_889 = arith.constant 48 : i32
            %add3A_890 = vector.broadcast %add3A_889 : i32 to vector<16xi32>
            %add3A_891 = arith.addi %iota3A, %add3A_890 : vector<16xi32>
            %gather3A_892 = tpu.vector_load_idx %arg14[%add3A_891, %broadcast_in_dim3A_861] : memref<64x256xf32, #tpu.memory_space<vmem>>[vector<16xi32>, vector<16xi32>], vector<16xf32>,
            %add3A_893 = arith.constant 13 : i32
            %add3A_894 = arith.addi %mul3A_348, %add3A_893 : i32
            %swap3A_895 = arith.index_cast %add3A_894 : i32 to index
            %swap3A_896 = arith.constant 48 : index
            %swap3A_897 = tpu.vector_load %arg12[%swap3A_895, %swap3A_896] {strides = array<i32>} : memref<32x64xf32, #tpu.memory_space<vmem>>, vector<16xf32>,
            tpu.vector_store %arg12[%swap3A_895, %swap3A_896], %gather3A_892 {strides = array<i32>} : memref<32x64xf32, #tpu.memory_space<vmem>>, vector<16xf32>,
            %slice3A_898 = vector.extract_strided_slice %select_n3A_326 {offsets = [14], sizes = [1], strides = [1]} : vector<16xi32> to vector<1xi32>
            %squeeze3A_899 = vector.extract %slice3A_898[0] : i32 from vector<1xi32>
            %broadcast_in_dim3A_900 = vector.broadcast %squeeze3A_899 : i32 to vector<16xi32>
            %add3A_901 = arith.constant 0 : i32
            %add3A_902 = vector.broadcast %add3A_901 : i32 to vector<16xi32>
            %add3A_903 = arith.addi %iota3A, %add3A_902 : vector<16xi32>
            %gather3A_904 = tpu.vector_load_idx %arg14[%add3A_903, %broadcast_in_dim3A_900] : memref<64x256xf32, #tpu.memory_space<vmem>>[vector<16xi32>, vector<16xi32>], vector<16xf32>,
            %add3A_905 = arith.constant 14 : i32
            %add3A_906 = arith.addi %mul3A_348, %add3A_905 : i32
            %swap3A_907 = arith.index_cast %add3A_906 : i32 to index
            %swap3A_908 = arith.constant 0 : index
            %swap3A_909 = tpu.vector_load %arg12[%swap3A_907, %swap3A_908] {strides = array<i32>} : memref<32x64xf32, #tpu.memory_space<vmem>>, vector<16xf32>,
            tpu.vector_store %arg12[%swap3A_907, %swap3A_908], %gather3A_904 {strides = array<i32>} : memref<32x64xf32, #tpu.memory_space<vmem>>, vector<16xf32>,
            %add3A_910 = arith.constant 16 : i32
            %add3A_911 = vector.broadcast %add3A_910 : i32 to vector<16xi32>
            %add3A_912 = arith.addi %iota3A, %add3A_911 : vector<16xi32>
            %gather3A_913 = tpu.vector_load_idx %arg14[%add3A_912, %broadcast_in_dim3A_900] : memref<64x256xf32, #tpu.memory_space<vmem>>[vector<16xi32>, vector<16xi32>], vector<16xf32>,
            %add3A_914 = arith.constant 14 : i32
            %add3A_915 = arith.addi %mul3A_348, %add3A_914 : i32
            %swap3A_916 = arith.index_cast %add3A_915 : i32 to index
            %swap3A_917 = arith.constant 16 : index
            %swap3A_918 = tpu.vector_load %arg12[%swap3A_916, %swap3A_917] {strides = array<i32>} : memref<32x64xf32, #tpu.memory_space<vmem>>, vector<16xf32>,
            tpu.vector_store %arg12[%swap3A_916, %swap3A_917], %gather3A_913 {strides = array<i32>} : memref<32x64xf32, #tpu.memory_space<vmem>>, vector<16xf32>,
            %add3A_919 = arith.constant 32 : i32
            %add3A_920 = vector.broadcast %add3A_919 : i32 to vector<16xi32>
            %add3A_921 = arith.addi %iota3A, %add3A_920 : vector<16xi32>
            %gather3A_922 = tpu.vector_load_idx %arg14[%add3A_921, %broadcast_in_dim3A_900] : memref<64x256xf32, #tpu.memory_space<vmem>>[vector<16xi32>, vector<16xi32>], vector<16xf32>,
            %add3A_923 = arith.constant 14 : i32
            %add3A_924 = arith.addi %mul3A_348, %add3A_923 : i32
            %swap3A_925 = arith.index_cast %add3A_924 : i32 to index
            %swap3A_926 = arith.constant 32 : index
            %swap3A_927 = tpu.vector_load %arg12[%swap3A_925, %swap3A_926] {strides = array<i32>} : memref<32x64xf32, #tpu.memory_space<vmem>>, vector<16xf32>,
            tpu.vector_store %arg12[%swap3A_925, %swap3A_926], %gather3A_922 {strides = array<i32>} : memref<32x64xf32, #tpu.memory_space<vmem>>, vector<16xf32>,
            %add3A_928 = arith.constant 48 : i32
            %add3A_929 = vector.broadcast %add3A_928 : i32 to vector<16xi32>
            %add3A_930 = arith.addi %iota3A, %add3A_929 : vector<16xi32>
            %gather3A_931 = tpu.vector_load_idx %arg14[%add3A_930, %broadcast_in_dim3A_900] : memref<64x256xf32, #tpu.memory_space<vmem>>[vector<16xi32>, vector<16xi32>], vector<16xf32>,
            %add3A_932 = arith.constant 14 : i32
            %add3A_933 = arith.addi %mul3A_348, %add3A_932 : i32
            %swap3A_934 = arith.index_cast %add3A_933 : i32 to index
            %swap3A_935 = arith.constant 48 : index
            %swap3A_936 = tpu.vector_load %arg12[%swap3A_934, %swap3A_935] {strides = array<i32>} : memref<32x64xf32, #tpu.memory_space<vmem>>, vector<16xf32>,
            tpu.vector_store %arg12[%swap3A_934, %swap3A_935], %gather3A_931 {strides = array<i32>} : memref<32x64xf32, #tpu.memory_space<vmem>>, vector<16xf32>,
            %slice3A_937 = vector.extract_strided_slice %select_n3A_326 {offsets = [15], sizes = [1], strides = [1]} : vector<16xi32> to vector<1xi32>
            %squeeze3A_938 = vector.extract %slice3A_937[0] : i32 from vector<1xi32>
            %broadcast_in_dim3A_939 = vector.broadcast %squeeze3A_938 : i32 to vector<16xi32>
            %add3A_940 = arith.constant 0 : i32
            %add3A_941 = vector.broadcast %add3A_940 : i32 to vector<16xi32>
            %add3A_942 = arith.addi %iota3A, %add3A_941 : vector<16xi32>
            %gather3A_943 = tpu.vector_load_idx %arg14[%add3A_942, %broadcast_in_dim3A_939] : memref<64x256xf32, #tpu.memory_space<vmem>>[vector<16xi32>, vector<16xi32>], vector<16xf32>,
            %add3A_944 = arith.constant 15 : i32
            %add3A_945 = arith.addi %mul3A_348, %add3A_944 : i32
            %swap3A_946 = arith.index_cast %add3A_945 : i32 to index
            %swap3A_947 = arith.constant 0 : index
            %swap3A_948 = tpu.vector_load %arg12[%swap3A_946, %swap3A_947] {strides = array<i32>} : memref<32x64xf32, #tpu.memory_space<vmem>>, vector<16xf32>,
            tpu.vector_store %arg12[%swap3A_946, %swap3A_947], %gather3A_943 {strides = array<i32>} : memref<32x64xf32, #tpu.memory_space<vmem>>, vector<16xf32>,
            %add3A_949 = arith.constant 16 : i32
            %add3A_950 = vector.broadcast %add3A_949 : i32 to vector<16xi32>
            %add3A_951 = arith.addi %iota3A, %add3A_950 : vector<16xi32>
            %gather3A_952 = tpu.vector_load_idx %arg14[%add3A_951, %broadcast_in_dim3A_939] : memref<64x256xf32, #tpu.memory_space<vmem>>[vector<16xi32>, vector<16xi32>], vector<16xf32>,
            %add3A_953 = arith.constant 15 : i32
            %add3A_954 = arith.addi %mul3A_348, %add3A_953 : i32
            %swap3A_955 = arith.index_cast %add3A_954 : i32 to index
            %swap3A_956 = arith.constant 16 : index
            %swap3A_957 = tpu.vector_load %arg12[%swap3A_955, %swap3A_956] {strides = array<i32>} : memref<32x64xf32, #tpu.memory_space<vmem>>, vector<16xf32>,
            tpu.vector_store %arg12[%swap3A_955, %swap3A_956], %gather3A_952 {strides = array<i32>} : memref<32x64xf32, #tpu.memory_space<vmem>>, vector<16xf32>,
            %add3A_958 = arith.constant 32 : i32
            %add3A_959 = vector.broadcast %add3A_958 : i32 to vector<16xi32>
            %add3A_960 = arith.addi %iota3A, %add3A_959 : vector<16xi32>
            %gather3A_961 = tpu.vector_load_idx %arg14[%add3A_960, %broadcast_in_dim3A_939] : memref<64x256xf32, #tpu.memory_space<vmem>>[vector<16xi32>, vector<16xi32>], vector<16xf32>,
            %add3A_962 = arith.constant 15 : i32
            %add3A_963 = arith.addi %mul3A_348, %add3A_962 : i32
            %swap3A_964 = arith.index_cast %add3A_963 : i32 to index
            %swap3A_965 = arith.constant 32 : index
            %swap3A_966 = tpu.vector_load %arg12[%swap3A_964, %swap3A_965] {strides = array<i32>} : memref<32x64xf32, #tpu.memory_space<vmem>>, vector<16xf32>,
            tpu.vector_store %arg12[%swap3A_964, %swap3A_965], %gather3A_961 {strides = array<i32>} : memref<32x64xf32, #tpu.memory_space<vmem>>, vector<16xf32>,
            %add3A_967 = arith.constant 48 : i32
            %add3A_968 = vector.broadcast %add3A_967 : i32 to vector<16xi32>
            %add3A_969 = arith.addi %iota3A, %add3A_968 : vector<16xi32>
            %gather3A_970 = tpu.vector_load_idx %arg14[%add3A_969, %broadcast_in_dim3A_939] : memref<64x256xf32, #tpu.memory_space<vmem>>[vector<16xi32>, vector<16xi32>], vector<16xf32>,
            %add3A_971 = arith.constant 15 : i32
            %add3A_972 = arith.addi %mul3A_348, %add3A_971 : i32
            %swap3A_973 = arith.index_cast %add3A_972 : i32 to index
            %swap3A_974 = arith.constant 48 : index
            %swap3A_975 = tpu.vector_load %arg12[%swap3A_973, %swap3A_974] {strides = array<i32>} : memref<32x64xf32, #tpu.memory_space<vmem>>, vector<16xf32>,
            tpu.vector_store %arg12[%swap3A_973, %swap3A_974], %gather3A_970 {strides = array<i32>} : memref<32x64xf32, #tpu.memory_space<vmem>>, vector<16xf32>,
            %add3A_976 = arith.constant 0 : i32
            %add3A_977 = arith.addi %mul3A_348, %add3A_976 : i32
            %slice3A_978 = vector.extract_strided_slice %select_n3A_330 {offsets = [0], sizes = [1], strides = [1]} : vector<16xi32> to vector<1xi32>
            %squeeze3A_979 = vector.extract %slice3A_978[0] : i32 from vector<1xi32>
            %dma_start3A_980 = arith.constant 0 : i32
            %dma_start3A_981 = tpu.memref_slice %arg12[%add3A_977, %dma_start3A_980] : memref<32x64xf32, #tpu.memory_space<vmem>> -> memref<1x64xf32, #tpu.memory_space<vmem>>
            %dma_start3A_982 = arith.constant 0 : i32
            %dma_start3A_983 = tpu.memref_slice %arg4[%squeeze3A_979, %dma_start3A_982] : memref<16384x64xf32, #tpu.memory_space<hbm>> -> memref<1x64xf32, #tpu.memory_space<hbm>>
            %dma_start3A_984 = arith.constant 0 : i32
            %dma_start3A_985 = tpu.memref_slice %arg4[%squeeze3A_979, %dma_start3A_984] : memref<16384x64xf32, #tpu.memory_space<hbm>> -> memref<1x64xf32, #tpu.memory_space<hbm>>
            %dma_start3A_986 = arith.constant 0 : i32
            %dma_start3A_987 = tpu.memref_slice %arg12[%add3A_977, %dma_start3A_986] : memref<32x64xf32, #tpu.memory_space<vmem>> -> memref<1x64xf32, #tpu.memory_space<vmem>>
            tpu.enqueue_dma source(%dma_start3A_987 : memref<1x64xf32, #tpu.memory_space<vmem>>) target(%dma_start3A_985 : memref<1x64xf32, #tpu.memory_space<hbm>>) target_semaphore(%arg18 : memref<!tpu.dma_semaphore, #tpu.memory_space<semaphore_mem>>)
            %add3A_988 = arith.constant 1 : i32
            %add3A_989 = arith.addi %mul3A_348, %add3A_988 : i32
            %slice3A_990 = vector.extract_strided_slice %select_n3A_330 {offsets = [1], sizes = [1], strides = [1]} : vector<16xi32> to vector<1xi32>
            %squeeze3A_991 = vector.extract %slice3A_990[0] : i32 from vector<1xi32>
            %dma_start3A_992 = arith.constant 0 : i32
            %dma_start3A_993 = tpu.memref_slice %arg12[%add3A_989, %dma_start3A_992] : memref<32x64xf32, #tpu.memory_space<vmem>> -> memref<1x64xf32, #tpu.memory_space<vmem>>
            %dma_start3A_994 = arith.constant 0 : i32
            %dma_start3A_995 = tpu.memref_slice %arg4[%squeeze3A_991, %dma_start3A_994] : memref<16384x64xf32, #tpu.memory_space<hbm>> -> memref<1x64xf32, #tpu.memory_space<hbm>>
            %dma_start3A_996 = arith.constant 0 : i32
            %dma_start3A_997 = tpu.memref_slice %arg4[%squeeze3A_991, %dma_start3A_996] : memref<16384x64xf32, #tpu.memory_space<hbm>> -> memref<1x64xf32, #tpu.memory_space<hbm>>
            %dma_start3A_998 = arith.constant 0 : i32
            %dma_start3A_999 = tpu.memref_slice %arg12[%add3A_989, %dma_start3A_998] : memref<32x64xf32, #tpu.memory_space<vmem>> -> memref<1x64xf32, #tpu.memory_space<vmem>>
            tpu.enqueue_dma source(%dma_start3A_999 : memref<1x64xf32, #tpu.memory_space<vmem>>) target(%dma_start3A_997 : memref<1x64xf32, #tpu.memory_space<hbm>>) target_semaphore(%arg18 : memref<!tpu.dma_semaphore, #tpu.memory_space<semaphore_mem>>)
            %add3A_1000 = arith.constant 2 : i32
            %add3A_1001 = arith.addi %mul3A_348, %add3A_1000 : i32
            %slice3A_1002 = vector.extract_strided_slice %select_n3A_330 {offsets = [2], sizes = [1], strides = [1]} : vector<16xi32> to vector<1xi32>
            %squeeze3A_1003 = vector.extract %slice3A_1002[0] : i32 from vector<1xi32>
            %dma_start3A_1004 = arith.constant 0 : i32
            %dma_start3A_1005 = tpu.memref_slice %arg12[%add3A_1001, %dma_start3A_1004] : memref<32x64xf32, #tpu.memory_space<vmem>> -> memref<1x64xf32, #tpu.memory_space<vmem>>
            %dma_start3A_1006 = arith.constant 0 : i32
            %dma_start3A_1007 = tpu.memref_slice %arg4[%squeeze3A_1003, %dma_start3A_1006] : memref<16384x64xf32, #tpu.memory_space<hbm>> -> memref<1x64xf32, #tpu.memory_space<hbm>>
            %dma_start3A_1008 = arith.constant 0 : i32
            %dma_start3A_1009 = tpu.memref_slice %arg4[%squeeze3A_1003, %dma_start3A_1008] : memref<16384x64xf32, #tpu.memory_space<hbm>> -> memref<1x64xf32, #tpu.memory_space<hbm>>
            %dma_start3A_1010 = arith.constant 0 : i32
            %dma_start3A_1011 = tpu.memref_slice %arg12[%add3A_1001, %dma_start3A_1010] : memref<32x64xf32, #tpu.memory_space<vmem>> -> memref<1x64xf32, #tpu.memory_space<vmem>>
            tpu.enqueue_dma source(%dma_start3A_1011 : memref<1x64xf32, #tpu.memory_space<vmem>>) target(%dma_start3A_1009 : memref<1x64xf32, #tpu.memory_space<hbm>>) target_semaphore(%arg18 : memref<!tpu.dma_semaphore, #tpu.memory_space<semaphore_mem>>)
            %add3A_1012 = arith.constant 3 : i32
            %add3A_1013 = arith.addi %mul3A_348, %add3A_1012 : i32
            %slice3A_1014 = vector.extract_strided_slice %select_n3A_330 {offsets = [3], sizes = [1], strides = [1]} : vector<16xi32> to vector<1xi32>
            %squeeze3A_1015 = vector.extract %slice3A_1014[0] : i32 from vector<1xi32>
            %dma_start3A_1016 = arith.constant 0 : i32
            %dma_start3A_1017 = tpu.memref_slice %arg12[%add3A_1013, %dma_start3A_1016] : memref<32x64xf32, #tpu.memory_space<vmem>> -> memref<1x64xf32, #tpu.memory_space<vmem>>
            %dma_start3A_1018 = arith.constant 0 : i32
            %dma_start3A_1019 = tpu.memref_slice %arg4[%squeeze3A_1015, %dma_start3A_1018] : memref<16384x64xf32, #tpu.memory_space<hbm>> -> memref<1x64xf32, #tpu.memory_space<hbm>>
            %dma_start3A_1020 = arith.constant 0 : i32
            %dma_start3A_1021 = tpu.memref_slice %arg4[%squeeze3A_1015, %dma_start3A_1020] : memref<16384x64xf32, #tpu.memory_space<hbm>> -> memref<1x64xf32, #tpu.memory_space<hbm>>
            %dma_start3A_1022 = arith.constant 0 : i32
            %dma_start3A_1023 = tpu.memref_slice %arg12[%add3A_1013, %dma_start3A_1022] : memref<32x64xf32, #tpu.memory_space<vmem>> -> memref<1x64xf32, #tpu.memory_space<vmem>>
            tpu.enqueue_dma source(%dma_start3A_1023 : memref<1x64xf32, #tpu.memory_space<vmem>>) target(%dma_start3A_1021 : memref<1x64xf32, #tpu.memory_space<hbm>>) target_semaphore(%arg18 : memref<!tpu.dma_semaphore, #tpu.memory_space<semaphore_mem>>)
            %add3A_1024 = arith.constant 4 : i32
            %add3A_1025 = arith.addi %mul3A_348, %add3A_1024 : i32
            %slice3A_1026 = vector.extract_strided_slice %select_n3A_330 {offsets = [4], sizes = [1], strides = [1]} : vector<16xi32> to vector<1xi32>
            %squeeze3A_1027 = vector.extract %slice3A_1026[0] : i32 from vector<1xi32>
            %dma_start3A_1028 = arith.constant 0 : i32
            %dma_start3A_1029 = tpu.memref_slice %arg12[%add3A_1025, %dma_start3A_1028] : memref<32x64xf32, #tpu.memory_space<vmem>> -> memref<1x64xf32, #tpu.memory_space<vmem>>
            %dma_start3A_1030 = arith.constant 0 : i32
            %dma_start3A_1031 = tpu.memref_slice %arg4[%squeeze3A_1027, %dma_start3A_1030] : memref<16384x64xf32, #tpu.memory_space<hbm>> -> memref<1x64xf32, #tpu.memory_space<hbm>>
            %dma_start3A_1032 = arith.constant 0 : i32
            %dma_start3A_1033 = tpu.memref_slice %arg4[%squeeze3A_1027, %dma_start3A_1032] : memref<16384x64xf32, #tpu.memory_space<hbm>> -> memref<1x64xf32, #tpu.memory_space<hbm>>
            %dma_start3A_1034 = arith.constant 0 : i32
            %dma_start3A_1035 = tpu.memref_slice %arg12[%add3A_1025, %dma_start3A_1034] : memref<32x64xf32, #tpu.memory_space<vmem>> -> memref<1x64xf32, #tpu.memory_space<vmem>>
            tpu.enqueue_dma source(%dma_start3A_1035 : memref<1x64xf32, #tpu.memory_space<vmem>>) target(%dma_start3A_1033 : memref<1x64xf32, #tpu.memory_space<hbm>>) target_semaphore(%arg18 : memref<!tpu.dma_semaphore, #tpu.memory_space<semaphore_mem>>)
            %add3A_1036 = arith.constant 5 : i32
            %add3A_1037 = arith.addi %mul3A_348, %add3A_1036 : i32
            %slice3A_1038 = vector.extract_strided_slice %select_n3A_330 {offsets = [5], sizes = [1], strides = [1]} : vector<16xi32> to vector<1xi32>
            %squeeze3A_1039 = vector.extract %slice3A_1038[0] : i32 from vector<1xi32>
            %dma_start3A_1040 = arith.constant 0 : i32
            %dma_start3A_1041 = tpu.memref_slice %arg12[%add3A_1037, %dma_start3A_1040] : memref<32x64xf32, #tpu.memory_space<vmem>> -> memref<1x64xf32, #tpu.memory_space<vmem>>
            %dma_start3A_1042 = arith.constant 0 : i32
            %dma_start3A_1043 = tpu.memref_slice %arg4[%squeeze3A_1039, %dma_start3A_1042] : memref<16384x64xf32, #tpu.memory_space<hbm>> -> memref<1x64xf32, #tpu.memory_space<hbm>>
            %dma_start3A_1044 = arith.constant 0 : i32
            %dma_start3A_1045 = tpu.memref_slice %arg4[%squeeze3A_1039, %dma_start3A_1044] : memref<16384x64xf32, #tpu.memory_space<hbm>> -> memref<1x64xf32, #tpu.memory_space<hbm>>
            %dma_start3A_1046 = arith.constant 0 : i32
            %dma_start3A_1047 = tpu.memref_slice %arg12[%add3A_1037, %dma_start3A_1046] : memref<32x64xf32, #tpu.memory_space<vmem>> -> memref<1x64xf32, #tpu.memory_space<vmem>>
            tpu.enqueue_dma source(%dma_start3A_1047 : memref<1x64xf32, #tpu.memory_space<vmem>>) target(%dma_start3A_1045 : memref<1x64xf32, #tpu.memory_space<hbm>>) target_semaphore(%arg18 : memref<!tpu.dma_semaphore, #tpu.memory_space<semaphore_mem>>)
            %add3A_1048 = arith.constant 6 : i32
            %add3A_1049 = arith.addi %mul3A_348, %add3A_1048 : i32
            %slice3A_1050 = vector.extract_strided_slice %select_n3A_330 {offsets = [6], sizes = [1], strides = [1]} : vector<16xi32> to vector<1xi32>
            %squeeze3A_1051 = vector.extract %slice3A_1050[0] : i32 from vector<1xi32>
            %dma_start3A_1052 = arith.constant 0 : i32
            %dma_start3A_1053 = tpu.memref_slice %arg12[%add3A_1049, %dma_start3A_1052] : memref<32x64xf32, #tpu.memory_space<vmem>> -> memref<1x64xf32, #tpu.memory_space<vmem>>
            %dma_start3A_1054 = arith.constant 0 : i32
            %dma_start3A_1055 = tpu.memref_slice %arg4[%squeeze3A_1051, %dma_start3A_1054] : memref<16384x64xf32, #tpu.memory_space<hbm>> -> memref<1x64xf32, #tpu.memory_space<hbm>>
            %dma_start3A_1056 = arith.constant 0 : i32
            %dma_start3A_1057 = tpu.memref_slice %arg4[%squeeze3A_1051, %dma_start3A_1056] : memref<16384x64xf32, #tpu.memory_space<hbm>> -> memref<1x64xf32, #tpu.memory_space<hbm>>
            %dma_start3A_1058 = arith.constant 0 : i32
            %dma_start3A_1059 = tpu.memref_slice %arg12[%add3A_1049, %dma_start3A_1058] : memref<32x64xf32, #tpu.memory_space<vmem>> -> memref<1x64xf32, #tpu.memory_space<vmem>>
            tpu.enqueue_dma source(%dma_start3A_1059 : memref<1x64xf32, #tpu.memory_space<vmem>>) target(%dma_start3A_1057 : memref<1x64xf32, #tpu.memory_space<hbm>>) target_semaphore(%arg18 : memref<!tpu.dma_semaphore, #tpu.memory_space<semaphore_mem>>)
            %add3A_1060 = arith.constant 7 : i32
            %add3A_1061 = arith.addi %mul3A_348, %add3A_1060 : i32
            %slice3A_1062 = vector.extract_strided_slice %select_n3A_330 {offsets = [7], sizes = [1], strides = [1]} : vector<16xi32> to vector<1xi32>
            %squeeze3A_1063 = vector.extract %slice3A_1062[0] : i32 from vector<1xi32>
            %dma_start3A_1064 = arith.constant 0 : i32
            %dma_start3A_1065 = tpu.memref_slice %arg12[%add3A_1061, %dma_start3A_1064] : memref<32x64xf32, #tpu.memory_space<vmem>> -> memref<1x64xf32, #tpu.memory_space<vmem>>
            %dma_start3A_1066 = arith.constant 0 : i32
            %dma_start3A_1067 = tpu.memref_slice %arg4[%squeeze3A_1063, %dma_start3A_1066] : memref<16384x64xf32, #tpu.memory_space<hbm>> -> memref<1x64xf32, #tpu.memory_space<hbm>>
            %dma_start3A_1068 = arith.constant 0 : i32
            %dma_start3A_1069 = tpu.memref_slice %arg4[%squeeze3A_1063, %dma_start3A_1068] : memref<16384x64xf32, #tpu.memory_space<hbm>> -> memref<1x64xf32, #tpu.memory_space<hbm>>
            %dma_start3A_1070 = arith.constant 0 : i32
            %dma_start3A_1071 = tpu.memref_slice %arg12[%add3A_1061, %dma_start3A_1070] : memref<32x64xf32, #tpu.memory_space<vmem>> -> memref<1x64xf32, #tpu.memory_space<vmem>>
            tpu.enqueue_dma source(%dma_start3A_1071 : memref<1x64xf32, #tpu.memory_space<vmem>>) target(%dma_start3A_1069 : memref<1x64xf32, #tpu.memory_space<hbm>>) target_semaphore(%arg18 : memref<!tpu.dma_semaphore, #tpu.memory_space<semaphore_mem>>)
            %add3A_1072 = arith.constant 8 : i32
            %add3A_1073 = arith.addi %mul3A_348, %add3A_1072 : i32
            %slice3A_1074 = vector.extract_strided_slice %select_n3A_330 {offsets = [8], sizes = [1], strides = [1]} : vector<16xi32> to vector<1xi32>
            %squeeze3A_1075 = vector.extract %slice3A_1074[0] : i32 from vector<1xi32>
            %dma_start3A_1076 = arith.constant 0 : i32
            %dma_start3A_1077 = tpu.memref_slice %arg12[%add3A_1073, %dma_start3A_1076] : memref<32x64xf32, #tpu.memory_space<vmem>> -> memref<1x64xf32, #tpu.memory_space<vmem>>
            %dma_start3A_1078 = arith.constant 0 : i32
            %dma_start3A_1079 = tpu.memref_slice %arg4[%squeeze3A_1075, %dma_start3A_1078] : memref<16384x64xf32, #tpu.memory_space<hbm>> -> memref<1x64xf32, #tpu.memory_space<hbm>>
            %dma_start3A_1080 = arith.constant 0 : i32
            %dma_start3A_1081 = tpu.memref_slice %arg4[%squeeze3A_1075, %dma_start3A_1080] : memref<16384x64xf32, #tpu.memory_space<hbm>> -> memref<1x64xf32, #tpu.memory_space<hbm>>
            %dma_start3A_1082 = arith.constant 0 : i32
            %dma_start3A_1083 = tpu.memref_slice %arg12[%add3A_1073, %dma_start3A_1082] : memref<32x64xf32, #tpu.memory_space<vmem>> -> memref<1x64xf32, #tpu.memory_space<vmem>>
            tpu.enqueue_dma source(%dma_start3A_1083 : memref<1x64xf32, #tpu.memory_space<vmem>>) target(%dma_start3A_1081 : memref<1x64xf32, #tpu.memory_space<hbm>>) target_semaphore(%arg18 : memref<!tpu.dma_semaphore, #tpu.memory_space<semaphore_mem>>)
            %add3A_1084 = arith.constant 9 : i32
            %add3A_1085 = arith.addi %mul3A_348, %add3A_1084 : i32
            %slice3A_1086 = vector.extract_strided_slice %select_n3A_330 {offsets = [9], sizes = [1], strides = [1]} : vector<16xi32> to vector<1xi32>
            %squeeze3A_1087 = vector.extract %slice3A_1086[0] : i32 from vector<1xi32>
            %dma_start3A_1088 = arith.constant 0 : i32
            %dma_start3A_1089 = tpu.memref_slice %arg12[%add3A_1085, %dma_start3A_1088] : memref<32x64xf32, #tpu.memory_space<vmem>> -> memref<1x64xf32, #tpu.memory_space<vmem>>
            %dma_start3A_1090 = arith.constant 0 : i32
            %dma_start3A_1091 = tpu.memref_slice %arg4[%squeeze3A_1087, %dma_start3A_1090] : memref<16384x64xf32, #tpu.memory_space<hbm>> -> memref<1x64xf32, #tpu.memory_space<hbm>>
            %dma_start3A_1092 = arith.constant 0 : i32
            %dma_start3A_1093 = tpu.memref_slice %arg4[%squeeze3A_1087, %dma_start3A_1092] : memref<16384x64xf32, #tpu.memory_space<hbm>> -> memref<1x64xf32, #tpu.memory_space<hbm>>
            %dma_start3A_1094 = arith.constant 0 : i32
            %dma_start3A_1095 = tpu.memref_slice %arg12[%add3A_1085, %dma_start3A_1094] : memref<32x64xf32, #tpu.memory_space<vmem>> -> memref<1x64xf32, #tpu.memory_space<vmem>>
            tpu.enqueue_dma source(%dma_start3A_1095 : memref<1x64xf32, #tpu.memory_space<vmem>>) target(%dma_start3A_1093 : memref<1x64xf32, #tpu.memory_space<hbm>>) target_semaphore(%arg18 : memref<!tpu.dma_semaphore, #tpu.memory_space<semaphore_mem>>)
            %add3A_1096 = arith.constant 10 : i32
            %add3A_1097 = arith.addi %mul3A_348, %add3A_1096 : i32
            %slice3A_1098 = vector.extract_strided_slice %select_n3A_330 {offsets = [10], sizes = [1], strides = [1]} : vector<16xi32> to vector<1xi32>
            %squeeze3A_1099 = vector.extract %slice3A_1098[0] : i32 from vector<1xi32>
            %dma_start3A_1100 = arith.constant 0 : i32
            %dma_start3A_1101 = tpu.memref_slice %arg12[%add3A_1097, %dma_start3A_1100] : memref<32x64xf32, #tpu.memory_space<vmem>> -> memref<1x64xf32, #tpu.memory_space<vmem>>
            %dma_start3A_1102 = arith.constant 0 : i32
            %dma_start3A_1103 = tpu.memref_slice %arg4[%squeeze3A_1099, %dma_start3A_1102] : memref<16384x64xf32, #tpu.memory_space<hbm>> -> memref<1x64xf32, #tpu.memory_space<hbm>>
            %dma_start3A_1104 = arith.constant 0 : i32
            %dma_start3A_1105 = tpu.memref_slice %arg4[%squeeze3A_1099, %dma_start3A_1104] : memref<16384x64xf32, #tpu.memory_space<hbm>> -> memref<1x64xf32, #tpu.memory_space<hbm>>
            %dma_start3A_1106 = arith.constant 0 : i32
            %dma_start3A_1107 = tpu.memref_slice %arg12[%add3A_1097, %dma_start3A_1106] : memref<32x64xf32, #tpu.memory_space<vmem>> -> memref<1x64xf32, #tpu.memory_space<vmem>>
            tpu.enqueue_dma source(%dma_start3A_1107 : memref<1x64xf32, #tpu.memory_space<vmem>>) target(%dma_start3A_1105 : memref<1x64xf32, #tpu.memory_space<hbm>>) target_semaphore(%arg18 : memref<!tpu.dma_semaphore, #tpu.memory_space<semaphore_mem>>)
            %add3A_1108 = arith.constant 11 : i32
            %add3A_1109 = arith.addi %mul3A_348, %add3A_1108 : i32
            %slice3A_1110 = vector.extract_strided_slice %select_n3A_330 {offsets = [11], sizes = [1], strides = [1]} : vector<16xi32> to vector<1xi32>
            %squeeze3A_1111 = vector.extract %slice3A_1110[0] : i32 from vector<1xi32>
            %dma_start3A_1112 = arith.constant 0 : i32
            %dma_start3A_1113 = tpu.memref_slice %arg12[%add3A_1109, %dma_start3A_1112] : memref<32x64xf32, #tpu.memory_space<vmem>> -> memref<1x64xf32, #tpu.memory_space<vmem>>
            %dma_start3A_1114 = arith.constant 0 : i32
            %dma_start3A_1115 = tpu.memref_slice %arg4[%squeeze3A_1111, %dma_start3A_1114] : memref<16384x64xf32, #tpu.memory_space<hbm>> -> memref<1x64xf32, #tpu.memory_space<hbm>>
            %dma_start3A_1116 = arith.constant 0 : i32
            %dma_start3A_1117 = tpu.memref_slice %arg4[%squeeze3A_1111, %dma_start3A_1116] : memref<16384x64xf32, #tpu.memory_space<hbm>> -> memref<1x64xf32, #tpu.memory_space<hbm>>
            %dma_start3A_1118 = arith.constant 0 : i32
            %dma_start3A_1119 = tpu.memref_slice %arg12[%add3A_1109, %dma_start3A_1118] : memref<32x64xf32, #tpu.memory_space<vmem>> -> memref<1x64xf32, #tpu.memory_space<vmem>>
            tpu.enqueue_dma source(%dma_start3A_1119 : memref<1x64xf32, #tpu.memory_space<vmem>>) target(%dma_start3A_1117 : memref<1x64xf32, #tpu.memory_space<hbm>>) target_semaphore(%arg18 : memref<!tpu.dma_semaphore, #tpu.memory_space<semaphore_mem>>)
            %add3A_1120 = arith.constant 12 : i32
            %add3A_1121 = arith.addi %mul3A_348, %add3A_1120 : i32
            %slice3A_1122 = vector.extract_strided_slice %select_n3A_330 {offsets = [12], sizes = [1], strides = [1]} : vector<16xi32> to vector<1xi32>
            %squeeze3A_1123 = vector.extract %slice3A_1122[0] : i32 from vector<1xi32>
            %dma_start3A_1124 = arith.constant 0 : i32
            %dma_start3A_1125 = tpu.memref_slice %arg12[%add3A_1121, %dma_start3A_1124] : memref<32x64xf32, #tpu.memory_space<vmem>> -> memref<1x64xf32, #tpu.memory_space<vmem>>
            %dma_start3A_1126 = arith.constant 0 : i32
            %dma_start3A_1127 = tpu.memref_slice %arg4[%squeeze3A_1123, %dma_start3A_1126] : memref<16384x64xf32, #tpu.memory_space<hbm>> -> memref<1x64xf32, #tpu.memory_space<hbm>>
            %dma_start3A_1128 = arith.constant 0 : i32
            %dma_start3A_1129 = tpu.memref_slice %arg4[%squeeze3A_1123, %dma_start3A_1128] : memref<16384x64xf32, #tpu.memory_space<hbm>> -> memref<1x64xf32, #tpu.memory_space<hbm>>
            %dma_start3A_1130 = arith.constant 0 : i32
            %dma_start3A_1131 = tpu.memref_slice %arg12[%add3A_1121, %dma_start3A_1130] : memref<32x64xf32, #tpu.memory_space<vmem>> -> memref<1x64xf32, #tpu.memory_space<vmem>>
            tpu.enqueue_dma source(%dma_start3A_1131 : memref<1x64xf32, #tpu.memory_space<vmem>>) target(%dma_start3A_1129 : memref<1x64xf32, #tpu.memory_space<hbm>>) target_semaphore(%arg18 : memref<!tpu.dma_semaphore, #tpu.memory_space<semaphore_mem>>)
            %add3A_1132 = arith.constant 13 : i32
            %add3A_1133 = arith.addi %mul3A_348, %add3A_1132 : i32
            %slice3A_1134 = vector.extract_strided_slice %select_n3A_330 {offsets = [13], sizes = [1], strides = [1]} : vector<16xi32> to vector<1xi32>
            %squeeze3A_1135 = vector.extract %slice3A_1134[0] : i32 from vector<1xi32>
            %dma_start3A_1136 = arith.constant 0 : i32
            %dma_start3A_1137 = tpu.memref_slice %arg12[%add3A_1133, %dma_start3A_1136] : memref<32x64xf32, #tpu.memory_space<vmem>> -> memref<1x64xf32, #tpu.memory_space<vmem>>
            %dma_start3A_1138 = arith.constant 0 : i32
            %dma_start3A_1139 = tpu.memref_slice %arg4[%squeeze3A_1135, %dma_start3A_1138] : memref<16384x64xf32, #tpu.memory_space<hbm>> -> memref<1x64xf32, #tpu.memory_space<hbm>>
            %dma_start3A_1140 = arith.constant 0 : i32
            %dma_start3A_1141 = tpu.memref_slice %arg4[%squeeze3A_1135, %dma_start3A_1140] : memref<16384x64xf32, #tpu.memory_space<hbm>> -> memref<1x64xf32, #tpu.memory_space<hbm>>
            %dma_start3A_1142 = arith.constant 0 : i32
            %dma_start3A_1143 = tpu.memref_slice %arg12[%add3A_1133, %dma_start3A_1142] : memref<32x64xf32, #tpu.memory_space<vmem>> -> memref<1x64xf32, #tpu.memory_space<vmem>>
            tpu.enqueue_dma source(%dma_start3A_1143 : memref<1x64xf32, #tpu.memory_space<vmem>>) target(%dma_start3A_1141 : memref<1x64xf32, #tpu.memory_space<hbm>>) target_semaphore(%arg18 : memref<!tpu.dma_semaphore, #tpu.memory_space<semaphore_mem>>)
            %add3A_1144 = arith.constant 14 : i32
            %add3A_1145 = arith.addi %mul3A_348, %add3A_1144 : i32
            %slice3A_1146 = vector.extract_strided_slice %select_n3A_330 {offsets = [14], sizes = [1], strides = [1]} : vector<16xi32> to vector<1xi32>
            %squeeze3A_1147 = vector.extract %slice3A_1146[0] : i32 from vector<1xi32>
            %dma_start3A_1148 = arith.constant 0 : i32
            %dma_start3A_1149 = tpu.memref_slice %arg12[%add3A_1145, %dma_start3A_1148] : memref<32x64xf32, #tpu.memory_space<vmem>> -> memref<1x64xf32, #tpu.memory_space<vmem>>
            %dma_start3A_1150 = arith.constant 0 : i32
            %dma_start3A_1151 = tpu.memref_slice %arg4[%squeeze3A_1147, %dma_start3A_1150] : memref<16384x64xf32, #tpu.memory_space<hbm>> -> memref<1x64xf32, #tpu.memory_space<hbm>>
            %dma_start3A_1152 = arith.constant 0 : i32
            %dma_start3A_1153 = tpu.memref_slice %arg4[%squeeze3A_1147, %dma_start3A_1152] : memref<16384x64xf32, #tpu.memory_space<hbm>> -> memref<1x64xf32, #tpu.memory_space<hbm>>
            %dma_start3A_1154 = arith.constant 0 : i32
            %dma_start3A_1155 = tpu.memref_slice %arg12[%add3A_1145, %dma_start3A_1154] : memref<32x64xf32, #tpu.memory_space<vmem>> -> memref<1x64xf32, #tpu.memory_space<vmem>>
            tpu.enqueue_dma source(%dma_start3A_1155 : memref<1x64xf32, #tpu.memory_space<vmem>>) target(%dma_start3A_1153 : memref<1x64xf32, #tpu.memory_space<hbm>>) target_semaphore(%arg18 : memref<!tpu.dma_semaphore, #tpu.memory_space<semaphore_mem>>)
            %add3A_1156 = arith.constant 15 : i32
            %add3A_1157 = arith.addi %mul3A_348, %add3A_1156 : i32
            %slice3A_1158 = vector.extract_strided_slice %select_n3A_330 {offsets = [15], sizes = [1], strides = [1]} : vector<16xi32> to vector<1xi32>
            %squeeze3A_1159 = vector.extract %slice3A_1158[0] : i32 from vector<1xi32>
            %dma_start3A_1160 = arith.constant 0 : i32
            %dma_start3A_1161 = tpu.memref_slice %arg12[%add3A_1157, %dma_start3A_1160] : memref<32x64xf32, #tpu.memory_space<vmem>> -> memref<1x64xf32, #tpu.memory_space<vmem>>
            %dma_start3A_1162 = arith.constant 0 : i32
            %dma_start3A_1163 = tpu.memref_slice %arg4[%squeeze3A_1159, %dma_start3A_1162] : memref<16384x64xf32, #tpu.memory_space<hbm>> -> memref<1x64xf32, #tpu.memory_space<hbm>>
            %dma_start3A_1164 = arith.constant 0 : i32
            %dma_start3A_1165 = tpu.memref_slice %arg4[%squeeze3A_1159, %dma_start3A_1164] : memref<16384x64xf32, #tpu.memory_space<hbm>> -> memref<1x64xf32, #tpu.memory_space<hbm>>
            %dma_start3A_1166 = arith.constant 0 : i32
            %dma_start3A_1167 = tpu.memref_slice %arg12[%add3A_1157, %dma_start3A_1166] : memref<32x64xf32, #tpu.memory_space<vmem>> -> memref<1x64xf32, #tpu.memory_space<vmem>>
            tpu.enqueue_dma source(%dma_start3A_1167 : memref<1x64xf32, #tpu.memory_space<vmem>>) target(%dma_start3A_1165 : memref<1x64xf32, #tpu.memory_space<hbm>>) target_semaphore(%arg18 : memref<!tpu.dma_semaphore, #tpu.memory_space<semaphore_mem>>)
          } else {
          }
          %gt3A_296 = arith.constant 0 : i32
          %gt3A_297 = arith.cmpi sgt, %squeeze3A, %gt3A_296 : i32
          %jit3A_298 = arith.constant 1 : i32
          %jit3A_299 = arith.constant 0 : i32
          %select_n3A_300 = arith.select %gt3A_297, %jit3A_298, %jit3A_299 : i32
          %add3A_301 = arith.addi %while3A_258, %select_n3A_300 : i32
          scf.yield %add3A_301 : i32
        }
        %mul3A_188 = arith.constant 16 : i32
        %mul3A_189 = arith.muli %scan3A_65, %mul3A_188 : i32
        %mul3A_190 = arith.constant 2 : i32
        %mul3A_191 = arith.muli %scan3A_117, %mul3A_190 : i32
        %add3A_192 = arith.addi %mul3A_189, %mul3A_191 : i32
        %add3A_193 = arith.constant 1 : i32
        %add3A_194 = arith.addi %add3A_192, %add3A_193 : i32
        %dma_wait3A_195 = arith.constant 0 : i32
        %dma_wait3A_196 = arith.constant 0 : i32
        %dma_wait3A_197 = tpu.memref_slice %arg3[%dma_wait3A_195, %dma_wait3A_196] : memref<64x1000000xf32, #tpu.memory_space<hbm>> -> memref<64x256xf32, #tpu.memory_space<hbm>>
        %dma_wait3A_198 = arith.constant 0 : i32
        %dma_wait3A_199 = arith.constant 0 : i32
        %dma_wait3A_200 = tpu.memref_slice %arg3[%dma_wait3A_198, %dma_wait3A_199] : memref<64x1000000xf32, #tpu.memory_space<hbm>> -> memref<64x256xf32, #tpu.memory_space<hbm>>
        tpu.wait_dma2 semaphore(%arg17 : memref<!tpu.dma_semaphore, #tpu.memory_space<semaphore_mem>>) src(%dma_wait3A_200 : memref<64x256xf32, #tpu.memory_space<hbm>>) dst(%arg15 : memref<64x256xf32, #tpu.memory_space<vmem>>)
        %add3A_201 = arith.constant 1 : i32
        %add3A_202 = arith.addi %add3A_194, %add3A_201 : i32
        %add3A_203 = arith.addi %select_n3A, %add3A_202 : i32
        %mul3A_204 = arith.constant 256 : i32
        %mul3A_205 = arith.muli %add3A_203, %mul3A_204 : i32
        %min3A_206 = arith.constant 999808 : i32
        %min3A_207 = arith.minsi %mul3A_205, %min3A_206 : i32
        %multiple_of3A_208 = tpu.assume_multiple %min3A_207, 128 : i32
        %dma_start3A_209 = arith.constant 0 : i32
        %dma_start3A_210 = tpu.memref_slice %arg3[%dma_start3A_209, %multiple_of3A_208] : memref<64x1000000xf32, #tpu.memory_space<hbm>> -> memref<64x256xf32, #tpu.memory_space<hbm>>
        %dma_start3A_211 = arith.constant 0 : i32
        %dma_start3A_212 = tpu.memref_slice %arg3[%dma_start3A_211, %multiple_of3A_208] : memref<64x1000000xf32, #tpu.memory_space<hbm>> -> memref<64x256xf32, #tpu.memory_space<hbm>>
        tpu.enqueue_dma source(%dma_start3A_212 : memref<64x256xf32, #tpu.memory_space<hbm>>) target(%arg14 : memref<64x256xf32, #tpu.memory_space<vmem>>) target_semaphore(%arg16 : memref<!tpu.dma_semaphore, #tpu.memory_space<semaphore_mem>>)
        %add3A_213 = arith.addi %select_n3A, %add3A_194 : i32
        %add3A_214 = arith.addi %select_n3A, %add3A_194 : i32
        %mul3A_215 = arith.constant 256 : i32
        %mul3A_216 = arith.muli %add3A_214, %mul3A_215 : i32
        %min3A_217 = arith.constant 999808 : i32
        %min3A_218 = arith.minsi %mul3A_216, %min3A_217 : i32
        %multiple_of3A_219 = tpu.assume_multiple %min3A_218, 128 : i32
        %add3A_220 = arith.constant 15 : i32
        %add3A_221 = arith.addi %while3A_106, %add3A_220 : i32
        %jit3A_222 = arith.constant 16 : i32
        %div3A_223 = arith.divsi %add3A_221, %jit3A_222 : i32
        %sign3A_224 = arith.constant 0 : i32
        %sign3A_225 = arith.cmpi sgt, %add3A_221, %sign3A_224 : i32
        %sign3A_226 = arith.extui %sign3A_225 : i1 to i32
        %sign3A_227 = arith.constant 0 : i32
        %sign3A_228 = arith.cmpi slt, %add3A_221, %sign3A_227 : i32
        %sign3A_229 = arith.extui %sign3A_228 : i1 to i32
        %sign3A_230 = arith.subi %sign3A_226, %sign3A_229 : i32
        %sign3A_231 = arith.constant 0 : i32
        %sign3A_232 = arith.cmpi sgt, %jit3A_222, %sign3A_231 : i32
        %sign3A_233 = arith.extui %sign3A_232 : i1 to i32
        %sign3A_234 = arith.constant 0 : i32
        %sign3A_235 = arith.cmpi slt, %jit3A_222, %sign3A_234 : i32
        %sign3A_236 = arith.extui %sign3A_235 : i1 to i32
        %sign3A_237 = arith.subi %sign3A_233, %sign3A_236 : i32
        %ne3A_238 = arith.cmpi ne, %sign3A_230, %sign3A_237 : i32
        %rem3A_239 = arith.remsi %add3A_221, %jit3A_222 : i32
        %ne3A_240 = arith.constant 0 : i32
        %ne3A_241 = arith.cmpi ne, %rem3A_239, %ne3A_240 : i32
        %and3A_242 = arith.andi %ne3A_238, %ne3A_241 : i1
        %sub3A_243 = arith.constant 1 : i32
        %sub3A_244 = arith.subi %div3A_223, %sub3A_243 : i32
        %select_n3A_245 = arith.select %and3A_242, %sub3A_244, %div3A_223 : i32
        %while3A_246 = arith.constant 0 : i32
        %while3A_247 = arith.subi %select_n3A_245, %while3A_246 : i32
        %while3A_248 = arith.addi %while3A_246, %while3A_247 : i32
        %while3A_249 = arith.constant 1 : i32
        %while3A_250 = arith.divsi %while3A_247, %while3A_249 : i32
        %while3A_251 = arith.muli %while3A_250, %while3A_249 : i32
        %while3A_252 = arith.addi %while3A_246, %while3A_251 : i32
        %while3A_253 = arith.constant 1 : i32
        %while3A_254 = scf.for %while3A_257 = %while3A_246 to %while3A_252 step %while3A_253 iter_args(%while3A_258 = %while3A_187) -> (i32)  : i32 {
          %mul3A_259 = arith.constant 16 : i32
          %mul3A_260 = arith.muli %while3A_257, %mul3A_259 : i32
          %get3A = arith.index_cast %mul3A_260 : i32 to index
          %get3A_261 = tpu.vector_load %arg8[%get3A] {strides = array<i32>} : memref<16400xi32, #tpu.memory_space<vmem>>, vector<16xi32>,
          %jit3A_262 = arith.constant 256 : i32
          %div3A_263 = vector.broadcast %jit3A_262 : i32 to vector<16xi32>
          %div3A_264 = arith.divsi %get3A_261, %div3A_263 : vector<16xi32>
          %sign3A_265 = arith.constant 0 : i32
          %sign3A_266 = vector.broadcast %sign3A_265 : i32 to vector<16xi32>
          %sign3A_267 = arith.cmpi sgt, %get3A_261, %sign3A_266 : vector<16xi32>
          %sign3A_268 = arith.extui %sign3A_267 : vector<16xi1> to vector<16xi32>
          %sign3A_269 = arith.constant 0 : i32
          %sign3A_270 = vector.broadcast %sign3A_269 : i32 to vector<16xi32>
          %sign3A_271 = arith.cmpi slt, %get3A_261, %sign3A_270 : vector<16xi32>
          %sign3A_272 = arith.extui %sign3A_271 : vector<16xi1> to vector<16xi32>
          %sign3A_273 = arith.subi %sign3A_268, %sign3A_272 : vector<16xi32>
          %sign3A_274 = arith.constant 0 : i32
          %sign3A_275 = arith.cmpi sgt, %jit3A_262, %sign3A_274 : i32
          %sign3A_276 = arith.extui %sign3A_275 : i1 to i32
          %sign3A_277 = arith.constant 0 : i32
          %sign3A_278 = arith.cmpi slt, %jit3A_262, %sign3A_277 : i32
          %sign3A_279 = arith.extui %sign3A_278 : i1 to i32
          %sign3A_280 = arith.subi %sign3A_276, %sign3A_279 : i32
          %ne3A_281 = vector.broadcast %sign3A_280 : i32 to vector<16xi32>
          %ne3A_282 = arith.cmpi ne, %sign3A_273, %ne3A_281 : vector<16xi32>
          %rem3A_283 = vector.broadcast %jit3A_262 : i32 to vector<16xi32>
          %rem3A_284 = arith.remsi %get3A_261, %rem3A_283 : vector<16xi32>
          %ne3A_285 = arith.constant 0 : i32
          %ne3A_286 = vector.broadcast %ne3A_285 : i32 to vector<16xi32>
          %ne3A_287 = arith.cmpi ne, %rem3A_284, %ne3A_286 : vector<16xi32>
          %and3A_288 = arith.andi %ne3A_282, %ne3A_287 : vector<16xi1>
          %sub3A_289 = arith.constant 1 : i32
          %sub3A_290 = vector.broadcast %sub3A_289 : i32 to vector<16xi32>
          %sub3A_291 = arith.subi %div3A_264, %sub3A_290 : vector<16xi32>
          %select_n3A_292 = arith.select %and3A_288, %sub3A_291, %div3A_264 : vector<16xi1>, vector<16xi32>
          %eq3A = vector.broadcast %add3A_213 : i32 to vector<16xi32>
          %eq3A_293 = arith.cmpi eq, %select_n3A_292, %eq3A : vector<16xi32>
          %all_reduce_population_count3A = tpu.all_reduce %eq3A_293 {dim = 0 : i64, kind = #tpu.reduction_kind<sum>} : vector<16xi1> -> vector<16xi32>
          %slice3A = vector.extract_strided_slice %all_reduce_population_count3A {offsets = [0], sizes = [1], strides = [1]} : vector<16xi32> to vector<1xi32>
          %squeeze3A = vector.extract %slice3A[0] : i32 from vector<1xi32>
          %gt3A = arith.constant 0 : i32
          %gt3A_294 = arith.cmpi sgt, %squeeze3A, %gt3A : i32
          %convert_element_type3A = arith.extui %gt3A_294 : i1 to i32
          %cond3A = arith.constant 0 : i32
          %cond3A_295 = arith.cmpi ne, %convert_element_type3A, %cond3A : i32
          scf.if %cond3A_295 {
            %mul3A_302 = arith.constant 16 : i32
            %mul3A_303 = arith.muli %while3A_257, %mul3A_302 : i32
            %get3A_304 = arith.index_cast %mul3A_303 : i32 to index
            %get3A_305 = tpu.vector_load %arg9[%get3A_304] {strides = array<i32>} : memref<16384xi32, #tpu.memory_space<vmem>>, vector<16xi32>,
            %swap3A_306 = arith.constant 0 : index
            %swap3A_307 = tpu.vector_load %arg10[%swap3A_306] masked %eq3A_293 {strides = array<i32>} : memref<16xi32, #tpu.memory_space<vmem>>, vector<16xi32>, vector<16xi1>
            tpu.vector_store %arg10[%swap3A_306], %get3A_261 masked %eq3A_293 {strides = array<i32>} : memref<16xi32, #tpu.memory_space<vmem>>, vector<16xi32>, vector<16xi1>
            %swap3A_308 = arith.constant 0 : index
            %swap3A_309 = tpu.vector_load %arg11[%swap3A_308] masked %eq3A_293 {strides = array<i32>} : memref<16xi32, #tpu.memory_space<vmem>>, vector<16xi32>, vector<16xi1>
            tpu.vector_store %arg11[%swap3A_308], %get3A_305 masked %eq3A_293 {strides = array<i32>} : memref<16xi32, #tpu.memory_space<vmem>>, vector<16xi32>, vector<16xi1>
            %get3A_310 = arith.constant 0 : index
            %get3A_311 = tpu.vector_load %arg10[%get3A_310] {strides = array<i32>} : memref<16xi32, #tpu.memory_space<vmem>>, vector<16xi32>,
            %get3A_312 = arith.constant 0 : index
            %get3A_313 = tpu.vector_load %arg11[%get3A_312] {strides = array<i32>} : memref<16xi32, #tpu.memory_space<vmem>>, vector<16xi32>,
            %lt3A = vector.broadcast %squeeze3A : i32 to vector<16xi32>
            %lt3A_314 = arith.cmpi slt, %iota3A, %lt3A : vector<16xi32>
            %sub3A_315 = vector.broadcast %multiple_of3A_219 : i32 to vector<16xi32>
            %sub3A_316 = arith.subi %get3A_311, %sub3A_315 : vector<16xi32>
            %jit3A_317 = arith.constant 0 : i32
            %jit3A_318 = arith.constant 255 : i32
            %max3A = vector.broadcast %jit3A_317 : i32 to vector<16xi32>
            %max3A_319 = arith.maxsi %max3A, %sub3A_316 : vector<16xi32>
            %min3A_320 = vector.broadcast %jit3A_318 : i32 to vector<16xi32>
            %min3A_321 = arith.minsi %min3A_320, %max3A_319 : vector<16xi32>
            %slice3A_322 = vector.extract_strided_slice %get3A_311 {offsets = [0], sizes = [1], strides = [1]} : vector<16xi32> to vector<1xi32>
            %squeeze3A_323 = vector.extract %slice3A_322[0] : i32 from vector<1xi32>
            %sub3A_324 = arith.subi %squeeze3A_323, %multiple_of3A_219 : i32
            %broadcast_in_dim3A_325 = vector.broadcast %sub3A_324 : i32 to vector<16xi32>
            %select_n3A_326 = arith.select %lt3A_314, %min3A_321, %broadcast_in_dim3A_325 : vector<16xi1>, vector<16xi32>
            %slice3A_327 = vector.extract_strided_slice %get3A_313 {offsets = [0], sizes = [1], strides = [1]} : vector<16xi32> to vector<1xi32>
            %squeeze3A_328 = vector.extract %slice3A_327[0] : i32 from vector<1xi32>
            %broadcast_in_dim3A_329 = vector.broadcast %squeeze3A_328 : i32 to vector<16xi32>
            %select_n3A_330 = arith.select %lt3A_314, %get3A_313, %broadcast_in_dim3A_329 : vector<16xi1>, vector<16xi32>
            %jit3A_331 = arith.constant 2 : i32
            %eq3A_332 = arith.constant 0 : i32
            %eq3A_333 = arith.cmpi eq, %jit3A_331, %eq3A_332 : i32
            %jit3A_334 = arith.constant 1 : i32
            %select_n3A_335 = arith.select %eq3A_333, %jit3A_334, %jit3A_331 : i32
            %rem3A_336 = arith.remsi %while3A_258, %select_n3A_335 : i32
            %ne3A_337 = arith.constant 0 : i32
            %ne3A_338 = arith.cmpi ne, %rem3A_336, %ne3A_337 : i32
            %lt3A_339 = arith.constant 0 : i32
            %lt3A_340 = arith.cmpi slt, %rem3A_336, %lt3A_339 : i32
            %lt3A_341 = arith.constant 0 : i32
            %lt3A_342 = arith.cmpi slt, %select_n3A_335, %lt3A_341 : i32
            %ne3A_343 = arith.xori %lt3A_340, %lt3A_342 : i1
            %and3A_344 = arith.andi %ne3A_343, %ne3A_338 : i1
            %add3A_345 = arith.addi %rem3A_336, %select_n3A_335 : i32
            %select_n3A_346 = arith.select %and3A_344, %add3A_345, %rem3A_336 : i32
            %mul3A_347 = arith.constant 16 : i32
            %mul3A_348 = arith.muli %select_n3A_346, %mul3A_347 : i32
            %dma_wait3A_349 = arith.constant 0 : i32
            %dma_wait3A_350 = tpu.memref_slice %arg2[%dma_wait3A_349] : memref<16384xi32, #tpu.memory_space<hbm>> -> memref<1024xi32, #tpu.memory_space<hbm>>
            %dma_wait3A_351 = arith.constant 0 : i32
            %dma_wait3A_352 = tpu.memref_slice %arg2[%dma_wait3A_351] : memref<16384xi32, #tpu.memory_space<hbm>> -> memref<1024xi32, #tpu.memory_space<hbm>>
            tpu.wait_dma2 semaphore(%arg18 : memref<!tpu.dma_semaphore, #tpu.memory_space<semaphore_mem>>) src(%dma_wait3A_352 : memref<1024xi32, #tpu.memory_space<hbm>>) dst(%arg13 : memref<1024xi32, #tpu.memory_space<vmem>>)
            %slice3A_353 = vector.extract_strided_slice %select_n3A_326 {offsets = [0], sizes = [1], strides = [1]} : vector<16xi32> to vector<1xi32>
            %squeeze3A_354 = vector.extract %slice3A_353[0] : i32 from vector<1xi32>
            %broadcast_in_dim3A_355 = vector.broadcast %squeeze3A_354 : i32 to vector<16xi32>
            %add3A_356 = arith.constant 0 : i32
            %add3A_357 = vector.broadcast %add3A_356 : i32 to vector<16xi32>
            %add3A_358 = arith.addi %iota3A, %add3A_357 : vector<16xi32>
            %gather3A = tpu.vector_load_idx %arg15[%add3A_358, %broadcast_in_dim3A_355] : memref<64x256xf32, #tpu.memory_space<vmem>>[vector<16xi32>, vector<16xi32>], vector<16xf32>,
            %add3A_359 = arith.constant 0 : i32
            %add3A_360 = arith.addi %mul3A_348, %add3A_359 : i32
            %swap3A_361 = arith.index_cast %add3A_360 : i32 to index
            %swap3A_362 = arith.constant 0 : index
            %swap3A_363 = tpu.vector_load %arg12[%swap3A_361, %swap3A_362] {strides = array<i32>} : memref<32x64xf32, #tpu.memory_space<vmem>>, vector<16xf32>,
            tpu.vector_store %arg12[%swap3A_361, %swap3A_362], %gather3A {strides = array<i32>} : memref<32x64xf32, #tpu.memory_space<vmem>>, vector<16xf32>,
            %add3A_364 = arith.constant 16 : i32
            %add3A_365 = vector.broadcast %add3A_364 : i32 to vector<16xi32>
            %add3A_366 = arith.addi %iota3A, %add3A_365 : vector<16xi32>
            %gather3A_367 = tpu.vector_load_idx %arg15[%add3A_366, %broadcast_in_dim3A_355] : memref<64x256xf32, #tpu.memory_space<vmem>>[vector<16xi32>, vector<16xi32>], vector<16xf32>,
            %add3A_368 = arith.constant 0 : i32
            %add3A_369 = arith.addi %mul3A_348, %add3A_368 : i32
            %swap3A_370 = arith.index_cast %add3A_369 : i32 to index
            %swap3A_371 = arith.constant 16 : index
            %swap3A_372 = tpu.vector_load %arg12[%swap3A_370, %swap3A_371] {strides = array<i32>} : memref<32x64xf32, #tpu.memory_space<vmem>>, vector<16xf32>,
            tpu.vector_store %arg12[%swap3A_370, %swap3A_371], %gather3A_367 {strides = array<i32>} : memref<32x64xf32, #tpu.memory_space<vmem>>, vector<16xf32>,
            %add3A_373 = arith.constant 32 : i32
            %add3A_374 = vector.broadcast %add3A_373 : i32 to vector<16xi32>
            %add3A_375 = arith.addi %iota3A, %add3A_374 : vector<16xi32>
            %gather3A_376 = tpu.vector_load_idx %arg15[%add3A_375, %broadcast_in_dim3A_355] : memref<64x256xf32, #tpu.memory_space<vmem>>[vector<16xi32>, vector<16xi32>], vector<16xf32>,
            %add3A_377 = arith.constant 0 : i32
            %add3A_378 = arith.addi %mul3A_348, %add3A_377 : i32
            %swap3A_379 = arith.index_cast %add3A_378 : i32 to index
            %swap3A_380 = arith.constant 32 : index
            %swap3A_381 = tpu.vector_load %arg12[%swap3A_379, %swap3A_380] {strides = array<i32>} : memref<32x64xf32, #tpu.memory_space<vmem>>, vector<16xf32>,
            tpu.vector_store %arg12[%swap3A_379, %swap3A_380], %gather3A_376 {strides = array<i32>} : memref<32x64xf32, #tpu.memory_space<vmem>>, vector<16xf32>,
            %add3A_382 = arith.constant 48 : i32
            %add3A_383 = vector.broadcast %add3A_382 : i32 to vector<16xi32>
            %add3A_384 = arith.addi %iota3A, %add3A_383 : vector<16xi32>
            %gather3A_385 = tpu.vector_load_idx %arg15[%add3A_384, %broadcast_in_dim3A_355] : memref<64x256xf32, #tpu.memory_space<vmem>>[vector<16xi32>, vector<16xi32>], vector<16xf32>,
            %add3A_386 = arith.constant 0 : i32
            %add3A_387 = arith.addi %mul3A_348, %add3A_386 : i32
            %swap3A_388 = arith.index_cast %add3A_387 : i32 to index
            %swap3A_389 = arith.constant 48 : index
            %swap3A_390 = tpu.vector_load %arg12[%swap3A_388, %swap3A_389] {strides = array<i32>} : memref<32x64xf32, #tpu.memory_space<vmem>>, vector<16xf32>,
            tpu.vector_store %arg12[%swap3A_388, %swap3A_389], %gather3A_385 {strides = array<i32>} : memref<32x64xf32, #tpu.memory_space<vmem>>, vector<16xf32>,
            %slice3A_391 = vector.extract_strided_slice %select_n3A_326 {offsets = [1], sizes = [1], strides = [1]} : vector<16xi32> to vector<1xi32>
            %squeeze3A_392 = vector.extract %slice3A_391[0] : i32 from vector<1xi32>
            %broadcast_in_dim3A_393 = vector.broadcast %squeeze3A_392 : i32 to vector<16xi32>
            %add3A_394 = arith.constant 0 : i32
            %add3A_395 = vector.broadcast %add3A_394 : i32 to vector<16xi32>
            %add3A_396 = arith.addi %iota3A, %add3A_395 : vector<16xi32>
            %gather3A_397 = tpu.vector_load_idx %arg15[%add3A_396, %broadcast_in_dim3A_393] : memref<64x256xf32, #tpu.memory_space<vmem>>[vector<16xi32>, vector<16xi32>], vector<16xf32>,
            %add3A_398 = arith.constant 1 : i32
            %add3A_399 = arith.addi %mul3A_348, %add3A_398 : i32
            %swap3A_400 = arith.index_cast %add3A_399 : i32 to index
            %swap3A_401 = arith.constant 0 : index
            %swap3A_402 = tpu.vector_load %arg12[%swap3A_400, %swap3A_401] {strides = array<i32>} : memref<32x64xf32, #tpu.memory_space<vmem>>, vector<16xf32>,
            tpu.vector_store %arg12[%swap3A_400, %swap3A_401], %gather3A_397 {strides = array<i32>} : memref<32x64xf32, #tpu.memory_space<vmem>>, vector<16xf32>,
            %add3A_403 = arith.constant 16 : i32
            %add3A_404 = vector.broadcast %add3A_403 : i32 to vector<16xi32>
            %add3A_405 = arith.addi %iota3A, %add3A_404 : vector<16xi32>
            %gather3A_406 = tpu.vector_load_idx %arg15[%add3A_405, %broadcast_in_dim3A_393] : memref<64x256xf32, #tpu.memory_space<vmem>>[vector<16xi32>, vector<16xi32>], vector<16xf32>,
            %add3A_407 = arith.constant 1 : i32
            %add3A_408 = arith.addi %mul3A_348, %add3A_407 : i32
            %swap3A_409 = arith.index_cast %add3A_408 : i32 to index
            %swap3A_410 = arith.constant 16 : index
            %swap3A_411 = tpu.vector_load %arg12[%swap3A_409, %swap3A_410] {strides = array<i32>} : memref<32x64xf32, #tpu.memory_space<vmem>>, vector<16xf32>,
            tpu.vector_store %arg12[%swap3A_409, %swap3A_410], %gather3A_406 {strides = array<i32>} : memref<32x64xf32, #tpu.memory_space<vmem>>, vector<16xf32>,
            %add3A_412 = arith.constant 32 : i32
            %add3A_413 = vector.broadcast %add3A_412 : i32 to vector<16xi32>
            %add3A_414 = arith.addi %iota3A, %add3A_413 : vector<16xi32>
            %gather3A_415 = tpu.vector_load_idx %arg15[%add3A_414, %broadcast_in_dim3A_393] : memref<64x256xf32, #tpu.memory_space<vmem>>[vector<16xi32>, vector<16xi32>], vector<16xf32>,
            %add3A_416 = arith.constant 1 : i32
            %add3A_417 = arith.addi %mul3A_348, %add3A_416 : i32
            %swap3A_418 = arith.index_cast %add3A_417 : i32 to index
            %swap3A_419 = arith.constant 32 : index
            %swap3A_420 = tpu.vector_load %arg12[%swap3A_418, %swap3A_419] {strides = array<i32>} : memref<32x64xf32, #tpu.memory_space<vmem>>, vector<16xf32>,
            tpu.vector_store %arg12[%swap3A_418, %swap3A_419], %gather3A_415 {strides = array<i32>} : memref<32x64xf32, #tpu.memory_space<vmem>>, vector<16xf32>,
            %add3A_421 = arith.constant 48 : i32
            %add3A_422 = vector.broadcast %add3A_421 : i32 to vector<16xi32>
            %add3A_423 = arith.addi %iota3A, %add3A_422 : vector<16xi32>
            %gather3A_424 = tpu.vector_load_idx %arg15[%add3A_423, %broadcast_in_dim3A_393] : memref<64x256xf32, #tpu.memory_space<vmem>>[vector<16xi32>, vector<16xi32>], vector<16xf32>,
            %add3A_425 = arith.constant 1 : i32
            %add3A_426 = arith.addi %mul3A_348, %add3A_425 : i32
            %swap3A_427 = arith.index_cast %add3A_426 : i32 to index
            %swap3A_428 = arith.constant 48 : index
            %swap3A_429 = tpu.vector_load %arg12[%swap3A_427, %swap3A_428] {strides = array<i32>} : memref<32x64xf32, #tpu.memory_space<vmem>>, vector<16xf32>,
            tpu.vector_store %arg12[%swap3A_427, %swap3A_428], %gather3A_424 {strides = array<i32>} : memref<32x64xf32, #tpu.memory_space<vmem>>, vector<16xf32>,
            %slice3A_430 = vector.extract_strided_slice %select_n3A_326 {offsets = [2], sizes = [1], strides = [1]} : vector<16xi32> to vector<1xi32>
            %squeeze3A_431 = vector.extract %slice3A_430[0] : i32 from vector<1xi32>
            %broadcast_in_dim3A_432 = vector.broadcast %squeeze3A_431 : i32 to vector<16xi32>
            %add3A_433 = arith.constant 0 : i32
            %add3A_434 = vector.broadcast %add3A_433 : i32 to vector<16xi32>
            %add3A_435 = arith.addi %iota3A, %add3A_434 : vector<16xi32>
            %gather3A_436 = tpu.vector_load_idx %arg15[%add3A_435, %broadcast_in_dim3A_432] : memref<64x256xf32, #tpu.memory_space<vmem>>[vector<16xi32>, vector<16xi32>], vector<16xf32>,
            %add3A_437 = arith.constant 2 : i32
            %add3A_438 = arith.addi %mul3A_348, %add3A_437 : i32
            %swap3A_439 = arith.index_cast %add3A_438 : i32 to index
            %swap3A_440 = arith.constant 0 : index
            %swap3A_441 = tpu.vector_load %arg12[%swap3A_439, %swap3A_440] {strides = array<i32>} : memref<32x64xf32, #tpu.memory_space<vmem>>, vector<16xf32>,
            tpu.vector_store %arg12[%swap3A_439, %swap3A_440], %gather3A_436 {strides = array<i32>} : memref<32x64xf32, #tpu.memory_space<vmem>>, vector<16xf32>,
            %add3A_442 = arith.constant 16 : i32
            %add3A_443 = vector.broadcast %add3A_442 : i32 to vector<16xi32>
            %add3A_444 = arith.addi %iota3A, %add3A_443 : vector<16xi32>
            %gather3A_445 = tpu.vector_load_idx %arg15[%add3A_444, %broadcast_in_dim3A_432] : memref<64x256xf32, #tpu.memory_space<vmem>>[vector<16xi32>, vector<16xi32>], vector<16xf32>,
            %add3A_446 = arith.constant 2 : i32
            %add3A_447 = arith.addi %mul3A_348, %add3A_446 : i32
            %swap3A_448 = arith.index_cast %add3A_447 : i32 to index
            %swap3A_449 = arith.constant 16 : index
            %swap3A_450 = tpu.vector_load %arg12[%swap3A_448, %swap3A_449] {strides = array<i32>} : memref<32x64xf32, #tpu.memory_space<vmem>>, vector<16xf32>,
            tpu.vector_store %arg12[%swap3A_448, %swap3A_449], %gather3A_445 {strides = array<i32>} : memref<32x64xf32, #tpu.memory_space<vmem>>, vector<16xf32>,
            %add3A_451 = arith.constant 32 : i32
            %add3A_452 = vector.broadcast %add3A_451 : i32 to vector<16xi32>
            %add3A_453 = arith.addi %iota3A, %add3A_452 : vector<16xi32>
            %gather3A_454 = tpu.vector_load_idx %arg15[%add3A_453, %broadcast_in_dim3A_432] : memref<64x256xf32, #tpu.memory_space<vmem>>[vector<16xi32>, vector<16xi32>], vector<16xf32>,
            %add3A_455 = arith.constant 2 : i32
            %add3A_456 = arith.addi %mul3A_348, %add3A_455 : i32
            %swap3A_457 = arith.index_cast %add3A_456 : i32 to index
            %swap3A_458 = arith.constant 32 : index
            %swap3A_459 = tpu.vector_load %arg12[%swap3A_457, %swap3A_458] {strides = array<i32>} : memref<32x64xf32, #tpu.memory_space<vmem>>, vector<16xf32>,
            tpu.vector_store %arg12[%swap3A_457, %swap3A_458], %gather3A_454 {strides = array<i32>} : memref<32x64xf32, #tpu.memory_space<vmem>>, vector<16xf32>,
            %add3A_460 = arith.constant 48 : i32
            %add3A_461 = vector.broadcast %add3A_460 : i32 to vector<16xi32>
            %add3A_462 = arith.addi %iota3A, %add3A_461 : vector<16xi32>
            %gather3A_463 = tpu.vector_load_idx %arg15[%add3A_462, %broadcast_in_dim3A_432] : memref<64x256xf32, #tpu.memory_space<vmem>>[vector<16xi32>, vector<16xi32>], vector<16xf32>,
            %add3A_464 = arith.constant 2 : i32
            %add3A_465 = arith.addi %mul3A_348, %add3A_464 : i32
            %swap3A_466 = arith.index_cast %add3A_465 : i32 to index
            %swap3A_467 = arith.constant 48 : index
            %swap3A_468 = tpu.vector_load %arg12[%swap3A_466, %swap3A_467] {strides = array<i32>} : memref<32x64xf32, #tpu.memory_space<vmem>>, vector<16xf32>,
            tpu.vector_store %arg12[%swap3A_466, %swap3A_467], %gather3A_463 {strides = array<i32>} : memref<32x64xf32, #tpu.memory_space<vmem>>, vector<16xf32>,
            %slice3A_469 = vector.extract_strided_slice %select_n3A_326 {offsets = [3], sizes = [1], strides = [1]} : vector<16xi32> to vector<1xi32>
            %squeeze3A_470 = vector.extract %slice3A_469[0] : i32 from vector<1xi32>
            %broadcast_in_dim3A_471 = vector.broadcast %squeeze3A_470 : i32 to vector<16xi32>
            %add3A_472 = arith.constant 0 : i32
            %add3A_473 = vector.broadcast %add3A_472 : i32 to vector<16xi32>
            %add3A_474 = arith.addi %iota3A, %add3A_473 : vector<16xi32>
            %gather3A_475 = tpu.vector_load_idx %arg15[%add3A_474, %broadcast_in_dim3A_471] : memref<64x256xf32, #tpu.memory_space<vmem>>[vector<16xi32>, vector<16xi32>], vector<16xf32>,
            %add3A_476 = arith.constant 3 : i32
            %add3A_477 = arith.addi %mul3A_348, %add3A_476 : i32
            %swap3A_478 = arith.index_cast %add3A_477 : i32 to index
            %swap3A_479 = arith.constant 0 : index
            %swap3A_480 = tpu.vector_load %arg12[%swap3A_478, %swap3A_479] {strides = array<i32>} : memref<32x64xf32, #tpu.memory_space<vmem>>, vector<16xf32>,
            tpu.vector_store %arg12[%swap3A_478, %swap3A_479], %gather3A_475 {strides = array<i32>} : memref<32x64xf32, #tpu.memory_space<vmem>>, vector<16xf32>,
            %add3A_481 = arith.constant 16 : i32
            %add3A_482 = vector.broadcast %add3A_481 : i32 to vector<16xi32>
            %add3A_483 = arith.addi %iota3A, %add3A_482 : vector<16xi32>
            %gather3A_484 = tpu.vector_load_idx %arg15[%add3A_483, %broadcast_in_dim3A_471] : memref<64x256xf32, #tpu.memory_space<vmem>>[vector<16xi32>, vector<16xi32>], vector<16xf32>,
            %add3A_485 = arith.constant 3 : i32
            %add3A_486 = arith.addi %mul3A_348, %add3A_485 : i32
            %swap3A_487 = arith.index_cast %add3A_486 : i32 to index
            %swap3A_488 = arith.constant 16 : index
            %swap3A_489 = tpu.vector_load %arg12[%swap3A_487, %swap3A_488] {strides = array<i32>} : memref<32x64xf32, #tpu.memory_space<vmem>>, vector<16xf32>,
            tpu.vector_store %arg12[%swap3A_487, %swap3A_488], %gather3A_484 {strides = array<i32>} : memref<32x64xf32, #tpu.memory_space<vmem>>, vector<16xf32>,
            %add3A_490 = arith.constant 32 : i32
            %add3A_491 = vector.broadcast %add3A_490 : i32 to vector<16xi32>
            %add3A_492 = arith.addi %iota3A, %add3A_491 : vector<16xi32>
            %gather3A_493 = tpu.vector_load_idx %arg15[%add3A_492, %broadcast_in_dim3A_471] : memref<64x256xf32, #tpu.memory_space<vmem>>[vector<16xi32>, vector<16xi32>], vector<16xf32>,
            %add3A_494 = arith.constant 3 : i32
            %add3A_495 = arith.addi %mul3A_348, %add3A_494 : i32
            %swap3A_496 = arith.index_cast %add3A_495 : i32 to index
            %swap3A_497 = arith.constant 32 : index
            %swap3A_498 = tpu.vector_load %arg12[%swap3A_496, %swap3A_497] {strides = array<i32>} : memref<32x64xf32, #tpu.memory_space<vmem>>, vector<16xf32>,
            tpu.vector_store %arg12[%swap3A_496, %swap3A_497], %gather3A_493 {strides = array<i32>} : memref<32x64xf32, #tpu.memory_space<vmem>>, vector<16xf32>,
            %add3A_499 = arith.constant 48 : i32
            %add3A_500 = vector.broadcast %add3A_499 : i32 to vector<16xi32>
            %add3A_501 = arith.addi %iota3A, %add3A_500 : vector<16xi32>
            %gather3A_502 = tpu.vector_load_idx %arg15[%add3A_501, %broadcast_in_dim3A_471] : memref<64x256xf32, #tpu.memory_space<vmem>>[vector<16xi32>, vector<16xi32>], vector<16xf32>,
            %add3A_503 = arith.constant 3 : i32
            %add3A_504 = arith.addi %mul3A_348, %add3A_503 : i32
            %swap3A_505 = arith.index_cast %add3A_504 : i32 to index
            %swap3A_506 = arith.constant 48 : index
            %swap3A_507 = tpu.vector_load %arg12[%swap3A_505, %swap3A_506] {strides = array<i32>} : memref<32x64xf32, #tpu.memory_space<vmem>>, vector<16xf32>,
            tpu.vector_store %arg12[%swap3A_505, %swap3A_506], %gather3A_502 {strides = array<i32>} : memref<32x64xf32, #tpu.memory_space<vmem>>, vector<16xf32>,
            %slice3A_508 = vector.extract_strided_slice %select_n3A_326 {offsets = [4], sizes = [1], strides = [1]} : vector<16xi32> to vector<1xi32>
            %squeeze3A_509 = vector.extract %slice3A_508[0] : i32 from vector<1xi32>
            %broadcast_in_dim3A_510 = vector.broadcast %squeeze3A_509 : i32 to vector<16xi32>
            %add3A_511 = arith.constant 0 : i32
            %add3A_512 = vector.broadcast %add3A_511 : i32 to vector<16xi32>
            %add3A_513 = arith.addi %iota3A, %add3A_512 : vector<16xi32>
            %gather3A_514 = tpu.vector_load_idx %arg15[%add3A_513, %broadcast_in_dim3A_510] : memref<64x256xf32, #tpu.memory_space<vmem>>[vector<16xi32>, vector<16xi32>], vector<16xf32>,
            %add3A_515 = arith.constant 4 : i32
            %add3A_516 = arith.addi %mul3A_348, %add3A_515 : i32
            %swap3A_517 = arith.index_cast %add3A_516 : i32 to index
            %swap3A_518 = arith.constant 0 : index
            %swap3A_519 = tpu.vector_load %arg12[%swap3A_517, %swap3A_518] {strides = array<i32>} : memref<32x64xf32, #tpu.memory_space<vmem>>, vector<16xf32>,
            tpu.vector_store %arg12[%swap3A_517, %swap3A_518], %gather3A_514 {strides = array<i32>} : memref<32x64xf32, #tpu.memory_space<vmem>>, vector<16xf32>,
            %add3A_520 = arith.constant 16 : i32
            %add3A_521 = vector.broadcast %add3A_520 : i32 to vector<16xi32>
            %add3A_522 = arith.addi %iota3A, %add3A_521 : vector<16xi32>
            %gather3A_523 = tpu.vector_load_idx %arg15[%add3A_522, %broadcast_in_dim3A_510] : memref<64x256xf32, #tpu.memory_space<vmem>>[vector<16xi32>, vector<16xi32>], vector<16xf32>,
            %add3A_524 = arith.constant 4 : i32
            %add3A_525 = arith.addi %mul3A_348, %add3A_524 : i32
            %swap3A_526 = arith.index_cast %add3A_525 : i32 to index
            %swap3A_527 = arith.constant 16 : index
            %swap3A_528 = tpu.vector_load %arg12[%swap3A_526, %swap3A_527] {strides = array<i32>} : memref<32x64xf32, #tpu.memory_space<vmem>>, vector<16xf32>,
            tpu.vector_store %arg12[%swap3A_526, %swap3A_527], %gather3A_523 {strides = array<i32>} : memref<32x64xf32, #tpu.memory_space<vmem>>, vector<16xf32>,
            %add3A_529 = arith.constant 32 : i32
            %add3A_530 = vector.broadcast %add3A_529 : i32 to vector<16xi32>
            %add3A_531 = arith.addi %iota3A, %add3A_530 : vector<16xi32>
            %gather3A_532 = tpu.vector_load_idx %arg15[%add3A_531, %broadcast_in_dim3A_510] : memref<64x256xf32, #tpu.memory_space<vmem>>[vector<16xi32>, vector<16xi32>], vector<16xf32>,
            %add3A_533 = arith.constant 4 : i32
            %add3A_534 = arith.addi %mul3A_348, %add3A_533 : i32
            %swap3A_535 = arith.index_cast %add3A_534 : i32 to index
            %swap3A_536 = arith.constant 32 : index
            %swap3A_537 = tpu.vector_load %arg12[%swap3A_535, %swap3A_536] {strides = array<i32>} : memref<32x64xf32, #tpu.memory_space<vmem>>, vector<16xf32>,
            tpu.vector_store %arg12[%swap3A_535, %swap3A_536], %gather3A_532 {strides = array<i32>} : memref<32x64xf32, #tpu.memory_space<vmem>>, vector<16xf32>,
            %add3A_538 = arith.constant 48 : i32
            %add3A_539 = vector.broadcast %add3A_538 : i32 to vector<16xi32>
            %add3A_540 = arith.addi %iota3A, %add3A_539 : vector<16xi32>
            %gather3A_541 = tpu.vector_load_idx %arg15[%add3A_540, %broadcast_in_dim3A_510] : memref<64x256xf32, #tpu.memory_space<vmem>>[vector<16xi32>, vector<16xi32>], vector<16xf32>,
            %add3A_542 = arith.constant 4 : i32
            %add3A_543 = arith.addi %mul3A_348, %add3A_542 : i32
            %swap3A_544 = arith.index_cast %add3A_543 : i32 to index
            %swap3A_545 = arith.constant 48 : index
            %swap3A_546 = tpu.vector_load %arg12[%swap3A_544, %swap3A_545] {strides = array<i32>} : memref<32x64xf32, #tpu.memory_space<vmem>>, vector<16xf32>,
            tpu.vector_store %arg12[%swap3A_544, %swap3A_545], %gather3A_541 {strides = array<i32>} : memref<32x64xf32, #tpu.memory_space<vmem>>, vector<16xf32>,
            %slice3A_547 = vector.extract_strided_slice %select_n3A_326 {offsets = [5], sizes = [1], strides = [1]} : vector<16xi32> to vector<1xi32>
            %squeeze3A_548 = vector.extract %slice3A_547[0] : i32 from vector<1xi32>
            %broadcast_in_dim3A_549 = vector.broadcast %squeeze3A_548 : i32 to vector<16xi32>
            %add3A_550 = arith.constant 0 : i32
            %add3A_551 = vector.broadcast %add3A_550 : i32 to vector<16xi32>
            %add3A_552 = arith.addi %iota3A, %add3A_551 : vector<16xi32>
            %gather3A_553 = tpu.vector_load_idx %arg15[%add3A_552, %broadcast_in_dim3A_549] : memref<64x256xf32, #tpu.memory_space<vmem>>[vector<16xi32>, vector<16xi32>], vector<16xf32>,
            %add3A_554 = arith.constant 5 : i32
            %add3A_555 = arith.addi %mul3A_348, %add3A_554 : i32
            %swap3A_556 = arith.index_cast %add3A_555 : i32 to index
            %swap3A_557 = arith.constant 0 : index
            %swap3A_558 = tpu.vector_load %arg12[%swap3A_556, %swap3A_557] {strides = array<i32>} : memref<32x64xf32, #tpu.memory_space<vmem>>, vector<16xf32>,
            tpu.vector_store %arg12[%swap3A_556, %swap3A_557], %gather3A_553 {strides = array<i32>} : memref<32x64xf32, #tpu.memory_space<vmem>>, vector<16xf32>,
            %add3A_559 = arith.constant 16 : i32
            %add3A_560 = vector.broadcast %add3A_559 : i32 to vector<16xi32>
            %add3A_561 = arith.addi %iota3A, %add3A_560 : vector<16xi32>
            %gather3A_562 = tpu.vector_load_idx %arg15[%add3A_561, %broadcast_in_dim3A_549] : memref<64x256xf32, #tpu.memory_space<vmem>>[vector<16xi32>, vector<16xi32>], vector<16xf32>,
            %add3A_563 = arith.constant 5 : i32
            %add3A_564 = arith.addi %mul3A_348, %add3A_563 : i32
            %swap3A_565 = arith.index_cast %add3A_564 : i32 to index
            %swap3A_566 = arith.constant 16 : index
            %swap3A_567 = tpu.vector_load %arg12[%swap3A_565, %swap3A_566] {strides = array<i32>} : memref<32x64xf32, #tpu.memory_space<vmem>>, vector<16xf32>,
            tpu.vector_store %arg12[%swap3A_565, %swap3A_566], %gather3A_562 {strides = array<i32>} : memref<32x64xf32, #tpu.memory_space<vmem>>, vector<16xf32>,
            %add3A_568 = arith.constant 32 : i32
            %add3A_569 = vector.broadcast %add3A_568 : i32 to vector<16xi32>
            %add3A_570 = arith.addi %iota3A, %add3A_569 : vector<16xi32>
            %gather3A_571 = tpu.vector_load_idx %arg15[%add3A_570, %broadcast_in_dim3A_549] : memref<64x256xf32, #tpu.memory_space<vmem>>[vector<16xi32>, vector<16xi32>], vector<16xf32>,
            %add3A_572 = arith.constant 5 : i32
            %add3A_573 = arith.addi %mul3A_348, %add3A_572 : i32
            %swap3A_574 = arith.index_cast %add3A_573 : i32 to index
            %swap3A_575 = arith.constant 32 : index
            %swap3A_576 = tpu.vector_load %arg12[%swap3A_574, %swap3A_575] {strides = array<i32>} : memref<32x64xf32, #tpu.memory_space<vmem>>, vector<16xf32>,
            tpu.vector_store %arg12[%swap3A_574, %swap3A_575], %gather3A_571 {strides = array<i32>} : memref<32x64xf32, #tpu.memory_space<vmem>>, vector<16xf32>,
            %add3A_577 = arith.constant 48 : i32
            %add3A_578 = vector.broadcast %add3A_577 : i32 to vector<16xi32>
            %add3A_579 = arith.addi %iota3A, %add3A_578 : vector<16xi32>
            %gather3A_580 = tpu.vector_load_idx %arg15[%add3A_579, %broadcast_in_dim3A_549] : memref<64x256xf32, #tpu.memory_space<vmem>>[vector<16xi32>, vector<16xi32>], vector<16xf32>,
            %add3A_581 = arith.constant 5 : i32
            %add3A_582 = arith.addi %mul3A_348, %add3A_581 : i32
            %swap3A_583 = arith.index_cast %add3A_582 : i32 to index
            %swap3A_584 = arith.constant 48 : index
            %swap3A_585 = tpu.vector_load %arg12[%swap3A_583, %swap3A_584] {strides = array<i32>} : memref<32x64xf32, #tpu.memory_space<vmem>>, vector<16xf32>,
            tpu.vector_store %arg12[%swap3A_583, %swap3A_584], %gather3A_580 {strides = array<i32>} : memref<32x64xf32, #tpu.memory_space<vmem>>, vector<16xf32>,
            %slice3A_586 = vector.extract_strided_slice %select_n3A_326 {offsets = [6], sizes = [1], strides = [1]} : vector<16xi32> to vector<1xi32>
            %squeeze3A_587 = vector.extract %slice3A_586[0] : i32 from vector<1xi32>
            %broadcast_in_dim3A_588 = vector.broadcast %squeeze3A_587 : i32 to vector<16xi32>
            %add3A_589 = arith.constant 0 : i32
            %add3A_590 = vector.broadcast %add3A_589 : i32 to vector<16xi32>
            %add3A_591 = arith.addi %iota3A, %add3A_590 : vector<16xi32>
            %gather3A_592 = tpu.vector_load_idx %arg15[%add3A_591, %broadcast_in_dim3A_588] : memref<64x256xf32, #tpu.memory_space<vmem>>[vector<16xi32>, vector<16xi32>], vector<16xf32>,
            %add3A_593 = arith.constant 6 : i32
            %add3A_594 = arith.addi %mul3A_348, %add3A_593 : i32
            %swap3A_595 = arith.index_cast %add3A_594 : i32 to index
            %swap3A_596 = arith.constant 0 : index
            %swap3A_597 = tpu.vector_load %arg12[%swap3A_595, %swap3A_596] {strides = array<i32>} : memref<32x64xf32, #tpu.memory_space<vmem>>, vector<16xf32>,
            tpu.vector_store %arg12[%swap3A_595, %swap3A_596], %gather3A_592 {strides = array<i32>} : memref<32x64xf32, #tpu.memory_space<vmem>>, vector<16xf32>,
            %add3A_598 = arith.constant 16 : i32
            %add3A_599 = vector.broadcast %add3A_598 : i32 to vector<16xi32>
            %add3A_600 = arith.addi %iota3A, %add3A_599 : vector<16xi32>
            %gather3A_601 = tpu.vector_load_idx %arg15[%add3A_600, %broadcast_in_dim3A_588] : memref<64x256xf32, #tpu.memory_space<vmem>>[vector<16xi32>, vector<16xi32>], vector<16xf32>,
            %add3A_602 = arith.constant 6 : i32
            %add3A_603 = arith.addi %mul3A_348, %add3A_602 : i32
            %swap3A_604 = arith.index_cast %add3A_603 : i32 to index
            %swap3A_605 = arith.constant 16 : index
            %swap3A_606 = tpu.vector_load %arg12[%swap3A_604, %swap3A_605] {strides = array<i32>} : memref<32x64xf32, #tpu.memory_space<vmem>>, vector<16xf32>,
            tpu.vector_store %arg12[%swap3A_604, %swap3A_605], %gather3A_601 {strides = array<i32>} : memref<32x64xf32, #tpu.memory_space<vmem>>, vector<16xf32>,
            %add3A_607 = arith.constant 32 : i32
            %add3A_608 = vector.broadcast %add3A_607 : i32 to vector<16xi32>
            %add3A_609 = arith.addi %iota3A, %add3A_608 : vector<16xi32>
            %gather3A_610 = tpu.vector_load_idx %arg15[%add3A_609, %broadcast_in_dim3A_588] : memref<64x256xf32, #tpu.memory_space<vmem>>[vector<16xi32>, vector<16xi32>], vector<16xf32>,
            %add3A_611 = arith.constant 6 : i32
            %add3A_612 = arith.addi %mul3A_348, %add3A_611 : i32
            %swap3A_613 = arith.index_cast %add3A_612 : i32 to index
            %swap3A_614 = arith.constant 32 : index
            %swap3A_615 = tpu.vector_load %arg12[%swap3A_613, %swap3A_614] {strides = array<i32>} : memref<32x64xf32, #tpu.memory_space<vmem>>, vector<16xf32>,
            tpu.vector_store %arg12[%swap3A_613, %swap3A_614], %gather3A_610 {strides = array<i32>} : memref<32x64xf32, #tpu.memory_space<vmem>>, vector<16xf32>,
            %add3A_616 = arith.constant 48 : i32
            %add3A_617 = vector.broadcast %add3A_616 : i32 to vector<16xi32>
            %add3A_618 = arith.addi %iota3A, %add3A_617 : vector<16xi32>
            %gather3A_619 = tpu.vector_load_idx %arg15[%add3A_618, %broadcast_in_dim3A_588] : memref<64x256xf32, #tpu.memory_space<vmem>>[vector<16xi32>, vector<16xi32>], vector<16xf32>,
            %add3A_620 = arith.constant 6 : i32
            %add3A_621 = arith.addi %mul3A_348, %add3A_620 : i32
            %swap3A_622 = arith.index_cast %add3A_621 : i32 to index
            %swap3A_623 = arith.constant 48 : index
            %swap3A_624 = tpu.vector_load %arg12[%swap3A_622, %swap3A_623] {strides = array<i32>} : memref<32x64xf32, #tpu.memory_space<vmem>>, vector<16xf32>,
            tpu.vector_store %arg12[%swap3A_622, %swap3A_623], %gather3A_619 {strides = array<i32>} : memref<32x64xf32, #tpu.memory_space<vmem>>, vector<16xf32>,
            %slice3A_625 = vector.extract_strided_slice %select_n3A_326 {offsets = [7], sizes = [1], strides = [1]} : vector<16xi32> to vector<1xi32>
            %squeeze3A_626 = vector.extract %slice3A_625[0] : i32 from vector<1xi32>
            %broadcast_in_dim3A_627 = vector.broadcast %squeeze3A_626 : i32 to vector<16xi32>
            %add3A_628 = arith.constant 0 : i32
            %add3A_629 = vector.broadcast %add3A_628 : i32 to vector<16xi32>
            %add3A_630 = arith.addi %iota3A, %add3A_629 : vector<16xi32>
            %gather3A_631 = tpu.vector_load_idx %arg15[%add3A_630, %broadcast_in_dim3A_627] : memref<64x256xf32, #tpu.memory_space<vmem>>[vector<16xi32>, vector<16xi32>], vector<16xf32>,
            %add3A_632 = arith.constant 7 : i32
            %add3A_633 = arith.addi %mul3A_348, %add3A_632 : i32
            %swap3A_634 = arith.index_cast %add3A_633 : i32 to index
            %swap3A_635 = arith.constant 0 : index
            %swap3A_636 = tpu.vector_load %arg12[%swap3A_634, %swap3A_635] {strides = array<i32>} : memref<32x64xf32, #tpu.memory_space<vmem>>, vector<16xf32>,
            tpu.vector_store %arg12[%swap3A_634, %swap3A_635], %gather3A_631 {strides = array<i32>} : memref<32x64xf32, #tpu.memory_space<vmem>>, vector<16xf32>,
            %add3A_637 = arith.constant 16 : i32
            %add3A_638 = vector.broadcast %add3A_637 : i32 to vector<16xi32>
            %add3A_639 = arith.addi %iota3A, %add3A_638 : vector<16xi32>
            %gather3A_640 = tpu.vector_load_idx %arg15[%add3A_639, %broadcast_in_dim3A_627] : memref<64x256xf32, #tpu.memory_space<vmem>>[vector<16xi32>, vector<16xi32>], vector<16xf32>,
            %add3A_641 = arith.constant 7 : i32
            %add3A_642 = arith.addi %mul3A_348, %add3A_641 : i32
            %swap3A_643 = arith.index_cast %add3A_642 : i32 to index
            %swap3A_644 = arith.constant 16 : index
            %swap3A_645 = tpu.vector_load %arg12[%swap3A_643, %swap3A_644] {strides = array<i32>} : memref<32x64xf32, #tpu.memory_space<vmem>>, vector<16xf32>,
            tpu.vector_store %arg12[%swap3A_643, %swap3A_644], %gather3A_640 {strides = array<i32>} : memref<32x64xf32, #tpu.memory_space<vmem>>, vector<16xf32>,
            %add3A_646 = arith.constant 32 : i32
            %add3A_647 = vector.broadcast %add3A_646 : i32 to vector<16xi32>
            %add3A_648 = arith.addi %iota3A, %add3A_647 : vector<16xi32>
            %gather3A_649 = tpu.vector_load_idx %arg15[%add3A_648, %broadcast_in_dim3A_627] : memref<64x256xf32, #tpu.memory_space<vmem>>[vector<16xi32>, vector<16xi32>], vector<16xf32>,
            %add3A_650 = arith.constant 7 : i32
            %add3A_651 = arith.addi %mul3A_348, %add3A_650 : i32
            %swap3A_652 = arith.index_cast %add3A_651 : i32 to index
            %swap3A_653 = arith.constant 32 : index
            %swap3A_654 = tpu.vector_load %arg12[%swap3A_652, %swap3A_653] {strides = array<i32>} : memref<32x64xf32, #tpu.memory_space<vmem>>, vector<16xf32>,
            tpu.vector_store %arg12[%swap3A_652, %swap3A_653], %gather3A_649 {strides = array<i32>} : memref<32x64xf32, #tpu.memory_space<vmem>>, vector<16xf32>,
            %add3A_655 = arith.constant 48 : i32
            %add3A_656 = vector.broadcast %add3A_655 : i32 to vector<16xi32>
            %add3A_657 = arith.addi %iota3A, %add3A_656 : vector<16xi32>
            %gather3A_658 = tpu.vector_load_idx %arg15[%add3A_657, %broadcast_in_dim3A_627] : memref<64x256xf32, #tpu.memory_space<vmem>>[vector<16xi32>, vector<16xi32>], vector<16xf32>,
            %add3A_659 = arith.constant 7 : i32
            %add3A_660 = arith.addi %mul3A_348, %add3A_659 : i32
            %swap3A_661 = arith.index_cast %add3A_660 : i32 to index
            %swap3A_662 = arith.constant 48 : index
            %swap3A_663 = tpu.vector_load %arg12[%swap3A_661, %swap3A_662] {strides = array<i32>} : memref<32x64xf32, #tpu.memory_space<vmem>>, vector<16xf32>,
            tpu.vector_store %arg12[%swap3A_661, %swap3A_662], %gather3A_658 {strides = array<i32>} : memref<32x64xf32, #tpu.memory_space<vmem>>, vector<16xf32>,
            %slice3A_664 = vector.extract_strided_slice %select_n3A_326 {offsets = [8], sizes = [1], strides = [1]} : vector<16xi32> to vector<1xi32>
            %squeeze3A_665 = vector.extract %slice3A_664[0] : i32 from vector<1xi32>
            %broadcast_in_dim3A_666 = vector.broadcast %squeeze3A_665 : i32 to vector<16xi32>
            %add3A_667 = arith.constant 0 : i32
            %add3A_668 = vector.broadcast %add3A_667 : i32 to vector<16xi32>
            %add3A_669 = arith.addi %iota3A, %add3A_668 : vector<16xi32>
            %gather3A_670 = tpu.vector_load_idx %arg15[%add3A_669, %broadcast_in_dim3A_666] : memref<64x256xf32, #tpu.memory_space<vmem>>[vector<16xi32>, vector<16xi32>], vector<16xf32>,
            %add3A_671 = arith.constant 8 : i32
            %add3A_672 = arith.addi %mul3A_348, %add3A_671 : i32
            %swap3A_673 = arith.index_cast %add3A_672 : i32 to index
            %swap3A_674 = arith.constant 0 : index
            %swap3A_675 = tpu.vector_load %arg12[%swap3A_673, %swap3A_674] {strides = array<i32>} : memref<32x64xf32, #tpu.memory_space<vmem>>, vector<16xf32>,
            tpu.vector_store %arg12[%swap3A_673, %swap3A_674], %gather3A_670 {strides = array<i32>} : memref<32x64xf32, #tpu.memory_space<vmem>>, vector<16xf32>,
            %add3A_676 = arith.constant 16 : i32
            %add3A_677 = vector.broadcast %add3A_676 : i32 to vector<16xi32>
            %add3A_678 = arith.addi %iota3A, %add3A_677 : vector<16xi32>
            %gather3A_679 = tpu.vector_load_idx %arg15[%add3A_678, %broadcast_in_dim3A_666] : memref<64x256xf32, #tpu.memory_space<vmem>>[vector<16xi32>, vector<16xi32>], vector<16xf32>,
            %add3A_680 = arith.constant 8 : i32
            %add3A_681 = arith.addi %mul3A_348, %add3A_680 : i32
            %swap3A_682 = arith.index_cast %add3A_681 : i32 to index
            %swap3A_683 = arith.constant 16 : index
            %swap3A_684 = tpu.vector_load %arg12[%swap3A_682, %swap3A_683] {strides = array<i32>} : memref<32x64xf32, #tpu.memory_space<vmem>>, vector<16xf32>,
            tpu.vector_store %arg12[%swap3A_682, %swap3A_683], %gather3A_679 {strides = array<i32>} : memref<32x64xf32, #tpu.memory_space<vmem>>, vector<16xf32>,
            %add3A_685 = arith.constant 32 : i32
            %add3A_686 = vector.broadcast %add3A_685 : i32 to vector<16xi32>
            %add3A_687 = arith.addi %iota3A, %add3A_686 : vector<16xi32>
            %gather3A_688 = tpu.vector_load_idx %arg15[%add3A_687, %broadcast_in_dim3A_666] : memref<64x256xf32, #tpu.memory_space<vmem>>[vector<16xi32>, vector<16xi32>], vector<16xf32>,
            %add3A_689 = arith.constant 8 : i32
            %add3A_690 = arith.addi %mul3A_348, %add3A_689 : i32
            %swap3A_691 = arith.index_cast %add3A_690 : i32 to index
            %swap3A_692 = arith.constant 32 : index
            %swap3A_693 = tpu.vector_load %arg12[%swap3A_691, %swap3A_692] {strides = array<i32>} : memref<32x64xf32, #tpu.memory_space<vmem>>, vector<16xf32>,
            tpu.vector_store %arg12[%swap3A_691, %swap3A_692], %gather3A_688 {strides = array<i32>} : memref<32x64xf32, #tpu.memory_space<vmem>>, vector<16xf32>,
            %add3A_694 = arith.constant 48 : i32
            %add3A_695 = vector.broadcast %add3A_694 : i32 to vector<16xi32>
            %add3A_696 = arith.addi %iota3A, %add3A_695 : vector<16xi32>
            %gather3A_697 = tpu.vector_load_idx %arg15[%add3A_696, %broadcast_in_dim3A_666] : memref<64x256xf32, #tpu.memory_space<vmem>>[vector<16xi32>, vector<16xi32>], vector<16xf32>,
            %add3A_698 = arith.constant 8 : i32
            %add3A_699 = arith.addi %mul3A_348, %add3A_698 : i32
            %swap3A_700 = arith.index_cast %add3A_699 : i32 to index
            %swap3A_701 = arith.constant 48 : index
            %swap3A_702 = tpu.vector_load %arg12[%swap3A_700, %swap3A_701] {strides = array<i32>} : memref<32x64xf32, #tpu.memory_space<vmem>>, vector<16xf32>,
            tpu.vector_store %arg12[%swap3A_700, %swap3A_701], %gather3A_697 {strides = array<i32>} : memref<32x64xf32, #tpu.memory_space<vmem>>, vector<16xf32>,
            %slice3A_703 = vector.extract_strided_slice %select_n3A_326 {offsets = [9], sizes = [1], strides = [1]} : vector<16xi32> to vector<1xi32>
            %squeeze3A_704 = vector.extract %slice3A_703[0] : i32 from vector<1xi32>
            %broadcast_in_dim3A_705 = vector.broadcast %squeeze3A_704 : i32 to vector<16xi32>
            %add3A_706 = arith.constant 0 : i32
            %add3A_707 = vector.broadcast %add3A_706 : i32 to vector<16xi32>
            %add3A_708 = arith.addi %iota3A, %add3A_707 : vector<16xi32>
            %gather3A_709 = tpu.vector_load_idx %arg15[%add3A_708, %broadcast_in_dim3A_705] : memref<64x256xf32, #tpu.memory_space<vmem>>[vector<16xi32>, vector<16xi32>], vector<16xf32>,
            %add3A_710 = arith.constant 9 : i32
            %add3A_711 = arith.addi %mul3A_348, %add3A_710 : i32
            %swap3A_712 = arith.index_cast %add3A_711 : i32 to index
            %swap3A_713 = arith.constant 0 : index
            %swap3A_714 = tpu.vector_load %arg12[%swap3A_712, %swap3A_713] {strides = array<i32>} : memref<32x64xf32, #tpu.memory_space<vmem>>, vector<16xf32>,
            tpu.vector_store %arg12[%swap3A_712, %swap3A_713], %gather3A_709 {strides = array<i32>} : memref<32x64xf32, #tpu.memory_space<vmem>>, vector<16xf32>,
            %add3A_715 = arith.constant 16 : i32
            %add3A_716 = vector.broadcast %add3A_715 : i32 to vector<16xi32>
            %add3A_717 = arith.addi %iota3A, %add3A_716 : vector<16xi32>
            %gather3A_718 = tpu.vector_load_idx %arg15[%add3A_717, %broadcast_in_dim3A_705] : memref<64x256xf32, #tpu.memory_space<vmem>>[vector<16xi32>, vector<16xi32>], vector<16xf32>,
            %add3A_719 = arith.constant 9 : i32
            %add3A_720 = arith.addi %mul3A_348, %add3A_719 : i32
            %swap3A_721 = arith.index_cast %add3A_720 : i32 to index
            %swap3A_722 = arith.constant 16 : index
            %swap3A_723 = tpu.vector_load %arg12[%swap3A_721, %swap3A_722] {strides = array<i32>} : memref<32x64xf32, #tpu.memory_space<vmem>>, vector<16xf32>,
            tpu.vector_store %arg12[%swap3A_721, %swap3A_722], %gather3A_718 {strides = array<i32>} : memref<32x64xf32, #tpu.memory_space<vmem>>, vector<16xf32>,
            %add3A_724 = arith.constant 32 : i32
            %add3A_725 = vector.broadcast %add3A_724 : i32 to vector<16xi32>
            %add3A_726 = arith.addi %iota3A, %add3A_725 : vector<16xi32>
            %gather3A_727 = tpu.vector_load_idx %arg15[%add3A_726, %broadcast_in_dim3A_705] : memref<64x256xf32, #tpu.memory_space<vmem>>[vector<16xi32>, vector<16xi32>], vector<16xf32>,
            %add3A_728 = arith.constant 9 : i32
            %add3A_729 = arith.addi %mul3A_348, %add3A_728 : i32
            %swap3A_730 = arith.index_cast %add3A_729 : i32 to index
            %swap3A_731 = arith.constant 32 : index
            %swap3A_732 = tpu.vector_load %arg12[%swap3A_730, %swap3A_731] {strides = array<i32>} : memref<32x64xf32, #tpu.memory_space<vmem>>, vector<16xf32>,
            tpu.vector_store %arg12[%swap3A_730, %swap3A_731], %gather3A_727 {strides = array<i32>} : memref<32x64xf32, #tpu.memory_space<vmem>>, vector<16xf32>,
            %add3A_733 = arith.constant 48 : i32
            %add3A_734 = vector.broadcast %add3A_733 : i32 to vector<16xi32>
            %add3A_735 = arith.addi %iota3A, %add3A_734 : vector<16xi32>
            %gather3A_736 = tpu.vector_load_idx %arg15[%add3A_735, %broadcast_in_dim3A_705] : memref<64x256xf32, #tpu.memory_space<vmem>>[vector<16xi32>, vector<16xi32>], vector<16xf32>,
            %add3A_737 = arith.constant 9 : i32
            %add3A_738 = arith.addi %mul3A_348, %add3A_737 : i32
            %swap3A_739 = arith.index_cast %add3A_738 : i32 to index
            %swap3A_740 = arith.constant 48 : index
            %swap3A_741 = tpu.vector_load %arg12[%swap3A_739, %swap3A_740] {strides = array<i32>} : memref<32x64xf32, #tpu.memory_space<vmem>>, vector<16xf32>,
            tpu.vector_store %arg12[%swap3A_739, %swap3A_740], %gather3A_736 {strides = array<i32>} : memref<32x64xf32, #tpu.memory_space<vmem>>, vector<16xf32>,
            %slice3A_742 = vector.extract_strided_slice %select_n3A_326 {offsets = [10], sizes = [1], strides = [1]} : vector<16xi32> to vector<1xi32>
            %squeeze3A_743 = vector.extract %slice3A_742[0] : i32 from vector<1xi32>
            %broadcast_in_dim3A_744 = vector.broadcast %squeeze3A_743 : i32 to vector<16xi32>
            %add3A_745 = arith.constant 0 : i32
            %add3A_746 = vector.broadcast %add3A_745 : i32 to vector<16xi32>
            %add3A_747 = arith.addi %iota3A, %add3A_746 : vector<16xi32>
            %gather3A_748 = tpu.vector_load_idx %arg15[%add3A_747, %broadcast_in_dim3A_744] : memref<64x256xf32, #tpu.memory_space<vmem>>[vector<16xi32>, vector<16xi32>], vector<16xf32>,
            %add3A_749 = arith.constant 10 : i32
            %add3A_750 = arith.addi %mul3A_348, %add3A_749 : i32
            %swap3A_751 = arith.index_cast %add3A_750 : i32 to index
            %swap3A_752 = arith.constant 0 : index
            %swap3A_753 = tpu.vector_load %arg12[%swap3A_751, %swap3A_752] {strides = array<i32>} : memref<32x64xf32, #tpu.memory_space<vmem>>, vector<16xf32>,
            tpu.vector_store %arg12[%swap3A_751, %swap3A_752], %gather3A_748 {strides = array<i32>} : memref<32x64xf32, #tpu.memory_space<vmem>>, vector<16xf32>,
            %add3A_754 = arith.constant 16 : i32
            %add3A_755 = vector.broadcast %add3A_754 : i32 to vector<16xi32>
            %add3A_756 = arith.addi %iota3A, %add3A_755 : vector<16xi32>
            %gather3A_757 = tpu.vector_load_idx %arg15[%add3A_756, %broadcast_in_dim3A_744] : memref<64x256xf32, #tpu.memory_space<vmem>>[vector<16xi32>, vector<16xi32>], vector<16xf32>,
            %add3A_758 = arith.constant 10 : i32
            %add3A_759 = arith.addi %mul3A_348, %add3A_758 : i32
            %swap3A_760 = arith.index_cast %add3A_759 : i32 to index
            %swap3A_761 = arith.constant 16 : index
            %swap3A_762 = tpu.vector_load %arg12[%swap3A_760, %swap3A_761] {strides = array<i32>} : memref<32x64xf32, #tpu.memory_space<vmem>>, vector<16xf32>,
            tpu.vector_store %arg12[%swap3A_760, %swap3A_761], %gather3A_757 {strides = array<i32>} : memref<32x64xf32, #tpu.memory_space<vmem>>, vector<16xf32>,
            %add3A_763 = arith.constant 32 : i32
            %add3A_764 = vector.broadcast %add3A_763 : i32 to vector<16xi32>
            %add3A_765 = arith.addi %iota3A, %add3A_764 : vector<16xi32>
            %gather3A_766 = tpu.vector_load_idx %arg15[%add3A_765, %broadcast_in_dim3A_744] : memref<64x256xf32, #tpu.memory_space<vmem>>[vector<16xi32>, vector<16xi32>], vector<16xf32>,
            %add3A_767 = arith.constant 10 : i32
            %add3A_768 = arith.addi %mul3A_348, %add3A_767 : i32
            %swap3A_769 = arith.index_cast %add3A_768 : i32 to index
            %swap3A_770 = arith.constant 32 : index
            %swap3A_771 = tpu.vector_load %arg12[%swap3A_769, %swap3A_770] {strides = array<i32>} : memref<32x64xf32, #tpu.memory_space<vmem>>, vector<16xf32>,
            tpu.vector_store %arg12[%swap3A_769, %swap3A_770], %gather3A_766 {strides = array<i32>} : memref<32x64xf32, #tpu.memory_space<vmem>>, vector<16xf32>,
            %add3A_772 = arith.constant 48 : i32
            %add3A_773 = vector.broadcast %add3A_772 : i32 to vector<16xi32>
            %add3A_774 = arith.addi %iota3A, %add3A_773 : vector<16xi32>
            %gather3A_775 = tpu.vector_load_idx %arg15[%add3A_774, %broadcast_in_dim3A_744] : memref<64x256xf32, #tpu.memory_space<vmem>>[vector<16xi32>, vector<16xi32>], vector<16xf32>,
            %add3A_776 = arith.constant 10 : i32
            %add3A_777 = arith.addi %mul3A_348, %add3A_776 : i32
            %swap3A_778 = arith.index_cast %add3A_777 : i32 to index
            %swap3A_779 = arith.constant 48 : index
            %swap3A_780 = tpu.vector_load %arg12[%swap3A_778, %swap3A_779] {strides = array<i32>} : memref<32x64xf32, #tpu.memory_space<vmem>>, vector<16xf32>,
            tpu.vector_store %arg12[%swap3A_778, %swap3A_779], %gather3A_775 {strides = array<i32>} : memref<32x64xf32, #tpu.memory_space<vmem>>, vector<16xf32>,
            %slice3A_781 = vector.extract_strided_slice %select_n3A_326 {offsets = [11], sizes = [1], strides = [1]} : vector<16xi32> to vector<1xi32>
            %squeeze3A_782 = vector.extract %slice3A_781[0] : i32 from vector<1xi32>
            %broadcast_in_dim3A_783 = vector.broadcast %squeeze3A_782 : i32 to vector<16xi32>
            %add3A_784 = arith.constant 0 : i32
            %add3A_785 = vector.broadcast %add3A_784 : i32 to vector<16xi32>
            %add3A_786 = arith.addi %iota3A, %add3A_785 : vector<16xi32>
            %gather3A_787 = tpu.vector_load_idx %arg15[%add3A_786, %broadcast_in_dim3A_783] : memref<64x256xf32, #tpu.memory_space<vmem>>[vector<16xi32>, vector<16xi32>], vector<16xf32>,
            %add3A_788 = arith.constant 11 : i32
            %add3A_789 = arith.addi %mul3A_348, %add3A_788 : i32
            %swap3A_790 = arith.index_cast %add3A_789 : i32 to index
            %swap3A_791 = arith.constant 0 : index
            %swap3A_792 = tpu.vector_load %arg12[%swap3A_790, %swap3A_791] {strides = array<i32>} : memref<32x64xf32, #tpu.memory_space<vmem>>, vector<16xf32>,
            tpu.vector_store %arg12[%swap3A_790, %swap3A_791], %gather3A_787 {strides = array<i32>} : memref<32x64xf32, #tpu.memory_space<vmem>>, vector<16xf32>,
            %add3A_793 = arith.constant 16 : i32
            %add3A_794 = vector.broadcast %add3A_793 : i32 to vector<16xi32>
            %add3A_795 = arith.addi %iota3A, %add3A_794 : vector<16xi32>
            %gather3A_796 = tpu.vector_load_idx %arg15[%add3A_795, %broadcast_in_dim3A_783] : memref<64x256xf32, #tpu.memory_space<vmem>>[vector<16xi32>, vector<16xi32>], vector<16xf32>,
            %add3A_797 = arith.constant 11 : i32
            %add3A_798 = arith.addi %mul3A_348, %add3A_797 : i32
            %swap3A_799 = arith.index_cast %add3A_798 : i32 to index
            %swap3A_800 = arith.constant 16 : index
            %swap3A_801 = tpu.vector_load %arg12[%swap3A_799, %swap3A_800] {strides = array<i32>} : memref<32x64xf32, #tpu.memory_space<vmem>>, vector<16xf32>,
            tpu.vector_store %arg12[%swap3A_799, %swap3A_800], %gather3A_796 {strides = array<i32>} : memref<32x64xf32, #tpu.memory_space<vmem>>, vector<16xf32>,
            %add3A_802 = arith.constant 32 : i32
            %add3A_803 = vector.broadcast %add3A_802 : i32 to vector<16xi32>
            %add3A_804 = arith.addi %iota3A, %add3A_803 : vector<16xi32>
            %gather3A_805 = tpu.vector_load_idx %arg15[%add3A_804, %broadcast_in_dim3A_783] : memref<64x256xf32, #tpu.memory_space<vmem>>[vector<16xi32>, vector<16xi32>], vector<16xf32>,
            %add3A_806 = arith.constant 11 : i32
            %add3A_807 = arith.addi %mul3A_348, %add3A_806 : i32
            %swap3A_808 = arith.index_cast %add3A_807 : i32 to index
            %swap3A_809 = arith.constant 32 : index
            %swap3A_810 = tpu.vector_load %arg12[%swap3A_808, %swap3A_809] {strides = array<i32>} : memref<32x64xf32, #tpu.memory_space<vmem>>, vector<16xf32>,
            tpu.vector_store %arg12[%swap3A_808, %swap3A_809], %gather3A_805 {strides = array<i32>} : memref<32x64xf32, #tpu.memory_space<vmem>>, vector<16xf32>,
            %add3A_811 = arith.constant 48 : i32
            %add3A_812 = vector.broadcast %add3A_811 : i32 to vector<16xi32>
            %add3A_813 = arith.addi %iota3A, %add3A_812 : vector<16xi32>
            %gather3A_814 = tpu.vector_load_idx %arg15[%add3A_813, %broadcast_in_dim3A_783] : memref<64x256xf32, #tpu.memory_space<vmem>>[vector<16xi32>, vector<16xi32>], vector<16xf32>,
            %add3A_815 = arith.constant 11 : i32
            %add3A_816 = arith.addi %mul3A_348, %add3A_815 : i32
            %swap3A_817 = arith.index_cast %add3A_816 : i32 to index
            %swap3A_818 = arith.constant 48 : index
            %swap3A_819 = tpu.vector_load %arg12[%swap3A_817, %swap3A_818] {strides = array<i32>} : memref<32x64xf32, #tpu.memory_space<vmem>>, vector<16xf32>,
            tpu.vector_store %arg12[%swap3A_817, %swap3A_818], %gather3A_814 {strides = array<i32>} : memref<32x64xf32, #tpu.memory_space<vmem>>, vector<16xf32>,
            %slice3A_820 = vector.extract_strided_slice %select_n3A_326 {offsets = [12], sizes = [1], strides = [1]} : vector<16xi32> to vector<1xi32>
            %squeeze3A_821 = vector.extract %slice3A_820[0] : i32 from vector<1xi32>
            %broadcast_in_dim3A_822 = vector.broadcast %squeeze3A_821 : i32 to vector<16xi32>
            %add3A_823 = arith.constant 0 : i32
            %add3A_824 = vector.broadcast %add3A_823 : i32 to vector<16xi32>
            %add3A_825 = arith.addi %iota3A, %add3A_824 : vector<16xi32>
            %gather3A_826 = tpu.vector_load_idx %arg15[%add3A_825, %broadcast_in_dim3A_822] : memref<64x256xf32, #tpu.memory_space<vmem>>[vector<16xi32>, vector<16xi32>], vector<16xf32>,
            %add3A_827 = arith.constant 12 : i32
            %add3A_828 = arith.addi %mul3A_348, %add3A_827 : i32
            %swap3A_829 = arith.index_cast %add3A_828 : i32 to index
            %swap3A_830 = arith.constant 0 : index
            %swap3A_831 = tpu.vector_load %arg12[%swap3A_829, %swap3A_830] {strides = array<i32>} : memref<32x64xf32, #tpu.memory_space<vmem>>, vector<16xf32>,
            tpu.vector_store %arg12[%swap3A_829, %swap3A_830], %gather3A_826 {strides = array<i32>} : memref<32x64xf32, #tpu.memory_space<vmem>>, vector<16xf32>,
            %add3A_832 = arith.constant 16 : i32
            %add3A_833 = vector.broadcast %add3A_832 : i32 to vector<16xi32>
            %add3A_834 = arith.addi %iota3A, %add3A_833 : vector<16xi32>
            %gather3A_835 = tpu.vector_load_idx %arg15[%add3A_834, %broadcast_in_dim3A_822] : memref<64x256xf32, #tpu.memory_space<vmem>>[vector<16xi32>, vector<16xi32>], vector<16xf32>,
            %add3A_836 = arith.constant 12 : i32
            %add3A_837 = arith.addi %mul3A_348, %add3A_836 : i32
            %swap3A_838 = arith.index_cast %add3A_837 : i32 to index
            %swap3A_839 = arith.constant 16 : index
            %swap3A_840 = tpu.vector_load %arg12[%swap3A_838, %swap3A_839] {strides = array<i32>} : memref<32x64xf32, #tpu.memory_space<vmem>>, vector<16xf32>,
            tpu.vector_store %arg12[%swap3A_838, %swap3A_839], %gather3A_835 {strides = array<i32>} : memref<32x64xf32, #tpu.memory_space<vmem>>, vector<16xf32>,
            %add3A_841 = arith.constant 32 : i32
            %add3A_842 = vector.broadcast %add3A_841 : i32 to vector<16xi32>
            %add3A_843 = arith.addi %iota3A, %add3A_842 : vector<16xi32>
            %gather3A_844 = tpu.vector_load_idx %arg15[%add3A_843, %broadcast_in_dim3A_822] : memref<64x256xf32, #tpu.memory_space<vmem>>[vector<16xi32>, vector<16xi32>], vector<16xf32>,
            %add3A_845 = arith.constant 12 : i32
            %add3A_846 = arith.addi %mul3A_348, %add3A_845 : i32
            %swap3A_847 = arith.index_cast %add3A_846 : i32 to index
            %swap3A_848 = arith.constant 32 : index
            %swap3A_849 = tpu.vector_load %arg12[%swap3A_847, %swap3A_848] {strides = array<i32>} : memref<32x64xf32, #tpu.memory_space<vmem>>, vector<16xf32>,
            tpu.vector_store %arg12[%swap3A_847, %swap3A_848], %gather3A_844 {strides = array<i32>} : memref<32x64xf32, #tpu.memory_space<vmem>>, vector<16xf32>,
            %add3A_850 = arith.constant 48 : i32
            %add3A_851 = vector.broadcast %add3A_850 : i32 to vector<16xi32>
            %add3A_852 = arith.addi %iota3A, %add3A_851 : vector<16xi32>
            %gather3A_853 = tpu.vector_load_idx %arg15[%add3A_852, %broadcast_in_dim3A_822] : memref<64x256xf32, #tpu.memory_space<vmem>>[vector<16xi32>, vector<16xi32>], vector<16xf32>,
            %add3A_854 = arith.constant 12 : i32
            %add3A_855 = arith.addi %mul3A_348, %add3A_854 : i32
            %swap3A_856 = arith.index_cast %add3A_855 : i32 to index
            %swap3A_857 = arith.constant 48 : index
            %swap3A_858 = tpu.vector_load %arg12[%swap3A_856, %swap3A_857] {strides = array<i32>} : memref<32x64xf32, #tpu.memory_space<vmem>>, vector<16xf32>,
            tpu.vector_store %arg12[%swap3A_856, %swap3A_857], %gather3A_853 {strides = array<i32>} : memref<32x64xf32, #tpu.memory_space<vmem>>, vector<16xf32>,
            %slice3A_859 = vector.extract_strided_slice %select_n3A_326 {offsets = [13], sizes = [1], strides = [1]} : vector<16xi32> to vector<1xi32>
            %squeeze3A_860 = vector.extract %slice3A_859[0] : i32 from vector<1xi32>
            %broadcast_in_dim3A_861 = vector.broadcast %squeeze3A_860 : i32 to vector<16xi32>
            %add3A_862 = arith.constant 0 : i32
            %add3A_863 = vector.broadcast %add3A_862 : i32 to vector<16xi32>
            %add3A_864 = arith.addi %iota3A, %add3A_863 : vector<16xi32>
            %gather3A_865 = tpu.vector_load_idx %arg15[%add3A_864, %broadcast_in_dim3A_861] : memref<64x256xf32, #tpu.memory_space<vmem>>[vector<16xi32>, vector<16xi32>], vector<16xf32>,
            %add3A_866 = arith.constant 13 : i32
            %add3A_867 = arith.addi %mul3A_348, %add3A_866 : i32
            %swap3A_868 = arith.index_cast %add3A_867 : i32 to index
            %swap3A_869 = arith.constant 0 : index
            %swap3A_870 = tpu.vector_load %arg12[%swap3A_868, %swap3A_869] {strides = array<i32>} : memref<32x64xf32, #tpu.memory_space<vmem>>, vector<16xf32>,
            tpu.vector_store %arg12[%swap3A_868, %swap3A_869], %gather3A_865 {strides = array<i32>} : memref<32x64xf32, #tpu.memory_space<vmem>>, vector<16xf32>,
            %add3A_871 = arith.constant 16 : i32
            %add3A_872 = vector.broadcast %add3A_871 : i32 to vector<16xi32>
            %add3A_873 = arith.addi %iota3A, %add3A_872 : vector<16xi32>
            %gather3A_874 = tpu.vector_load_idx %arg15[%add3A_873, %broadcast_in_dim3A_861] : memref<64x256xf32, #tpu.memory_space<vmem>>[vector<16xi32>, vector<16xi32>], vector<16xf32>,
            %add3A_875 = arith.constant 13 : i32
            %add3A_876 = arith.addi %mul3A_348, %add3A_875 : i32
            %swap3A_877 = arith.index_cast %add3A_876 : i32 to index
            %swap3A_878 = arith.constant 16 : index
            %swap3A_879 = tpu.vector_load %arg12[%swap3A_877, %swap3A_878] {strides = array<i32>} : memref<32x64xf32, #tpu.memory_space<vmem>>, vector<16xf32>,
            tpu.vector_store %arg12[%swap3A_877, %swap3A_878], %gather3A_874 {strides = array<i32>} : memref<32x64xf32, #tpu.memory_space<vmem>>, vector<16xf32>,
            %add3A_880 = arith.constant 32 : i32
            %add3A_881 = vector.broadcast %add3A_880 : i32 to vector<16xi32>
            %add3A_882 = arith.addi %iota3A, %add3A_881 : vector<16xi32>
            %gather3A_883 = tpu.vector_load_idx %arg15[%add3A_882, %broadcast_in_dim3A_861] : memref<64x256xf32, #tpu.memory_space<vmem>>[vector<16xi32>, vector<16xi32>], vector<16xf32>,
            %add3A_884 = arith.constant 13 : i32
            %add3A_885 = arith.addi %mul3A_348, %add3A_884 : i32
            %swap3A_886 = arith.index_cast %add3A_885 : i32 to index
            %swap3A_887 = arith.constant 32 : index
            %swap3A_888 = tpu.vector_load %arg12[%swap3A_886, %swap3A_887] {strides = array<i32>} : memref<32x64xf32, #tpu.memory_space<vmem>>, vector<16xf32>,
            tpu.vector_store %arg12[%swap3A_886, %swap3A_887], %gather3A_883 {strides = array<i32>} : memref<32x64xf32, #tpu.memory_space<vmem>>, vector<16xf32>,
            %add3A_889 = arith.constant 48 : i32
            %add3A_890 = vector.broadcast %add3A_889 : i32 to vector<16xi32>
            %add3A_891 = arith.addi %iota3A, %add3A_890 : vector<16xi32>
            %gather3A_892 = tpu.vector_load_idx %arg15[%add3A_891, %broadcast_in_dim3A_861] : memref<64x256xf32, #tpu.memory_space<vmem>>[vector<16xi32>, vector<16xi32>], vector<16xf32>,
            %add3A_893 = arith.constant 13 : i32
            %add3A_894 = arith.addi %mul3A_348, %add3A_893 : i32
            %swap3A_895 = arith.index_cast %add3A_894 : i32 to index
            %swap3A_896 = arith.constant 48 : index
            %swap3A_897 = tpu.vector_load %arg12[%swap3A_895, %swap3A_896] {strides = array<i32>} : memref<32x64xf32, #tpu.memory_space<vmem>>, vector<16xf32>,
            tpu.vector_store %arg12[%swap3A_895, %swap3A_896], %gather3A_892 {strides = array<i32>} : memref<32x64xf32, #tpu.memory_space<vmem>>, vector<16xf32>,
            %slice3A_898 = vector.extract_strided_slice %select_n3A_326 {offsets = [14], sizes = [1], strides = [1]} : vector<16xi32> to vector<1xi32>
            %squeeze3A_899 = vector.extract %slice3A_898[0] : i32 from vector<1xi32>
            %broadcast_in_dim3A_900 = vector.broadcast %squeeze3A_899 : i32 to vector<16xi32>
            %add3A_901 = arith.constant 0 : i32
            %add3A_902 = vector.broadcast %add3A_901 : i32 to vector<16xi32>
            %add3A_903 = arith.addi %iota3A, %add3A_902 : vector<16xi32>
            %gather3A_904 = tpu.vector_load_idx %arg15[%add3A_903, %broadcast_in_dim3A_900] : memref<64x256xf32, #tpu.memory_space<vmem>>[vector<16xi32>, vector<16xi32>], vector<16xf32>,
            %add3A_905 = arith.constant 14 : i32
            %add3A_906 = arith.addi %mul3A_348, %add3A_905 : i32
            %swap3A_907 = arith.index_cast %add3A_906 : i32 to index
            %swap3A_908 = arith.constant 0 : index
            %swap3A_909 = tpu.vector_load %arg12[%swap3A_907, %swap3A_908] {strides = array<i32>} : memref<32x64xf32, #tpu.memory_space<vmem>>, vector<16xf32>,
            tpu.vector_store %arg12[%swap3A_907, %swap3A_908], %gather3A_904 {strides = array<i32>} : memref<32x64xf32, #tpu.memory_space<vmem>>, vector<16xf32>,
            %add3A_910 = arith.constant 16 : i32
            %add3A_911 = vector.broadcast %add3A_910 : i32 to vector<16xi32>
            %add3A_912 = arith.addi %iota3A, %add3A_911 : vector<16xi32>
            %gather3A_913 = tpu.vector_load_idx %arg15[%add3A_912, %broadcast_in_dim3A_900] : memref<64x256xf32, #tpu.memory_space<vmem>>[vector<16xi32>, vector<16xi32>], vector<16xf32>,
            %add3A_914 = arith.constant 14 : i32
            %add3A_915 = arith.addi %mul3A_348, %add3A_914 : i32
            %swap3A_916 = arith.index_cast %add3A_915 : i32 to index
            %swap3A_917 = arith.constant 16 : index
            %swap3A_918 = tpu.vector_load %arg12[%swap3A_916, %swap3A_917] {strides = array<i32>} : memref<32x64xf32, #tpu.memory_space<vmem>>, vector<16xf32>,
            tpu.vector_store %arg12[%swap3A_916, %swap3A_917], %gather3A_913 {strides = array<i32>} : memref<32x64xf32, #tpu.memory_space<vmem>>, vector<16xf32>,
            %add3A_919 = arith.constant 32 : i32
            %add3A_920 = vector.broadcast %add3A_919 : i32 to vector<16xi32>
            %add3A_921 = arith.addi %iota3A, %add3A_920 : vector<16xi32>
            %gather3A_922 = tpu.vector_load_idx %arg15[%add3A_921, %broadcast_in_dim3A_900] : memref<64x256xf32, #tpu.memory_space<vmem>>[vector<16xi32>, vector<16xi32>], vector<16xf32>,
            %add3A_923 = arith.constant 14 : i32
            %add3A_924 = arith.addi %mul3A_348, %add3A_923 : i32
            %swap3A_925 = arith.index_cast %add3A_924 : i32 to index
            %swap3A_926 = arith.constant 32 : index
            %swap3A_927 = tpu.vector_load %arg12[%swap3A_925, %swap3A_926] {strides = array<i32>} : memref<32x64xf32, #tpu.memory_space<vmem>>, vector<16xf32>,
            tpu.vector_store %arg12[%swap3A_925, %swap3A_926], %gather3A_922 {strides = array<i32>} : memref<32x64xf32, #tpu.memory_space<vmem>>, vector<16xf32>,
            %add3A_928 = arith.constant 48 : i32
            %add3A_929 = vector.broadcast %add3A_928 : i32 to vector<16xi32>
            %add3A_930 = arith.addi %iota3A, %add3A_929 : vector<16xi32>
            %gather3A_931 = tpu.vector_load_idx %arg15[%add3A_930, %broadcast_in_dim3A_900] : memref<64x256xf32, #tpu.memory_space<vmem>>[vector<16xi32>, vector<16xi32>], vector<16xf32>,
            %add3A_932 = arith.constant 14 : i32
            %add3A_933 = arith.addi %mul3A_348, %add3A_932 : i32
            %swap3A_934 = arith.index_cast %add3A_933 : i32 to index
            %swap3A_935 = arith.constant 48 : index
            %swap3A_936 = tpu.vector_load %arg12[%swap3A_934, %swap3A_935] {strides = array<i32>} : memref<32x64xf32, #tpu.memory_space<vmem>>, vector<16xf32>,
            tpu.vector_store %arg12[%swap3A_934, %swap3A_935], %gather3A_931 {strides = array<i32>} : memref<32x64xf32, #tpu.memory_space<vmem>>, vector<16xf32>,
            %slice3A_937 = vector.extract_strided_slice %select_n3A_326 {offsets = [15], sizes = [1], strides = [1]} : vector<16xi32> to vector<1xi32>
            %squeeze3A_938 = vector.extract %slice3A_937[0] : i32 from vector<1xi32>
            %broadcast_in_dim3A_939 = vector.broadcast %squeeze3A_938 : i32 to vector<16xi32>
            %add3A_940 = arith.constant 0 : i32
            %add3A_941 = vector.broadcast %add3A_940 : i32 to vector<16xi32>
            %add3A_942 = arith.addi %iota3A, %add3A_941 : vector<16xi32>
            %gather3A_943 = tpu.vector_load_idx %arg15[%add3A_942, %broadcast_in_dim3A_939] : memref<64x256xf32, #tpu.memory_space<vmem>>[vector<16xi32>, vector<16xi32>], vector<16xf32>,
            %add3A_944 = arith.constant 15 : i32
            %add3A_945 = arith.addi %mul3A_348, %add3A_944 : i32
            %swap3A_946 = arith.index_cast %add3A_945 : i32 to index
            %swap3A_947 = arith.constant 0 : index
            %swap3A_948 = tpu.vector_load %arg12[%swap3A_946, %swap3A_947] {strides = array<i32>} : memref<32x64xf32, #tpu.memory_space<vmem>>, vector<16xf32>,
            tpu.vector_store %arg12[%swap3A_946, %swap3A_947], %gather3A_943 {strides = array<i32>} : memref<32x64xf32, #tpu.memory_space<vmem>>, vector<16xf32>,
            %add3A_949 = arith.constant 16 : i32
            %add3A_950 = vector.broadcast %add3A_949 : i32 to vector<16xi32>
            %add3A_951 = arith.addi %iota3A, %add3A_950 : vector<16xi32>
            %gather3A_952 = tpu.vector_load_idx %arg15[%add3A_951, %broadcast_in_dim3A_939] : memref<64x256xf32, #tpu.memory_space<vmem>>[vector<16xi32>, vector<16xi32>], vector<16xf32>,
            %add3A_953 = arith.constant 15 : i32
            %add3A_954 = arith.addi %mul3A_348, %add3A_953 : i32
            %swap3A_955 = arith.index_cast %add3A_954 : i32 to index
            %swap3A_956 = arith.constant 16 : index
            %swap3A_957 = tpu.vector_load %arg12[%swap3A_955, %swap3A_956] {strides = array<i32>} : memref<32x64xf32, #tpu.memory_space<vmem>>, vector<16xf32>,
            tpu.vector_store %arg12[%swap3A_955, %swap3A_956], %gather3A_952 {strides = array<i32>} : memref<32x64xf32, #tpu.memory_space<vmem>>, vector<16xf32>,
            %add3A_958 = arith.constant 32 : i32
            %add3A_959 = vector.broadcast %add3A_958 : i32 to vector<16xi32>
            %add3A_960 = arith.addi %iota3A, %add3A_959 : vector<16xi32>
            %gather3A_961 = tpu.vector_load_idx %arg15[%add3A_960, %broadcast_in_dim3A_939] : memref<64x256xf32, #tpu.memory_space<vmem>>[vector<16xi32>, vector<16xi32>], vector<16xf32>,
            %add3A_962 = arith.constant 15 : i32
            %add3A_963 = arith.addi %mul3A_348, %add3A_962 : i32
            %swap3A_964 = arith.index_cast %add3A_963 : i32 to index
            %swap3A_965 = arith.constant 32 : index
            %swap3A_966 = tpu.vector_load %arg12[%swap3A_964, %swap3A_965] {strides = array<i32>} : memref<32x64xf32, #tpu.memory_space<vmem>>, vector<16xf32>,
            tpu.vector_store %arg12[%swap3A_964, %swap3A_965], %gather3A_961 {strides = array<i32>} : memref<32x64xf32, #tpu.memory_space<vmem>>, vector<16xf32>,
            %add3A_967 = arith.constant 48 : i32
            %add3A_968 = vector.broadcast %add3A_967 : i32 to vector<16xi32>
            %add3A_969 = arith.addi %iota3A, %add3A_968 : vector<16xi32>
            %gather3A_970 = tpu.vector_load_idx %arg15[%add3A_969, %broadcast_in_dim3A_939] : memref<64x256xf32, #tpu.memory_space<vmem>>[vector<16xi32>, vector<16xi32>], vector<16xf32>,
            %add3A_971 = arith.constant 15 : i32
            %add3A_972 = arith.addi %mul3A_348, %add3A_971 : i32
            %swap3A_973 = arith.index_cast %add3A_972 : i32 to index
            %swap3A_974 = arith.constant 48 : index
            %swap3A_975 = tpu.vector_load %arg12[%swap3A_973, %swap3A_974] {strides = array<i32>} : memref<32x64xf32, #tpu.memory_space<vmem>>, vector<16xf32>,
            tpu.vector_store %arg12[%swap3A_973, %swap3A_974], %gather3A_970 {strides = array<i32>} : memref<32x64xf32, #tpu.memory_space<vmem>>, vector<16xf32>,
            %add3A_976 = arith.constant 0 : i32
            %add3A_977 = arith.addi %mul3A_348, %add3A_976 : i32
            %slice3A_978 = vector.extract_strided_slice %select_n3A_330 {offsets = [0], sizes = [1], strides = [1]} : vector<16xi32> to vector<1xi32>
            %squeeze3A_979 = vector.extract %slice3A_978[0] : i32 from vector<1xi32>
            %dma_start3A_980 = arith.constant 0 : i32
            %dma_start3A_981 = tpu.memref_slice %arg12[%add3A_977, %dma_start3A_980] : memref<32x64xf32, #tpu.memory_space<vmem>> -> memref<1x64xf32, #tpu.memory_space<vmem>>
            %dma_start3A_982 = arith.constant 0 : i32
            %dma_start3A_983 = tpu.memref_slice %arg4[%squeeze3A_979, %dma_start3A_982] : memref<16384x64xf32, #tpu.memory_space<hbm>> -> memref<1x64xf32, #tpu.memory_space<hbm>>
            %dma_start3A_984 = arith.constant 0 : i32
            %dma_start3A_985 = tpu.memref_slice %arg4[%squeeze3A_979, %dma_start3A_984] : memref<16384x64xf32, #tpu.memory_space<hbm>> -> memref<1x64xf32, #tpu.memory_space<hbm>>
            %dma_start3A_986 = arith.constant 0 : i32
            %dma_start3A_987 = tpu.memref_slice %arg12[%add3A_977, %dma_start3A_986] : memref<32x64xf32, #tpu.memory_space<vmem>> -> memref<1x64xf32, #tpu.memory_space<vmem>>
            tpu.enqueue_dma source(%dma_start3A_987 : memref<1x64xf32, #tpu.memory_space<vmem>>) target(%dma_start3A_985 : memref<1x64xf32, #tpu.memory_space<hbm>>) target_semaphore(%arg18 : memref<!tpu.dma_semaphore, #tpu.memory_space<semaphore_mem>>)
            %add3A_988 = arith.constant 1 : i32
            %add3A_989 = arith.addi %mul3A_348, %add3A_988 : i32
            %slice3A_990 = vector.extract_strided_slice %select_n3A_330 {offsets = [1], sizes = [1], strides = [1]} : vector<16xi32> to vector<1xi32>
            %squeeze3A_991 = vector.extract %slice3A_990[0] : i32 from vector<1xi32>
            %dma_start3A_992 = arith.constant 0 : i32
            %dma_start3A_993 = tpu.memref_slice %arg12[%add3A_989, %dma_start3A_992] : memref<32x64xf32, #tpu.memory_space<vmem>> -> memref<1x64xf32, #tpu.memory_space<vmem>>
            %dma_start3A_994 = arith.constant 0 : i32
            %dma_start3A_995 = tpu.memref_slice %arg4[%squeeze3A_991, %dma_start3A_994] : memref<16384x64xf32, #tpu.memory_space<hbm>> -> memref<1x64xf32, #tpu.memory_space<hbm>>
            %dma_start3A_996 = arith.constant 0 : i32
            %dma_start3A_997 = tpu.memref_slice %arg4[%squeeze3A_991, %dma_start3A_996] : memref<16384x64xf32, #tpu.memory_space<hbm>> -> memref<1x64xf32, #tpu.memory_space<hbm>>
            %dma_start3A_998 = arith.constant 0 : i32
            %dma_start3A_999 = tpu.memref_slice %arg12[%add3A_989, %dma_start3A_998] : memref<32x64xf32, #tpu.memory_space<vmem>> -> memref<1x64xf32, #tpu.memory_space<vmem>>
            tpu.enqueue_dma source(%dma_start3A_999 : memref<1x64xf32, #tpu.memory_space<vmem>>) target(%dma_start3A_997 : memref<1x64xf32, #tpu.memory_space<hbm>>) target_semaphore(%arg18 : memref<!tpu.dma_semaphore, #tpu.memory_space<semaphore_mem>>)
            %add3A_1000 = arith.constant 2 : i32
            %add3A_1001 = arith.addi %mul3A_348, %add3A_1000 : i32
            %slice3A_1002 = vector.extract_strided_slice %select_n3A_330 {offsets = [2], sizes = [1], strides = [1]} : vector<16xi32> to vector<1xi32>
            %squeeze3A_1003 = vector.extract %slice3A_1002[0] : i32 from vector<1xi32>
            %dma_start3A_1004 = arith.constant 0 : i32
            %dma_start3A_1005 = tpu.memref_slice %arg12[%add3A_1001, %dma_start3A_1004] : memref<32x64xf32, #tpu.memory_space<vmem>> -> memref<1x64xf32, #tpu.memory_space<vmem>>
            %dma_start3A_1006 = arith.constant 0 : i32
            %dma_start3A_1007 = tpu.memref_slice %arg4[%squeeze3A_1003, %dma_start3A_1006] : memref<16384x64xf32, #tpu.memory_space<hbm>> -> memref<1x64xf32, #tpu.memory_space<hbm>>
            %dma_start3A_1008 = arith.constant 0 : i32
            %dma_start3A_1009 = tpu.memref_slice %arg4[%squeeze3A_1003, %dma_start3A_1008] : memref<16384x64xf32, #tpu.memory_space<hbm>> -> memref<1x64xf32, #tpu.memory_space<hbm>>
            %dma_start3A_1010 = arith.constant 0 : i32
            %dma_start3A_1011 = tpu.memref_slice %arg12[%add3A_1001, %dma_start3A_1010] : memref<32x64xf32, #tpu.memory_space<vmem>> -> memref<1x64xf32, #tpu.memory_space<vmem>>
            tpu.enqueue_dma source(%dma_start3A_1011 : memref<1x64xf32, #tpu.memory_space<vmem>>) target(%dma_start3A_1009 : memref<1x64xf32, #tpu.memory_space<hbm>>) target_semaphore(%arg18 : memref<!tpu.dma_semaphore, #tpu.memory_space<semaphore_mem>>)
            %add3A_1012 = arith.constant 3 : i32
            %add3A_1013 = arith.addi %mul3A_348, %add3A_1012 : i32
            %slice3A_1014 = vector.extract_strided_slice %select_n3A_330 {offsets = [3], sizes = [1], strides = [1]} : vector<16xi32> to vector<1xi32>
            %squeeze3A_1015 = vector.extract %slice3A_1014[0] : i32 from vector<1xi32>
            %dma_start3A_1016 = arith.constant 0 : i32
            %dma_start3A_1017 = tpu.memref_slice %arg12[%add3A_1013, %dma_start3A_1016] : memref<32x64xf32, #tpu.memory_space<vmem>> -> memref<1x64xf32, #tpu.memory_space<vmem>>
            %dma_start3A_1018 = arith.constant 0 : i32
            %dma_start3A_1019 = tpu.memref_slice %arg4[%squeeze3A_1015, %dma_start3A_1018] : memref<16384x64xf32, #tpu.memory_space<hbm>> -> memref<1x64xf32, #tpu.memory_space<hbm>>
            %dma_start3A_1020 = arith.constant 0 : i32
            %dma_start3A_1021 = tpu.memref_slice %arg4[%squeeze3A_1015, %dma_start3A_1020] : memref<16384x64xf32, #tpu.memory_space<hbm>> -> memref<1x64xf32, #tpu.memory_space<hbm>>
            %dma_start3A_1022 = arith.constant 0 : i32
            %dma_start3A_1023 = tpu.memref_slice %arg12[%add3A_1013, %dma_start3A_1022] : memref<32x64xf32, #tpu.memory_space<vmem>> -> memref<1x64xf32, #tpu.memory_space<vmem>>
            tpu.enqueue_dma source(%dma_start3A_1023 : memref<1x64xf32, #tpu.memory_space<vmem>>) target(%dma_start3A_1021 : memref<1x64xf32, #tpu.memory_space<hbm>>) target_semaphore(%arg18 : memref<!tpu.dma_semaphore, #tpu.memory_space<semaphore_mem>>)
            %add3A_1024 = arith.constant 4 : i32
            %add3A_1025 = arith.addi %mul3A_348, %add3A_1024 : i32
            %slice3A_1026 = vector.extract_strided_slice %select_n3A_330 {offsets = [4], sizes = [1], strides = [1]} : vector<16xi32> to vector<1xi32>
            %squeeze3A_1027 = vector.extract %slice3A_1026[0] : i32 from vector<1xi32>
            %dma_start3A_1028 = arith.constant 0 : i32
            %dma_start3A_1029 = tpu.memref_slice %arg12[%add3A_1025, %dma_start3A_1028] : memref<32x64xf32, #tpu.memory_space<vmem>> -> memref<1x64xf32, #tpu.memory_space<vmem>>
            %dma_start3A_1030 = arith.constant 0 : i32
            %dma_start3A_1031 = tpu.memref_slice %arg4[%squeeze3A_1027, %dma_start3A_1030] : memref<16384x64xf32, #tpu.memory_space<hbm>> -> memref<1x64xf32, #tpu.memory_space<hbm>>
            %dma_start3A_1032 = arith.constant 0 : i32
            %dma_start3A_1033 = tpu.memref_slice %arg4[%squeeze3A_1027, %dma_start3A_1032] : memref<16384x64xf32, #tpu.memory_space<hbm>> -> memref<1x64xf32, #tpu.memory_space<hbm>>
            %dma_start3A_1034 = arith.constant 0 : i32
            %dma_start3A_1035 = tpu.memref_slice %arg12[%add3A_1025, %dma_start3A_1034] : memref<32x64xf32, #tpu.memory_space<vmem>> -> memref<1x64xf32, #tpu.memory_space<vmem>>
            tpu.enqueue_dma source(%dma_start3A_1035 : memref<1x64xf32, #tpu.memory_space<vmem>>) target(%dma_start3A_1033 : memref<1x64xf32, #tpu.memory_space<hbm>>) target_semaphore(%arg18 : memref<!tpu.dma_semaphore, #tpu.memory_space<semaphore_mem>>)
            %add3A_1036 = arith.constant 5 : i32
            %add3A_1037 = arith.addi %mul3A_348, %add3A_1036 : i32
            %slice3A_1038 = vector.extract_strided_slice %select_n3A_330 {offsets = [5], sizes = [1], strides = [1]} : vector<16xi32> to vector<1xi32>
            %squeeze3A_1039 = vector.extract %slice3A_1038[0] : i32 from vector<1xi32>
            %dma_start3A_1040 = arith.constant 0 : i32
            %dma_start3A_1041 = tpu.memref_slice %arg12[%add3A_1037, %dma_start3A_1040] : memref<32x64xf32, #tpu.memory_space<vmem>> -> memref<1x64xf32, #tpu.memory_space<vmem>>
            %dma_start3A_1042 = arith.constant 0 : i32
            %dma_start3A_1043 = tpu.memref_slice %arg4[%squeeze3A_1039, %dma_start3A_1042] : memref<16384x64xf32, #tpu.memory_space<hbm>> -> memref<1x64xf32, #tpu.memory_space<hbm>>
            %dma_start3A_1044 = arith.constant 0 : i32
            %dma_start3A_1045 = tpu.memref_slice %arg4[%squeeze3A_1039, %dma_start3A_1044] : memref<16384x64xf32, #tpu.memory_space<hbm>> -> memref<1x64xf32, #tpu.memory_space<hbm>>
            %dma_start3A_1046 = arith.constant 0 : i32
            %dma_start3A_1047 = tpu.memref_slice %arg12[%add3A_1037, %dma_start3A_1046] : memref<32x64xf32, #tpu.memory_space<vmem>> -> memref<1x64xf32, #tpu.memory_space<vmem>>
            tpu.enqueue_dma source(%dma_start3A_1047 : memref<1x64xf32, #tpu.memory_space<vmem>>) target(%dma_start3A_1045 : memref<1x64xf32, #tpu.memory_space<hbm>>) target_semaphore(%arg18 : memref<!tpu.dma_semaphore, #tpu.memory_space<semaphore_mem>>)
            %add3A_1048 = arith.constant 6 : i32
            %add3A_1049 = arith.addi %mul3A_348, %add3A_1048 : i32
            %slice3A_1050 = vector.extract_strided_slice %select_n3A_330 {offsets = [6], sizes = [1], strides = [1]} : vector<16xi32> to vector<1xi32>
            %squeeze3A_1051 = vector.extract %slice3A_1050[0] : i32 from vector<1xi32>
            %dma_start3A_1052 = arith.constant 0 : i32
            %dma_start3A_1053 = tpu.memref_slice %arg12[%add3A_1049, %dma_start3A_1052] : memref<32x64xf32, #tpu.memory_space<vmem>> -> memref<1x64xf32, #tpu.memory_space<vmem>>
            %dma_start3A_1054 = arith.constant 0 : i32
            %dma_start3A_1055 = tpu.memref_slice %arg4[%squeeze3A_1051, %dma_start3A_1054] : memref<16384x64xf32, #tpu.memory_space<hbm>> -> memref<1x64xf32, #tpu.memory_space<hbm>>
            %dma_start3A_1056 = arith.constant 0 : i32
            %dma_start3A_1057 = tpu.memref_slice %arg4[%squeeze3A_1051, %dma_start3A_1056] : memref<16384x64xf32, #tpu.memory_space<hbm>> -> memref<1x64xf32, #tpu.memory_space<hbm>>
            %dma_start3A_1058 = arith.constant 0 : i32
            %dma_start3A_1059 = tpu.memref_slice %arg12[%add3A_1049, %dma_start3A_1058] : memref<32x64xf32, #tpu.memory_space<vmem>> -> memref<1x64xf32, #tpu.memory_space<vmem>>
            tpu.enqueue_dma source(%dma_start3A_1059 : memref<1x64xf32, #tpu.memory_space<vmem>>) target(%dma_start3A_1057 : memref<1x64xf32, #tpu.memory_space<hbm>>) target_semaphore(%arg18 : memref<!tpu.dma_semaphore, #tpu.memory_space<semaphore_mem>>)
            %add3A_1060 = arith.constant 7 : i32
            %add3A_1061 = arith.addi %mul3A_348, %add3A_1060 : i32
            %slice3A_1062 = vector.extract_strided_slice %select_n3A_330 {offsets = [7], sizes = [1], strides = [1]} : vector<16xi32> to vector<1xi32>
            %squeeze3A_1063 = vector.extract %slice3A_1062[0] : i32 from vector<1xi32>
            %dma_start3A_1064 = arith.constant 0 : i32
            %dma_start3A_1065 = tpu.memref_slice %arg12[%add3A_1061, %dma_start3A_1064] : memref<32x64xf32, #tpu.memory_space<vmem>> -> memref<1x64xf32, #tpu.memory_space<vmem>>
            %dma_start3A_1066 = arith.constant 0 : i32
            %dma_start3A_1067 = tpu.memref_slice %arg4[%squeeze3A_1063, %dma_start3A_1066] : memref<16384x64xf32, #tpu.memory_space<hbm>> -> memref<1x64xf32, #tpu.memory_space<hbm>>
            %dma_start3A_1068 = arith.constant 0 : i32
            %dma_start3A_1069 = tpu.memref_slice %arg4[%squeeze3A_1063, %dma_start3A_1068] : memref<16384x64xf32, #tpu.memory_space<hbm>> -> memref<1x64xf32, #tpu.memory_space<hbm>>
            %dma_start3A_1070 = arith.constant 0 : i32
            %dma_start3A_1071 = tpu.memref_slice %arg12[%add3A_1061, %dma_start3A_1070] : memref<32x64xf32, #tpu.memory_space<vmem>> -> memref<1x64xf32, #tpu.memory_space<vmem>>
            tpu.enqueue_dma source(%dma_start3A_1071 : memref<1x64xf32, #tpu.memory_space<vmem>>) target(%dma_start3A_1069 : memref<1x64xf32, #tpu.memory_space<hbm>>) target_semaphore(%arg18 : memref<!tpu.dma_semaphore, #tpu.memory_space<semaphore_mem>>)
            %add3A_1072 = arith.constant 8 : i32
            %add3A_1073 = arith.addi %mul3A_348, %add3A_1072 : i32
            %slice3A_1074 = vector.extract_strided_slice %select_n3A_330 {offsets = [8], sizes = [1], strides = [1]} : vector<16xi32> to vector<1xi32>
            %squeeze3A_1075 = vector.extract %slice3A_1074[0] : i32 from vector<1xi32>
            %dma_start3A_1076 = arith.constant 0 : i32
            %dma_start3A_1077 = tpu.memref_slice %arg12[%add3A_1073, %dma_start3A_1076] : memref<32x64xf32, #tpu.memory_space<vmem>> -> memref<1x64xf32, #tpu.memory_space<vmem>>
            %dma_start3A_1078 = arith.constant 0 : i32
            %dma_start3A_1079 = tpu.memref_slice %arg4[%squeeze3A_1075, %dma_start3A_1078] : memref<16384x64xf32, #tpu.memory_space<hbm>> -> memref<1x64xf32, #tpu.memory_space<hbm>>
            %dma_start3A_1080 = arith.constant 0 : i32
            %dma_start3A_1081 = tpu.memref_slice %arg4[%squeeze3A_1075, %dma_start3A_1080] : memref<16384x64xf32, #tpu.memory_space<hbm>> -> memref<1x64xf32, #tpu.memory_space<hbm>>
            %dma_start3A_1082 = arith.constant 0 : i32
            %dma_start3A_1083 = tpu.memref_slice %arg12[%add3A_1073, %dma_start3A_1082] : memref<32x64xf32, #tpu.memory_space<vmem>> -> memref<1x64xf32, #tpu.memory_space<vmem>>
            tpu.enqueue_dma source(%dma_start3A_1083 : memref<1x64xf32, #tpu.memory_space<vmem>>) target(%dma_start3A_1081 : memref<1x64xf32, #tpu.memory_space<hbm>>) target_semaphore(%arg18 : memref<!tpu.dma_semaphore, #tpu.memory_space<semaphore_mem>>)
            %add3A_1084 = arith.constant 9 : i32
            %add3A_1085 = arith.addi %mul3A_348, %add3A_1084 : i32
            %slice3A_1086 = vector.extract_strided_slice %select_n3A_330 {offsets = [9], sizes = [1], strides = [1]} : vector<16xi32> to vector<1xi32>
            %squeeze3A_1087 = vector.extract %slice3A_1086[0] : i32 from vector<1xi32>
            %dma_start3A_1088 = arith.constant 0 : i32
            %dma_start3A_1089 = tpu.memref_slice %arg12[%add3A_1085, %dma_start3A_1088] : memref<32x64xf32, #tpu.memory_space<vmem>> -> memref<1x64xf32, #tpu.memory_space<vmem>>
            %dma_start3A_1090 = arith.constant 0 : i32
            %dma_start3A_1091 = tpu.memref_slice %arg4[%squeeze3A_1087, %dma_start3A_1090] : memref<16384x64xf32, #tpu.memory_space<hbm>> -> memref<1x64xf32, #tpu.memory_space<hbm>>
            %dma_start3A_1092 = arith.constant 0 : i32
            %dma_start3A_1093 = tpu.memref_slice %arg4[%squeeze3A_1087, %dma_start3A_1092] : memref<16384x64xf32, #tpu.memory_space<hbm>> -> memref<1x64xf32, #tpu.memory_space<hbm>>
            %dma_start3A_1094 = arith.constant 0 : i32
            %dma_start3A_1095 = tpu.memref_slice %arg12[%add3A_1085, %dma_start3A_1094] : memref<32x64xf32, #tpu.memory_space<vmem>> -> memref<1x64xf32, #tpu.memory_space<vmem>>
            tpu.enqueue_dma source(%dma_start3A_1095 : memref<1x64xf32, #tpu.memory_space<vmem>>) target(%dma_start3A_1093 : memref<1x64xf32, #tpu.memory_space<hbm>>) target_semaphore(%arg18 : memref<!tpu.dma_semaphore, #tpu.memory_space<semaphore_mem>>)
            %add3A_1096 = arith.constant 10 : i32
            %add3A_1097 = arith.addi %mul3A_348, %add3A_1096 : i32
            %slice3A_1098 = vector.extract_strided_slice %select_n3A_330 {offsets = [10], sizes = [1], strides = [1]} : vector<16xi32> to vector<1xi32>
            %squeeze3A_1099 = vector.extract %slice3A_1098[0] : i32 from vector<1xi32>
            %dma_start3A_1100 = arith.constant 0 : i32
            %dma_start3A_1101 = tpu.memref_slice %arg12[%add3A_1097, %dma_start3A_1100] : memref<32x64xf32, #tpu.memory_space<vmem>> -> memref<1x64xf32, #tpu.memory_space<vmem>>
            %dma_start3A_1102 = arith.constant 0 : i32
            %dma_start3A_1103 = tpu.memref_slice %arg4[%squeeze3A_1099, %dma_start3A_1102] : memref<16384x64xf32, #tpu.memory_space<hbm>> -> memref<1x64xf32, #tpu.memory_space<hbm>>
            %dma_start3A_1104 = arith.constant 0 : i32
            %dma_start3A_1105 = tpu.memref_slice %arg4[%squeeze3A_1099, %dma_start3A_1104] : memref<16384x64xf32, #tpu.memory_space<hbm>> -> memref<1x64xf32, #tpu.memory_space<hbm>>
            %dma_start3A_1106 = arith.constant 0 : i32
            %dma_start3A_1107 = tpu.memref_slice %arg12[%add3A_1097, %dma_start3A_1106] : memref<32x64xf32, #tpu.memory_space<vmem>> -> memref<1x64xf32, #tpu.memory_space<vmem>>
            tpu.enqueue_dma source(%dma_start3A_1107 : memref<1x64xf32, #tpu.memory_space<vmem>>) target(%dma_start3A_1105 : memref<1x64xf32, #tpu.memory_space<hbm>>) target_semaphore(%arg18 : memref<!tpu.dma_semaphore, #tpu.memory_space<semaphore_mem>>)
            %add3A_1108 = arith.constant 11 : i32
            %add3A_1109 = arith.addi %mul3A_348, %add3A_1108 : i32
            %slice3A_1110 = vector.extract_strided_slice %select_n3A_330 {offsets = [11], sizes = [1], strides = [1]} : vector<16xi32> to vector<1xi32>
            %squeeze3A_1111 = vector.extract %slice3A_1110[0] : i32 from vector<1xi32>
            %dma_start3A_1112 = arith.constant 0 : i32
            %dma_start3A_1113 = tpu.memref_slice %arg12[%add3A_1109, %dma_start3A_1112] : memref<32x64xf32, #tpu.memory_space<vmem>> -> memref<1x64xf32, #tpu.memory_space<vmem>>
            %dma_start3A_1114 = arith.constant 0 : i32
            %dma_start3A_1115 = tpu.memref_slice %arg4[%squeeze3A_1111, %dma_start3A_1114] : memref<16384x64xf32, #tpu.memory_space<hbm>> -> memref<1x64xf32, #tpu.memory_space<hbm>>
            %dma_start3A_1116 = arith.constant 0 : i32
            %dma_start3A_1117 = tpu.memref_slice %arg4[%squeeze3A_1111, %dma_start3A_1116] : memref<16384x64xf32, #tpu.memory_space<hbm>> -> memref<1x64xf32, #tpu.memory_space<hbm>>
            %dma_start3A_1118 = arith.constant 0 : i32
            %dma_start3A_1119 = tpu.memref_slice %arg12[%add3A_1109, %dma_start3A_1118] : memref<32x64xf32, #tpu.memory_space<vmem>> -> memref<1x64xf32, #tpu.memory_space<vmem>>
            tpu.enqueue_dma source(%dma_start3A_1119 : memref<1x64xf32, #tpu.memory_space<vmem>>) target(%dma_start3A_1117 : memref<1x64xf32, #tpu.memory_space<hbm>>) target_semaphore(%arg18 : memref<!tpu.dma_semaphore, #tpu.memory_space<semaphore_mem>>)
            %add3A_1120 = arith.constant 12 : i32
            %add3A_1121 = arith.addi %mul3A_348, %add3A_1120 : i32
            %slice3A_1122 = vector.extract_strided_slice %select_n3A_330 {offsets = [12], sizes = [1], strides = [1]} : vector<16xi32> to vector<1xi32>
            %squeeze3A_1123 = vector.extract %slice3A_1122[0] : i32 from vector<1xi32>
            %dma_start3A_1124 = arith.constant 0 : i32
            %dma_start3A_1125 = tpu.memref_slice %arg12[%add3A_1121, %dma_start3A_1124] : memref<32x64xf32, #tpu.memory_space<vmem>> -> memref<1x64xf32, #tpu.memory_space<vmem>>
            %dma_start3A_1126 = arith.constant 0 : i32
            %dma_start3A_1127 = tpu.memref_slice %arg4[%squeeze3A_1123, %dma_start3A_1126] : memref<16384x64xf32, #tpu.memory_space<hbm>> -> memref<1x64xf32, #tpu.memory_space<hbm>>
            %dma_start3A_1128 = arith.constant 0 : i32
            %dma_start3A_1129 = tpu.memref_slice %arg4[%squeeze3A_1123, %dma_start3A_1128] : memref<16384x64xf32, #tpu.memory_space<hbm>> -> memref<1x64xf32, #tpu.memory_space<hbm>>
            %dma_start3A_1130 = arith.constant 0 : i32
            %dma_start3A_1131 = tpu.memref_slice %arg12[%add3A_1121, %dma_start3A_1130] : memref<32x64xf32, #tpu.memory_space<vmem>> -> memref<1x64xf32, #tpu.memory_space<vmem>>
            tpu.enqueue_dma source(%dma_start3A_1131 : memref<1x64xf32, #tpu.memory_space<vmem>>) target(%dma_start3A_1129 : memref<1x64xf32, #tpu.memory_space<hbm>>) target_semaphore(%arg18 : memref<!tpu.dma_semaphore, #tpu.memory_space<semaphore_mem>>)
            %add3A_1132 = arith.constant 13 : i32
            %add3A_1133 = arith.addi %mul3A_348, %add3A_1132 : i32
            %slice3A_1134 = vector.extract_strided_slice %select_n3A_330 {offsets = [13], sizes = [1], strides = [1]} : vector<16xi32> to vector<1xi32>
            %squeeze3A_1135 = vector.extract %slice3A_1134[0] : i32 from vector<1xi32>
            %dma_start3A_1136 = arith.constant 0 : i32
            %dma_start3A_1137 = tpu.memref_slice %arg12[%add3A_1133, %dma_start3A_1136] : memref<32x64xf32, #tpu.memory_space<vmem>> -> memref<1x64xf32, #tpu.memory_space<vmem>>
            %dma_start3A_1138 = arith.constant 0 : i32
            %dma_start3A_1139 = tpu.memref_slice %arg4[%squeeze3A_1135, %dma_start3A_1138] : memref<16384x64xf32, #tpu.memory_space<hbm>> -> memref<1x64xf32, #tpu.memory_space<hbm>>
            %dma_start3A_1140 = arith.constant 0 : i32
            %dma_start3A_1141 = tpu.memref_slice %arg4[%squeeze3A_1135, %dma_start3A_1140] : memref<16384x64xf32, #tpu.memory_space<hbm>> -> memref<1x64xf32, #tpu.memory_space<hbm>>
            %dma_start3A_1142 = arith.constant 0 : i32
            %dma_start3A_1143 = tpu.memref_slice %arg12[%add3A_1133, %dma_start3A_1142] : memref<32x64xf32, #tpu.memory_space<vmem>> -> memref<1x64xf32, #tpu.memory_space<vmem>>
            tpu.enqueue_dma source(%dma_start3A_1143 : memref<1x64xf32, #tpu.memory_space<vmem>>) target(%dma_start3A_1141 : memref<1x64xf32, #tpu.memory_space<hbm>>) target_semaphore(%arg18 : memref<!tpu.dma_semaphore, #tpu.memory_space<semaphore_mem>>)
            %add3A_1144 = arith.constant 14 : i32
            %add3A_1145 = arith.addi %mul3A_348, %add3A_1144 : i32
            %slice3A_1146 = vector.extract_strided_slice %select_n3A_330 {offsets = [14], sizes = [1], strides = [1]} : vector<16xi32> to vector<1xi32>
            %squeeze3A_1147 = vector.extract %slice3A_1146[0] : i32 from vector<1xi32>
            %dma_start3A_1148 = arith.constant 0 : i32
            %dma_start3A_1149 = tpu.memref_slice %arg12[%add3A_1145, %dma_start3A_1148] : memref<32x64xf32, #tpu.memory_space<vmem>> -> memref<1x64xf32, #tpu.memory_space<vmem>>
            %dma_start3A_1150 = arith.constant 0 : i32
            %dma_start3A_1151 = tpu.memref_slice %arg4[%squeeze3A_1147, %dma_start3A_1150] : memref<16384x64xf32, #tpu.memory_space<hbm>> -> memref<1x64xf32, #tpu.memory_space<hbm>>
            %dma_start3A_1152 = arith.constant 0 : i32
            %dma_start3A_1153 = tpu.memref_slice %arg4[%squeeze3A_1147, %dma_start3A_1152] : memref<16384x64xf32, #tpu.memory_space<hbm>> -> memref<1x64xf32, #tpu.memory_space<hbm>>
            %dma_start3A_1154 = arith.constant 0 : i32
            %dma_start3A_1155 = tpu.memref_slice %arg12[%add3A_1145, %dma_start3A_1154] : memref<32x64xf32, #tpu.memory_space<vmem>> -> memref<1x64xf32, #tpu.memory_space<vmem>>
            tpu.enqueue_dma source(%dma_start3A_1155 : memref<1x64xf32, #tpu.memory_space<vmem>>) target(%dma_start3A_1153 : memref<1x64xf32, #tpu.memory_space<hbm>>) target_semaphore(%arg18 : memref<!tpu.dma_semaphore, #tpu.memory_space<semaphore_mem>>)
            %add3A_1156 = arith.constant 15 : i32
            %add3A_1157 = arith.addi %mul3A_348, %add3A_1156 : i32
            %slice3A_1158 = vector.extract_strided_slice %select_n3A_330 {offsets = [15], sizes = [1], strides = [1]} : vector<16xi32> to vector<1xi32>
            %squeeze3A_1159 = vector.extract %slice3A_1158[0] : i32 from vector<1xi32>
            %dma_start3A_1160 = arith.constant 0 : i32
            %dma_start3A_1161 = tpu.memref_slice %arg12[%add3A_1157, %dma_start3A_1160] : memref<32x64xf32, #tpu.memory_space<vmem>> -> memref<1x64xf32, #tpu.memory_space<vmem>>
            %dma_start3A_1162 = arith.constant 0 : i32
            %dma_start3A_1163 = tpu.memref_slice %arg4[%squeeze3A_1159, %dma_start3A_1162] : memref<16384x64xf32, #tpu.memory_space<hbm>> -> memref<1x64xf32, #tpu.memory_space<hbm>>
            %dma_start3A_1164 = arith.constant 0 : i32
            %dma_start3A_1165 = tpu.memref_slice %arg4[%squeeze3A_1159, %dma_start3A_1164] : memref<16384x64xf32, #tpu.memory_space<hbm>> -> memref<1x64xf32, #tpu.memory_space<hbm>>
            %dma_start3A_1166 = arith.constant 0 : i32
            %dma_start3A_1167 = tpu.memref_slice %arg12[%add3A_1157, %dma_start3A_1166] : memref<32x64xf32, #tpu.memory_space<vmem>> -> memref<1x64xf32, #tpu.memory_space<vmem>>
            tpu.enqueue_dma source(%dma_start3A_1167 : memref<1x64xf32, #tpu.memory_space<vmem>>) target(%dma_start3A_1165 : memref<1x64xf32, #tpu.memory_space<hbm>>) target_semaphore(%arg18 : memref<!tpu.dma_semaphore, #tpu.memory_space<semaphore_mem>>)
          } else {
          }
          %gt3A_296 = arith.constant 0 : i32
          %gt3A_297 = arith.cmpi sgt, %squeeze3A, %gt3A_296 : i32
          %jit3A_298 = arith.constant 1 : i32
          %jit3A_299 = arith.constant 0 : i32
          %select_n3A_300 = arith.select %gt3A_297, %jit3A_298, %jit3A_299 : i32
          %add3A_301 = arith.addi %while3A_258, %select_n3A_300 : i32
          scf.yield %add3A_301 : i32
        }
        %while3A_255 = arith.constant 1 : i32
        %while3A_256 = scf.for %while3A_257 = %while3A_252 to %while3A_248 step %while3A_255 iter_args(%while3A_258 = %while3A_254) -> (i32)  : i32 {
          %mul3A_259 = arith.constant 16 : i32
          %mul3A_260 = arith.muli %while3A_257, %mul3A_259 : i32
          %get3A = arith.index_cast %mul3A_260 : i32 to index
          %get3A_261 = tpu.vector_load %arg8[%get3A] {strides = array<i32>} : memref<16400xi32, #tpu.memory_space<vmem>>, vector<16xi32>,
          %jit3A_262 = arith.constant 256 : i32
          %div3A_263 = vector.broadcast %jit3A_262 : i32 to vector<16xi32>
          %div3A_264 = arith.divsi %get3A_261, %div3A_263 : vector<16xi32>
          %sign3A_265 = arith.constant 0 : i32
          %sign3A_266 = vector.broadcast %sign3A_265 : i32 to vector<16xi32>
          %sign3A_267 = arith.cmpi sgt, %get3A_261, %sign3A_266 : vector<16xi32>
          %sign3A_268 = arith.extui %sign3A_267 : vector<16xi1> to vector<16xi32>
          %sign3A_269 = arith.constant 0 : i32
          %sign3A_270 = vector.broadcast %sign3A_269 : i32 to vector<16xi32>
          %sign3A_271 = arith.cmpi slt, %get3A_261, %sign3A_270 : vector<16xi32>
          %sign3A_272 = arith.extui %sign3A_271 : vector<16xi1> to vector<16xi32>
          %sign3A_273 = arith.subi %sign3A_268, %sign3A_272 : vector<16xi32>
          %sign3A_274 = arith.constant 0 : i32
          %sign3A_275 = arith.cmpi sgt, %jit3A_262, %sign3A_274 : i32
          %sign3A_276 = arith.extui %sign3A_275 : i1 to i32
          %sign3A_277 = arith.constant 0 : i32
          %sign3A_278 = arith.cmpi slt, %jit3A_262, %sign3A_277 : i32
          %sign3A_279 = arith.extui %sign3A_278 : i1 to i32
          %sign3A_280 = arith.subi %sign3A_276, %sign3A_279 : i32
          %ne3A_281 = vector.broadcast %sign3A_280 : i32 to vector<16xi32>
          %ne3A_282 = arith.cmpi ne, %sign3A_273, %ne3A_281 : vector<16xi32>
          %rem3A_283 = vector.broadcast %jit3A_262 : i32 to vector<16xi32>
          %rem3A_284 = arith.remsi %get3A_261, %rem3A_283 : vector<16xi32>
          %ne3A_285 = arith.constant 0 : i32
          %ne3A_286 = vector.broadcast %ne3A_285 : i32 to vector<16xi32>
          %ne3A_287 = arith.cmpi ne, %rem3A_284, %ne3A_286 : vector<16xi32>
          %and3A_288 = arith.andi %ne3A_282, %ne3A_287 : vector<16xi1>
          %sub3A_289 = arith.constant 1 : i32
          %sub3A_290 = vector.broadcast %sub3A_289 : i32 to vector<16xi32>
          %sub3A_291 = arith.subi %div3A_264, %sub3A_290 : vector<16xi32>
          %select_n3A_292 = arith.select %and3A_288, %sub3A_291, %div3A_264 : vector<16xi1>, vector<16xi32>
          %eq3A = vector.broadcast %add3A_213 : i32 to vector<16xi32>
          %eq3A_293 = arith.cmpi eq, %select_n3A_292, %eq3A : vector<16xi32>
          %all_reduce_population_count3A = tpu.all_reduce %eq3A_293 {dim = 0 : i64, kind = #tpu.reduction_kind<sum>} : vector<16xi1> -> vector<16xi32>
          %slice3A = vector.extract_strided_slice %all_reduce_population_count3A {offsets = [0], sizes = [1], strides = [1]} : vector<16xi32> to vector<1xi32>
          %squeeze3A = vector.extract %slice3A[0] : i32 from vector<1xi32>
          %gt3A = arith.constant 0 : i32
          %gt3A_294 = arith.cmpi sgt, %squeeze3A, %gt3A : i32
          %convert_element_type3A = arith.extui %gt3A_294 : i1 to i32
          %cond3A = arith.constant 0 : i32
          %cond3A_295 = arith.cmpi ne, %convert_element_type3A, %cond3A : i32
          scf.if %cond3A_295 {
            %mul3A_302 = arith.constant 16 : i32
            %mul3A_303 = arith.muli %while3A_257, %mul3A_302 : i32
            %get3A_304 = arith.index_cast %mul3A_303 : i32 to index
            %get3A_305 = tpu.vector_load %arg9[%get3A_304] {strides = array<i32>} : memref<16384xi32, #tpu.memory_space<vmem>>, vector<16xi32>,
            %swap3A_306 = arith.constant 0 : index
            %swap3A_307 = tpu.vector_load %arg10[%swap3A_306] masked %eq3A_293 {strides = array<i32>} : memref<16xi32, #tpu.memory_space<vmem>>, vector<16xi32>, vector<16xi1>
            tpu.vector_store %arg10[%swap3A_306], %get3A_261 masked %eq3A_293 {strides = array<i32>} : memref<16xi32, #tpu.memory_space<vmem>>, vector<16xi32>, vector<16xi1>
            %swap3A_308 = arith.constant 0 : index
            %swap3A_309 = tpu.vector_load %arg11[%swap3A_308] masked %eq3A_293 {strides = array<i32>} : memref<16xi32, #tpu.memory_space<vmem>>, vector<16xi32>, vector<16xi1>
            tpu.vector_store %arg11[%swap3A_308], %get3A_305 masked %eq3A_293 {strides = array<i32>} : memref<16xi32, #tpu.memory_space<vmem>>, vector<16xi32>, vector<16xi1>
            %get3A_310 = arith.constant 0 : index
            %get3A_311 = tpu.vector_load %arg10[%get3A_310] {strides = array<i32>} : memref<16xi32, #tpu.memory_space<vmem>>, vector<16xi32>,
            %get3A_312 = arith.constant 0 : index
            %get3A_313 = tpu.vector_load %arg11[%get3A_312] {strides = array<i32>} : memref<16xi32, #tpu.memory_space<vmem>>, vector<16xi32>,
            %lt3A = vector.broadcast %squeeze3A : i32 to vector<16xi32>
            %lt3A_314 = arith.cmpi slt, %iota3A, %lt3A : vector<16xi32>
            %sub3A_315 = vector.broadcast %multiple_of3A_219 : i32 to vector<16xi32>
            %sub3A_316 = arith.subi %get3A_311, %sub3A_315 : vector<16xi32>
            %jit3A_317 = arith.constant 0 : i32
            %jit3A_318 = arith.constant 255 : i32
            %max3A = vector.broadcast %jit3A_317 : i32 to vector<16xi32>
            %max3A_319 = arith.maxsi %max3A, %sub3A_316 : vector<16xi32>
            %min3A_320 = vector.broadcast %jit3A_318 : i32 to vector<16xi32>
            %min3A_321 = arith.minsi %min3A_320, %max3A_319 : vector<16xi32>
            %slice3A_322 = vector.extract_strided_slice %get3A_311 {offsets = [0], sizes = [1], strides = [1]} : vector<16xi32> to vector<1xi32>
            %squeeze3A_323 = vector.extract %slice3A_322[0] : i32 from vector<1xi32>
            %sub3A_324 = arith.subi %squeeze3A_323, %multiple_of3A_219 : i32
            %broadcast_in_dim3A_325 = vector.broadcast %sub3A_324 : i32 to vector<16xi32>
            %select_n3A_326 = arith.select %lt3A_314, %min3A_321, %broadcast_in_dim3A_325 : vector<16xi1>, vector<16xi32>
            %slice3A_327 = vector.extract_strided_slice %get3A_313 {offsets = [0], sizes = [1], strides = [1]} : vector<16xi32> to vector<1xi32>
            %squeeze3A_328 = vector.extract %slice3A_327[0] : i32 from vector<1xi32>
            %broadcast_in_dim3A_329 = vector.broadcast %squeeze3A_328 : i32 to vector<16xi32>
            %select_n3A_330 = arith.select %lt3A_314, %get3A_313, %broadcast_in_dim3A_329 : vector<16xi1>, vector<16xi32>
            %jit3A_331 = arith.constant 2 : i32
            %eq3A_332 = arith.constant 0 : i32
            %eq3A_333 = arith.cmpi eq, %jit3A_331, %eq3A_332 : i32
            %jit3A_334 = arith.constant 1 : i32
            %select_n3A_335 = arith.select %eq3A_333, %jit3A_334, %jit3A_331 : i32
            %rem3A_336 = arith.remsi %while3A_258, %select_n3A_335 : i32
            %ne3A_337 = arith.constant 0 : i32
            %ne3A_338 = arith.cmpi ne, %rem3A_336, %ne3A_337 : i32
            %lt3A_339 = arith.constant 0 : i32
            %lt3A_340 = arith.cmpi slt, %rem3A_336, %lt3A_339 : i32
            %lt3A_341 = arith.constant 0 : i32
            %lt3A_342 = arith.cmpi slt, %select_n3A_335, %lt3A_341 : i32
            %ne3A_343 = arith.xori %lt3A_340, %lt3A_342 : i1
            %and3A_344 = arith.andi %ne3A_343, %ne3A_338 : i1
            %add3A_345 = arith.addi %rem3A_336, %select_n3A_335 : i32
            %select_n3A_346 = arith.select %and3A_344, %add3A_345, %rem3A_336 : i32
            %mul3A_347 = arith.constant 16 : i32
            %mul3A_348 = arith.muli %select_n3A_346, %mul3A_347 : i32
            %dma_wait3A_349 = arith.constant 0 : i32
            %dma_wait3A_350 = tpu.memref_slice %arg2[%dma_wait3A_349] : memref<16384xi32, #tpu.memory_space<hbm>> -> memref<1024xi32, #tpu.memory_space<hbm>>
            %dma_wait3A_351 = arith.constant 0 : i32
            %dma_wait3A_352 = tpu.memref_slice %arg2[%dma_wait3A_351] : memref<16384xi32, #tpu.memory_space<hbm>> -> memref<1024xi32, #tpu.memory_space<hbm>>
            tpu.wait_dma2 semaphore(%arg18 : memref<!tpu.dma_semaphore, #tpu.memory_space<semaphore_mem>>) src(%dma_wait3A_352 : memref<1024xi32, #tpu.memory_space<hbm>>) dst(%arg13 : memref<1024xi32, #tpu.memory_space<vmem>>)
            %slice3A_353 = vector.extract_strided_slice %select_n3A_326 {offsets = [0], sizes = [1], strides = [1]} : vector<16xi32> to vector<1xi32>
            %squeeze3A_354 = vector.extract %slice3A_353[0] : i32 from vector<1xi32>
            %broadcast_in_dim3A_355 = vector.broadcast %squeeze3A_354 : i32 to vector<16xi32>
            %add3A_356 = arith.constant 0 : i32
            %add3A_357 = vector.broadcast %add3A_356 : i32 to vector<16xi32>
            %add3A_358 = arith.addi %iota3A, %add3A_357 : vector<16xi32>
            %gather3A = tpu.vector_load_idx %arg15[%add3A_358, %broadcast_in_dim3A_355] : memref<64x256xf32, #tpu.memory_space<vmem>>[vector<16xi32>, vector<16xi32>], vector<16xf32>,
            %add3A_359 = arith.constant 0 : i32
            %add3A_360 = arith.addi %mul3A_348, %add3A_359 : i32
            %swap3A_361 = arith.index_cast %add3A_360 : i32 to index
            %swap3A_362 = arith.constant 0 : index
            %swap3A_363 = tpu.vector_load %arg12[%swap3A_361, %swap3A_362] {strides = array<i32>} : memref<32x64xf32, #tpu.memory_space<vmem>>, vector<16xf32>,
            tpu.vector_store %arg12[%swap3A_361, %swap3A_362], %gather3A {strides = array<i32>} : memref<32x64xf32, #tpu.memory_space<vmem>>, vector<16xf32>,
            %add3A_364 = arith.constant 16 : i32
            %add3A_365 = vector.broadcast %add3A_364 : i32 to vector<16xi32>
            %add3A_366 = arith.addi %iota3A, %add3A_365 : vector<16xi32>
            %gather3A_367 = tpu.vector_load_idx %arg15[%add3A_366, %broadcast_in_dim3A_355] : memref<64x256xf32, #tpu.memory_space<vmem>>[vector<16xi32>, vector<16xi32>], vector<16xf32>,
            %add3A_368 = arith.constant 0 : i32
            %add3A_369 = arith.addi %mul3A_348, %add3A_368 : i32
            %swap3A_370 = arith.index_cast %add3A_369 : i32 to index
            %swap3A_371 = arith.constant 16 : index
            %swap3A_372 = tpu.vector_load %arg12[%swap3A_370, %swap3A_371] {strides = array<i32>} : memref<32x64xf32, #tpu.memory_space<vmem>>, vector<16xf32>,
            tpu.vector_store %arg12[%swap3A_370, %swap3A_371], %gather3A_367 {strides = array<i32>} : memref<32x64xf32, #tpu.memory_space<vmem>>, vector<16xf32>,
            %add3A_373 = arith.constant 32 : i32
            %add3A_374 = vector.broadcast %add3A_373 : i32 to vector<16xi32>
            %add3A_375 = arith.addi %iota3A, %add3A_374 : vector<16xi32>
            %gather3A_376 = tpu.vector_load_idx %arg15[%add3A_375, %broadcast_in_dim3A_355] : memref<64x256xf32, #tpu.memory_space<vmem>>[vector<16xi32>, vector<16xi32>], vector<16xf32>,
            %add3A_377 = arith.constant 0 : i32
            %add3A_378 = arith.addi %mul3A_348, %add3A_377 : i32
            %swap3A_379 = arith.index_cast %add3A_378 : i32 to index
            %swap3A_380 = arith.constant 32 : index
            %swap3A_381 = tpu.vector_load %arg12[%swap3A_379, %swap3A_380] {strides = array<i32>} : memref<32x64xf32, #tpu.memory_space<vmem>>, vector<16xf32>,
            tpu.vector_store %arg12[%swap3A_379, %swap3A_380], %gather3A_376 {strides = array<i32>} : memref<32x64xf32, #tpu.memory_space<vmem>>, vector<16xf32>,
            %add3A_382 = arith.constant 48 : i32
            %add3A_383 = vector.broadcast %add3A_382 : i32 to vector<16xi32>
            %add3A_384 = arith.addi %iota3A, %add3A_383 : vector<16xi32>
            %gather3A_385 = tpu.vector_load_idx %arg15[%add3A_384, %broadcast_in_dim3A_355] : memref<64x256xf32, #tpu.memory_space<vmem>>[vector<16xi32>, vector<16xi32>], vector<16xf32>,
            %add3A_386 = arith.constant 0 : i32
            %add3A_387 = arith.addi %mul3A_348, %add3A_386 : i32
            %swap3A_388 = arith.index_cast %add3A_387 : i32 to index
            %swap3A_389 = arith.constant 48 : index
            %swap3A_390 = tpu.vector_load %arg12[%swap3A_388, %swap3A_389] {strides = array<i32>} : memref<32x64xf32, #tpu.memory_space<vmem>>, vector<16xf32>,
            tpu.vector_store %arg12[%swap3A_388, %swap3A_389], %gather3A_385 {strides = array<i32>} : memref<32x64xf32, #tpu.memory_space<vmem>>, vector<16xf32>,
            %slice3A_391 = vector.extract_strided_slice %select_n3A_326 {offsets = [1], sizes = [1], strides = [1]} : vector<16xi32> to vector<1xi32>
            %squeeze3A_392 = vector.extract %slice3A_391[0] : i32 from vector<1xi32>
            %broadcast_in_dim3A_393 = vector.broadcast %squeeze3A_392 : i32 to vector<16xi32>
            %add3A_394 = arith.constant 0 : i32
            %add3A_395 = vector.broadcast %add3A_394 : i32 to vector<16xi32>
            %add3A_396 = arith.addi %iota3A, %add3A_395 : vector<16xi32>
            %gather3A_397 = tpu.vector_load_idx %arg15[%add3A_396, %broadcast_in_dim3A_393] : memref<64x256xf32, #tpu.memory_space<vmem>>[vector<16xi32>, vector<16xi32>], vector<16xf32>,
            %add3A_398 = arith.constant 1 : i32
            %add3A_399 = arith.addi %mul3A_348, %add3A_398 : i32
            %swap3A_400 = arith.index_cast %add3A_399 : i32 to index
            %swap3A_401 = arith.constant 0 : index
            %swap3A_402 = tpu.vector_load %arg12[%swap3A_400, %swap3A_401] {strides = array<i32>} : memref<32x64xf32, #tpu.memory_space<vmem>>, vector<16xf32>,
            tpu.vector_store %arg12[%swap3A_400, %swap3A_401], %gather3A_397 {strides = array<i32>} : memref<32x64xf32, #tpu.memory_space<vmem>>, vector<16xf32>,
            %add3A_403 = arith.constant 16 : i32
            %add3A_404 = vector.broadcast %add3A_403 : i32 to vector<16xi32>
            %add3A_405 = arith.addi %iota3A, %add3A_404 : vector<16xi32>
            %gather3A_406 = tpu.vector_load_idx %arg15[%add3A_405, %broadcast_in_dim3A_393] : memref<64x256xf32, #tpu.memory_space<vmem>>[vector<16xi32>, vector<16xi32>], vector<16xf32>,
            %add3A_407 = arith.constant 1 : i32
            %add3A_408 = arith.addi %mul3A_348, %add3A_407 : i32
            %swap3A_409 = arith.index_cast %add3A_408 : i32 to index
            %swap3A_410 = arith.constant 16 : index
            %swap3A_411 = tpu.vector_load %arg12[%swap3A_409, %swap3A_410] {strides = array<i32>} : memref<32x64xf32, #tpu.memory_space<vmem>>, vector<16xf32>,
            tpu.vector_store %arg12[%swap3A_409, %swap3A_410], %gather3A_406 {strides = array<i32>} : memref<32x64xf32, #tpu.memory_space<vmem>>, vector<16xf32>,
            %add3A_412 = arith.constant 32 : i32
            %add3A_413 = vector.broadcast %add3A_412 : i32 to vector<16xi32>
            %add3A_414 = arith.addi %iota3A, %add3A_413 : vector<16xi32>
            %gather3A_415 = tpu.vector_load_idx %arg15[%add3A_414, %broadcast_in_dim3A_393] : memref<64x256xf32, #tpu.memory_space<vmem>>[vector<16xi32>, vector<16xi32>], vector<16xf32>,
            %add3A_416 = arith.constant 1 : i32
            %add3A_417 = arith.addi %mul3A_348, %add3A_416 : i32
            %swap3A_418 = arith.index_cast %add3A_417 : i32 to index
            %swap3A_419 = arith.constant 32 : index
            %swap3A_420 = tpu.vector_load %arg12[%swap3A_418, %swap3A_419] {strides = array<i32>} : memref<32x64xf32, #tpu.memory_space<vmem>>, vector<16xf32>,
            tpu.vector_store %arg12[%swap3A_418, %swap3A_419], %gather3A_415 {strides = array<i32>} : memref<32x64xf32, #tpu.memory_space<vmem>>, vector<16xf32>,
            %add3A_421 = arith.constant 48 : i32
            %add3A_422 = vector.broadcast %add3A_421 : i32 to vector<16xi32>
            %add3A_423 = arith.addi %iota3A, %add3A_422 : vector<16xi32>
            %gather3A_424 = tpu.vector_load_idx %arg15[%add3A_423, %broadcast_in_dim3A_393] : memref<64x256xf32, #tpu.memory_space<vmem>>[vector<16xi32>, vector<16xi32>], vector<16xf32>,
            %add3A_425 = arith.constant 1 : i32
            %add3A_426 = arith.addi %mul3A_348, %add3A_425 : i32
            %swap3A_427 = arith.index_cast %add3A_426 : i32 to index
            %swap3A_428 = arith.constant 48 : index
            %swap3A_429 = tpu.vector_load %arg12[%swap3A_427, %swap3A_428] {strides = array<i32>} : memref<32x64xf32, #tpu.memory_space<vmem>>, vector<16xf32>,
            tpu.vector_store %arg12[%swap3A_427, %swap3A_428], %gather3A_424 {strides = array<i32>} : memref<32x64xf32, #tpu.memory_space<vmem>>, vector<16xf32>,
            %slice3A_430 = vector.extract_strided_slice %select_n3A_326 {offsets = [2], sizes = [1], strides = [1]} : vector<16xi32> to vector<1xi32>
            %squeeze3A_431 = vector.extract %slice3A_430[0] : i32 from vector<1xi32>
            %broadcast_in_dim3A_432 = vector.broadcast %squeeze3A_431 : i32 to vector<16xi32>
            %add3A_433 = arith.constant 0 : i32
            %add3A_434 = vector.broadcast %add3A_433 : i32 to vector<16xi32>
            %add3A_435 = arith.addi %iota3A, %add3A_434 : vector<16xi32>
            %gather3A_436 = tpu.vector_load_idx %arg15[%add3A_435, %broadcast_in_dim3A_432] : memref<64x256xf32, #tpu.memory_space<vmem>>[vector<16xi32>, vector<16xi32>], vector<16xf32>,
            %add3A_437 = arith.constant 2 : i32
            %add3A_438 = arith.addi %mul3A_348, %add3A_437 : i32
            %swap3A_439 = arith.index_cast %add3A_438 : i32 to index
            %swap3A_440 = arith.constant 0 : index
            %swap3A_441 = tpu.vector_load %arg12[%swap3A_439, %swap3A_440] {strides = array<i32>} : memref<32x64xf32, #tpu.memory_space<vmem>>, vector<16xf32>,
            tpu.vector_store %arg12[%swap3A_439, %swap3A_440], %gather3A_436 {strides = array<i32>} : memref<32x64xf32, #tpu.memory_space<vmem>>, vector<16xf32>,
            %add3A_442 = arith.constant 16 : i32
            %add3A_443 = vector.broadcast %add3A_442 : i32 to vector<16xi32>
            %add3A_444 = arith.addi %iota3A, %add3A_443 : vector<16xi32>
            %gather3A_445 = tpu.vector_load_idx %arg15[%add3A_444, %broadcast_in_dim3A_432] : memref<64x256xf32, #tpu.memory_space<vmem>>[vector<16xi32>, vector<16xi32>], vector<16xf32>,
            %add3A_446 = arith.constant 2 : i32
            %add3A_447 = arith.addi %mul3A_348, %add3A_446 : i32
            %swap3A_448 = arith.index_cast %add3A_447 : i32 to index
            %swap3A_449 = arith.constant 16 : index
            %swap3A_450 = tpu.vector_load %arg12[%swap3A_448, %swap3A_449] {strides = array<i32>} : memref<32x64xf32, #tpu.memory_space<vmem>>, vector<16xf32>,
            tpu.vector_store %arg12[%swap3A_448, %swap3A_449], %gather3A_445 {strides = array<i32>} : memref<32x64xf32, #tpu.memory_space<vmem>>, vector<16xf32>,
            %add3A_451 = arith.constant 32 : i32
            %add3A_452 = vector.broadcast %add3A_451 : i32 to vector<16xi32>
            %add3A_453 = arith.addi %iota3A, %add3A_452 : vector<16xi32>
            %gather3A_454 = tpu.vector_load_idx %arg15[%add3A_453, %broadcast_in_dim3A_432] : memref<64x256xf32, #tpu.memory_space<vmem>>[vector<16xi32>, vector<16xi32>], vector<16xf32>,
            %add3A_455 = arith.constant 2 : i32
            %add3A_456 = arith.addi %mul3A_348, %add3A_455 : i32
            %swap3A_457 = arith.index_cast %add3A_456 : i32 to index
            %swap3A_458 = arith.constant 32 : index
            %swap3A_459 = tpu.vector_load %arg12[%swap3A_457, %swap3A_458] {strides = array<i32>} : memref<32x64xf32, #tpu.memory_space<vmem>>, vector<16xf32>,
            tpu.vector_store %arg12[%swap3A_457, %swap3A_458], %gather3A_454 {strides = array<i32>} : memref<32x64xf32, #tpu.memory_space<vmem>>, vector<16xf32>,
            %add3A_460 = arith.constant 48 : i32
            %add3A_461 = vector.broadcast %add3A_460 : i32 to vector<16xi32>
            %add3A_462 = arith.addi %iota3A, %add3A_461 : vector<16xi32>
            %gather3A_463 = tpu.vector_load_idx %arg15[%add3A_462, %broadcast_in_dim3A_432] : memref<64x256xf32, #tpu.memory_space<vmem>>[vector<16xi32>, vector<16xi32>], vector<16xf32>,
            %add3A_464 = arith.constant 2 : i32
            %add3A_465 = arith.addi %mul3A_348, %add3A_464 : i32
            %swap3A_466 = arith.index_cast %add3A_465 : i32 to index
            %swap3A_467 = arith.constant 48 : index
            %swap3A_468 = tpu.vector_load %arg12[%swap3A_466, %swap3A_467] {strides = array<i32>} : memref<32x64xf32, #tpu.memory_space<vmem>>, vector<16xf32>,
            tpu.vector_store %arg12[%swap3A_466, %swap3A_467], %gather3A_463 {strides = array<i32>} : memref<32x64xf32, #tpu.memory_space<vmem>>, vector<16xf32>,
            %slice3A_469 = vector.extract_strided_slice %select_n3A_326 {offsets = [3], sizes = [1], strides = [1]} : vector<16xi32> to vector<1xi32>
            %squeeze3A_470 = vector.extract %slice3A_469[0] : i32 from vector<1xi32>
            %broadcast_in_dim3A_471 = vector.broadcast %squeeze3A_470 : i32 to vector<16xi32>
            %add3A_472 = arith.constant 0 : i32
            %add3A_473 = vector.broadcast %add3A_472 : i32 to vector<16xi32>
            %add3A_474 = arith.addi %iota3A, %add3A_473 : vector<16xi32>
            %gather3A_475 = tpu.vector_load_idx %arg15[%add3A_474, %broadcast_in_dim3A_471] : memref<64x256xf32, #tpu.memory_space<vmem>>[vector<16xi32>, vector<16xi32>], vector<16xf32>,
            %add3A_476 = arith.constant 3 : i32
            %add3A_477 = arith.addi %mul3A_348, %add3A_476 : i32
            %swap3A_478 = arith.index_cast %add3A_477 : i32 to index
            %swap3A_479 = arith.constant 0 : index
            %swap3A_480 = tpu.vector_load %arg12[%swap3A_478, %swap3A_479] {strides = array<i32>} : memref<32x64xf32, #tpu.memory_space<vmem>>, vector<16xf32>,
            tpu.vector_store %arg12[%swap3A_478, %swap3A_479], %gather3A_475 {strides = array<i32>} : memref<32x64xf32, #tpu.memory_space<vmem>>, vector<16xf32>,
            %add3A_481 = arith.constant 16 : i32
            %add3A_482 = vector.broadcast %add3A_481 : i32 to vector<16xi32>
            %add3A_483 = arith.addi %iota3A, %add3A_482 : vector<16xi32>
            %gather3A_484 = tpu.vector_load_idx %arg15[%add3A_483, %broadcast_in_dim3A_471] : memref<64x256xf32, #tpu.memory_space<vmem>>[vector<16xi32>, vector<16xi32>], vector<16xf32>,
            %add3A_485 = arith.constant 3 : i32
            %add3A_486 = arith.addi %mul3A_348, %add3A_485 : i32
            %swap3A_487 = arith.index_cast %add3A_486 : i32 to index
            %swap3A_488 = arith.constant 16 : index
            %swap3A_489 = tpu.vector_load %arg12[%swap3A_487, %swap3A_488] {strides = array<i32>} : memref<32x64xf32, #tpu.memory_space<vmem>>, vector<16xf32>,
            tpu.vector_store %arg12[%swap3A_487, %swap3A_488], %gather3A_484 {strides = array<i32>} : memref<32x64xf32, #tpu.memory_space<vmem>>, vector<16xf32>,
            %add3A_490 = arith.constant 32 : i32
            %add3A_491 = vector.broadcast %add3A_490 : i32 to vector<16xi32>
            %add3A_492 = arith.addi %iota3A, %add3A_491 : vector<16xi32>
            %gather3A_493 = tpu.vector_load_idx %arg15[%add3A_492, %broadcast_in_dim3A_471] : memref<64x256xf32, #tpu.memory_space<vmem>>[vector<16xi32>, vector<16xi32>], vector<16xf32>,
            %add3A_494 = arith.constant 3 : i32
            %add3A_495 = arith.addi %mul3A_348, %add3A_494 : i32
            %swap3A_496 = arith.index_cast %add3A_495 : i32 to index
            %swap3A_497 = arith.constant 32 : index
            %swap3A_498 = tpu.vector_load %arg12[%swap3A_496, %swap3A_497] {strides = array<i32>} : memref<32x64xf32, #tpu.memory_space<vmem>>, vector<16xf32>,
            tpu.vector_store %arg12[%swap3A_496, %swap3A_497], %gather3A_493 {strides = array<i32>} : memref<32x64xf32, #tpu.memory_space<vmem>>, vector<16xf32>,
            %add3A_499 = arith.constant 48 : i32
            %add3A_500 = vector.broadcast %add3A_499 : i32 to vector<16xi32>
            %add3A_501 = arith.addi %iota3A, %add3A_500 : vector<16xi32>
            %gather3A_502 = tpu.vector_load_idx %arg15[%add3A_501, %broadcast_in_dim3A_471] : memref<64x256xf32, #tpu.memory_space<vmem>>[vector<16xi32>, vector<16xi32>], vector<16xf32>,
            %add3A_503 = arith.constant 3 : i32
            %add3A_504 = arith.addi %mul3A_348, %add3A_503 : i32
            %swap3A_505 = arith.index_cast %add3A_504 : i32 to index
            %swap3A_506 = arith.constant 48 : index
            %swap3A_507 = tpu.vector_load %arg12[%swap3A_505, %swap3A_506] {strides = array<i32>} : memref<32x64xf32, #tpu.memory_space<vmem>>, vector<16xf32>,
            tpu.vector_store %arg12[%swap3A_505, %swap3A_506], %gather3A_502 {strides = array<i32>} : memref<32x64xf32, #tpu.memory_space<vmem>>, vector<16xf32>,
            %slice3A_508 = vector.extract_strided_slice %select_n3A_326 {offsets = [4], sizes = [1], strides = [1]} : vector<16xi32> to vector<1xi32>
            %squeeze3A_509 = vector.extract %slice3A_508[0] : i32 from vector<1xi32>
            %broadcast_in_dim3A_510 = vector.broadcast %squeeze3A_509 : i32 to vector<16xi32>
            %add3A_511 = arith.constant 0 : i32
            %add3A_512 = vector.broadcast %add3A_511 : i32 to vector<16xi32>
            %add3A_513 = arith.addi %iota3A, %add3A_512 : vector<16xi32>
            %gather3A_514 = tpu.vector_load_idx %arg15[%add3A_513, %broadcast_in_dim3A_510] : memref<64x256xf32, #tpu.memory_space<vmem>>[vector<16xi32>, vector<16xi32>], vector<16xf32>,
            %add3A_515 = arith.constant 4 : i32
            %add3A_516 = arith.addi %mul3A_348, %add3A_515 : i32
            %swap3A_517 = arith.index_cast %add3A_516 : i32 to index
            %swap3A_518 = arith.constant 0 : index
            %swap3A_519 = tpu.vector_load %arg12[%swap3A_517, %swap3A_518] {strides = array<i32>} : memref<32x64xf32, #tpu.memory_space<vmem>>, vector<16xf32>,
            tpu.vector_store %arg12[%swap3A_517, %swap3A_518], %gather3A_514 {strides = array<i32>} : memref<32x64xf32, #tpu.memory_space<vmem>>, vector<16xf32>,
            %add3A_520 = arith.constant 16 : i32
            %add3A_521 = vector.broadcast %add3A_520 : i32 to vector<16xi32>
            %add3A_522 = arith.addi %iota3A, %add3A_521 : vector<16xi32>
            %gather3A_523 = tpu.vector_load_idx %arg15[%add3A_522, %broadcast_in_dim3A_510] : memref<64x256xf32, #tpu.memory_space<vmem>>[vector<16xi32>, vector<16xi32>], vector<16xf32>,
            %add3A_524 = arith.constant 4 : i32
            %add3A_525 = arith.addi %mul3A_348, %add3A_524 : i32
            %swap3A_526 = arith.index_cast %add3A_525 : i32 to index
            %swap3A_527 = arith.constant 16 : index
            %swap3A_528 = tpu.vector_load %arg12[%swap3A_526, %swap3A_527] {strides = array<i32>} : memref<32x64xf32, #tpu.memory_space<vmem>>, vector<16xf32>,
            tpu.vector_store %arg12[%swap3A_526, %swap3A_527], %gather3A_523 {strides = array<i32>} : memref<32x64xf32, #tpu.memory_space<vmem>>, vector<16xf32>,
            %add3A_529 = arith.constant 32 : i32
            %add3A_530 = vector.broadcast %add3A_529 : i32 to vector<16xi32>
            %add3A_531 = arith.addi %iota3A, %add3A_530 : vector<16xi32>
            %gather3A_532 = tpu.vector_load_idx %arg15[%add3A_531, %broadcast_in_dim3A_510] : memref<64x256xf32, #tpu.memory_space<vmem>>[vector<16xi32>, vector<16xi32>], vector<16xf32>,
            %add3A_533 = arith.constant 4 : i32
            %add3A_534 = arith.addi %mul3A_348, %add3A_533 : i32
            %swap3A_535 = arith.index_cast %add3A_534 : i32 to index
            %swap3A_536 = arith.constant 32 : index
            %swap3A_537 = tpu.vector_load %arg12[%swap3A_535, %swap3A_536] {strides = array<i32>} : memref<32x64xf32, #tpu.memory_space<vmem>>, vector<16xf32>,
            tpu.vector_store %arg12[%swap3A_535, %swap3A_536], %gather3A_532 {strides = array<i32>} : memref<32x64xf32, #tpu.memory_space<vmem>>, vector<16xf32>,
            %add3A_538 = arith.constant 48 : i32
            %add3A_539 = vector.broadcast %add3A_538 : i32 to vector<16xi32>
            %add3A_540 = arith.addi %iota3A, %add3A_539 : vector<16xi32>
            %gather3A_541 = tpu.vector_load_idx %arg15[%add3A_540, %broadcast_in_dim3A_510] : memref<64x256xf32, #tpu.memory_space<vmem>>[vector<16xi32>, vector<16xi32>], vector<16xf32>,
            %add3A_542 = arith.constant 4 : i32
            %add3A_543 = arith.addi %mul3A_348, %add3A_542 : i32
            %swap3A_544 = arith.index_cast %add3A_543 : i32 to index
            %swap3A_545 = arith.constant 48 : index
            %swap3A_546 = tpu.vector_load %arg12[%swap3A_544, %swap3A_545] {strides = array<i32>} : memref<32x64xf32, #tpu.memory_space<vmem>>, vector<16xf32>,
            tpu.vector_store %arg12[%swap3A_544, %swap3A_545], %gather3A_541 {strides = array<i32>} : memref<32x64xf32, #tpu.memory_space<vmem>>, vector<16xf32>,
            %slice3A_547 = vector.extract_strided_slice %select_n3A_326 {offsets = [5], sizes = [1], strides = [1]} : vector<16xi32> to vector<1xi32>
            %squeeze3A_548 = vector.extract %slice3A_547[0] : i32 from vector<1xi32>
            %broadcast_in_dim3A_549 = vector.broadcast %squeeze3A_548 : i32 to vector<16xi32>
            %add3A_550 = arith.constant 0 : i32
            %add3A_551 = vector.broadcast %add3A_550 : i32 to vector<16xi32>
            %add3A_552 = arith.addi %iota3A, %add3A_551 : vector<16xi32>
            %gather3A_553 = tpu.vector_load_idx %arg15[%add3A_552, %broadcast_in_dim3A_549] : memref<64x256xf32, #tpu.memory_space<vmem>>[vector<16xi32>, vector<16xi32>], vector<16xf32>,
            %add3A_554 = arith.constant 5 : i32
            %add3A_555 = arith.addi %mul3A_348, %add3A_554 : i32
            %swap3A_556 = arith.index_cast %add3A_555 : i32 to index
            %swap3A_557 = arith.constant 0 : index
            %swap3A_558 = tpu.vector_load %arg12[%swap3A_556, %swap3A_557] {strides = array<i32>} : memref<32x64xf32, #tpu.memory_space<vmem>>, vector<16xf32>,
            tpu.vector_store %arg12[%swap3A_556, %swap3A_557], %gather3A_553 {strides = array<i32>} : memref<32x64xf32, #tpu.memory_space<vmem>>, vector<16xf32>,
            %add3A_559 = arith.constant 16 : i32
            %add3A_560 = vector.broadcast %add3A_559 : i32 to vector<16xi32>
            %add3A_561 = arith.addi %iota3A, %add3A_560 : vector<16xi32>
            %gather3A_562 = tpu.vector_load_idx %arg15[%add3A_561, %broadcast_in_dim3A_549] : memref<64x256xf32, #tpu.memory_space<vmem>>[vector<16xi32>, vector<16xi32>], vector<16xf32>,
            %add3A_563 = arith.constant 5 : i32
            %add3A_564 = arith.addi %mul3A_348, %add3A_563 : i32
            %swap3A_565 = arith.index_cast %add3A_564 : i32 to index
            %swap3A_566 = arith.constant 16 : index
            %swap3A_567 = tpu.vector_load %arg12[%swap3A_565, %swap3A_566] {strides = array<i32>} : memref<32x64xf32, #tpu.memory_space<vmem>>, vector<16xf32>,
            tpu.vector_store %arg12[%swap3A_565, %swap3A_566], %gather3A_562 {strides = array<i32>} : memref<32x64xf32, #tpu.memory_space<vmem>>, vector<16xf32>,
            %add3A_568 = arith.constant 32 : i32
            %add3A_569 = vector.broadcast %add3A_568 : i32 to vector<16xi32>
            %add3A_570 = arith.addi %iota3A, %add3A_569 : vector<16xi32>
            %gather3A_571 = tpu.vector_load_idx %arg15[%add3A_570, %broadcast_in_dim3A_549] : memref<64x256xf32, #tpu.memory_space<vmem>>[vector<16xi32>, vector<16xi32>], vector<16xf32>,
            %add3A_572 = arith.constant 5 : i32
            %add3A_573 = arith.addi %mul3A_348, %add3A_572 : i32
            %swap3A_574 = arith.index_cast %add3A_573 : i32 to index
            %swap3A_575 = arith.constant 32 : index
            %swap3A_576 = tpu.vector_load %arg12[%swap3A_574, %swap3A_575] {strides = array<i32>} : memref<32x64xf32, #tpu.memory_space<vmem>>, vector<16xf32>,
            tpu.vector_store %arg12[%swap3A_574, %swap3A_575], %gather3A_571 {strides = array<i32>} : memref<32x64xf32, #tpu.memory_space<vmem>>, vector<16xf32>,
            %add3A_577 = arith.constant 48 : i32
            %add3A_578 = vector.broadcast %add3A_577 : i32 to vector<16xi32>
            %add3A_579 = arith.addi %iota3A, %add3A_578 : vector<16xi32>
            %gather3A_580 = tpu.vector_load_idx %arg15[%add3A_579, %broadcast_in_dim3A_549] : memref<64x256xf32, #tpu.memory_space<vmem>>[vector<16xi32>, vector<16xi32>], vector<16xf32>,
            %add3A_581 = arith.constant 5 : i32
            %add3A_582 = arith.addi %mul3A_348, %add3A_581 : i32
            %swap3A_583 = arith.index_cast %add3A_582 : i32 to index
            %swap3A_584 = arith.constant 48 : index
            %swap3A_585 = tpu.vector_load %arg12[%swap3A_583, %swap3A_584] {strides = array<i32>} : memref<32x64xf32, #tpu.memory_space<vmem>>, vector<16xf32>,
            tpu.vector_store %arg12[%swap3A_583, %swap3A_584], %gather3A_580 {strides = array<i32>} : memref<32x64xf32, #tpu.memory_space<vmem>>, vector<16xf32>,
            %slice3A_586 = vector.extract_strided_slice %select_n3A_326 {offsets = [6], sizes = [1], strides = [1]} : vector<16xi32> to vector<1xi32>
            %squeeze3A_587 = vector.extract %slice3A_586[0] : i32 from vector<1xi32>
            %broadcast_in_dim3A_588 = vector.broadcast %squeeze3A_587 : i32 to vector<16xi32>
            %add3A_589 = arith.constant 0 : i32
            %add3A_590 = vector.broadcast %add3A_589 : i32 to vector<16xi32>
            %add3A_591 = arith.addi %iota3A, %add3A_590 : vector<16xi32>
            %gather3A_592 = tpu.vector_load_idx %arg15[%add3A_591, %broadcast_in_dim3A_588] : memref<64x256xf32, #tpu.memory_space<vmem>>[vector<16xi32>, vector<16xi32>], vector<16xf32>,
            %add3A_593 = arith.constant 6 : i32
            %add3A_594 = arith.addi %mul3A_348, %add3A_593 : i32
            %swap3A_595 = arith.index_cast %add3A_594 : i32 to index
            %swap3A_596 = arith.constant 0 : index
            %swap3A_597 = tpu.vector_load %arg12[%swap3A_595, %swap3A_596] {strides = array<i32>} : memref<32x64xf32, #tpu.memory_space<vmem>>, vector<16xf32>,
            tpu.vector_store %arg12[%swap3A_595, %swap3A_596], %gather3A_592 {strides = array<i32>} : memref<32x64xf32, #tpu.memory_space<vmem>>, vector<16xf32>,
            %add3A_598 = arith.constant 16 : i32
            %add3A_599 = vector.broadcast %add3A_598 : i32 to vector<16xi32>
            %add3A_600 = arith.addi %iota3A, %add3A_599 : vector<16xi32>
            %gather3A_601 = tpu.vector_load_idx %arg15[%add3A_600, %broadcast_in_dim3A_588] : memref<64x256xf32, #tpu.memory_space<vmem>>[vector<16xi32>, vector<16xi32>], vector<16xf32>,
            %add3A_602 = arith.constant 6 : i32
            %add3A_603 = arith.addi %mul3A_348, %add3A_602 : i32
            %swap3A_604 = arith.index_cast %add3A_603 : i32 to index
            %swap3A_605 = arith.constant 16 : index
            %swap3A_606 = tpu.vector_load %arg12[%swap3A_604, %swap3A_605] {strides = array<i32>} : memref<32x64xf32, #tpu.memory_space<vmem>>, vector<16xf32>,
            tpu.vector_store %arg12[%swap3A_604, %swap3A_605], %gather3A_601 {strides = array<i32>} : memref<32x64xf32, #tpu.memory_space<vmem>>, vector<16xf32>,
            %add3A_607 = arith.constant 32 : i32
            %add3A_608 = vector.broadcast %add3A_607 : i32 to vector<16xi32>
            %add3A_609 = arith.addi %iota3A, %add3A_608 : vector<16xi32>
            %gather3A_610 = tpu.vector_load_idx %arg15[%add3A_609, %broadcast_in_dim3A_588] : memref<64x256xf32, #tpu.memory_space<vmem>>[vector<16xi32>, vector<16xi32>], vector<16xf32>,
            %add3A_611 = arith.constant 6 : i32
            %add3A_612 = arith.addi %mul3A_348, %add3A_611 : i32
            %swap3A_613 = arith.index_cast %add3A_612 : i32 to index
            %swap3A_614 = arith.constant 32 : index
            %swap3A_615 = tpu.vector_load %arg12[%swap3A_613, %swap3A_614] {strides = array<i32>} : memref<32x64xf32, #tpu.memory_space<vmem>>, vector<16xf32>,
            tpu.vector_store %arg12[%swap3A_613, %swap3A_614], %gather3A_610 {strides = array<i32>} : memref<32x64xf32, #tpu.memory_space<vmem>>, vector<16xf32>,
            %add3A_616 = arith.constant 48 : i32
            %add3A_617 = vector.broadcast %add3A_616 : i32 to vector<16xi32>
            %add3A_618 = arith.addi %iota3A, %add3A_617 : vector<16xi32>
            %gather3A_619 = tpu.vector_load_idx %arg15[%add3A_618, %broadcast_in_dim3A_588] : memref<64x256xf32, #tpu.memory_space<vmem>>[vector<16xi32>, vector<16xi32>], vector<16xf32>,
            %add3A_620 = arith.constant 6 : i32
            %add3A_621 = arith.addi %mul3A_348, %add3A_620 : i32
            %swap3A_622 = arith.index_cast %add3A_621 : i32 to index
            %swap3A_623 = arith.constant 48 : index
            %swap3A_624 = tpu.vector_load %arg12[%swap3A_622, %swap3A_623] {strides = array<i32>} : memref<32x64xf32, #tpu.memory_space<vmem>>, vector<16xf32>,
            tpu.vector_store %arg12[%swap3A_622, %swap3A_623], %gather3A_619 {strides = array<i32>} : memref<32x64xf32, #tpu.memory_space<vmem>>, vector<16xf32>,
            %slice3A_625 = vector.extract_strided_slice %select_n3A_326 {offsets = [7], sizes = [1], strides = [1]} : vector<16xi32> to vector<1xi32>
            %squeeze3A_626 = vector.extract %slice3A_625[0] : i32 from vector<1xi32>
            %broadcast_in_dim3A_627 = vector.broadcast %squeeze3A_626 : i32 to vector<16xi32>
            %add3A_628 = arith.constant 0 : i32
            %add3A_629 = vector.broadcast %add3A_628 : i32 to vector<16xi32>
            %add3A_630 = arith.addi %iota3A, %add3A_629 : vector<16xi32>
            %gather3A_631 = tpu.vector_load_idx %arg15[%add3A_630, %broadcast_in_dim3A_627] : memref<64x256xf32, #tpu.memory_space<vmem>>[vector<16xi32>, vector<16xi32>], vector<16xf32>,
            %add3A_632 = arith.constant 7 : i32
            %add3A_633 = arith.addi %mul3A_348, %add3A_632 : i32
            %swap3A_634 = arith.index_cast %add3A_633 : i32 to index
            %swap3A_635 = arith.constant 0 : index
            %swap3A_636 = tpu.vector_load %arg12[%swap3A_634, %swap3A_635] {strides = array<i32>} : memref<32x64xf32, #tpu.memory_space<vmem>>, vector<16xf32>,
            tpu.vector_store %arg12[%swap3A_634, %swap3A_635], %gather3A_631 {strides = array<i32>} : memref<32x64xf32, #tpu.memory_space<vmem>>, vector<16xf32>,
            %add3A_637 = arith.constant 16 : i32
            %add3A_638 = vector.broadcast %add3A_637 : i32 to vector<16xi32>
            %add3A_639 = arith.addi %iota3A, %add3A_638 : vector<16xi32>
            %gather3A_640 = tpu.vector_load_idx %arg15[%add3A_639, %broadcast_in_dim3A_627] : memref<64x256xf32, #tpu.memory_space<vmem>>[vector<16xi32>, vector<16xi32>], vector<16xf32>,
            %add3A_641 = arith.constant 7 : i32
            %add3A_642 = arith.addi %mul3A_348, %add3A_641 : i32
            %swap3A_643 = arith.index_cast %add3A_642 : i32 to index
            %swap3A_644 = arith.constant 16 : index
            %swap3A_645 = tpu.vector_load %arg12[%swap3A_643, %swap3A_644] {strides = array<i32>} : memref<32x64xf32, #tpu.memory_space<vmem>>, vector<16xf32>,
            tpu.vector_store %arg12[%swap3A_643, %swap3A_644], %gather3A_640 {strides = array<i32>} : memref<32x64xf32, #tpu.memory_space<vmem>>, vector<16xf32>,
            %add3A_646 = arith.constant 32 : i32
            %add3A_647 = vector.broadcast %add3A_646 : i32 to vector<16xi32>
            %add3A_648 = arith.addi %iota3A, %add3A_647 : vector<16xi32>
            %gather3A_649 = tpu.vector_load_idx %arg15[%add3A_648, %broadcast_in_dim3A_627] : memref<64x256xf32, #tpu.memory_space<vmem>>[vector<16xi32>, vector<16xi32>], vector<16xf32>,
            %add3A_650 = arith.constant 7 : i32
            %add3A_651 = arith.addi %mul3A_348, %add3A_650 : i32
            %swap3A_652 = arith.index_cast %add3A_651 : i32 to index
            %swap3A_653 = arith.constant 32 : index
            %swap3A_654 = tpu.vector_load %arg12[%swap3A_652, %swap3A_653] {strides = array<i32>} : memref<32x64xf32, #tpu.memory_space<vmem>>, vector<16xf32>,
            tpu.vector_store %arg12[%swap3A_652, %swap3A_653], %gather3A_649 {strides = array<i32>} : memref<32x64xf32, #tpu.memory_space<vmem>>, vector<16xf32>,
            %add3A_655 = arith.constant 48 : i32
            %add3A_656 = vector.broadcast %add3A_655 : i32 to vector<16xi32>
            %add3A_657 = arith.addi %iota3A, %add3A_656 : vector<16xi32>
            %gather3A_658 = tpu.vector_load_idx %arg15[%add3A_657, %broadcast_in_dim3A_627] : memref<64x256xf32, #tpu.memory_space<vmem>>[vector<16xi32>, vector<16xi32>], vector<16xf32>,
            %add3A_659 = arith.constant 7 : i32
            %add3A_660 = arith.addi %mul3A_348, %add3A_659 : i32
            %swap3A_661 = arith.index_cast %add3A_660 : i32 to index
            %swap3A_662 = arith.constant 48 : index
            %swap3A_663 = tpu.vector_load %arg12[%swap3A_661, %swap3A_662] {strides = array<i32>} : memref<32x64xf32, #tpu.memory_space<vmem>>, vector<16xf32>,
            tpu.vector_store %arg12[%swap3A_661, %swap3A_662], %gather3A_658 {strides = array<i32>} : memref<32x64xf32, #tpu.memory_space<vmem>>, vector<16xf32>,
            %slice3A_664 = vector.extract_strided_slice %select_n3A_326 {offsets = [8], sizes = [1], strides = [1]} : vector<16xi32> to vector<1xi32>
            %squeeze3A_665 = vector.extract %slice3A_664[0] : i32 from vector<1xi32>
            %broadcast_in_dim3A_666 = vector.broadcast %squeeze3A_665 : i32 to vector<16xi32>
            %add3A_667 = arith.constant 0 : i32
            %add3A_668 = vector.broadcast %add3A_667 : i32 to vector<16xi32>
            %add3A_669 = arith.addi %iota3A, %add3A_668 : vector<16xi32>
            %gather3A_670 = tpu.vector_load_idx %arg15[%add3A_669, %broadcast_in_dim3A_666] : memref<64x256xf32, #tpu.memory_space<vmem>>[vector<16xi32>, vector<16xi32>], vector<16xf32>,
            %add3A_671 = arith.constant 8 : i32
            %add3A_672 = arith.addi %mul3A_348, %add3A_671 : i32
            %swap3A_673 = arith.index_cast %add3A_672 : i32 to index
            %swap3A_674 = arith.constant 0 : index
            %swap3A_675 = tpu.vector_load %arg12[%swap3A_673, %swap3A_674] {strides = array<i32>} : memref<32x64xf32, #tpu.memory_space<vmem>>, vector<16xf32>,
            tpu.vector_store %arg12[%swap3A_673, %swap3A_674], %gather3A_670 {strides = array<i32>} : memref<32x64xf32, #tpu.memory_space<vmem>>, vector<16xf32>,
            %add3A_676 = arith.constant 16 : i32
            %add3A_677 = vector.broadcast %add3A_676 : i32 to vector<16xi32>
            %add3A_678 = arith.addi %iota3A, %add3A_677 : vector<16xi32>
            %gather3A_679 = tpu.vector_load_idx %arg15[%add3A_678, %broadcast_in_dim3A_666] : memref<64x256xf32, #tpu.memory_space<vmem>>[vector<16xi32>, vector<16xi32>], vector<16xf32>,
            %add3A_680 = arith.constant 8 : i32
            %add3A_681 = arith.addi %mul3A_348, %add3A_680 : i32
            %swap3A_682 = arith.index_cast %add3A_681 : i32 to index
            %swap3A_683 = arith.constant 16 : index
            %swap3A_684 = tpu.vector_load %arg12[%swap3A_682, %swap3A_683] {strides = array<i32>} : memref<32x64xf32, #tpu.memory_space<vmem>>, vector<16xf32>,
            tpu.vector_store %arg12[%swap3A_682, %swap3A_683], %gather3A_679 {strides = array<i32>} : memref<32x64xf32, #tpu.memory_space<vmem>>, vector<16xf32>,
            %add3A_685 = arith.constant 32 : i32
            %add3A_686 = vector.broadcast %add3A_685 : i32 to vector<16xi32>
            %add3A_687 = arith.addi %iota3A, %add3A_686 : vector<16xi32>
            %gather3A_688 = tpu.vector_load_idx %arg15[%add3A_687, %broadcast_in_dim3A_666] : memref<64x256xf32, #tpu.memory_space<vmem>>[vector<16xi32>, vector<16xi32>], vector<16xf32>,
            %add3A_689 = arith.constant 8 : i32
            %add3A_690 = arith.addi %mul3A_348, %add3A_689 : i32
            %swap3A_691 = arith.index_cast %add3A_690 : i32 to index
            %swap3A_692 = arith.constant 32 : index
            %swap3A_693 = tpu.vector_load %arg12[%swap3A_691, %swap3A_692] {strides = array<i32>} : memref<32x64xf32, #tpu.memory_space<vmem>>, vector<16xf32>,
            tpu.vector_store %arg12[%swap3A_691, %swap3A_692], %gather3A_688 {strides = array<i32>} : memref<32x64xf32, #tpu.memory_space<vmem>>, vector<16xf32>,
            %add3A_694 = arith.constant 48 : i32
            %add3A_695 = vector.broadcast %add3A_694 : i32 to vector<16xi32>
            %add3A_696 = arith.addi %iota3A, %add3A_695 : vector<16xi32>
            %gather3A_697 = tpu.vector_load_idx %arg15[%add3A_696, %broadcast_in_dim3A_666] : memref<64x256xf32, #tpu.memory_space<vmem>>[vector<16xi32>, vector<16xi32>], vector<16xf32>,
            %add3A_698 = arith.constant 8 : i32
            %add3A_699 = arith.addi %mul3A_348, %add3A_698 : i32
            %swap3A_700 = arith.index_cast %add3A_699 : i32 to index
            %swap3A_701 = arith.constant 48 : index
            %swap3A_702 = tpu.vector_load %arg12[%swap3A_700, %swap3A_701] {strides = array<i32>} : memref<32x64xf32, #tpu.memory_space<vmem>>, vector<16xf32>,
            tpu.vector_store %arg12[%swap3A_700, %swap3A_701], %gather3A_697 {strides = array<i32>} : memref<32x64xf32, #tpu.memory_space<vmem>>, vector<16xf32>,
            %slice3A_703 = vector.extract_strided_slice %select_n3A_326 {offsets = [9], sizes = [1], strides = [1]} : vector<16xi32> to vector<1xi32>
            %squeeze3A_704 = vector.extract %slice3A_703[0] : i32 from vector<1xi32>
            %broadcast_in_dim3A_705 = vector.broadcast %squeeze3A_704 : i32 to vector<16xi32>
            %add3A_706 = arith.constant 0 : i32
            %add3A_707 = vector.broadcast %add3A_706 : i32 to vector<16xi32>
            %add3A_708 = arith.addi %iota3A, %add3A_707 : vector<16xi32>
            %gather3A_709 = tpu.vector_load_idx %arg15[%add3A_708, %broadcast_in_dim3A_705] : memref<64x256xf32, #tpu.memory_space<vmem>>[vector<16xi32>, vector<16xi32>], vector<16xf32>,
            %add3A_710 = arith.constant 9 : i32
            %add3A_711 = arith.addi %mul3A_348, %add3A_710 : i32
            %swap3A_712 = arith.index_cast %add3A_711 : i32 to index
            %swap3A_713 = arith.constant 0 : index
            %swap3A_714 = tpu.vector_load %arg12[%swap3A_712, %swap3A_713] {strides = array<i32>} : memref<32x64xf32, #tpu.memory_space<vmem>>, vector<16xf32>,
            tpu.vector_store %arg12[%swap3A_712, %swap3A_713], %gather3A_709 {strides = array<i32>} : memref<32x64xf32, #tpu.memory_space<vmem>>, vector<16xf32>,
            %add3A_715 = arith.constant 16 : i32
            %add3A_716 = vector.broadcast %add3A_715 : i32 to vector<16xi32>
            %add3A_717 = arith.addi %iota3A, %add3A_716 : vector<16xi32>
            %gather3A_718 = tpu.vector_load_idx %arg15[%add3A_717, %broadcast_in_dim3A_705] : memref<64x256xf32, #tpu.memory_space<vmem>>[vector<16xi32>, vector<16xi32>], vector<16xf32>,
            %add3A_719 = arith.constant 9 : i32
            %add3A_720 = arith.addi %mul3A_348, %add3A_719 : i32
            %swap3A_721 = arith.index_cast %add3A_720 : i32 to index
            %swap3A_722 = arith.constant 16 : index
            %swap3A_723 = tpu.vector_load %arg12[%swap3A_721, %swap3A_722] {strides = array<i32>} : memref<32x64xf32, #tpu.memory_space<vmem>>, vector<16xf32>,
            tpu.vector_store %arg12[%swap3A_721, %swap3A_722], %gather3A_718 {strides = array<i32>} : memref<32x64xf32, #tpu.memory_space<vmem>>, vector<16xf32>,
            %add3A_724 = arith.constant 32 : i32
            %add3A_725 = vector.broadcast %add3A_724 : i32 to vector<16xi32>
            %add3A_726 = arith.addi %iota3A, %add3A_725 : vector<16xi32>
            %gather3A_727 = tpu.vector_load_idx %arg15[%add3A_726, %broadcast_in_dim3A_705] : memref<64x256xf32, #tpu.memory_space<vmem>>[vector<16xi32>, vector<16xi32>], vector<16xf32>,
            %add3A_728 = arith.constant 9 : i32
            %add3A_729 = arith.addi %mul3A_348, %add3A_728 : i32
            %swap3A_730 = arith.index_cast %add3A_729 : i32 to index
            %swap3A_731 = arith.constant 32 : index
            %swap3A_732 = tpu.vector_load %arg12[%swap3A_730, %swap3A_731] {strides = array<i32>} : memref<32x64xf32, #tpu.memory_space<vmem>>, vector<16xf32>,
            tpu.vector_store %arg12[%swap3A_730, %swap3A_731], %gather3A_727 {strides = array<i32>} : memref<32x64xf32, #tpu.memory_space<vmem>>, vector<16xf32>,
            %add3A_733 = arith.constant 48 : i32
            %add3A_734 = vector.broadcast %add3A_733 : i32 to vector<16xi32>
            %add3A_735 = arith.addi %iota3A, %add3A_734 : vector<16xi32>
            %gather3A_736 = tpu.vector_load_idx %arg15[%add3A_735, %broadcast_in_dim3A_705] : memref<64x256xf32, #tpu.memory_space<vmem>>[vector<16xi32>, vector<16xi32>], vector<16xf32>,
            %add3A_737 = arith.constant 9 : i32
            %add3A_738 = arith.addi %mul3A_348, %add3A_737 : i32
            %swap3A_739 = arith.index_cast %add3A_738 : i32 to index
            %swap3A_740 = arith.constant 48 : index
            %swap3A_741 = tpu.vector_load %arg12[%swap3A_739, %swap3A_740] {strides = array<i32>} : memref<32x64xf32, #tpu.memory_space<vmem>>, vector<16xf32>,
            tpu.vector_store %arg12[%swap3A_739, %swap3A_740], %gather3A_736 {strides = array<i32>} : memref<32x64xf32, #tpu.memory_space<vmem>>, vector<16xf32>,
            %slice3A_742 = vector.extract_strided_slice %select_n3A_326 {offsets = [10], sizes = [1], strides = [1]} : vector<16xi32> to vector<1xi32>
            %squeeze3A_743 = vector.extract %slice3A_742[0] : i32 from vector<1xi32>
            %broadcast_in_dim3A_744 = vector.broadcast %squeeze3A_743 : i32 to vector<16xi32>
            %add3A_745 = arith.constant 0 : i32
            %add3A_746 = vector.broadcast %add3A_745 : i32 to vector<16xi32>
            %add3A_747 = arith.addi %iota3A, %add3A_746 : vector<16xi32>
            %gather3A_748 = tpu.vector_load_idx %arg15[%add3A_747, %broadcast_in_dim3A_744] : memref<64x256xf32, #tpu.memory_space<vmem>>[vector<16xi32>, vector<16xi32>], vector<16xf32>,
            %add3A_749 = arith.constant 10 : i32
            %add3A_750 = arith.addi %mul3A_348, %add3A_749 : i32
            %swap3A_751 = arith.index_cast %add3A_750 : i32 to index
            %swap3A_752 = arith.constant 0 : index
            %swap3A_753 = tpu.vector_load %arg12[%swap3A_751, %swap3A_752] {strides = array<i32>} : memref<32x64xf32, #tpu.memory_space<vmem>>, vector<16xf32>,
            tpu.vector_store %arg12[%swap3A_751, %swap3A_752], %gather3A_748 {strides = array<i32>} : memref<32x64xf32, #tpu.memory_space<vmem>>, vector<16xf32>,
            %add3A_754 = arith.constant 16 : i32
            %add3A_755 = vector.broadcast %add3A_754 : i32 to vector<16xi32>
            %add3A_756 = arith.addi %iota3A, %add3A_755 : vector<16xi32>
            %gather3A_757 = tpu.vector_load_idx %arg15[%add3A_756, %broadcast_in_dim3A_744] : memref<64x256xf32, #tpu.memory_space<vmem>>[vector<16xi32>, vector<16xi32>], vector<16xf32>,
            %add3A_758 = arith.constant 10 : i32
            %add3A_759 = arith.addi %mul3A_348, %add3A_758 : i32
            %swap3A_760 = arith.index_cast %add3A_759 : i32 to index
            %swap3A_761 = arith.constant 16 : index
            %swap3A_762 = tpu.vector_load %arg12[%swap3A_760, %swap3A_761] {strides = array<i32>} : memref<32x64xf32, #tpu.memory_space<vmem>>, vector<16xf32>,
            tpu.vector_store %arg12[%swap3A_760, %swap3A_761], %gather3A_757 {strides = array<i32>} : memref<32x64xf32, #tpu.memory_space<vmem>>, vector<16xf32>,
            %add3A_763 = arith.constant 32 : i32
            %add3A_764 = vector.broadcast %add3A_763 : i32 to vector<16xi32>
            %add3A_765 = arith.addi %iota3A, %add3A_764 : vector<16xi32>
            %gather3A_766 = tpu.vector_load_idx %arg15[%add3A_765, %broadcast_in_dim3A_744] : memref<64x256xf32, #tpu.memory_space<vmem>>[vector<16xi32>, vector<16xi32>], vector<16xf32>,
            %add3A_767 = arith.constant 10 : i32
            %add3A_768 = arith.addi %mul3A_348, %add3A_767 : i32
            %swap3A_769 = arith.index_cast %add3A_768 : i32 to index
            %swap3A_770 = arith.constant 32 : index
            %swap3A_771 = tpu.vector_load %arg12[%swap3A_769, %swap3A_770] {strides = array<i32>} : memref<32x64xf32, #tpu.memory_space<vmem>>, vector<16xf32>,
            tpu.vector_store %arg12[%swap3A_769, %swap3A_770], %gather3A_766 {strides = array<i32>} : memref<32x64xf32, #tpu.memory_space<vmem>>, vector<16xf32>,
            %add3A_772 = arith.constant 48 : i32
            %add3A_773 = vector.broadcast %add3A_772 : i32 to vector<16xi32>
            %add3A_774 = arith.addi %iota3A, %add3A_773 : vector<16xi32>
            %gather3A_775 = tpu.vector_load_idx %arg15[%add3A_774, %broadcast_in_dim3A_744] : memref<64x256xf32, #tpu.memory_space<vmem>>[vector<16xi32>, vector<16xi32>], vector<16xf32>,
            %add3A_776 = arith.constant 10 : i32
            %add3A_777 = arith.addi %mul3A_348, %add3A_776 : i32
            %swap3A_778 = arith.index_cast %add3A_777 : i32 to index
            %swap3A_779 = arith.constant 48 : index
            %swap3A_780 = tpu.vector_load %arg12[%swap3A_778, %swap3A_779] {strides = array<i32>} : memref<32x64xf32, #tpu.memory_space<vmem>>, vector<16xf32>,
            tpu.vector_store %arg12[%swap3A_778, %swap3A_779], %gather3A_775 {strides = array<i32>} : memref<32x64xf32, #tpu.memory_space<vmem>>, vector<16xf32>,
            %slice3A_781 = vector.extract_strided_slice %select_n3A_326 {offsets = [11], sizes = [1], strides = [1]} : vector<16xi32> to vector<1xi32>
            %squeeze3A_782 = vector.extract %slice3A_781[0] : i32 from vector<1xi32>
            %broadcast_in_dim3A_783 = vector.broadcast %squeeze3A_782 : i32 to vector<16xi32>
            %add3A_784 = arith.constant 0 : i32
            %add3A_785 = vector.broadcast %add3A_784 : i32 to vector<16xi32>
            %add3A_786 = arith.addi %iota3A, %add3A_785 : vector<16xi32>
            %gather3A_787 = tpu.vector_load_idx %arg15[%add3A_786, %broadcast_in_dim3A_783] : memref<64x256xf32, #tpu.memory_space<vmem>>[vector<16xi32>, vector<16xi32>], vector<16xf32>,
            %add3A_788 = arith.constant 11 : i32
            %add3A_789 = arith.addi %mul3A_348, %add3A_788 : i32
            %swap3A_790 = arith.index_cast %add3A_789 : i32 to index
            %swap3A_791 = arith.constant 0 : index
            %swap3A_792 = tpu.vector_load %arg12[%swap3A_790, %swap3A_791] {strides = array<i32>} : memref<32x64xf32, #tpu.memory_space<vmem>>, vector<16xf32>,
            tpu.vector_store %arg12[%swap3A_790, %swap3A_791], %gather3A_787 {strides = array<i32>} : memref<32x64xf32, #tpu.memory_space<vmem>>, vector<16xf32>,
            %add3A_793 = arith.constant 16 : i32
            %add3A_794 = vector.broadcast %add3A_793 : i32 to vector<16xi32>
            %add3A_795 = arith.addi %iota3A, %add3A_794 : vector<16xi32>
            %gather3A_796 = tpu.vector_load_idx %arg15[%add3A_795, %broadcast_in_dim3A_783] : memref<64x256xf32, #tpu.memory_space<vmem>>[vector<16xi32>, vector<16xi32>], vector<16xf32>,
            %add3A_797 = arith.constant 11 : i32
            %add3A_798 = arith.addi %mul3A_348, %add3A_797 : i32
            %swap3A_799 = arith.index_cast %add3A_798 : i32 to index
            %swap3A_800 = arith.constant 16 : index
            %swap3A_801 = tpu.vector_load %arg12[%swap3A_799, %swap3A_800] {strides = array<i32>} : memref<32x64xf32, #tpu.memory_space<vmem>>, vector<16xf32>,
            tpu.vector_store %arg12[%swap3A_799, %swap3A_800], %gather3A_796 {strides = array<i32>} : memref<32x64xf32, #tpu.memory_space<vmem>>, vector<16xf32>,
            %add3A_802 = arith.constant 32 : i32
            %add3A_803 = vector.broadcast %add3A_802 : i32 to vector<16xi32>
            %add3A_804 = arith.addi %iota3A, %add3A_803 : vector<16xi32>
            %gather3A_805 = tpu.vector_load_idx %arg15[%add3A_804, %broadcast_in_dim3A_783] : memref<64x256xf32, #tpu.memory_space<vmem>>[vector<16xi32>, vector<16xi32>], vector<16xf32>,
            %add3A_806 = arith.constant 11 : i32
            %add3A_807 = arith.addi %mul3A_348, %add3A_806 : i32
            %swap3A_808 = arith.index_cast %add3A_807 : i32 to index
            %swap3A_809 = arith.constant 32 : index
            %swap3A_810 = tpu.vector_load %arg12[%swap3A_808, %swap3A_809] {strides = array<i32>} : memref<32x64xf32, #tpu.memory_space<vmem>>, vector<16xf32>,
            tpu.vector_store %arg12[%swap3A_808, %swap3A_809], %gather3A_805 {strides = array<i32>} : memref<32x64xf32, #tpu.memory_space<vmem>>, vector<16xf32>,
            %add3A_811 = arith.constant 48 : i32
            %add3A_812 = vector.broadcast %add3A_811 : i32 to vector<16xi32>
            %add3A_813 = arith.addi %iota3A, %add3A_812 : vector<16xi32>
            %gather3A_814 = tpu.vector_load_idx %arg15[%add3A_813, %broadcast_in_dim3A_783] : memref<64x256xf32, #tpu.memory_space<vmem>>[vector<16xi32>, vector<16xi32>], vector<16xf32>,
            %add3A_815 = arith.constant 11 : i32
            %add3A_816 = arith.addi %mul3A_348, %add3A_815 : i32
            %swap3A_817 = arith.index_cast %add3A_816 : i32 to index
            %swap3A_818 = arith.constant 48 : index
            %swap3A_819 = tpu.vector_load %arg12[%swap3A_817, %swap3A_818] {strides = array<i32>} : memref<32x64xf32, #tpu.memory_space<vmem>>, vector<16xf32>,
            tpu.vector_store %arg12[%swap3A_817, %swap3A_818], %gather3A_814 {strides = array<i32>} : memref<32x64xf32, #tpu.memory_space<vmem>>, vector<16xf32>,
            %slice3A_820 = vector.extract_strided_slice %select_n3A_326 {offsets = [12], sizes = [1], strides = [1]} : vector<16xi32> to vector<1xi32>
            %squeeze3A_821 = vector.extract %slice3A_820[0] : i32 from vector<1xi32>
            %broadcast_in_dim3A_822 = vector.broadcast %squeeze3A_821 : i32 to vector<16xi32>
            %add3A_823 = arith.constant 0 : i32
            %add3A_824 = vector.broadcast %add3A_823 : i32 to vector<16xi32>
            %add3A_825 = arith.addi %iota3A, %add3A_824 : vector<16xi32>
            %gather3A_826 = tpu.vector_load_idx %arg15[%add3A_825, %broadcast_in_dim3A_822] : memref<64x256xf32, #tpu.memory_space<vmem>>[vector<16xi32>, vector<16xi32>], vector<16xf32>,
            %add3A_827 = arith.constant 12 : i32
            %add3A_828 = arith.addi %mul3A_348, %add3A_827 : i32
            %swap3A_829 = arith.index_cast %add3A_828 : i32 to index
            %swap3A_830 = arith.constant 0 : index
            %swap3A_831 = tpu.vector_load %arg12[%swap3A_829, %swap3A_830] {strides = array<i32>} : memref<32x64xf32, #tpu.memory_space<vmem>>, vector<16xf32>,
            tpu.vector_store %arg12[%swap3A_829, %swap3A_830], %gather3A_826 {strides = array<i32>} : memref<32x64xf32, #tpu.memory_space<vmem>>, vector<16xf32>,
            %add3A_832 = arith.constant 16 : i32
            %add3A_833 = vector.broadcast %add3A_832 : i32 to vector<16xi32>
            %add3A_834 = arith.addi %iota3A, %add3A_833 : vector<16xi32>
            %gather3A_835 = tpu.vector_load_idx %arg15[%add3A_834, %broadcast_in_dim3A_822] : memref<64x256xf32, #tpu.memory_space<vmem>>[vector<16xi32>, vector<16xi32>], vector<16xf32>,
            %add3A_836 = arith.constant 12 : i32
            %add3A_837 = arith.addi %mul3A_348, %add3A_836 : i32
            %swap3A_838 = arith.index_cast %add3A_837 : i32 to index
            %swap3A_839 = arith.constant 16 : index
            %swap3A_840 = tpu.vector_load %arg12[%swap3A_838, %swap3A_839] {strides = array<i32>} : memref<32x64xf32, #tpu.memory_space<vmem>>, vector<16xf32>,
            tpu.vector_store %arg12[%swap3A_838, %swap3A_839], %gather3A_835 {strides = array<i32>} : memref<32x64xf32, #tpu.memory_space<vmem>>, vector<16xf32>,
            %add3A_841 = arith.constant 32 : i32
            %add3A_842 = vector.broadcast %add3A_841 : i32 to vector<16xi32>
            %add3A_843 = arith.addi %iota3A, %add3A_842 : vector<16xi32>
            %gather3A_844 = tpu.vector_load_idx %arg15[%add3A_843, %broadcast_in_dim3A_822] : memref<64x256xf32, #tpu.memory_space<vmem>>[vector<16xi32>, vector<16xi32>], vector<16xf32>,
            %add3A_845 = arith.constant 12 : i32
            %add3A_846 = arith.addi %mul3A_348, %add3A_845 : i32
            %swap3A_847 = arith.index_cast %add3A_846 : i32 to index
            %swap3A_848 = arith.constant 32 : index
            %swap3A_849 = tpu.vector_load %arg12[%swap3A_847, %swap3A_848] {strides = array<i32>} : memref<32x64xf32, #tpu.memory_space<vmem>>, vector<16xf32>,
            tpu.vector_store %arg12[%swap3A_847, %swap3A_848], %gather3A_844 {strides = array<i32>} : memref<32x64xf32, #tpu.memory_space<vmem>>, vector<16xf32>,
            %add3A_850 = arith.constant 48 : i32
            %add3A_851 = vector.broadcast %add3A_850 : i32 to vector<16xi32>
            %add3A_852 = arith.addi %iota3A, %add3A_851 : vector<16xi32>
            %gather3A_853 = tpu.vector_load_idx %arg15[%add3A_852, %broadcast_in_dim3A_822] : memref<64x256xf32, #tpu.memory_space<vmem>>[vector<16xi32>, vector<16xi32>], vector<16xf32>,
            %add3A_854 = arith.constant 12 : i32
            %add3A_855 = arith.addi %mul3A_348, %add3A_854 : i32
            %swap3A_856 = arith.index_cast %add3A_855 : i32 to index
            %swap3A_857 = arith.constant 48 : index
            %swap3A_858 = tpu.vector_load %arg12[%swap3A_856, %swap3A_857] {strides = array<i32>} : memref<32x64xf32, #tpu.memory_space<vmem>>, vector<16xf32>,
            tpu.vector_store %arg12[%swap3A_856, %swap3A_857], %gather3A_853 {strides = array<i32>} : memref<32x64xf32, #tpu.memory_space<vmem>>, vector<16xf32>,
            %slice3A_859 = vector.extract_strided_slice %select_n3A_326 {offsets = [13], sizes = [1], strides = [1]} : vector<16xi32> to vector<1xi32>
            %squeeze3A_860 = vector.extract %slice3A_859[0] : i32 from vector<1xi32>
            %broadcast_in_dim3A_861 = vector.broadcast %squeeze3A_860 : i32 to vector<16xi32>
            %add3A_862 = arith.constant 0 : i32
            %add3A_863 = vector.broadcast %add3A_862 : i32 to vector<16xi32>
            %add3A_864 = arith.addi %iota3A, %add3A_863 : vector<16xi32>
            %gather3A_865 = tpu.vector_load_idx %arg15[%add3A_864, %broadcast_in_dim3A_861] : memref<64x256xf32, #tpu.memory_space<vmem>>[vector<16xi32>, vector<16xi32>], vector<16xf32>,
            %add3A_866 = arith.constant 13 : i32
            %add3A_867 = arith.addi %mul3A_348, %add3A_866 : i32
            %swap3A_868 = arith.index_cast %add3A_867 : i32 to index
            %swap3A_869 = arith.constant 0 : index
            %swap3A_870 = tpu.vector_load %arg12[%swap3A_868, %swap3A_869] {strides = array<i32>} : memref<32x64xf32, #tpu.memory_space<vmem>>, vector<16xf32>,
            tpu.vector_store %arg12[%swap3A_868, %swap3A_869], %gather3A_865 {strides = array<i32>} : memref<32x64xf32, #tpu.memory_space<vmem>>, vector<16xf32>,
            %add3A_871 = arith.constant 16 : i32
            %add3A_872 = vector.broadcast %add3A_871 : i32 to vector<16xi32>
            %add3A_873 = arith.addi %iota3A, %add3A_872 : vector<16xi32>
            %gather3A_874 = tpu.vector_load_idx %arg15[%add3A_873, %broadcast_in_dim3A_861] : memref<64x256xf32, #tpu.memory_space<vmem>>[vector<16xi32>, vector<16xi32>], vector<16xf32>,
            %add3A_875 = arith.constant 13 : i32
            %add3A_876 = arith.addi %mul3A_348, %add3A_875 : i32
            %swap3A_877 = arith.index_cast %add3A_876 : i32 to index
            %swap3A_878 = arith.constant 16 : index
            %swap3A_879 = tpu.vector_load %arg12[%swap3A_877, %swap3A_878] {strides = array<i32>} : memref<32x64xf32, #tpu.memory_space<vmem>>, vector<16xf32>,
            tpu.vector_store %arg12[%swap3A_877, %swap3A_878], %gather3A_874 {strides = array<i32>} : memref<32x64xf32, #tpu.memory_space<vmem>>, vector<16xf32>,
            %add3A_880 = arith.constant 32 : i32
            %add3A_881 = vector.broadcast %add3A_880 : i32 to vector<16xi32>
            %add3A_882 = arith.addi %iota3A, %add3A_881 : vector<16xi32>
            %gather3A_883 = tpu.vector_load_idx %arg15[%add3A_882, %broadcast_in_dim3A_861] : memref<64x256xf32, #tpu.memory_space<vmem>>[vector<16xi32>, vector<16xi32>], vector<16xf32>,
            %add3A_884 = arith.constant 13 : i32
            %add3A_885 = arith.addi %mul3A_348, %add3A_884 : i32
            %swap3A_886 = arith.index_cast %add3A_885 : i32 to index
            %swap3A_887 = arith.constant 32 : index
            %swap3A_888 = tpu.vector_load %arg12[%swap3A_886, %swap3A_887] {strides = array<i32>} : memref<32x64xf32, #tpu.memory_space<vmem>>, vector<16xf32>,
            tpu.vector_store %arg12[%swap3A_886, %swap3A_887], %gather3A_883 {strides = array<i32>} : memref<32x64xf32, #tpu.memory_space<vmem>>, vector<16xf32>,
            %add3A_889 = arith.constant 48 : i32
            %add3A_890 = vector.broadcast %add3A_889 : i32 to vector<16xi32>
            %add3A_891 = arith.addi %iota3A, %add3A_890 : vector<16xi32>
            %gather3A_892 = tpu.vector_load_idx %arg15[%add3A_891, %broadcast_in_dim3A_861] : memref<64x256xf32, #tpu.memory_space<vmem>>[vector<16xi32>, vector<16xi32>], vector<16xf32>,
            %add3A_893 = arith.constant 13 : i32
            %add3A_894 = arith.addi %mul3A_348, %add3A_893 : i32
            %swap3A_895 = arith.index_cast %add3A_894 : i32 to index
            %swap3A_896 = arith.constant 48 : index
            %swap3A_897 = tpu.vector_load %arg12[%swap3A_895, %swap3A_896] {strides = array<i32>} : memref<32x64xf32, #tpu.memory_space<vmem>>, vector<16xf32>,
            tpu.vector_store %arg12[%swap3A_895, %swap3A_896], %gather3A_892 {strides = array<i32>} : memref<32x64xf32, #tpu.memory_space<vmem>>, vector<16xf32>,
            %slice3A_898 = vector.extract_strided_slice %select_n3A_326 {offsets = [14], sizes = [1], strides = [1]} : vector<16xi32> to vector<1xi32>
            %squeeze3A_899 = vector.extract %slice3A_898[0] : i32 from vector<1xi32>
            %broadcast_in_dim3A_900 = vector.broadcast %squeeze3A_899 : i32 to vector<16xi32>
            %add3A_901 = arith.constant 0 : i32
            %add3A_902 = vector.broadcast %add3A_901 : i32 to vector<16xi32>
            %add3A_903 = arith.addi %iota3A, %add3A_902 : vector<16xi32>
            %gather3A_904 = tpu.vector_load_idx %arg15[%add3A_903, %broadcast_in_dim3A_900] : memref<64x256xf32, #tpu.memory_space<vmem>>[vector<16xi32>, vector<16xi32>], vector<16xf32>,
            %add3A_905 = arith.constant 14 : i32
            %add3A_906 = arith.addi %mul3A_348, %add3A_905 : i32
            %swap3A_907 = arith.index_cast %add3A_906 : i32 to index
            %swap3A_908 = arith.constant 0 : index
            %swap3A_909 = tpu.vector_load %arg12[%swap3A_907, %swap3A_908] {strides = array<i32>} : memref<32x64xf32, #tpu.memory_space<vmem>>, vector<16xf32>,
            tpu.vector_store %arg12[%swap3A_907, %swap3A_908], %gather3A_904 {strides = array<i32>} : memref<32x64xf32, #tpu.memory_space<vmem>>, vector<16xf32>,
            %add3A_910 = arith.constant 16 : i32
            %add3A_911 = vector.broadcast %add3A_910 : i32 to vector<16xi32>
            %add3A_912 = arith.addi %iota3A, %add3A_911 : vector<16xi32>
            %gather3A_913 = tpu.vector_load_idx %arg15[%add3A_912, %broadcast_in_dim3A_900] : memref<64x256xf32, #tpu.memory_space<vmem>>[vector<16xi32>, vector<16xi32>], vector<16xf32>,
            %add3A_914 = arith.constant 14 : i32
            %add3A_915 = arith.addi %mul3A_348, %add3A_914 : i32
            %swap3A_916 = arith.index_cast %add3A_915 : i32 to index
            %swap3A_917 = arith.constant 16 : index
            %swap3A_918 = tpu.vector_load %arg12[%swap3A_916, %swap3A_917] {strides = array<i32>} : memref<32x64xf32, #tpu.memory_space<vmem>>, vector<16xf32>,
            tpu.vector_store %arg12[%swap3A_916, %swap3A_917], %gather3A_913 {strides = array<i32>} : memref<32x64xf32, #tpu.memory_space<vmem>>, vector<16xf32>,
            %add3A_919 = arith.constant 32 : i32
            %add3A_920 = vector.broadcast %add3A_919 : i32 to vector<16xi32>
            %add3A_921 = arith.addi %iota3A, %add3A_920 : vector<16xi32>
            %gather3A_922 = tpu.vector_load_idx %arg15[%add3A_921, %broadcast_in_dim3A_900] : memref<64x256xf32, #tpu.memory_space<vmem>>[vector<16xi32>, vector<16xi32>], vector<16xf32>,
            %add3A_923 = arith.constant 14 : i32
            %add3A_924 = arith.addi %mul3A_348, %add3A_923 : i32
            %swap3A_925 = arith.index_cast %add3A_924 : i32 to index
            %swap3A_926 = arith.constant 32 : index
            %swap3A_927 = tpu.vector_load %arg12[%swap3A_925, %swap3A_926] {strides = array<i32>} : memref<32x64xf32, #tpu.memory_space<vmem>>, vector<16xf32>,
            tpu.vector_store %arg12[%swap3A_925, %swap3A_926], %gather3A_922 {strides = array<i32>} : memref<32x64xf32, #tpu.memory_space<vmem>>, vector<16xf32>,
            %add3A_928 = arith.constant 48 : i32
            %add3A_929 = vector.broadcast %add3A_928 : i32 to vector<16xi32>
            %add3A_930 = arith.addi %iota3A, %add3A_929 : vector<16xi32>
            %gather3A_931 = tpu.vector_load_idx %arg15[%add3A_930, %broadcast_in_dim3A_900] : memref<64x256xf32, #tpu.memory_space<vmem>>[vector<16xi32>, vector<16xi32>], vector<16xf32>,
            %add3A_932 = arith.constant 14 : i32
            %add3A_933 = arith.addi %mul3A_348, %add3A_932 : i32
            %swap3A_934 = arith.index_cast %add3A_933 : i32 to index
            %swap3A_935 = arith.constant 48 : index
            %swap3A_936 = tpu.vector_load %arg12[%swap3A_934, %swap3A_935] {strides = array<i32>} : memref<32x64xf32, #tpu.memory_space<vmem>>, vector<16xf32>,
            tpu.vector_store %arg12[%swap3A_934, %swap3A_935], %gather3A_931 {strides = array<i32>} : memref<32x64xf32, #tpu.memory_space<vmem>>, vector<16xf32>,
            %slice3A_937 = vector.extract_strided_slice %select_n3A_326 {offsets = [15], sizes = [1], strides = [1]} : vector<16xi32> to vector<1xi32>
            %squeeze3A_938 = vector.extract %slice3A_937[0] : i32 from vector<1xi32>
            %broadcast_in_dim3A_939 = vector.broadcast %squeeze3A_938 : i32 to vector<16xi32>
            %add3A_940 = arith.constant 0 : i32
            %add3A_941 = vector.broadcast %add3A_940 : i32 to vector<16xi32>
            %add3A_942 = arith.addi %iota3A, %add3A_941 : vector<16xi32>
            %gather3A_943 = tpu.vector_load_idx %arg15[%add3A_942, %broadcast_in_dim3A_939] : memref<64x256xf32, #tpu.memory_space<vmem>>[vector<16xi32>, vector<16xi32>], vector<16xf32>,
            %add3A_944 = arith.constant 15 : i32
            %add3A_945 = arith.addi %mul3A_348, %add3A_944 : i32
            %swap3A_946 = arith.index_cast %add3A_945 : i32 to index
            %swap3A_947 = arith.constant 0 : index
            %swap3A_948 = tpu.vector_load %arg12[%swap3A_946, %swap3A_947] {strides = array<i32>} : memref<32x64xf32, #tpu.memory_space<vmem>>, vector<16xf32>,
            tpu.vector_store %arg12[%swap3A_946, %swap3A_947], %gather3A_943 {strides = array<i32>} : memref<32x64xf32, #tpu.memory_space<vmem>>, vector<16xf32>,
            %add3A_949 = arith.constant 16 : i32
            %add3A_950 = vector.broadcast %add3A_949 : i32 to vector<16xi32>
            %add3A_951 = arith.addi %iota3A, %add3A_950 : vector<16xi32>
            %gather3A_952 = tpu.vector_load_idx %arg15[%add3A_951, %broadcast_in_dim3A_939] : memref<64x256xf32, #tpu.memory_space<vmem>>[vector<16xi32>, vector<16xi32>], vector<16xf32>,
            %add3A_953 = arith.constant 15 : i32
            %add3A_954 = arith.addi %mul3A_348, %add3A_953 : i32
            %swap3A_955 = arith.index_cast %add3A_954 : i32 to index
            %swap3A_956 = arith.constant 16 : index
            %swap3A_957 = tpu.vector_load %arg12[%swap3A_955, %swap3A_956] {strides = array<i32>} : memref<32x64xf32, #tpu.memory_space<vmem>>, vector<16xf32>,
            tpu.vector_store %arg12[%swap3A_955, %swap3A_956], %gather3A_952 {strides = array<i32>} : memref<32x64xf32, #tpu.memory_space<vmem>>, vector<16xf32>,
            %add3A_958 = arith.constant 32 : i32
            %add3A_959 = vector.broadcast %add3A_958 : i32 to vector<16xi32>
            %add3A_960 = arith.addi %iota3A, %add3A_959 : vector<16xi32>
            %gather3A_961 = tpu.vector_load_idx %arg15[%add3A_960, %broadcast_in_dim3A_939] : memref<64x256xf32, #tpu.memory_space<vmem>>[vector<16xi32>, vector<16xi32>], vector<16xf32>,
            %add3A_962 = arith.constant 15 : i32
            %add3A_963 = arith.addi %mul3A_348, %add3A_962 : i32
            %swap3A_964 = arith.index_cast %add3A_963 : i32 to index
            %swap3A_965 = arith.constant 32 : index
            %swap3A_966 = tpu.vector_load %arg12[%swap3A_964, %swap3A_965] {strides = array<i32>} : memref<32x64xf32, #tpu.memory_space<vmem>>, vector<16xf32>,
            tpu.vector_store %arg12[%swap3A_964, %swap3A_965], %gather3A_961 {strides = array<i32>} : memref<32x64xf32, #tpu.memory_space<vmem>>, vector<16xf32>,
            %add3A_967 = arith.constant 48 : i32
            %add3A_968 = vector.broadcast %add3A_967 : i32 to vector<16xi32>
            %add3A_969 = arith.addi %iota3A, %add3A_968 : vector<16xi32>
            %gather3A_970 = tpu.vector_load_idx %arg15[%add3A_969, %broadcast_in_dim3A_939] : memref<64x256xf32, #tpu.memory_space<vmem>>[vector<16xi32>, vector<16xi32>], vector<16xf32>,
            %add3A_971 = arith.constant 15 : i32
            %add3A_972 = arith.addi %mul3A_348, %add3A_971 : i32
            %swap3A_973 = arith.index_cast %add3A_972 : i32 to index
            %swap3A_974 = arith.constant 48 : index
            %swap3A_975 = tpu.vector_load %arg12[%swap3A_973, %swap3A_974] {strides = array<i32>} : memref<32x64xf32, #tpu.memory_space<vmem>>, vector<16xf32>,
            tpu.vector_store %arg12[%swap3A_973, %swap3A_974], %gather3A_970 {strides = array<i32>} : memref<32x64xf32, #tpu.memory_space<vmem>>, vector<16xf32>,
            %add3A_976 = arith.constant 0 : i32
            %add3A_977 = arith.addi %mul3A_348, %add3A_976 : i32
            %slice3A_978 = vector.extract_strided_slice %select_n3A_330 {offsets = [0], sizes = [1], strides = [1]} : vector<16xi32> to vector<1xi32>
            %squeeze3A_979 = vector.extract %slice3A_978[0] : i32 from vector<1xi32>
            %dma_start3A_980 = arith.constant 0 : i32
            %dma_start3A_981 = tpu.memref_slice %arg12[%add3A_977, %dma_start3A_980] : memref<32x64xf32, #tpu.memory_space<vmem>> -> memref<1x64xf32, #tpu.memory_space<vmem>>
            %dma_start3A_982 = arith.constant 0 : i32
            %dma_start3A_983 = tpu.memref_slice %arg4[%squeeze3A_979, %dma_start3A_982] : memref<16384x64xf32, #tpu.memory_space<hbm>> -> memref<1x64xf32, #tpu.memory_space<hbm>>
            %dma_start3A_984 = arith.constant 0 : i32
            %dma_start3A_985 = tpu.memref_slice %arg4[%squeeze3A_979, %dma_start3A_984] : memref<16384x64xf32, #tpu.memory_space<hbm>> -> memref<1x64xf32, #tpu.memory_space<hbm>>
            %dma_start3A_986 = arith.constant 0 : i32
            %dma_start3A_987 = tpu.memref_slice %arg12[%add3A_977, %dma_start3A_986] : memref<32x64xf32, #tpu.memory_space<vmem>> -> memref<1x64xf32, #tpu.memory_space<vmem>>
            tpu.enqueue_dma source(%dma_start3A_987 : memref<1x64xf32, #tpu.memory_space<vmem>>) target(%dma_start3A_985 : memref<1x64xf32, #tpu.memory_space<hbm>>) target_semaphore(%arg18 : memref<!tpu.dma_semaphore, #tpu.memory_space<semaphore_mem>>)
            %add3A_988 = arith.constant 1 : i32
            %add3A_989 = arith.addi %mul3A_348, %add3A_988 : i32
            %slice3A_990 = vector.extract_strided_slice %select_n3A_330 {offsets = [1], sizes = [1], strides = [1]} : vector<16xi32> to vector<1xi32>
            %squeeze3A_991 = vector.extract %slice3A_990[0] : i32 from vector<1xi32>
            %dma_start3A_992 = arith.constant 0 : i32
            %dma_start3A_993 = tpu.memref_slice %arg12[%add3A_989, %dma_start3A_992] : memref<32x64xf32, #tpu.memory_space<vmem>> -> memref<1x64xf32, #tpu.memory_space<vmem>>
            %dma_start3A_994 = arith.constant 0 : i32
            %dma_start3A_995 = tpu.memref_slice %arg4[%squeeze3A_991, %dma_start3A_994] : memref<16384x64xf32, #tpu.memory_space<hbm>> -> memref<1x64xf32, #tpu.memory_space<hbm>>
            %dma_start3A_996 = arith.constant 0 : i32
            %dma_start3A_997 = tpu.memref_slice %arg4[%squeeze3A_991, %dma_start3A_996] : memref<16384x64xf32, #tpu.memory_space<hbm>> -> memref<1x64xf32, #tpu.memory_space<hbm>>
            %dma_start3A_998 = arith.constant 0 : i32
            %dma_start3A_999 = tpu.memref_slice %arg12[%add3A_989, %dma_start3A_998] : memref<32x64xf32, #tpu.memory_space<vmem>> -> memref<1x64xf32, #tpu.memory_space<vmem>>
            tpu.enqueue_dma source(%dma_start3A_999 : memref<1x64xf32, #tpu.memory_space<vmem>>) target(%dma_start3A_997 : memref<1x64xf32, #tpu.memory_space<hbm>>) target_semaphore(%arg18 : memref<!tpu.dma_semaphore, #tpu.memory_space<semaphore_mem>>)
            %add3A_1000 = arith.constant 2 : i32
            %add3A_1001 = arith.addi %mul3A_348, %add3A_1000 : i32
            %slice3A_1002 = vector.extract_strided_slice %select_n3A_330 {offsets = [2], sizes = [1], strides = [1]} : vector<16xi32> to vector<1xi32>
            %squeeze3A_1003 = vector.extract %slice3A_1002[0] : i32 from vector<1xi32>
            %dma_start3A_1004 = arith.constant 0 : i32
            %dma_start3A_1005 = tpu.memref_slice %arg12[%add3A_1001, %dma_start3A_1004] : memref<32x64xf32, #tpu.memory_space<vmem>> -> memref<1x64xf32, #tpu.memory_space<vmem>>
            %dma_start3A_1006 = arith.constant 0 : i32
            %dma_start3A_1007 = tpu.memref_slice %arg4[%squeeze3A_1003, %dma_start3A_1006] : memref<16384x64xf32, #tpu.memory_space<hbm>> -> memref<1x64xf32, #tpu.memory_space<hbm>>
            %dma_start3A_1008 = arith.constant 0 : i32
            %dma_start3A_1009 = tpu.memref_slice %arg4[%squeeze3A_1003, %dma_start3A_1008] : memref<16384x64xf32, #tpu.memory_space<hbm>> -> memref<1x64xf32, #tpu.memory_space<hbm>>
            %dma_start3A_1010 = arith.constant 0 : i32
            %dma_start3A_1011 = tpu.memref_slice %arg12[%add3A_1001, %dma_start3A_1010] : memref<32x64xf32, #tpu.memory_space<vmem>> -> memref<1x64xf32, #tpu.memory_space<vmem>>
            tpu.enqueue_dma source(%dma_start3A_1011 : memref<1x64xf32, #tpu.memory_space<vmem>>) target(%dma_start3A_1009 : memref<1x64xf32, #tpu.memory_space<hbm>>) target_semaphore(%arg18 : memref<!tpu.dma_semaphore, #tpu.memory_space<semaphore_mem>>)
            %add3A_1012 = arith.constant 3 : i32
            %add3A_1013 = arith.addi %mul3A_348, %add3A_1012 : i32
            %slice3A_1014 = vector.extract_strided_slice %select_n3A_330 {offsets = [3], sizes = [1], strides = [1]} : vector<16xi32> to vector<1xi32>
            %squeeze3A_1015 = vector.extract %slice3A_1014[0] : i32 from vector<1xi32>
            %dma_start3A_1016 = arith.constant 0 : i32
            %dma_start3A_1017 = tpu.memref_slice %arg12[%add3A_1013, %dma_start3A_1016] : memref<32x64xf32, #tpu.memory_space<vmem>> -> memref<1x64xf32, #tpu.memory_space<vmem>>
            %dma_start3A_1018 = arith.constant 0 : i32
            %dma_start3A_1019 = tpu.memref_slice %arg4[%squeeze3A_1015, %dma_start3A_1018] : memref<16384x64xf32, #tpu.memory_space<hbm>> -> memref<1x64xf32, #tpu.memory_space<hbm>>
            %dma_start3A_1020 = arith.constant 0 : i32
            %dma_start3A_1021 = tpu.memref_slice %arg4[%squeeze3A_1015, %dma_start3A_1020] : memref<16384x64xf32, #tpu.memory_space<hbm>> -> memref<1x64xf32, #tpu.memory_space<hbm>>
            %dma_start3A_1022 = arith.constant 0 : i32
            %dma_start3A_1023 = tpu.memref_slice %arg12[%add3A_1013, %dma_start3A_1022] : memref<32x64xf32, #tpu.memory_space<vmem>> -> memref<1x64xf32, #tpu.memory_space<vmem>>
            tpu.enqueue_dma source(%dma_start3A_1023 : memref<1x64xf32, #tpu.memory_space<vmem>>) target(%dma_start3A_1021 : memref<1x64xf32, #tpu.memory_space<hbm>>) target_semaphore(%arg18 : memref<!tpu.dma_semaphore, #tpu.memory_space<semaphore_mem>>)
            %add3A_1024 = arith.constant 4 : i32
            %add3A_1025 = arith.addi %mul3A_348, %add3A_1024 : i32
            %slice3A_1026 = vector.extract_strided_slice %select_n3A_330 {offsets = [4], sizes = [1], strides = [1]} : vector<16xi32> to vector<1xi32>
            %squeeze3A_1027 = vector.extract %slice3A_1026[0] : i32 from vector<1xi32>
            %dma_start3A_1028 = arith.constant 0 : i32
            %dma_start3A_1029 = tpu.memref_slice %arg12[%add3A_1025, %dma_start3A_1028] : memref<32x64xf32, #tpu.memory_space<vmem>> -> memref<1x64xf32, #tpu.memory_space<vmem>>
            %dma_start3A_1030 = arith.constant 0 : i32
            %dma_start3A_1031 = tpu.memref_slice %arg4[%squeeze3A_1027, %dma_start3A_1030] : memref<16384x64xf32, #tpu.memory_space<hbm>> -> memref<1x64xf32, #tpu.memory_space<hbm>>
            %dma_start3A_1032 = arith.constant 0 : i32
            %dma_start3A_1033 = tpu.memref_slice %arg4[%squeeze3A_1027, %dma_start3A_1032] : memref<16384x64xf32, #tpu.memory_space<hbm>> -> memref<1x64xf32, #tpu.memory_space<hbm>>
            %dma_start3A_1034 = arith.constant 0 : i32
            %dma_start3A_1035 = tpu.memref_slice %arg12[%add3A_1025, %dma_start3A_1034] : memref<32x64xf32, #tpu.memory_space<vmem>> -> memref<1x64xf32, #tpu.memory_space<vmem>>
            tpu.enqueue_dma source(%dma_start3A_1035 : memref<1x64xf32, #tpu.memory_space<vmem>>) target(%dma_start3A_1033 : memref<1x64xf32, #tpu.memory_space<hbm>>) target_semaphore(%arg18 : memref<!tpu.dma_semaphore, #tpu.memory_space<semaphore_mem>>)
            %add3A_1036 = arith.constant 5 : i32
            %add3A_1037 = arith.addi %mul3A_348, %add3A_1036 : i32
            %slice3A_1038 = vector.extract_strided_slice %select_n3A_330 {offsets = [5], sizes = [1], strides = [1]} : vector<16xi32> to vector<1xi32>
            %squeeze3A_1039 = vector.extract %slice3A_1038[0] : i32 from vector<1xi32>
            %dma_start3A_1040 = arith.constant 0 : i32
            %dma_start3A_1041 = tpu.memref_slice %arg12[%add3A_1037, %dma_start3A_1040] : memref<32x64xf32, #tpu.memory_space<vmem>> -> memref<1x64xf32, #tpu.memory_space<vmem>>
            %dma_start3A_1042 = arith.constant 0 : i32
            %dma_start3A_1043 = tpu.memref_slice %arg4[%squeeze3A_1039, %dma_start3A_1042] : memref<16384x64xf32, #tpu.memory_space<hbm>> -> memref<1x64xf32, #tpu.memory_space<hbm>>
            %dma_start3A_1044 = arith.constant 0 : i32
            %dma_start3A_1045 = tpu.memref_slice %arg4[%squeeze3A_1039, %dma_start3A_1044] : memref<16384x64xf32, #tpu.memory_space<hbm>> -> memref<1x64xf32, #tpu.memory_space<hbm>>
            %dma_start3A_1046 = arith.constant 0 : i32
            %dma_start3A_1047 = tpu.memref_slice %arg12[%add3A_1037, %dma_start3A_1046] : memref<32x64xf32, #tpu.memory_space<vmem>> -> memref<1x64xf32, #tpu.memory_space<vmem>>
            tpu.enqueue_dma source(%dma_start3A_1047 : memref<1x64xf32, #tpu.memory_space<vmem>>) target(%dma_start3A_1045 : memref<1x64xf32, #tpu.memory_space<hbm>>) target_semaphore(%arg18 : memref<!tpu.dma_semaphore, #tpu.memory_space<semaphore_mem>>)
            %add3A_1048 = arith.constant 6 : i32
            %add3A_1049 = arith.addi %mul3A_348, %add3A_1048 : i32
            %slice3A_1050 = vector.extract_strided_slice %select_n3A_330 {offsets = [6], sizes = [1], strides = [1]} : vector<16xi32> to vector<1xi32>
            %squeeze3A_1051 = vector.extract %slice3A_1050[0] : i32 from vector<1xi32>
            %dma_start3A_1052 = arith.constant 0 : i32
            %dma_start3A_1053 = tpu.memref_slice %arg12[%add3A_1049, %dma_start3A_1052] : memref<32x64xf32, #tpu.memory_space<vmem>> -> memref<1x64xf32, #tpu.memory_space<vmem>>
            %dma_start3A_1054 = arith.constant 0 : i32
            %dma_start3A_1055 = tpu.memref_slice %arg4[%squeeze3A_1051, %dma_start3A_1054] : memref<16384x64xf32, #tpu.memory_space<hbm>> -> memref<1x64xf32, #tpu.memory_space<hbm>>
            %dma_start3A_1056 = arith.constant 0 : i32
            %dma_start3A_1057 = tpu.memref_slice %arg4[%squeeze3A_1051, %dma_start3A_1056] : memref<16384x64xf32, #tpu.memory_space<hbm>> -> memref<1x64xf32, #tpu.memory_space<hbm>>
            %dma_start3A_1058 = arith.constant 0 : i32
            %dma_start3A_1059 = tpu.memref_slice %arg12[%add3A_1049, %dma_start3A_1058] : memref<32x64xf32, #tpu.memory_space<vmem>> -> memref<1x64xf32, #tpu.memory_space<vmem>>
            tpu.enqueue_dma source(%dma_start3A_1059 : memref<1x64xf32, #tpu.memory_space<vmem>>) target(%dma_start3A_1057 : memref<1x64xf32, #tpu.memory_space<hbm>>) target_semaphore(%arg18 : memref<!tpu.dma_semaphore, #tpu.memory_space<semaphore_mem>>)
            %add3A_1060 = arith.constant 7 : i32
            %add3A_1061 = arith.addi %mul3A_348, %add3A_1060 : i32
            %slice3A_1062 = vector.extract_strided_slice %select_n3A_330 {offsets = [7], sizes = [1], strides = [1]} : vector<16xi32> to vector<1xi32>
            %squeeze3A_1063 = vector.extract %slice3A_1062[0] : i32 from vector<1xi32>
            %dma_start3A_1064 = arith.constant 0 : i32
            %dma_start3A_1065 = tpu.memref_slice %arg12[%add3A_1061, %dma_start3A_1064] : memref<32x64xf32, #tpu.memory_space<vmem>> -> memref<1x64xf32, #tpu.memory_space<vmem>>
            %dma_start3A_1066 = arith.constant 0 : i32
            %dma_start3A_1067 = tpu.memref_slice %arg4[%squeeze3A_1063, %dma_start3A_1066] : memref<16384x64xf32, #tpu.memory_space<hbm>> -> memref<1x64xf32, #tpu.memory_space<hbm>>
            %dma_start3A_1068 = arith.constant 0 : i32
            %dma_start3A_1069 = tpu.memref_slice %arg4[%squeeze3A_1063, %dma_start3A_1068] : memref<16384x64xf32, #tpu.memory_space<hbm>> -> memref<1x64xf32, #tpu.memory_space<hbm>>
            %dma_start3A_1070 = arith.constant 0 : i32
            %dma_start3A_1071 = tpu.memref_slice %arg12[%add3A_1061, %dma_start3A_1070] : memref<32x64xf32, #tpu.memory_space<vmem>> -> memref<1x64xf32, #tpu.memory_space<vmem>>
            tpu.enqueue_dma source(%dma_start3A_1071 : memref<1x64xf32, #tpu.memory_space<vmem>>) target(%dma_start3A_1069 : memref<1x64xf32, #tpu.memory_space<hbm>>) target_semaphore(%arg18 : memref<!tpu.dma_semaphore, #tpu.memory_space<semaphore_mem>>)
            %add3A_1072 = arith.constant 8 : i32
            %add3A_1073 = arith.addi %mul3A_348, %add3A_1072 : i32
            %slice3A_1074 = vector.extract_strided_slice %select_n3A_330 {offsets = [8], sizes = [1], strides = [1]} : vector<16xi32> to vector<1xi32>
            %squeeze3A_1075 = vector.extract %slice3A_1074[0] : i32 from vector<1xi32>
            %dma_start3A_1076 = arith.constant 0 : i32
            %dma_start3A_1077 = tpu.memref_slice %arg12[%add3A_1073, %dma_start3A_1076] : memref<32x64xf32, #tpu.memory_space<vmem>> -> memref<1x64xf32, #tpu.memory_space<vmem>>
            %dma_start3A_1078 = arith.constant 0 : i32
            %dma_start3A_1079 = tpu.memref_slice %arg4[%squeeze3A_1075, %dma_start3A_1078] : memref<16384x64xf32, #tpu.memory_space<hbm>> -> memref<1x64xf32, #tpu.memory_space<hbm>>
            %dma_start3A_1080 = arith.constant 0 : i32
            %dma_start3A_1081 = tpu.memref_slice %arg4[%squeeze3A_1075, %dma_start3A_1080] : memref<16384x64xf32, #tpu.memory_space<hbm>> -> memref<1x64xf32, #tpu.memory_space<hbm>>
            %dma_start3A_1082 = arith.constant 0 : i32
            %dma_start3A_1083 = tpu.memref_slice %arg12[%add3A_1073, %dma_start3A_1082] : memref<32x64xf32, #tpu.memory_space<vmem>> -> memref<1x64xf32, #tpu.memory_space<vmem>>
            tpu.enqueue_dma source(%dma_start3A_1083 : memref<1x64xf32, #tpu.memory_space<vmem>>) target(%dma_start3A_1081 : memref<1x64xf32, #tpu.memory_space<hbm>>) target_semaphore(%arg18 : memref<!tpu.dma_semaphore, #tpu.memory_space<semaphore_mem>>)
            %add3A_1084 = arith.constant 9 : i32
            %add3A_1085 = arith.addi %mul3A_348, %add3A_1084 : i32
            %slice3A_1086 = vector.extract_strided_slice %select_n3A_330 {offsets = [9], sizes = [1], strides = [1]} : vector<16xi32> to vector<1xi32>
            %squeeze3A_1087 = vector.extract %slice3A_1086[0] : i32 from vector<1xi32>
            %dma_start3A_1088 = arith.constant 0 : i32
            %dma_start3A_1089 = tpu.memref_slice %arg12[%add3A_1085, %dma_start3A_1088] : memref<32x64xf32, #tpu.memory_space<vmem>> -> memref<1x64xf32, #tpu.memory_space<vmem>>
            %dma_start3A_1090 = arith.constant 0 : i32
            %dma_start3A_1091 = tpu.memref_slice %arg4[%squeeze3A_1087, %dma_start3A_1090] : memref<16384x64xf32, #tpu.memory_space<hbm>> -> memref<1x64xf32, #tpu.memory_space<hbm>>
            %dma_start3A_1092 = arith.constant 0 : i32
            %dma_start3A_1093 = tpu.memref_slice %arg4[%squeeze3A_1087, %dma_start3A_1092] : memref<16384x64xf32, #tpu.memory_space<hbm>> -> memref<1x64xf32, #tpu.memory_space<hbm>>
            %dma_start3A_1094 = arith.constant 0 : i32
            %dma_start3A_1095 = tpu.memref_slice %arg12[%add3A_1085, %dma_start3A_1094] : memref<32x64xf32, #tpu.memory_space<vmem>> -> memref<1x64xf32, #tpu.memory_space<vmem>>
            tpu.enqueue_dma source(%dma_start3A_1095 : memref<1x64xf32, #tpu.memory_space<vmem>>) target(%dma_start3A_1093 : memref<1x64xf32, #tpu.memory_space<hbm>>) target_semaphore(%arg18 : memref<!tpu.dma_semaphore, #tpu.memory_space<semaphore_mem>>)
            %add3A_1096 = arith.constant 10 : i32
            %add3A_1097 = arith.addi %mul3A_348, %add3A_1096 : i32
            %slice3A_1098 = vector.extract_strided_slice %select_n3A_330 {offsets = [10], sizes = [1], strides = [1]} : vector<16xi32> to vector<1xi32>
            %squeeze3A_1099 = vector.extract %slice3A_1098[0] : i32 from vector<1xi32>
            %dma_start3A_1100 = arith.constant 0 : i32
            %dma_start3A_1101 = tpu.memref_slice %arg12[%add3A_1097, %dma_start3A_1100] : memref<32x64xf32, #tpu.memory_space<vmem>> -> memref<1x64xf32, #tpu.memory_space<vmem>>
            %dma_start3A_1102 = arith.constant 0 : i32
            %dma_start3A_1103 = tpu.memref_slice %arg4[%squeeze3A_1099, %dma_start3A_1102] : memref<16384x64xf32, #tpu.memory_space<hbm>> -> memref<1x64xf32, #tpu.memory_space<hbm>>
            %dma_start3A_1104 = arith.constant 0 : i32
            %dma_start3A_1105 = tpu.memref_slice %arg4[%squeeze3A_1099, %dma_start3A_1104] : memref<16384x64xf32, #tpu.memory_space<hbm>> -> memref<1x64xf32, #tpu.memory_space<hbm>>
            %dma_start3A_1106 = arith.constant 0 : i32
            %dma_start3A_1107 = tpu.memref_slice %arg12[%add3A_1097, %dma_start3A_1106] : memref<32x64xf32, #tpu.memory_space<vmem>> -> memref<1x64xf32, #tpu.memory_space<vmem>>
            tpu.enqueue_dma source(%dma_start3A_1107 : memref<1x64xf32, #tpu.memory_space<vmem>>) target(%dma_start3A_1105 : memref<1x64xf32, #tpu.memory_space<hbm>>) target_semaphore(%arg18 : memref<!tpu.dma_semaphore, #tpu.memory_space<semaphore_mem>>)
            %add3A_1108 = arith.constant 11 : i32
            %add3A_1109 = arith.addi %mul3A_348, %add3A_1108 : i32
            %slice3A_1110 = vector.extract_strided_slice %select_n3A_330 {offsets = [11], sizes = [1], strides = [1]} : vector<16xi32> to vector<1xi32>
            %squeeze3A_1111 = vector.extract %slice3A_1110[0] : i32 from vector<1xi32>
            %dma_start3A_1112 = arith.constant 0 : i32
            %dma_start3A_1113 = tpu.memref_slice %arg12[%add3A_1109, %dma_start3A_1112] : memref<32x64xf32, #tpu.memory_space<vmem>> -> memref<1x64xf32, #tpu.memory_space<vmem>>
            %dma_start3A_1114 = arith.constant 0 : i32
            %dma_start3A_1115 = tpu.memref_slice %arg4[%squeeze3A_1111, %dma_start3A_1114] : memref<16384x64xf32, #tpu.memory_space<hbm>> -> memref<1x64xf32, #tpu.memory_space<hbm>>
            %dma_start3A_1116 = arith.constant 0 : i32
            %dma_start3A_1117 = tpu.memref_slice %arg4[%squeeze3A_1111, %dma_start3A_1116] : memref<16384x64xf32, #tpu.memory_space<hbm>> -> memref<1x64xf32, #tpu.memory_space<hbm>>
            %dma_start3A_1118 = arith.constant 0 : i32
            %dma_start3A_1119 = tpu.memref_slice %arg12[%add3A_1109, %dma_start3A_1118] : memref<32x64xf32, #tpu.memory_space<vmem>> -> memref<1x64xf32, #tpu.memory_space<vmem>>
            tpu.enqueue_dma source(%dma_start3A_1119 : memref<1x64xf32, #tpu.memory_space<vmem>>) target(%dma_start3A_1117 : memref<1x64xf32, #tpu.memory_space<hbm>>) target_semaphore(%arg18 : memref<!tpu.dma_semaphore, #tpu.memory_space<semaphore_mem>>)
            %add3A_1120 = arith.constant 12 : i32
            %add3A_1121 = arith.addi %mul3A_348, %add3A_1120 : i32
            %slice3A_1122 = vector.extract_strided_slice %select_n3A_330 {offsets = [12], sizes = [1], strides = [1]} : vector<16xi32> to vector<1xi32>
            %squeeze3A_1123 = vector.extract %slice3A_1122[0] : i32 from vector<1xi32>
            %dma_start3A_1124 = arith.constant 0 : i32
            %dma_start3A_1125 = tpu.memref_slice %arg12[%add3A_1121, %dma_start3A_1124] : memref<32x64xf32, #tpu.memory_space<vmem>> -> memref<1x64xf32, #tpu.memory_space<vmem>>
            %dma_start3A_1126 = arith.constant 0 : i32
            %dma_start3A_1127 = tpu.memref_slice %arg4[%squeeze3A_1123, %dma_start3A_1126] : memref<16384x64xf32, #tpu.memory_space<hbm>> -> memref<1x64xf32, #tpu.memory_space<hbm>>
            %dma_start3A_1128 = arith.constant 0 : i32
            %dma_start3A_1129 = tpu.memref_slice %arg4[%squeeze3A_1123, %dma_start3A_1128] : memref<16384x64xf32, #tpu.memory_space<hbm>> -> memref<1x64xf32, #tpu.memory_space<hbm>>
            %dma_start3A_1130 = arith.constant 0 : i32
            %dma_start3A_1131 = tpu.memref_slice %arg12[%add3A_1121, %dma_start3A_1130] : memref<32x64xf32, #tpu.memory_space<vmem>> -> memref<1x64xf32, #tpu.memory_space<vmem>>
            tpu.enqueue_dma source(%dma_start3A_1131 : memref<1x64xf32, #tpu.memory_space<vmem>>) target(%dma_start3A_1129 : memref<1x64xf32, #tpu.memory_space<hbm>>) target_semaphore(%arg18 : memref<!tpu.dma_semaphore, #tpu.memory_space<semaphore_mem>>)
            %add3A_1132 = arith.constant 13 : i32
            %add3A_1133 = arith.addi %mul3A_348, %add3A_1132 : i32
            %slice3A_1134 = vector.extract_strided_slice %select_n3A_330 {offsets = [13], sizes = [1], strides = [1]} : vector<16xi32> to vector<1xi32>
            %squeeze3A_1135 = vector.extract %slice3A_1134[0] : i32 from vector<1xi32>
            %dma_start3A_1136 = arith.constant 0 : i32
            %dma_start3A_1137 = tpu.memref_slice %arg12[%add3A_1133, %dma_start3A_1136] : memref<32x64xf32, #tpu.memory_space<vmem>> -> memref<1x64xf32, #tpu.memory_space<vmem>>
            %dma_start3A_1138 = arith.constant 0 : i32
            %dma_start3A_1139 = tpu.memref_slice %arg4[%squeeze3A_1135, %dma_start3A_1138] : memref<16384x64xf32, #tpu.memory_space<hbm>> -> memref<1x64xf32, #tpu.memory_space<hbm>>
            %dma_start3A_1140 = arith.constant 0 : i32
            %dma_start3A_1141 = tpu.memref_slice %arg4[%squeeze3A_1135, %dma_start3A_1140] : memref<16384x64xf32, #tpu.memory_space<hbm>> -> memref<1x64xf32, #tpu.memory_space<hbm>>
            %dma_start3A_1142 = arith.constant 0 : i32
            %dma_start3A_1143 = tpu.memref_slice %arg12[%add3A_1133, %dma_start3A_1142] : memref<32x64xf32, #tpu.memory_space<vmem>> -> memref<1x64xf32, #tpu.memory_space<vmem>>
            tpu.enqueue_dma source(%dma_start3A_1143 : memref<1x64xf32, #tpu.memory_space<vmem>>) target(%dma_start3A_1141 : memref<1x64xf32, #tpu.memory_space<hbm>>) target_semaphore(%arg18 : memref<!tpu.dma_semaphore, #tpu.memory_space<semaphore_mem>>)
            %add3A_1144 = arith.constant 14 : i32
            %add3A_1145 = arith.addi %mul3A_348, %add3A_1144 : i32
            %slice3A_1146 = vector.extract_strided_slice %select_n3A_330 {offsets = [14], sizes = [1], strides = [1]} : vector<16xi32> to vector<1xi32>
            %squeeze3A_1147 = vector.extract %slice3A_1146[0] : i32 from vector<1xi32>
            %dma_start3A_1148 = arith.constant 0 : i32
            %dma_start3A_1149 = tpu.memref_slice %arg12[%add3A_1145, %dma_start3A_1148] : memref<32x64xf32, #tpu.memory_space<vmem>> -> memref<1x64xf32, #tpu.memory_space<vmem>>
            %dma_start3A_1150 = arith.constant 0 : i32
            %dma_start3A_1151 = tpu.memref_slice %arg4[%squeeze3A_1147, %dma_start3A_1150] : memref<16384x64xf32, #tpu.memory_space<hbm>> -> memref<1x64xf32, #tpu.memory_space<hbm>>
            %dma_start3A_1152 = arith.constant 0 : i32
            %dma_start3A_1153 = tpu.memref_slice %arg4[%squeeze3A_1147, %dma_start3A_1152] : memref<16384x64xf32, #tpu.memory_space<hbm>> -> memref<1x64xf32, #tpu.memory_space<hbm>>
            %dma_start3A_1154 = arith.constant 0 : i32
            %dma_start3A_1155 = tpu.memref_slice %arg12[%add3A_1145, %dma_start3A_1154] : memref<32x64xf32, #tpu.memory_space<vmem>> -> memref<1x64xf32, #tpu.memory_space<vmem>>
            tpu.enqueue_dma source(%dma_start3A_1155 : memref<1x64xf32, #tpu.memory_space<vmem>>) target(%dma_start3A_1153 : memref<1x64xf32, #tpu.memory_space<hbm>>) target_semaphore(%arg18 : memref<!tpu.dma_semaphore, #tpu.memory_space<semaphore_mem>>)
            %add3A_1156 = arith.constant 15 : i32
            %add3A_1157 = arith.addi %mul3A_348, %add3A_1156 : i32
            %slice3A_1158 = vector.extract_strided_slice %select_n3A_330 {offsets = [15], sizes = [1], strides = [1]} : vector<16xi32> to vector<1xi32>
            %squeeze3A_1159 = vector.extract %slice3A_1158[0] : i32 from vector<1xi32>
            %dma_start3A_1160 = arith.constant 0 : i32
            %dma_start3A_1161 = tpu.memref_slice %arg12[%add3A_1157, %dma_start3A_1160] : memref<32x64xf32, #tpu.memory_space<vmem>> -> memref<1x64xf32, #tpu.memory_space<vmem>>
            %dma_start3A_1162 = arith.constant 0 : i32
            %dma_start3A_1163 = tpu.memref_slice %arg4[%squeeze3A_1159, %dma_start3A_1162] : memref<16384x64xf32, #tpu.memory_space<hbm>> -> memref<1x64xf32, #tpu.memory_space<hbm>>
            %dma_start3A_1164 = arith.constant 0 : i32
            %dma_start3A_1165 = tpu.memref_slice %arg4[%squeeze3A_1159, %dma_start3A_1164] : memref<16384x64xf32, #tpu.memory_space<hbm>> -> memref<1x64xf32, #tpu.memory_space<hbm>>
            %dma_start3A_1166 = arith.constant 0 : i32
            %dma_start3A_1167 = tpu.memref_slice %arg12[%add3A_1157, %dma_start3A_1166] : memref<32x64xf32, #tpu.memory_space<vmem>> -> memref<1x64xf32, #tpu.memory_space<vmem>>
            tpu.enqueue_dma source(%dma_start3A_1167 : memref<1x64xf32, #tpu.memory_space<vmem>>) target(%dma_start3A_1165 : memref<1x64xf32, #tpu.memory_space<hbm>>) target_semaphore(%arg18 : memref<!tpu.dma_semaphore, #tpu.memory_space<semaphore_mem>>)
          } else {
          }
          %gt3A_296 = arith.constant 0 : i32
          %gt3A_297 = arith.cmpi sgt, %squeeze3A, %gt3A_296 : i32
          %jit3A_298 = arith.constant 1 : i32
          %jit3A_299 = arith.constant 0 : i32
          %select_n3A_300 = arith.select %gt3A_297, %jit3A_298, %jit3A_299 : i32
          %add3A_301 = arith.addi %while3A_258, %select_n3A_300 : i32
          scf.yield %add3A_301 : i32
        }
        scf.yield %while3A_256 : i32
      }
      %scan3A_116 = arith.constant 8 : i32
      scf.yield %scan3A_115 : i32
    }
    %scan3A_51 = arith.constant 8 : i32
    %dma_wait3A = arith.constant 0 : i32
    %dma_wait3A_52 = arith.constant 0 : i32
    %dma_wait3A_53 = tpu.memref_slice %arg3[%dma_wait3A, %dma_wait3A_52] : memref<64x1000000xf32, #tpu.memory_space<hbm>> -> memref<64x256xf32, #tpu.memory_space<hbm>>
    %dma_wait3A_54 = arith.constant 0 : i32
    %dma_wait3A_55 = arith.constant 0 : i32
    %dma_wait3A_56 = tpu.memref_slice %arg3[%dma_wait3A_54, %dma_wait3A_55] : memref<64x1000000xf32, #tpu.memory_space<hbm>> -> memref<64x256xf32, #tpu.memory_space<hbm>>
    tpu.wait_dma2 semaphore(%arg16 : memref<!tpu.dma_semaphore, #tpu.memory_space<semaphore_mem>>) src(%dma_wait3A_56 : memref<64x256xf32, #tpu.memory_space<hbm>>) dst(%arg14 : memref<64x256xf32, #tpu.memory_space<vmem>>)
    %dma_wait3A_57 = arith.constant 0 : i32
    %dma_wait3A_58 = tpu.memref_slice %arg2[%dma_wait3A_57] : memref<16384xi32, #tpu.memory_space<hbm>> -> memref<1024xi32, #tpu.memory_space<hbm>>
    %dma_wait3A_59 = arith.constant 0 : i32
    %dma_wait3A_60 = tpu.memref_slice %arg2[%dma_wait3A_59] : memref<16384xi32, #tpu.memory_space<hbm>> -> memref<1024xi32, #tpu.memory_space<hbm>>
    tpu.wait_dma2 semaphore(%arg18 : memref<!tpu.dma_semaphore, #tpu.memory_space<semaphore_mem>>) src(%dma_wait3A_60 : memref<1024xi32, #tpu.memory_space<hbm>>) dst(%arg13 : memref<1024xi32, #tpu.memory_space<vmem>>)
    %dma_wait3A_61 = arith.constant 0 : i32
    %dma_wait3A_62 = tpu.memref_slice %arg2[%dma_wait3A_61] : memref<16384xi32, #tpu.memory_space<hbm>> -> memref<1024xi32, #tpu.memory_space<hbm>>
    %dma_wait3A_63 = arith.constant 0 : i32
    %dma_wait3A_64 = tpu.memref_slice %arg2[%dma_wait3A_63] : memref<16384xi32, #tpu.memory_space<hbm>> -> memref<1024xi32, #tpu.memory_space<hbm>>
    tpu.wait_dma2 semaphore(%arg18 : memref<!tpu.dma_semaphore, #tpu.memory_space<semaphore_mem>>) src(%dma_wait3A_64 : memref<1024xi32, #tpu.memory_space<hbm>>) dst(%arg13 : memref<1024xi32, #tpu.memory_space<vmem>>)
    return
  }
}

</mosaic_0001>

<sc_bundles>
// kernel: kernel.3.cloned.1.call-start
scs
__scs_entry_jumppad:
0x0: {  	(pc) =	sbr.rel $0x88, $3  }
0x1: {  	(tag) =	ssettag $0x0;
	lr =	simm.s32 $0x1  }
0x2: {  	[smem:$0x3F9F] =	sst lr;
	_ =	strace $0xD0000000  }
0x3: {  	_ = 	snop  }
0x4: {  	_ = 	snop  }
0x5: {  	_ = 	snop  }
0x6: {  	_ = 	snop  }
0x7: {  	_ = 	snop  }
__scs_overlays_trampoline_lowered:
0x8: {  	[smem:$0x3FAE] =	sst s0  }
0x9: {  	[smem:$0x3FAF] =	sst s1  }
0xa: {  	[smem:$0x3FB0] =	sst s2  }
0xb: {  	[smem:$0x3FB1] =	sst s3  }
0xc: {  	[smem:$0x3FB2] =	sst s4  }
0xd: {  	[smem:$0x3FB3] =	sst s5  }
0xe: {  	[smem:$0x3FB4] =	sst s6  }
0xf: {  	[smem:$0x3FB5] =	sst s7  }
0x10: {  	[smem:$0x3FB6] =	sst s8  }
0x11: {  	[smem:$0x3FB7] =	sst s9;
	s0 =	simm.s32 @!p0 $0x0  }
0x12: {  	s1 =	sld [smem:$0x3F9D];
	s0 =	simm.s32 @p0 $0x1  }
0x13: {  	[smem:$0x3FB8] =	sst s0;
	s0 =	simm.s32 @!p1 $0x0  }
0x14: {  	s2 =	sld [smem:$0x3F9C];
	s0 =	simm.s32 @p1 $0x1  }
0x15: {  	[smem:$0x3FB9] =	sst s0;
	s0 =	simm.s32 @!p2 $0x0  }
0x16: {  	s3 =	sld [smem:$0x3FDB];
	s0 =	simm.s32 @p2 $0x1  }
0x17: {  	s4 =	simm.s32 $0x1BF5;
	[smem:$0x3FBB] =	sst s0  }
0x18: {  	s0 =	sld [smem:$0x3F9E];
	_ =	swait.ge [sflag:s4], $0x0  }
0x19: {  	s7 =	sld [smem:$0x3F9F]  }
0x1a: {  	s8 =	sadd.s32 $0xFFFFE003, lr  }
0x1b: {  	s9 =	sadd.s32 $0xFFFFFEF7, lr;
	s5 =	simm.s32 $0xFFFFFFFF;
	p2 =	slt.u32 s8, $0xFFFFF086  }
0x1c: {  	p1 =	slt.u32 s9, $0xF7A;
	s5 =	simm.s32 @!p2 $0x0  }
0x1d: {  	s5 =	simm.s32 @p1 $0x1;
	p0 =	seq.s32 s7, s2  }
0x1e: {  	s7 =	smul.u32 @!p0 $0xF7A, s2;
	p2 =	seq.s32 @!p0 s5, $0x0  }
0x1f: {  	s9 =	smul.u32 $0xF7A, s1;
	s8 =	simm.s32 @!p0 $0x1BF5;
	p2 =	por !p2, p0  }
0x20: {  	[sflag:s8] =	ssyncset.s32 @!p0 $0xFFFFF086;
	s6 =	sadd.s32 @!p0 s3, s7;
	s7 =	simm.s32 @!p0 $0x108  }
0x21: {  	s3 =	sadd.s32 s3, s9;
	s6 =	sadd.s32 @!p0 $0x88, s6;
	s7 =	simm.s32 @p2 $0x1082  }
0x22: {  	[simem:s7], [sflag:s8] =	dma.local @!p0 [hbm:s6], $0xF7A  }
0x23: {  	s9 =	sor.u32 $0xD0000000, s2;
	s6 =	simm.s32 $0x108;
	_ =	swait.ge @!p0 [sflag:s8], $0x0  }
0x24: {  	s3 =	sadd.s32 $0x88, s3;
	s6 =	simm.s32 @!p1 $0x1082;
	[sflag:s4] =	ssyncset.s32 $0xFFFFF086  }
0x25: {  	[simem:s6], [sflag:s4] =	dma.local [hbm:s3], $0xF7A  }
0x26: {  	[smem:$0x3F9F] =	sst s1;
	(tag) =	ssettag s2;
	_ =	strace s9  }
0x27: {  	s1 =	sld [smem:$0x3FAF]  }
0x28: {  	s2 =	sld [smem:$0x3FB0]  }
0x29: {  	s4 =	sld [smem:$0x3FB2]  }
0x2a: {  	p0 =	seq.s32 s5, $0x0;
	s5 =	sld [smem:$0x3FB3]  }
0x2b: {  	s6 =	sld [smem:$0x3FB4]  }
0x2c: {  	s7 =	sld [smem:$0x3FB5]  }
0x2d: {  	s3 =	simm.s32 $0x108;
	s8 =	sld [smem:$0x3FB6]  }
0x2e: {  	s3 =	simm.s32 @!p0 $0x1082;
	s9 =	sld [smem:$0x3FB7]  }
0x2f: {  	lr =	sadd.s32 s0, s3;
	s0 =	sld [smem:$0x3FAE]  }
0x30: {  	s3 =	sld [smem:$0x3FB1]  }
0x31: {  	[smem:$0x3FBA] =	sst s10  }
0x32: {  	s10 =	sld [smem:$0x3FB8];
	_ =	sdelay $0x3  }
0x33: {  	p0 =	seq.s32 s10, $0x1;
	s10 =	sld [smem:$0x3FBA];
	_ =	sdelay $0x3  }
0x34: {  	[smem:$0x3FBA] =	sst s10  }
0x35: {  	s10 =	sld [smem:$0x3FB9];
	_ =	sdelay $0x3  }
0x36: {  	p1 =	seq.s32 s10, $0x1;
	s10 =	sld [smem:$0x3FBA];
	_ =	sdelay $0x3  }
0x37: {  	[smem:$0x3FBA] =	sst s10  }
0x38: {  	s10 =	sld [smem:$0x3FBB]  }
0x39: {  	_ = 	snop;
	(pc) =	sbr.ind lr, $3  }
0x3a: {  	_ = 	snop  }
0x3b: {  	_ = 	snop  }
0x3c: {  	p2 =	seq.s32 s10, $0x1;
	s10 =	sld [smem:$0x3FBA]  }
0x3d: {  	_ =	shalt  }
0x3e: {  	_ =	shalt  }
0x3f: {  	_ =	shalt  }
0x40: {  	_ =	shalt  }
0x41: {  	_ =	shalt  }
0x42: {  	_ =	shalt  }
0x43: {  	_ =	shalt  }
0x44: {  	_ =	shalt  }
0x45: {  	_ =	shalt  }
0x46: {  	_ =	shalt  }
0x47: {  	_ =	shalt  }
0x48: {  	_ =	shalt  }
0x49: {  	_ =	shalt  }
0x4a: {  	_ =	shalt  }
0x4b: {  	_ =	shalt  }
0x4c: {  	_ =	shalt  }
0x4d: {  	_ =	shalt  }
0x4e: {  	_ =	shalt  }
0x4f: {  	_ =	shalt  }
0x50: {  	_ =	shalt  }
0x51: {  	_ =	shalt  }
0x52: {  	_ =	shalt  }
0x53: {  	_ =	shalt  }
0x54: {  	_ =	shalt  }
0x55: {  	_ =	shalt  }
0x56: {  	_ =	shalt  }
0x57: {  	_ =	shalt  }
0x58: {  	_ =	shalt  }
0x59: {  	_ =	shalt  }
0x5a: {  	_ =	shalt  }
0x5b: {  	_ =	shalt  }
0x5c: {  	_ =	shalt  }
0x5d: {  	_ =	shalt  }
0x5e: {  	_ =	shalt  }
0x5f: {  	_ =	shalt  }
0x60: {  	_ =	shalt  }
0x61: {  	_ =	shalt  }
0x62: {  	_ =	shalt  }
0x63: {  	_ =	shalt  }
0x64: {  	_ =	shalt  }
0x65: {  	_ =	shalt  }
0x66: {  	_ =	shalt  }
0x67: {  	_ =	shalt  }
0x68: {  	_ =	shalt  }
0x69: {  	_ =	shalt  }
0x6a: {  	_ =	shalt  }
0x6b: {  	_ =	shalt  }
0x6c: {  	_ =	shalt  }
0x6d: {  	_ =	shalt  }
0x6e: {  	_ =	shalt  }
0x6f: {  	_ =	shalt  }
0x70: {  	_ =	shalt  }
0x71: {  	_ =	shalt  }
0x72: {  	_ =	shalt  }
0x73: {  	_ =	shalt  }
0x74: {  	_ =	shalt  }
0x75: {  	_ =	shalt  }
0x76: {  	_ =	shalt  }
0x77: {  	_ =	shalt  }
0x78: {  	_ =	shalt  }
0x79: {  	_ =	shalt  }
0x7a: {  	_ =	shalt  }
0x7b: {  	_ =	shalt  }
0x7c: {  	_ =	shalt  }
0x7d: {  	_ =	shalt  }
0x7e: {  	_ =	shalt  }
0x7f: {  	_ =	shalt  }
0x80: {  	_ =	shalt  }
0x81: {  	_ =	shalt  }
0x82: {  	_ =	shalt  }
0x83: {  	_ =	shalt  }
0x84: {  	_ =	shalt  }
0x85: {  	_ =	shalt  }
0x86: {  	_ =	shalt  }
0x87: {  	_ =	shalt  }
.Lfunc_end0:
.L_simem_size_0:
called_computation_lowered:
.L_overlay_start_0:
0x88: {  	s2 =	sld [smem:$0x3FD9]  }
0x89: {  	s3 =	sld [smem:$0x3FFE];
	_ =	sdelay $0x1  }
0x8a: {  	s1 =	srdreg.scid  }
0x8b: {  	s0 =	sand.u32 $0x1, s1  }
0x8c: {  	s17 =	sshll.u32 s0, $0xA;
	s2 =	sadd.s32 s3, s2  }
0x8d: {  	s2 =	sadd.s32 s2, s17  }
0x8e: {  	[smem:$0x3FC6] =	sst s2  }
0x8f: {  	_ = 	snop  }
0x90: {  	s2 =	sld [smem:$0x3FC9]  }
0x91: {  	s18 =	sld [smem:$0x3FC8];
	(tm) =	ssettm $0x1  }
0x92: {  	s4 =	sld [smem:$0x3FFB];
	_ =	sdelay $0x3  }
0x93: {  	_ =	strace s4  }
0x94: {  	s4 =	sld [smem:$0x3FFC];
	_ =	sdelay $0x3  }
0x95: {  	_ =	strace s4  }
0x96: {  	s4 =	sld [smem:$0x3FFD];
	_ =	sdelay $0x3  }
0x97: {  	_ =	strace s4  }
0x98: {  	_ =	strace $0x8FFFFFFF  }
0x99: {  	s19 =	sld [smem:$0x3FDB];
	_ =	sdelay $0x1  }
0x9a: {  	s5 =	simm.s32 $_scs_section_size  }
0x9b: {  	s6 =	simm.s32 $_size__tile_overlayer_lowered;
	s7 =	simm.s32 $_tile_overlayer_lowered  }
0x9c: {  	s22 =	simm.s32 $0x1BFF;
	s21 =	sshll.u32 s7, $0x1;
	s4 =	sadd.s32 s5, s19  }
0x9d: {  	s8 =	simm.s32 $0x0;
	s20 =	sshll.u32 s6, $0x1;
	s6 =	sadd.s32 s21, s4  }
0x9e: {  	[timem:s8], [sflag:s22] =	dma.local [hbm:s6], s20  }
0x9f: {  	_ =	swait.ge [sflag:s22], s20  }
0xa0: {  	s5 =	ssub.s32 $0x0, s20;
	[sflag:s22] =	ssyncset.done $0x0  }
0xa1: {  	[sflag:s22] =	ssyncadd.s32 s5;
	_ =	sdelay $0x1  }
0xa2: {  	s23 =	simm.s32 $0x1B8B  }
0xa3: {  	_ =	swait.ge [sflag:s23], $0x1  }
0xa4: {  	[sflag:s23] =	ssyncset.done $0x0  }
0xa5: {  	s25 =	simm.s32 $0x1B8E;
	s24 =	sld [smem:$0x3FFE];
	[sflag:s23] =	ssyncadd.s32 $0xFFFFFFFF  }
0xa6: {  	s26 =	simm.s32 $execute0_lowered;
	[smem:$0x3FD2] =	sst s25  }
0xa7: {  	s6 =	sshll.u32 s26, $0x1;
	_ =	strace $0x80000046;
	[dreg:$0x1] =	wrdreg $0xFFFFFFFF  }
0xa8: {  	s28 =	simm.s32 $_size_execute0_lowered;
	s4 =	sadd.s32 s4, s6;
	[dreg:$0x0] =	wrdreg $0x0  }
0xa9: {  	s6 =	sshll.u32 s28, $0x1;
	[dreg:$0x2] =	wrdreg s4  }
0xaa: {  	[dreg:$0x3] =	wrdreg s6  }
0xab: {  	[dreg:$0x4] =	wrdreg $0xC0  }
0xac: {  	_ =	task [dreg:s8], $0x5FFFF  }
0xad: {  	[dreg:$0x1] =	wrdreg $0xFFFFFFFF  }
0xae: {  	[dreg:$0x0] =	wrdreg $0x60  }
0xaf: {  	[dreg:$0x2] =	wrdreg s2  }
0xb0: {  	[dreg:$0x3] =	wrdreg s18  }
0xb1: {  	[dreg:$0x4] =	wrdreg s24  }
0xb2: {  	[dreg:$0x5] =	wrdreg $0x9  }
0xb3: {  	_ =	task.clear_ibuf [dreg:s8], $0x6FFFF;
	_ =	strace $0x90000046  }
0xb4: {  	s29 =	simm.s32 $0x9;
	_ =	strace $0x80000048  }
0xb5: {  	_ =	swait.ge [sflag:s29], $0x1  }
0xb6: {  	[sflag:s29] =	ssyncadd.s32 $0xFFFFFFFF  }
0xb7: {  	_ =	strace $0x90000048  }
0xb8: {  	_ =	sfence  }
0xb9: {  	s30 =	sld [smem:$0x0];
	_ =	sdelay $0x2  }
0xba: {  	s31 =	sshll.u32 s1, $0xD;
	s1 =	sshrl.u32 s1, $0x2  }
0xbb: {  	s3 =	sand.u32 $0x4000, s31;
	s1 =	sadd.s32 s1, s30  }
0xbc: {  	s0 =	sor.u32 s3, s0;
	s1 =	sshll.u32 s1, $0x11  }
0xbd: {  	s0 =	sor.u32 s1, s0  }
0xbe: {  	s0 =	sadd.s32 $0x8F2B, s0  }
0xbf: {  	[sflag:s0] =	ssyncadd.remote.s32 $0x1  }
0xc0: {  	_ =	sfence.sel $0xFFFF  }
0xc1: {  	[dreg:$0x0] =	wrdreg $0xFFFFFFFF;
	(pc) =	sbr.abs _section_cstart, $3  }
0xc2: {  	[dreg:$0x1] =	wrdreg $0xFFFFFFFF  }
0xc3: {  	_ =	task.clear_ibuf [dreg:s8], $0x2FFFF;
	_ =	strace $0x9FFFFFFF  }
0xc4: {  	(tm) =	ssettm $0x7FFFFFFF  }
0xc5: {  	_ =	shalt  }
tec
execute0_lowered:
.L_overlay_start_1:
0x0: {  	(tag) =	ssettag $0x1  }
0x1: {  	v0 =	vimm.s32 $0xB80;
	vm14 =	vcmask $0x300;
	vm13 =	vcmask $0x704  }
0x2: {  	vm12 =	vcmask $0xB08;
	vm11 =	vcmask $0xF0C;
	vm10 =	vcmask $0x1310  }
0x3: {  	vm9 =	vcmask $0x1714;
	vm8 =	vcmask $0x1B18;
	vm7 =	vcmask $0x1F1C  }
0x4: {  	vm6 =	vcmask $0x2320;
	vm5 =	vcmask $0x2724;
	vm4 =	vcmask $0x2B28  }
0x5: {  	vm3 =	vcmask $0x2F2C;
	vm2 =	vcmask $0x3330;
	vm1 =	vcmask $0x3734  }
0x6: {  	vm0 =	vcmask $0x3B38;
	v4 =	vlaneseq.u32;
	v6 =	vimm.s32 $0x1B80  }
0x7: {  	v7 =	vimm.s32 $0x2B80;
	v8 =	vimm.s32 $0x3B80;
	v0 =	vsel vm14, $0x0, v0  }
0x8: {  	v6 =	vsel vm14, $0x1000, v6;
	v7 =	vsel vm14, $0x2000, v7;
	v8 =	vsel vm14, $0x3000, v8  }
0x9: {  	v0 =	vsel vm13, $0x80, v0;
	v6 =	vsel vm13, $0x1080, v6;
	v7 =	vsel vm13, $0x2080, v7  }
0xa: {  	v8 =	vsel vm13, $0x3080, v8;
	v0 =	vsel vm12, $0x100, v0;
	v6 =	vsel vm12, $0x1100, v6  }
0xb: {  	v7 =	vsel vm12, $0x2100, v7;
	v8 =	vsel vm12, $0x3100, v8;
	v0 =	vsel vm11, $0x180, v0  }
0xc: {  	v6 =	vsel vm11, $0x1180, v6;
	v7 =	vsel vm11, $0x2180, v7;
	v8 =	vsel vm11, $0x3180, v8  }
0xd: {  	v0 =	vsel vm10, $0x200, v0;
	v6 =	vsel vm10, $0x1200, v6;
	v7 =	vsel vm10, $0x2200, v7  }
0xe: {  	v8 =	vsel vm10, $0x3200, v8;
	v0 =	vsel vm9, $0x280, v0;
	v6 =	vsel vm9, $0x1280, v6  }
0xf: {  	v7 =	vsel vm9, $0x2280, v7;
	v8 =	vsel vm9, $0x3280, v8;
	v0 =	vsel vm8, $0x300, v0  }
0x10: {  	s0 =	srdreg.scid;
	s1 =	stileid.u32;
	v6 =	vsel vm8, $0x1300, v6;
	v7 =	vsel vm8, $0x2300, v7;
	v8 =	vsel vm8, $0x3300, v8  }
0x11: {  	s0 =	sand.u32 $0x1, s0;
	s1 =	sshll.u32 s1, $0x1;
	v0 =	vsel vm7, $0x380, v0;
	v6 =	vsel vm7, $0x1380, v6;
	v7 =	vsel vm7, $0x2380, v7  }
0x12: {  	s1 =	sor.u32 s0, s1;
	v8 =	vsel vm7, $0x3380, v8;
	v0 =	vsel vm6, $0x800, v0;
	v6 =	vsel vm6, $0x1800, v6  }
0x13: {  	s3 =	rddreg [dreg:$0x2];
	s1 =	smul.u32 $0x7A12, s1;
	v7 =	vsel vm6, $0x2800, v7;
	v8 =	vsel vm6, $0x3800, v8;
	v0 =	vsel vm5, $0x880, v0  }
0x14: {  	s4 =	simm.s32 $0x0;
	s12 =	simm.s32 $0x800;
	s13 =	simm.s32 $0x7A1400;
	v6 =	vsel vm5, $0x1880, v6;
	v7 =	vsel vm5, $0x2880, v7;
	v8 =	vsel vm5, $0x3880, v8  }
0x15: {  	s14 =	simm.s32 $0x15600;
	s15 =	simm.s32 $0x1;
	s16 =	simm.s32 $0x19600;
	v1 =	vsel vm4, $0x900, v0;
	v0 =	vmov s1;
	v6 =	vsel vm4, $0x1900, v6  }
0x16: {  	s17 =	simm.s32 $0x14100;
	s18 =	simm.s32 $0x14180;
	s2 =	sadd.s32 $0x7A12, s1;
	v7 =	vsel vm4, $0x2900, v7;
	v8 =	vsel vm4, $0x3900, v8;
	v2 =	vsel vm3, $0x980, v1  }
0x17: {  	s19 =	simm.s32 $0x3;
	s20 =	simm.s32 $0x2;
	s0 =	ssub.s32 $0x2, s0;
	v1 =	vmov s2;
	v6 =	vsel vm3, $0x1980, v6;
	v7 =	vsel vm3, $0x2980, v7  }
.Ltmp0:
0x18: {  	[smem:$0x7FF] =	sst s4;
	s31 =	sshrl.u32 s0, $0x1;
	v8 =	vsel vm3, $0x3980, v8;
	v3 =	vsel vm2, $0xA00, v2;
	v2 =	vimm.s32 $0xFFFFFFFF;
	(pc) =	sbr.rel .LBB2_1-.Ltmp0, $4  }
0x19: {  	s5 =	sadd.s32 $0x400, s3;
	s0 =	ssub.s32 s0, s31;
	s6 =	sshrl.u32 s1, $0x8;
	v6 =	vsel vm2, $0x1A00, v6;
	v7 =	vsel vm2, $0x2A00, v7;
	v8 =	vsel vm2, $0x3A00, v8  }
0x1a: {  	s0 =	smax.u32 s0, $0x1;
	s1 =	sand.u32 $0xFFF00, s1;
	s2 =	rddreg [dreg:$0x1];
	v5 =	vsel vm1, $0xA80, v3;
	v3 =	vimm.s32 $0x0;
	v6 =	vsel vm1, $0x1A80, v6  }
0x1b: {  	_ =	strace $0x80000047;
	[dreg:$0x5] =	wrdreg s0;
	s1 =	sadd.s32 s2, s1;
	v7 =	vsel vm1, $0x2A80, v7;
	v8 =	vsel vm1, $0x3A80, v8;
	v5 =	vsel vm0, $0xB00, v5  }
0x1c: {  	s8 =	sadd.s32 $0x2, s6;
	[dreg:$0x4] =	wrdreg s1;
	s1 =	simm.s32 $0x0;
	v6 =	vsel vm0, $0x1B00, v6;
	v7 =	vsel vm0, $0x2B00, v7;
	v8 =	vsel vm0, $0x3B00, v8  }
.LBB2_20:
0x1d: {  	_ =	swait.ge [sflag:s15], $0x4000  }
0x1e: {  	[sflag:s15] =	ssyncset.done $0x0  }
0x1f: {  	[sflag:s15] =	ssyncadd.s32 $0xFFFFC000  }
0x20: {  	_ =	swait.ge [sflag:s19], $0x400  }
0x21: {  	[sflag:s19] =	ssyncset.done $0x0  }
0x22: {  	[sflag:s19] =	ssyncadd.s32 $0xFFFFFC00  }
0x23: {  	_ =	swait.ge [sflag:s19], $0x400  }
0x24: {  	s1 =	rddreg [dreg:$0x6]  }
0x25: {  	s0 =	rddreg [dreg:$0x5];
	s1 =	sadd.s32 $0x1, s1  }
0x26: {  	p0 =	sne.s32 s1, s0  }
.Ltmp1:
0x27: {  	_ = 	snop;
	(pc) =	sbr.rel @!p0 .LBB2_21-.Ltmp1, $3  }
0x28: {  	_ =	sdelay $0x1  }
0x29: {  	[sflag:s19] =	ssyncset.done $0x0  }
0x2a: {  	[sflag:s19] =	ssyncadd.s32 $0xFFFFFC00  }
.LBB2_1:
0x2b: {  	[dreg:$0x6] =	wrdreg s1  }
0x2c: {  	s0 =	rddreg [dreg:$0x0];
	s28 =	simm.s32 $0x4  }
0x2d: {  	[tilespmem:s4], [sflag:$0x4] =	stream.linear.gather [hbm4b:s0+s4], $0x4000, $0x38;
	[tilespmem:$0x1D600] =	vst v63  }
0x2e: {  	_ =	swait.ge [sflag:s28], $0x4000  }
0x2f: {  	[sflag:s28] =	ssyncset.done $0x0  }
0x30: {  	s29 =	simm.s32 $0x15200;
	[sflag:s28] =	ssyncadd.s32 $0xFFFFC000  }
0x31: {  	[tilespmem:s29], [sflag:$0x3] =	stream.linear.gather [hbm4b:s0+s4], $0x400, $0x38;
	[tilespmem:$0x1D600] =	vst v63  }
0x32: {  	_ = 	snop  }
0x33: {  	[tilespmem:s29], [sflag:$0x3] =	stream.linear.gather [hbm4b:s0+s4], $0x400, $0x38;
	[tilespmem:$0x1D600] =	vst v63  }
0x34: {  	s30 =	rddreg [dreg:$0x4]  }
0x35: {  	[tilespmem:s14], [sflag:$0x1] =	stream.strided.gather [hbm4b:s30+s12], $0x4000, s13, s12, $0x38;
	[tilespmem:$0x1D600] =	vst v63  }
0x36: {  	v9 =	vld [tilespmem:s4+$0x0];
	_ =	sdelay $0x4  }
0x37: {  	vm0 =	vge.s32 v9, v0;
	vm1 =	vlt.s32 v9, v1  }
0x38: {  	vm0 =	vmand vm0, vm1  }
0x39: {  	v10 =	vmpcnt.ones.xlane vm0;
	_ =	sdelay $0x1  }
0x3a: {  	(v2sf) =	vpush v10, $0x0;
	_ =	sdelay $0xe  }
0x3b: {  	s31 =	spop (v2sf)  }
0x3c: {  	p1 =	slt.s32 s31, $0x1  }
0x3d: {  	s3 =	simm.s32 $0x10;
	v10 =	vlaneseq.u32 @!p1  }
0x3e: {  	s1 =	simm.s32 $0x0;
	s7 =	simm.s32 $0x0;
	s0 =	sadd.s32 $0x0, s31;
	[tilespmem:s4+$0x4000] =	vst.msk @!p1 vm0, v9;
	v9 =	vor.u32 @!p1 s4, v10  }
.LBB2_2:
0x3f: {  	[tilespmem:s1+$0x8080] =	vst.msk @!p1 vm0, v9;
	s7 =	sadd.s32 $0x10, s7;
	s9 =	smov.u32 s3;
	s3 =	sadd.s32 $0x10, s3  }
0x40: {  	s1 =	smov.u32 s0;
	v9 =	vld [tilespmem:s7+$0x0];
	p0 =	sne.s32 s3, $0x4000;
	_ =	sdelay $0x4  }
0x41: {  	vm0 =	vge.s32 v9, v0;
	vm1 =	vlt.s32 v9, v1  }
0x42: {  	vm0 =	vmand vm0, vm1  }
0x43: {  	v10 =	vmpcnt.ones.xlane vm0;
	_ =	sdelay $0x1  }
0x44: {  	(v2sf) =	vpush v10, $0x0;
	_ =	sdelay $0xd  }
.Ltmp2:
0x45: {  	(pc) =	sbr.rel @p0 .LBB2_2-.Ltmp2, $4  }
0x46: {  	s11 =	spop (v2sf)  }
0x47: {  	p1 =	slt.s32 s11, $0x1;
	s0 =	sadd.s32 s0, s11  }
0x48: {  	[tilespmem:s1+$0x4000] =	vst.msk @!p1 vm0, v9;
	v9 =	vlaneseq.u32 @!p1  }
0x49: {  	v9 =	vor.u32 @!p1 s9, v9  }
0x4a: {  	s3 =	sadd.s32 $0xF, s0  }
0x4b: {  	s7 =	sand.u32 $0xF, s3  }
0x4c: {  	s30 =	sshra.s32 s3, $0x1F;
	p2 =	slt.s32 s3, $0x1;
	p0 =	sne.s32 s7, $0x0  }
.Ltmp3:
0x4d: {  	s7 =	sshrl.u32 s30, $0x1C;
	p0 =	por !p2, !p0;
	(pc) =	sbr.rel .LBB2_4-.Ltmp3, $4  }
0x4e: {  	s3 =	sadd.s32 s7, s3;
	s7 =	simm.s32 $0x1;
	p0 =	por !p0, !p0  }
0x4f: {  	s3 =	sshra.s32 s3, $0x4;
	s7 =	simm.s32 @!p0 $0x0  }
0x50: {  	[tilespmem:s1+$0x8080] =	vst.msk @!p1 vm0, v9;
	s23 =	simm.s32 $0x0;
	s31 =	ssub.s32 s3, s7  }
0x51: {  	s24 =	simm.s32 $0x0;
	[tilespmem:s0+$0x4000] =	vst v2;
	[dreg:$0x7] =	wrdreg s31;
	p0 =	slt.s32 s31, $0x1  }
.LBB2_19:
0x52: {  	s24 =	sadd.s32 $0x1, s24  }
0x53: {  	p1 =	sne.s32 s24, $0x8  }
.Ltmp4:
0x54: {  	_ = 	snop;
	(pc) =	sbr.rel @!p1 .LBB2_20-.Ltmp4, $1  }
0x55: {  	_ =	sdelay $0x3  }
.LBB2_4:
.Ltmp5:
0x56: {  	(pc) =	sbr.rel @p0 .LBB2_7-.Ltmp5, $2  }
0x57: {  	_ =	sdelay $0x2  }
0x58: {  	s25 =	sshll.u32 s24, $0x4;
	s0 =	simm.s32 $0x0  }
0x59: {  	s0 =	simm.s32 $0x4000  }
0x5a: {  	v11 =	vld [tilespmem:s0+$0x0];
	_ =	sdelay $0x4  }
0x5b: {  	v9 =	vshra.s32 v11, $0x1F;
	v10 =	vand.u32 $0xFF, v11  }
0x5c: {  	vm0 =	vlt.s32 v11, $0x1;
	v9 =	vshrl.u32 v9, $0x18;
	vm1 =	vne.s32 v10, $0x0  }
0x5d: {  	s30 =	sadd.s32 s6, s25;
	v9 =	vadd.s32 v9, v11;
	vm0 =	vmand vm0, vm1  }
0x5e: {  	s1 =	sadd.s32 $0x10, s30;
	v12 =	vshra.s32 v9, $0x8;
	v13 =	vsel vm0, $0xFFFFFFFF, v3  }
0x5f: {  	v10 =	vmov s1;
	v9 =	vmov s30;
	v12 =	vadd.s32 v13, v12  }
0x60: {  	vm14 =	vge.s32 v12, v9;
	vm15 =	vlt.s32 v12, v10  }
0x61: {  	vm0 =	vmand vm14, vm15  }
0x62: {  	v63 =	vmpcnt.ones.xlane vm0;
	_ =	sdelay $0x1  }
0x63: {  	(v2sf) =	vpush v63, $0x0;
	_ =	sdelay $0xe  }
0x64: {  	s3 =	rddreg [dreg:$0x7];
	s31 =	spop (v2sf)  }
0x65: {  	s3 =	sadd.s32 $0xFFFFFFFF, s3;
	s1 =	simm.s32 $0x8080;
	p1 =	slt.s32 s31, $0x1  }
0x66: {  	p2 =	sne.s32 s3, $0x0;
	v12 =	vld @!p1 [tilespmem:s1+$0x0]  }
.Ltmp6:
0x67: {  	_ = 	snop;
	(pc) =	sbr.rel @!p2 .LBB2_7-.Ltmp6, $4  }
0x68: {  	_ = 	snop  }
0x69: {  	s7 =	simm.s32 $0x0  }
0x6a: {  	[tilespmem:s7+$0xC080] =	vst.msk @!p1 vm0, v11  }
0x6b: {  	s0 =	sadd.s32 $0x0, s31;
	[tilespmem:s7+$0x10100] =	vst.msk @!p1 vm0, v12;
	s7 =	simm.s32 $0x4010  }
.LBB2_6:
0x6c: {  	v11 =	vld [tilespmem:s7+$0x0];
	s3 =	sadd.s32 $0xFFFFFFFF, s3;
	s9 =	smov.u32 s0  }
0x6d: {  	p1 =	sne.s32 s3, $0x0;
	_ =	sdelay $0x3  }
0x6e: {  	v12 =	vshra.s32 v11, $0x1F;
	v13 =	vand.u32 $0xFF, v11  }
0x6f: {  	vm0 =	vlt.s32 v11, $0x1;
	v12 =	vshrl.u32 v12, $0x18;
	vm1 =	vne.s32 v13, $0x0  }
0x70: {  	v12 =	vadd.s32 v12, v11;
	vm0 =	vmand vm0, vm1  }
0x71: {  	v12 =	vshra.s32 v12, $0x8;
	v13 =	vsel vm0, $0xFFFFFFFF, v3  }
0x72: {  	v12 =	vadd.s32 v13, v12  }
0x73: {  	vm0 =	vge.s32 v12, v9;
	vm1 =	vlt.s32 v12, v10  }
0x74: {  	vm0 =	vmand vm0, vm1  }
0x75: {  	v12 =	vmpcnt.ones.xlane vm0;
	_ =	sdelay $0x1  }
0x76: {  	(v2sf) =	vpush v12, $0x0;
	_ =	sdelay $0xe  }
0x77: {  	s11 =	spop (v2sf)  }
0x78: {  	s1 =	sadd.s32 $0x10, s1;
	p2 =	slt.s32 s11, $0x1;
	s0 =	sadd.s32 s0, s11  }
0x79: {  	v12 =	vld @!p2 [tilespmem:s1+$0x0]  }
.Ltmp7:
0x7a: {  	(pc) =	sbr.rel @p1 .LBB2_6-.Ltmp7, $3  }
0x7b: {  	_ =	sdelay $0x1  }
0x7c: {  	[tilespmem:s9+$0xC080] =	vst.msk @!p2 vm0, v11  }
0x7d: {  	s7 =	sadd.s32 $0x10, s7;
	[tilespmem:s9+$0x10100] =	vst.msk @!p2 vm0, v12  }
.LBB2_7:
0x7e: {  	s1 =	sadd.s32 $0xF, s0  }
0x7f: {  	s3 =	sand.u32 $0xF, s1  }
0x80: {  	s31 =	sshra.s32 s1, $0x1F;
	p2 =	slt.s32 s1, $0x1;
	p1 =	sne.s32 s3, $0x0  }
.Ltmp8:
0x81: {  	s3 =	sshrl.u32 s31, $0x1C;
	p1 =	por !p2, !p1;
	(pc) =	sbr.rel .LBB2_8-.Ltmp8, $4  }
0x82: {  	s1 =	sadd.s32 s3, s1;
	s3 =	simm.s32 $0x1;
	p1 =	por !p1, !p1  }
0x83: {  	s1 =	sshra.s32 s1, $0x4;
	s3 =	simm.s32 @!p1 $0x0  }
0x84: {  	s7 =	ssub.s32 s1, s3  }
0x85: {  	[tilespmem:s0+$0xC080] =	vst v2;
	s28 =	simm.s32 $0x0;
	p1 =	slt.s32 s7, $0x1  }
.LBB2_18:
0x86: {  	s28 =	sadd.s32 $0x1, s28  }
0x87: {  	p2 =	sne.s32 s28, $0x8  }
.Ltmp9:
0x88: {  	_ = 	snop;
	(pc) =	sbr.rel @!p2 .LBB2_19-.Ltmp9, $1  }
0x89: {  	_ =	sdelay $0x3  }
.LBB2_8:
0x8a: {  	s0 =	sshll.u32 s28, $0x1  }
0x8b: {  	s31 =	sadd.s32 s25, s0  }
0x8c: {  	s0 =	sadd.s32 s6, s31  }
.Ltmp10:
0x8d: {  	s30 =	sadd.s32 $0x1, s0;
	(pc) =	sbr.rel @p1 .LBB2_13-.Ltmp10, $4  }
0x8e: {  	_ =	swait.ge [sflag:s15], $0x4000;
	s1 =	sshll.u32 s30, $0x8  }
0x8f: {  	[sflag:s15] =	ssyncset.done $0x0;
	s29 =	smin.u32 s1, $0xF4180  }
0x90: {  	[sflag:s15] =	ssyncadd.s32 $0xFFFFC000;
	s1 =	sadd.s32 s2, s29  }
0x91: {  	[tilespmem:s16], [sflag:$0x2] =	stream.strided.gather [hbm4b:s1+s12], $0x4000, s13, s12, $0x38;
	[tilespmem:$0x1D600] =	vst v63  }
.Ltmp11:
0x92: {  	(pc) =	sbr.rel .LBB2_10-.Ltmp11, $4  }
0x93: {  	_ = 	snop  }
0x94: {  	s1 =	sshll.u32 s0, $0x8  }
0x95: {  	s3 =	smin.u32 s1, $0xF4180  }
0x96: {  	v9 =	vmov s0;
	s0 =	simm.s32 $0xC080;
	s11 =	simm.s32 $0x10100;
	s26 =	smov.u32 s7;
	v10 =	vmov s3  }
.LBB2_12:
0x97: {  	p2 =	sgt.s32 s9, $0x0;
	s1 =	simm.s32 $0x1;
	s26 =	sadd.s32 $0xFFFFFFFF, s26  }
0x98: {  	s1 =	simm.s32 @!p2 $0x0;
	p2 =	sne.s32 s26, $0x0  }
.Ltmp12:
0x99: {  	_ = 	snop;
	(pc) =	sbr.rel @!p2 .LBB2_13-.Ltmp12, $2  }
0x9a: {  	_ =	sdelay $0x2  }
0x9b: {  	s0 =	sadd.s32 $0x10, s0;
	s11 =	sadd.s32 $0x10, s11;
	s23 =	sadd.s32 s1, s23  }
.LBB2_10:
0x9c: {  	v11 =	vld [tilespmem:s0+$0x0];
	_ =	sdelay $0x4  }
0x9d: {  	v12 =	vshra.s32 v11, $0x1F;
	v13 =	vand.u32 $0xFF, v11  }
0x9e: {  	vm0 =	vlt.s32 v11, $0x1;
	v12 =	vshrl.u32 v12, $0x18;
	vm1 =	vne.s32 v13, $0x0  }
0x9f: {  	v12 =	vadd.s32 v12, v11;
	vm0 =	vmand vm0, vm1  }
0xa0: {  	v12 =	vshra.s32 v12, $0x8;
	v13 =	vsel vm0, $0xFFFFFFFF, v3  }
0xa1: {  	v12 =	vadd.s32 v13, v12  }
0xa2: {  	vm0 =	veq.s32 v12, v9  }
0xa3: {  	v12 =	vmpcnt.ones.xlane vm0;
	_ =	sdelay $0x1  }
0xa4: {  	(v2sf) =	vpush v12, $0x0;
	_ =	sdelay $0xe  }
0xa5: {  	s9 =	spop (v2sf)  }
0xa6: {  	p2 =	slt.s32 s9, $0x1  }
.Ltmp13:
0xa7: {  	_ = 	snop;
	(pc) =	sbr.rel @p2 .LBB2_12-.Ltmp13, $1  }
0xa8: {  	_ =	sdelay $0x3  }
0xa9: {  	v13 =	vld [tilespmem:s11+$0x0];
	_ =	sdelay $0x3  }
0xaa: {  	[tilespmem:s17+$0x0] =	vst.msk vm0, v11  }
0xab: {  	[tilespmem:s18+$0x0] =	vst.msk vm0, v13  }
0xac: {  	v11 =	vld [tilespmem:$0x14100];
	_ =	sdelay $0x4  }
0xad: {  	(v2sf) =	vpush v11, $0x0;
	_ =	sdelay $0xc  }
0xae: {  	v11 =	vsub.s32 v11, v10  }
0xaf: {  	v12 =	vbroadcast v12, $0x0;
	vm14 =	vgt.s32 v11, $0x0  }
0xb0: {  	v11 =	vnsel vm14, $0x0, v11;
	s1 =	spop (v2sf)  }
0xb1: {  	vm15 =	vgt.s32 v12, v4;
	v11 =	vmin.u32 v11, $0xFF;
	s1 =	ssub.s32 s1, s3  }
0xb2: {  	v12 =	vnsel vm15, s1, v11  }
0xb3: {  	v11 =	vbroadcast v12, $0x0;
	_ =	sdelay $0x1  }
0xb4: {  	v19 =	vshll.u32 v11, $0x3  }
0xb5: {  	v11 =	vand.u32 $0x7F, v11;
	v13 =	vand.u32 $0xFFFFFC00, v19  }
0xb6: {  	v13 =	vor.u32 v11, v13  }
0xb7: {  	v14 =	vadd.s32 v5, v13;
	_ =	sdelay $0x1  }
0xb8: {  	v11 =	vld [tilespmem:$0x14180];
	_ =	swait.ge [sflag:s19], $0x400  }
0xb9: {  	[sflag:s19] =	ssyncset.done $0x0  }
0xba: {  	[sflag:s19] =	ssyncadd.s32 $0xFFFFFC00  }
0xbb: {  	v14 =	vld.idx.msk [tilespmem:v14+s14+$0x0], $0xffff  }
0xbc: {  	v15 =	vadd.s32 v6, v13;
	_ =	sdelay $0x1  }
0xbd: {  	s10 =	sshll.u32 s23, $0xB  }
0xbe: {  	s1 =	sand.u32 $0x800, s10  }
0xbf: {  	[tilespmem:s1+$0x14200] =	vst v14  }
0xc0: {  	v14 =	vld.idx.msk [tilespmem:v15+s14+$0x0], $0xffff  }
0xc1: {  	v20 =	vadd.s32 v7, v13;
	_ =	sdelay $0x3  }
0xc2: {  	[tilespmem:s1+$0x14210] =	vst v14  }
0xc3: {  	v14 =	vld.idx.msk [tilespmem:v20+s14+$0x0], $0xffff  }
0xc4: {  	v13 =	vadd.s32 v8, v13  }
0xc5: {  	v21 =	vbroadcast v12, $0x1;
	_ =	sdelay $0x1  }
0xc6: {  	v16 =	vshll.u32 v21, $0x3  }
0xc7: {  	v22 =	vand.u32 $0x7F, v21;
	v23 =	vand.u32 $0xFFFFFC00, v16;
	[tilespmem:s1+$0x14220] =	vst v14  }
0xc8: {  	v14 =	vor.u32 v22, v23;
	v13 =	vld.idx.msk [tilespmem:v13+s14+$0x0], $0xffff  }
0xc9: {  	v15 =	vadd.s32 v5, v14;
	_ =	sdelay $0x3  }
0xca: {  	[tilespmem:s1+$0x14230] =	vst v13  }
0xcb: {  	v13 =	vld.idx.msk [tilespmem:v15+s14+$0x0], $0xffff  }
0xcc: {  	v24 =	vadd.s32 v6, v14;
	_ =	sdelay $0x3  }
0xcd: {  	[tilespmem:s1+$0x14280] =	vst v13  }
0xce: {  	v13 =	vld.idx.msk [tilespmem:v24+s14+$0x0], $0xffff  }
0xcf: {  	v25 =	vadd.s32 v7, v14;
	_ =	sdelay $0x3  }
0xd0: {  	[tilespmem:s1+$0x14290] =	vst v13  }
0xd1: {  	v13 =	vld.idx.msk [tilespmem:v25+s14+$0x0], $0xffff  }
0xd2: {  	v14 =	vadd.s32 v8, v14  }
0xd3: {  	v26 =	vbroadcast v12, $0x2;
	_ =	sdelay $0x1  }
0xd4: {  	v27 =	vshll.u32 v26, $0x3  }
0xd5: {  	v28 =	vand.u32 $0x7F, v26;
	v29 =	vand.u32 $0xFFFFFC00, v27;
	[tilespmem:s1+$0x142A0] =	vst v13  }
0xd6: {  	v13 =	vor.u32 v28, v29;
	v14 =	vld.idx.msk [tilespmem:v14+s14+$0x0], $0xffff  }
0xd7: {  	v15 =	vadd.s32 v5, v13;
	_ =	sdelay $0x3  }
0xd8: {  	[tilespmem:s1+$0x142B0] =	vst v14  }
0xd9: {  	v14 =	vld.idx.msk [tilespmem:v15+s14+$0x0], $0xffff  }
0xda: {  	v30 =	vadd.s32 v6, v13;
	_ =	sdelay $0x3  }
0xdb: {  	[tilespmem:s1+$0x14300] =	vst v14  }
0xdc: {  	v14 =	vld.idx.msk [tilespmem:v30+s14+$0x0], $0xffff  }
0xdd: {  	v31 =	vadd.s32 v7, v13;
	_ =	sdelay $0x3  }
0xde: {  	[tilespmem:s1+$0x14310] =	vst v14  }
0xdf: {  	v14 =	vld.idx.msk [tilespmem:v31+s14+$0x0], $0xffff  }
0xe0: {  	v13 =	vadd.s32 v8, v13  }
0xe1: {  	v32 =	vbroadcast v12, $0x3;
	_ =	sdelay $0x1  }
0xe2: {  	v33 =	vshll.u32 v32, $0x3  }
0xe3: {  	v34 =	vand.u32 $0x7F, v32;
	v35 =	vand.u32 $0xFFFFFC00, v33;
	[tilespmem:s1+$0x14320] =	vst v14  }
0xe4: {  	v14 =	vor.u32 v34, v35;
	v13 =	vld.idx.msk [tilespmem:v13+s14+$0x0], $0xffff  }
0xe5: {  	v15 =	vadd.s32 v5, v14;
	_ =	sdelay $0x3  }
0xe6: {  	[tilespmem:s1+$0x14330] =	vst v13  }
0xe7: {  	v13 =	vld.idx.msk [tilespmem:v15+s14+$0x0], $0xffff  }
0xe8: {  	v36 =	vadd.s32 v6, v14;
	_ =	sdelay $0x3  }
0xe9: {  	[tilespmem:s1+$0x14380] =	vst v13  }
0xea: {  	v13 =	vld.idx.msk [tilespmem:v36+s14+$0x0], $0xffff  }
0xeb: {  	v37 =	vadd.s32 v7, v14;
	_ =	sdelay $0x3  }
0xec: {  	[tilespmem:s1+$0x14390] =	vst v13  }
0xed: {  	v13 =	vld.idx.msk [tilespmem:v37+s14+$0x0], $0xffff  }
0xee: {  	v14 =	vadd.s32 v8, v14  }
0xef: {  	v38 =	vbroadcast v12, $0x4;
	_ =	sdelay $0x1  }
0xf0: {  	v39 =	vshll.u32 v38, $0x3  }
0xf1: {  	v40 =	vand.u32 $0x7F, v38;
	v41 =	vand.u32 $0xFFFFFC00, v39;
	[tilespmem:s1+$0x143A0] =	vst v13  }
0xf2: {  	v13 =	vor.u32 v40, v41;
	v14 =	vld.idx.msk [tilespmem:v14+s14+$0x0], $0xffff  }
0xf3: {  	v15 =	vadd.s32 v5, v13;
	_ =	sdelay $0x3  }
0xf4: {  	[tilespmem:s1+$0x143B0] =	vst v14  }
0xf5: {  	v14 =	vld.idx.msk [tilespmem:v15+s14+$0x0], $0xffff  }
0xf6: {  	v42 =	vadd.s32 v6, v13;
	_ =	sdelay $0x3  }
0xf7: {  	[tilespmem:s1+$0x14400] =	vst v14  }
0xf8: {  	v14 =	vld.idx.msk [tilespmem:v42+s14+$0x0], $0xffff  }
0xf9: {  	v43 =	vadd.s32 v7, v13;
	_ =	sdelay $0x3  }
0xfa: {  	[tilespmem:s1+$0x14410] =	vst v14  }
0xfb: {  	v14 =	vld.idx.msk [tilespmem:v43+s14+$0x0], $0xffff  }
0xfc: {  	v13 =	vadd.s32 v8, v13  }
0xfd: {  	v44 =	vbroadcast v12, $0x5;
	_ =	sdelay $0x1  }
0xfe: {  	v45 =	vshll.u32 v44, $0x3  }
0xff: {  	v46 =	vand.u32 $0x7F, v44;
	v47 =	vand.u32 $0xFFFFFC00, v45;
	[tilespmem:s1+$0x14420] =	vst v14  }
0x100: {  	v14 =	vor.u32 v46, v47;
	v13 =	vld.idx.msk [tilespmem:v13+s14+$0x0], $0xffff  }
0x101: {  	v15 =	vadd.s32 v5, v14;
	_ =	sdelay $0x3  }
0x102: {  	[tilespmem:s1+$0x14430] =	vst v13  }
0x103: {  	v13 =	vld.idx.msk [tilespmem:v15+s14+$0x0], $0xffff  }
0x104: {  	v48 =	vadd.s32 v6, v14;
	_ =	sdelay $0x3  }
0x105: {  	[tilespmem:s1+$0x14480] =	vst v13  }
0x106: {  	v13 =	vld.idx.msk [tilespmem:v48+s14+$0x0], $0xffff  }
0x107: {  	v49 =	vadd.s32 v7, v14;
	_ =	sdelay $0x3  }
0x108: {  	[tilespmem:s1+$0x14490] =	vst v13  }
0x109: {  	v13 =	vld.idx.msk [tilespmem:v49+s14+$0x0], $0xffff  }
0x10a: {  	v14 =	vadd.s32 v8, v14  }
0x10b: {  	v50 =	vbroadcast v12, $0x6;
	_ =	sdelay $0x1  }
0x10c: {  	v51 =	vshll.u32 v50, $0x3  }
0x10d: {  	v52 =	vand.u32 $0x7F, v50;
	v53 =	vand.u32 $0xFFFFFC00, v51;
	[tilespmem:s1+$0x144A0] =	vst v13  }
0x10e: {  	v13 =	vor.u32 v52, v53;
	v14 =	vld.idx.msk [tilespmem:v14+s14+$0x0], $0xffff  }
0x10f: {  	v15 =	vadd.s32 v5, v13;
	_ =	sdelay $0x3  }
0x110: {  	[tilespmem:s1+$0x144B0] =	vst v14  }
0x111: {  	v14 =	vld.idx.msk [tilespmem:v15+s14+$0x0], $0xffff  }
0x112: {  	v54 =	vadd.s32 v6, v13;
	_ =	sdelay $0x3  }
0x113: {  	[tilespmem:s1+$0x14500] =	vst v14  }
0x114: {  	v14 =	vld.idx.msk [tilespmem:v54+s14+$0x0], $0xffff  }
0x115: {  	v55 =	vadd.s32 v7, v13;
	_ =	sdelay $0x3  }
0x116: {  	[tilespmem:s1+$0x14510] =	vst v14  }
0x117: {  	v14 =	vld.idx.msk [tilespmem:v55+s14+$0x0], $0xffff  }
0x118: {  	v13 =	vadd.s32 v8, v13  }
0x119: {  	v56 =	vbroadcast v12, $0x7;
	_ =	sdelay $0x1  }
0x11a: {  	v57 =	vshll.u32 v56, $0x3  }
0x11b: {  	v58 =	vand.u32 $0x7F, v56;
	v59 =	vand.u32 $0xFFFFFC00, v57;
	[tilespmem:s1+$0x14520] =	vst v14  }
0x11c: {  	v14 =	vor.u32 v58, v59;
	v13 =	vld.idx.msk [tilespmem:v13+s14+$0x0], $0xffff  }
0x11d: {  	v15 =	vadd.s32 v5, v14;
	_ =	sdelay $0x3  }
0x11e: {  	[tilespmem:s1+$0x14530] =	vst v13  }
0x11f: {  	v13 =	vld.idx.msk [tilespmem:v15+s14+$0x0], $0xffff  }
0x120: {  	v60 =	vadd.s32 v6, v14;
	_ =	sdelay $0x3  }
0x121: {  	[tilespmem:s1+$0x14580] =	vst v13  }
0x122: {  	v13 =	vld.idx.msk [tilespmem:v60+s14+$0x0], $0xffff  }
0x123: {  	v61 =	vadd.s32 v7, v14;
	_ =	sdelay $0x3  }
0x124: {  	[tilespmem:s1+$0x14590] =	vst v13  }
0x125: {  	v13 =	vld.idx.msk [tilespmem:v61+s14+$0x0], $0xffff  }
0x126: {  	v14 =	vadd.s32 v8, v14  }
0x127: {  	v62 =	vbroadcast v12, $0x8;
	_ =	sdelay $0x1  }
0x128: {  	v63 =	vshll.u32 v62, $0x3  }
0x129: {  	v19 =	vand.u32 $0x7F, v62;
	v20 =	vand.u32 $0xFFFFFC00, v63;
	[tilespmem:s1+$0x145A0] =	vst v13  }
0x12a: {  	v13 =	vor.u32 v19, v20;
	v14 =	vld.idx.msk [tilespmem:v14+s14+$0x0], $0xffff  }
0x12b: {  	v15 =	vadd.s32 v5, v13;
	_ =	sdelay $0x3  }
0x12c: {  	[tilespmem:s1+$0x145B0] =	vst v14  }
0x12d: {  	v14 =	vld.idx.msk [tilespmem:v15+s14+$0x0], $0xffff  }
0x12e: {  	v21 =	vadd.s32 v6, v13;
	_ =	sdelay $0x3  }
0x12f: {  	[tilespmem:s1+$0x14600] =	vst v14  }
0x130: {  	v14 =	vld.idx.msk [tilespmem:v21+s14+$0x0], $0xffff  }
0x131: {  	v22 =	vadd.s32 v7, v13;
	_ =	sdelay $0x3  }
0x132: {  	[tilespmem:s1+$0x14610] =	vst v14  }
0x133: {  	v14 =	vld.idx.msk [tilespmem:v22+s14+$0x0], $0xffff  }
0x134: {  	v13 =	vadd.s32 v8, v13  }
0x135: {  	v23 =	vbroadcast v12, $0x9;
	_ =	sdelay $0x1  }
0x136: {  	v24 =	vshll.u32 v23, $0x3  }
0x137: {  	v26 =	vand.u32 $0xFFFFFC00, v24;
	v25 =	vand.u32 $0x7F, v23;
	[tilespmem:s1+$0x14620] =	vst v14  }
0x138: {  	v14 =	vor.u32 v25, v26;
	v13 =	vld.idx.msk [tilespmem:v13+s14+$0x0], $0xffff  }
0x139: {  	v15 =	vadd.s32 v5, v14;
	_ =	sdelay $0x3  }
0x13a: {  	[tilespmem:s1+$0x14630] =	vst v13  }
0x13b: {  	v13 =	vld.idx.msk [tilespmem:v15+s14+$0x0], $0xffff  }
0x13c: {  	v27 =	vadd.s32 v6, v14;
	_ =	sdelay $0x3  }
0x13d: {  	[tilespmem:s1+$0x14680] =	vst v13  }
0x13e: {  	v13 =	vld.idx.msk [tilespmem:v27+s14+$0x0], $0xffff  }
0x13f: {  	v28 =	vadd.s32 v7, v14;
	_ =	sdelay $0x3  }
0x140: {  	[tilespmem:s1+$0x14690] =	vst v13  }
0x141: {  	v13 =	vld.idx.msk [tilespmem:v28+s14+$0x0], $0xffff  }
0x142: {  	v14 =	vadd.s32 v8, v14  }
0x143: {  	v29 =	vbroadcast v12, $0xA;
	_ =	sdelay $0x1  }
0x144: {  	v30 =	vshll.u32 v29, $0x3  }
0x145: {  	v32 =	vand.u32 $0xFFFFFC00, v30;
	v31 =	vand.u32 $0x7F, v29;
	[tilespmem:s1+$0x146A0] =	vst v13  }
0x146: {  	v13 =	vor.u32 v31, v32;
	v14 =	vld.idx.msk [tilespmem:v14+s14+$0x0], $0xffff  }
0x147: {  	v15 =	vadd.s32 v5, v13;
	_ =	sdelay $0x3  }
0x148: {  	[tilespmem:s1+$0x146B0] =	vst v14  }
0x149: {  	v14 =	vld.idx.msk [tilespmem:v15+s14+$0x0], $0xffff  }
0x14a: {  	v33 =	vadd.s32 v6, v13;
	_ =	sdelay $0x3  }
0x14b: {  	[tilespmem:s1+$0x14700] =	vst v14  }
0x14c: {  	v14 =	vld.idx.msk [tilespmem:v33+s14+$0x0], $0xffff  }
0x14d: {  	v34 =	vadd.s32 v7, v13;
	_ =	sdelay $0x3  }
0x14e: {  	[tilespmem:s1+$0x14710] =	vst v14  }
0x14f: {  	v14 =	vld.idx.msk [tilespmem:v34+s14+$0x0], $0xffff  }
0x150: {  	v13 =	vadd.s32 v8, v13  }
0x151: {  	v35 =	vbroadcast v12, $0xB;
	_ =	sdelay $0x1  }
0x152: {  	v36 =	vshll.u32 v35, $0x3  }
0x153: {  	v38 =	vand.u32 $0xFFFFFC00, v36;
	v37 =	vand.u32 $0x7F, v35;
	[tilespmem:s1+$0x14720] =	vst v14  }
0x154: {  	v14 =	vor.u32 v37, v38;
	v13 =	vld.idx.msk [tilespmem:v13+s14+$0x0], $0xffff  }
0x155: {  	v15 =	vadd.s32 v5, v14;
	_ =	sdelay $0x3  }
0x156: {  	[tilespmem:s1+$0x14730] =	vst v13  }
0x157: {  	v13 =	vld.idx.msk [tilespmem:v15+s14+$0x0], $0xffff  }
0x158: {  	v39 =	vadd.s32 v6, v14;
	_ =	sdelay $0x3  }
0x159: {  	[tilespmem:s1+$0x14780] =	vst v13  }
0x15a: {  	v13 =	vld.idx.msk [tilespmem:v39+s14+$0x0], $0xffff  }
0x15b: {  	v40 =	vadd.s32 v7, v14;
	_ =	sdelay $0x3  }
0x15c: {  	[tilespmem:s1+$0x14790] =	vst v13  }
0x15d: {  	v13 =	vld.idx.msk [tilespmem:v40+s14+$0x0], $0xffff  }
0x15e: {  	v14 =	vadd.s32 v8, v14  }
0x15f: {  	v41 =	vbroadcast v12, $0xC;
	_ =	sdelay $0x1  }
0x160: {  	v42 =	vshll.u32 v41, $0x3  }
0x161: {  	v44 =	vand.u32 $0xFFFFFC00, v42;
	v43 =	vand.u32 $0x7F, v41;
	[tilespmem:s1+$0x147A0] =	vst v13  }
0x162: {  	v13 =	vor.u32 v43, v44;
	v14 =	vld.idx.msk [tilespmem:v14+s14+$0x0], $0xffff  }
0x163: {  	v15 =	vadd.s32 v5, v13;
	_ =	sdelay $0x3  }
0x164: {  	[tilespmem:s1+$0x147B0] =	vst v14  }
0x165: {  	v14 =	vld.idx.msk [tilespmem:v15+s14+$0x0], $0xffff  }
0x166: {  	v45 =	vadd.s32 v6, v13;
	_ =	sdelay $0x3  }
0x167: {  	[tilespmem:s1+$0x14800] =	vst v14  }
0x168: {  	v14 =	vld.idx.msk [tilespmem:v45+s14+$0x0], $0xffff  }
0x169: {  	v46 =	vadd.s32 v7, v13;
	_ =	sdelay $0x3  }
0x16a: {  	[tilespmem:s1+$0x14810] =	vst v14  }
0x16b: {  	v14 =	vld.idx.msk [tilespmem:v46+s14+$0x0], $0xffff  }
0x16c: {  	v13 =	vadd.s32 v8, v13  }
0x16d: {  	v47 =	vbroadcast v12, $0xD;
	_ =	sdelay $0x1  }
0x16e: {  	v48 =	vshll.u32 v47, $0x3  }
0x16f: {  	v50 =	vand.u32 $0xFFFFFC00, v48;
	v49 =	vand.u32 $0x7F, v47;
	[tilespmem:s1+$0x14820] =	vst v14  }
0x170: {  	v14 =	vor.u32 v49, v50;
	v13 =	vld.idx.msk [tilespmem:v13+s14+$0x0], $0xffff  }
0x171: {  	v15 =	vadd.s32 v5, v14;
	_ =	sdelay $0x3  }
0x172: {  	[tilespmem:s1+$0x14830] =	vst v13  }
0x173: {  	v13 =	vld.idx.msk [tilespmem:v15+s14+$0x0], $0xffff  }
0x174: {  	v51 =	vadd.s32 v6, v14;
	_ =	sdelay $0x3  }
0x175: {  	[tilespmem:s1+$0x14880] =	vst v13  }
0x176: {  	v13 =	vld.idx.msk [tilespmem:v51+s14+$0x0], $0xffff  }
0x177: {  	v52 =	vadd.s32 v7, v14;
	_ =	sdelay $0x3  }
0x178: {  	[tilespmem:s1+$0x14890] =	vst v13  }
0x179: {  	v13 =	vld.idx.msk [tilespmem:v52+s14+$0x0], $0xffff  }
0x17a: {  	v14 =	vadd.s32 v8, v14  }
0x17b: {  	v53 =	vbroadcast v12, $0xE;
	_ =	sdelay $0x1  }
0x17c: {  	v54 =	vshll.u32 v53, $0x3  }
0x17d: {  	v56 =	vand.u32 $0xFFFFFC00, v54;
	v55 =	vand.u32 $0x7F, v53;
	[tilespmem:s1+$0x148A0] =	vst v13  }
0x17e: {  	v13 =	vor.u32 v55, v56;
	v14 =	vld.idx.msk [tilespmem:v14+s14+$0x0], $0xffff  }
0x17f: {  	v15 =	vadd.s32 v5, v13;
	_ =	sdelay $0x3  }
0x180: {  	[tilespmem:s1+$0x148B0] =	vst v14  }
0x181: {  	v14 =	vld.idx.msk [tilespmem:v15+s14+$0x0], $0xffff  }
0x182: {  	v57 =	vadd.s32 v6, v13;
	_ =	sdelay $0x3  }
0x183: {  	[tilespmem:s1+$0x14900] =	vst v14  }
0x184: {  	v14 =	vld.idx.msk [tilespmem:v57+s14+$0x0], $0xffff  }
0x185: {  	v58 =	vadd.s32 v7, v13;
	_ =	sdelay $0x3  }
0x186: {  	[tilespmem:s1+$0x14910] =	vst v14  }
0x187: {  	v14 =	vld.idx.msk [tilespmem:v58+s14+$0x0], $0xffff  }
0x188: {  	v13 =	vadd.s32 v8, v13  }
0x189: {  	v12 =	vbroadcast v12, $0xF;
	_ =	sdelay $0x1  }
0x18a: {  	v59 =	vshll.u32 v12, $0x3  }
0x18b: {  	v12 =	vand.u32 $0x7F, v12;
	v60 =	vand.u32 $0xFFFFFC00, v59;
	[tilespmem:s1+$0x14920] =	vst v14  }
0x18c: {  	v12 =	vor.u32 v12, v60;
	v13 =	vld.idx.msk [tilespmem:v13+s14+$0x0], $0xffff  }
0x18d: {  	v14 =	vadd.s32 v5, v12;
	_ =	sdelay $0x3  }
0x18e: {  	[tilespmem:s1+$0x14930] =	vst v13  }
0x18f: {  	v13 =	vld.idx.msk [tilespmem:v14+s14+$0x0], $0xffff  }
0x190: {  	v61 =	vadd.s32 v6, v12  }
0x191: {  	v62 =	vbroadcast v11, $0x0;
	_ =	sdelay $0x1  }
0x192: {  	v11 =	vsel vm15, v11, v62  }
0x193: {  	v11 =	vshll.u32 v11, $0x4;
	[tilespmem:s1+$0x14980] =	vst v13  }
0x194: {  	(v2sf) =	vpush v11, $0x0;
	v13 =	vld.idx.msk [tilespmem:v61+s14+$0x0], $0xffff  }
0x195: {  	v63 =	vadd.s32 v7, v12;
	_ =	sdelay $0x2  }
0x196: {  	(v2sf) =	vpush v11, $0x1  }
0x197: {  	[tilespmem:s1+$0x14990] =	vst v13  }
0x198: {  	v13 =	vld.idx.msk [tilespmem:v63+s14+$0x0], $0xffff  }
0x199: {  	v12 =	vadd.s32 v8, v12;
	_ =	sdelay $0x1  }
0x19a: {  	(v2sf) =	vpush v11, $0x2;
	_ =	sdelay $0x1  }
0x19b: {  	(v2sf) =	vpush v11, $0x3;
	[tilespmem:s1+$0x149A0] =	vst v13  }
0x19c: {  	v12 =	vld.idx.msk [tilespmem:v12+s14+$0x0], $0xffff;
	_ =	sdelay $0x1  }
0x19d: {  	(v2sf) =	vpush v11, $0x4  }
0x19e: {  	s10 =	spop (v2sf)  }
0x19f: {  	s10 =	sand.u32 $0x1FFFFFF0, s10  }
0x1a0: {  	s21 =	sor.u32 $0x14200, s1;
	s10 =	sadd.s32 s5, s10;
	[tilespmem:s1+$0x149B0] =	vst v12  }
0x1a1: {  	[hbm4b:s10+s4] =	stream.linear.scatter [tilespmem:s21], [sflag:$0x3], $0x80, $0x38;
	[tilespmem:$0x1D600] =	vst v63  }
0x1a2: {  	s21 =	spop (v2sf);
	(v2sf) =	vpush v11, $0x5;
	_ =	sdelay $0x3  }
0x1a3: {  	s10 =	sand.u32 $0x1FFFFFF0, s21;
	(v2sf) =	vpush v11, $0x6  }
0x1a4: {  	s22 =	sor.u32 $0x14280, s1;
	s21 =	spop (v2sf);
	s10 =	sadd.s32 s5, s10  }
0x1a5: {  	[hbm4b:s10+s4] =	stream.linear.scatter [tilespmem:s22], [sflag:$0x3], $0x80, $0x38;
	[tilespmem:$0x1D600] =	vst v63  }
0x1a6: {  	s10 =	sand.u32 $0x1FFFFFF0, s21;
	s21 =	spop (v2sf);
	(v2sf) =	vpush v11, $0x7  }
0x1a7: {  	s22 =	sor.u32 $0x14300, s1;
	s10 =	sadd.s32 s5, s10  }
0x1a8: {  	[hbm4b:s10+s4] =	stream.linear.scatter [tilespmem:s22], [sflag:$0x3], $0x80, $0x38;
	[tilespmem:$0x1D600] =	vst v63  }
0x1a9: {  	s10 =	sand.u32 $0x1FFFFFF0, s21;
	s21 =	spop (v2sf);
	(v2sf) =	vpush v11, $0x8;
	_ =	sdelay $0x2  }
0x1aa: {  	s22 =	sor.u32 $0x14380, s1;
	s10 =	sadd.s32 s5, s10  }
0x1ab: {  	[hbm4b:s10+s4] =	stream.linear.scatter [tilespmem:s22], [sflag:$0x3], $0x80, $0x38;
	[tilespmem:$0x1D600] =	vst v63  }
0x1ac: {  	s10 =	sand.u32 $0x1FFFFFF0, s21;
	s21 =	spop (v2sf);
	(v2sf) =	vpush v11, $0x9  }
0x1ad: {  	s22 =	sor.u32 $0x14400, s1;
	s10 =	sadd.s32 s5, s10  }
0x1ae: {  	[hbm4b:s10+s4] =	stream.linear.scatter [tilespmem:s22], [sflag:$0x3], $0x80, $0x38;
	[tilespmem:$0x1D600] =	vst v63  }
0x1af: {  	s10 =	sand.u32 $0x1FFFFFF0, s21  }
0x1b0: {  	s22 =	sor.u32 $0x14480, s1;
	s21 =	spop (v2sf);
	(v2sf) =	vpush v11, $0xA;
	s10 =	sadd.s32 s5, s10  }
0x1b1: {  	[hbm4b:s10+s4] =	stream.linear.scatter [tilespmem:s22], [sflag:$0x3], $0x80, $0x38;
	[tilespmem:$0x1D600] =	vst v63  }
0x1b2: {  	(v2sf) =	vpush v11, $0xB;
	s10 =	sand.u32 $0x1FFFFFF0, s21  }
0x1b3: {  	s22 =	sor.u32 $0x14500, s1;
	s21 =	spop (v2sf);
	s10 =	sadd.s32 s5, s10  }
0x1b4: {  	[hbm4b:s10+s4] =	stream.linear.scatter [tilespmem:s22], [sflag:$0x3], $0x80, $0x38;
	[tilespmem:$0x1D600] =	vst v63  }
0x1b5: {  	(v2sf) =	vpush v11, $0xC;
	s10 =	sand.u32 $0x1FFFFFF0, s21  }
0x1b6: {  	s22 =	sor.u32 $0x14580, s1;
	s21 =	spop (v2sf);
	s10 =	sadd.s32 s5, s10  }
0x1b7: {  	[hbm4b:s10+s4] =	stream.linear.scatter [tilespmem:s22], [sflag:$0x3], $0x80, $0x38;
	[tilespmem:$0x1D600] =	vst v63  }
0x1b8: {  	(v2sf) =	vpush v11, $0xD;
	s10 =	sand.u32 $0x1FFFFFF0, s21  }
0x1b9: {  	s22 =	sor.u32 $0x14600, s1;
	s10 =	sadd.s32 s5, s10  }
0x1ba: {  	[hbm4b:s10+s4] =	stream.linear.scatter [tilespmem:s22], [sflag:$0x3], $0x80, $0x38;
	[tilespmem:$0x1D600] =	vst v63  }
0x1bb: {  	s21 =	spop (v2sf)  }
0x1bc: {  	s10 =	sand.u32 $0x1FFFFFF0, s21  }
0x1bd: {  	s22 =	sor.u32 $0x14680, s1;
	(v2sf) =	vpush v11, $0xE;
	s10 =	sadd.s32 s5, s10  }
0x1be: {  	[hbm4b:s10+s4] =	stream.linear.scatter [tilespmem:s22], [sflag:$0x3], $0x80, $0x38;
	[tilespmem:$0x1D600] =	vst v63  }
0x1bf: {  	s22 =	spop (v2sf)  }
0x1c0: {  	s10 =	sand.u32 $0x1FFFFFF0, s22  }
0x1c1: {  	s21 =	spop (v2sf);
	s22 =	sor.u32 $0x14700, s1;
	s10 =	sadd.s32 s5, s10  }
0x1c2: {  	(v2sf) =	vpush v11, $0xF;
	[hbm4b:s10+s4] =	stream.linear.scatter [tilespmem:s22], [sflag:$0x3], $0x80, $0x38;
	[tilespmem:$0x1D600] =	vst v63  }
0x1c3: {  	s10 =	sand.u32 $0x1FFFFFF0, s21  }
0x1c4: {  	s21 =	spop (v2sf);
	s22 =	sor.u32 $0x14780, s1;
	s10 =	sadd.s32 s5, s10  }
0x1c5: {  	[hbm4b:s10+s4] =	stream.linear.scatter [tilespmem:s22], [sflag:$0x3], $0x80, $0x38;
	[tilespmem:$0x1D600] =	vst v63  }
0x1c6: {  	s10 =	sand.u32 $0x1FFFFFF0, s21  }
0x1c7: {  	s21 =	spop (v2sf);
	s22 =	sadd.s32 $0x14800, s1;
	s10 =	sadd.s32 s5, s10  }
0x1c8: {  	[hbm4b:s10+s4] =	stream.linear.scatter [tilespmem:s22], [sflag:$0x3], $0x80, $0x38;
	[tilespmem:$0x1D600] =	vst v63  }
0x1c9: {  	s10 =	sand.u32 $0x1FFFFFF0, s21  }
0x1ca: {  	s22 =	sadd.s32 $0x14880, s1;
	s10 =	sadd.s32 s5, s10  }
0x1cb: {  	[hbm4b:s10+s4] =	stream.linear.scatter [tilespmem:s22], [sflag:$0x3], $0x80, $0x38;
	[tilespmem:$0x1D600] =	vst v63  }
0x1cc: {  	s21 =	spop (v2sf)  }
0x1cd: {  	s21 =	sand.u32 $0x1FFFFFF0, s21  }
0x1ce: {  	s22 =	sadd.s32 $0x14900, s1;
	s10 =	sadd.s32 s5, s21  }
0x1cf: {  	[hbm4b:s10+s4] =	stream.linear.scatter [tilespmem:s22], [sflag:$0x3], $0x80, $0x38;
	[tilespmem:$0x1D600] =	vst v63  }
.Ltmp14:
0x1d0: {  	_ = 	snop;
	(pc) =	sbr.rel .LBB2_12-.Ltmp14, $4  }
0x1d1: {  	s22 =	spop (v2sf)  }
0x1d2: {  	s10 =	sand.u32 $0x1FFFFFF0, s22  }
0x1d3: {  	s1 =	sadd.s32 $0x14980, s1;
	s10 =	sadd.s32 s5, s10  }
0x1d4: {  	[hbm4b:s10+s4] =	stream.linear.scatter [tilespmem:s1], [sflag:$0x3], $0x80, $0x38;
	[tilespmem:$0x1D600] =	vst v63  }
.LBB2_13:
.Ltmp15:
0x1d5: {  	s0 =	sadd.s32 s31, s8;
	(pc) =	sbr.rel @p1 .LBB2_18-.Ltmp15, $4  }
0x1d6: {  	_ =	swait.ge [sflag:s20], $0x4000;
	s0 =	sshll.u32 s0, $0x8  }
0x1d7: {  	[sflag:s20] =	ssyncset.done $0x0;
	s0 =	smin.u32 s0, $0xF4180  }
0x1d8: {  	[sflag:s20] =	ssyncadd.s32 $0xFFFFC000;
	s0 =	sadd.s32 s2, s0  }
0x1d9: {  	[tilespmem:s14], [sflag:$0x1] =	stream.strided.gather [hbm4b:s0+s12], $0x4000, s13, s12, $0x38;
	[tilespmem:$0x1D600] =	vst v63  }
.Ltmp16:
0x1da: {  	(pc) =	sbr.rel .LBB2_15-.Ltmp16, $2  }
0x1db: {  	_ =	sdelay $0x2  }
0x1dc: {  	v9 =	vmov s30;
	v10 =	vmov s29;
	s0 =	simm.s32 $0xC080;
	s3 =	simm.s32 $0x10100;
	s11 =	smov.u32 s7  }
.LBB2_17:
0x1dd: {  	p2 =	sgt.s32 s9, $0x0;
	s1 =	simm.s32 $0x1;
	s11 =	sadd.s32 $0xFFFFFFFF, s11  }
0x1de: {  	s1 =	simm.s32 @!p2 $0x0;
	p2 =	sne.s32 s11, $0x0  }
.Ltmp17:
0x1df: {  	_ = 	snop;
	(pc) =	sbr.rel @!p2 .LBB2_18-.Ltmp17, $2  }
0x1e0: {  	_ =	sdelay $0x2  }
0x1e1: {  	s0 =	sadd.s32 $0x10, s0;
	s3 =	sadd.s32 $0x10, s3;
	s23 =	sadd.s32 s1, s23  }
.LBB2_15:
0x1e2: {  	v11 =	vld [tilespmem:s0+$0x0];
	_ =	sdelay $0x4  }
0x1e3: {  	v12 =	vshra.s32 v11, $0x1F;
	v13 =	vand.u32 $0xFF, v11  }
0x1e4: {  	vm0 =	vlt.s32 v11, $0x1;
	v12 =	vshrl.u32 v12, $0x18;
	vm1 =	vne.s32 v13, $0x0  }
0x1e5: {  	v12 =	vadd.s32 v12, v11;
	vm0 =	vmand vm0, vm1  }
0x1e6: {  	v12 =	vshra.s32 v12, $0x8;
	v13 =	vsel vm0, $0xFFFFFFFF, v3  }
0x1e7: {  	v12 =	vadd.s32 v13, v12  }
0x1e8: {  	vm0 =	veq.s32 v12, v9  }
0x1e9: {  	v12 =	vmpcnt.ones.xlane vm0;
	_ =	sdelay $0x1  }
0x1ea: {  	(v2sf) =	vpush v12, $0x0;
	_ =	sdelay $0xe  }
0x1eb: {  	s9 =	spop (v2sf)  }
0x1ec: {  	p2 =	slt.s32 s9, $0x1  }
.Ltmp18:
0x1ed: {  	_ = 	snop;
	(pc) =	sbr.rel @p2 .LBB2_17-.Ltmp18, $1  }
0x1ee: {  	_ =	sdelay $0x3  }
0x1ef: {  	v13 =	vld [tilespmem:s3+$0x0];
	_ =	sdelay $0x3  }
0x1f0: {  	[tilespmem:s17+$0x0] =	vst.msk vm0, v11  }
0x1f1: {  	[tilespmem:s18+$0x0] =	vst.msk vm0, v13  }
0x1f2: {  	v11 =	vld [tilespmem:$0x14100];
	_ =	sdelay $0x4  }
0x1f3: {  	(v2sf) =	vpush v11, $0x0;
	_ =	sdelay $0xc  }
0x1f4: {  	v11 =	vsub.s32 v11, v10  }
0x1f5: {  	v12 =	vbroadcast v12, $0x0;
	vm14 =	vgt.s32 v11, $0x0  }
0x1f6: {  	v11 =	vnsel vm14, $0x0, v11;
	s1 =	spop (v2sf)  }
0x1f7: {  	vm15 =	vgt.s32 v12, v4;
	v11 =	vmin.u32 v11, $0xFF;
	s1 =	ssub.s32 s1, s29  }
0x1f8: {  	v12 =	vnsel vm15, s1, v11  }
0x1f9: {  	v11 =	vbroadcast v12, $0x0;
	_ =	sdelay $0x1  }
0x1fa: {  	v19 =	vshll.u32 v11, $0x3  }
0x1fb: {  	v11 =	vand.u32 $0x7F, v11;
	v13 =	vand.u32 $0xFFFFFC00, v19  }
0x1fc: {  	v13 =	vor.u32 v11, v13  }
0x1fd: {  	v14 =	vadd.s32 v5, v13;
	_ =	sdelay $0x1  }
0x1fe: {  	v11 =	vld [tilespmem:$0x14180];
	_ =	swait.ge [sflag:s19], $0x400  }
0x1ff: {  	[sflag:s19] =	ssyncset.done $0x0  }
0x200: {  	[sflag:s19] =	ssyncadd.s32 $0xFFFFFC00  }
0x201: {  	v14 =	vld.idx.msk [tilespmem:v14+s16+$0x0], $0xffff  }
0x202: {  	v15 =	vadd.s32 v6, v13;
	_ =	sdelay $0x1  }
0x203: {  	s21 =	sshll.u32 s23, $0xB  }
0x204: {  	s1 =	sand.u32 $0x800, s21  }
0x205: {  	[tilespmem:s1+$0x14200] =	vst v14  }
0x206: {  	v14 =	vld.idx.msk [tilespmem:v15+s16+$0x0], $0xffff  }
0x207: {  	v20 =	vadd.s32 v7, v13;
	_ =	sdelay $0x3  }
0x208: {  	[tilespmem:s1+$0x14210] =	vst v14  }
0x209: {  	v14 =	vld.idx.msk [tilespmem:v20+s16+$0x0], $0xffff  }
0x20a: {  	v13 =	vadd.s32 v8, v13  }
0x20b: {  	v21 =	vbroadcast v12, $0x1;
	_ =	sdelay $0x1  }
0x20c: {  	v16 =	vshll.u32 v21, $0x3  }
0x20d: {  	v22 =	vand.u32 $0x7F, v21;
	v23 =	vand.u32 $0xFFFFFC00, v16;
	[tilespmem:s1+$0x14220] =	vst v14  }
0x20e: {  	v14 =	vor.u32 v22, v23;
	v13 =	vld.idx.msk [tilespmem:v13+s16+$0x0], $0xffff  }
0x20f: {  	v15 =	vadd.s32 v5, v14;
	_ =	sdelay $0x3  }
0x210: {  	[tilespmem:s1+$0x14230] =	vst v13  }
0x211: {  	v13 =	vld.idx.msk [tilespmem:v15+s16+$0x0], $0xffff  }
0x212: {  	v24 =	vadd.s32 v6, v14;
	_ =	sdelay $0x3  }
0x213: {  	[tilespmem:s1+$0x14280] =	vst v13  }
0x214: {  	v13 =	vld.idx.msk [tilespmem:v24+s16+$0x0], $0xffff  }
0x215: {  	v25 =	vadd.s32 v7, v14;
	_ =	sdelay $0x3  }
0x216: {  	[tilespmem:s1+$0x14290] =	vst v13  }
0x217: {  	v13 =	vld.idx.msk [tilespmem:v25+s16+$0x0], $0xffff  }
0x218: {  	v14 =	vadd.s32 v8, v14  }
0x219: {  	v26 =	vbroadcast v12, $0x2;
	_ =	sdelay $0x1  }
0x21a: {  	v27 =	vshll.u32 v26, $0x3  }
0x21b: {  	v28 =	vand.u32 $0x7F, v26;
	v29 =	vand.u32 $0xFFFFFC00, v27;
	[tilespmem:s1+$0x142A0] =	vst v13  }
0x21c: {  	v13 =	vor.u32 v28, v29;
	v14 =	vld.idx.msk [tilespmem:v14+s16+$0x0], $0xffff  }
0x21d: {  	v15 =	vadd.s32 v5, v13;
	_ =	sdelay $0x3  }
0x21e: {  	[tilespmem:s1+$0x142B0] =	vst v14  }
0x21f: {  	v14 =	vld.idx.msk [tilespmem:v15+s16+$0x0], $0xffff  }
0x220: {  	v30 =	vadd.s32 v6, v13;
	_ =	sdelay $0x3  }
0x221: {  	[tilespmem:s1+$0x14300] =	vst v14  }
0x222: {  	v14 =	vld.idx.msk [tilespmem:v30+s16+$0x0], $0xffff  }
0x223: {  	v31 =	vadd.s32 v7, v13;
	_ =	sdelay $0x3  }
0x224: {  	[tilespmem:s1+$0x14310] =	vst v14  }
0x225: {  	v14 =	vld.idx.msk [tilespmem:v31+s16+$0x0], $0xffff  }
0x226: {  	v13 =	vadd.s32 v8, v13  }
0x227: {  	v32 =	vbroadcast v12, $0x3;
	_ =	sdelay $0x1  }
0x228: {  	v33 =	vshll.u32 v32, $0x3  }
0x229: {  	v34 =	vand.u32 $0x7F, v32;
	v35 =	vand.u32 $0xFFFFFC00, v33;
	[tilespmem:s1+$0x14320] =	vst v14  }
0x22a: {  	v14 =	vor.u32 v34, v35;
	v13 =	vld.idx.msk [tilespmem:v13+s16+$0x0], $0xffff  }
0x22b: {  	v15 =	vadd.s32 v5, v14;
	_ =	sdelay $0x3  }
0x22c: {  	[tilespmem:s1+$0x14330] =	vst v13  }
0x22d: {  	v13 =	vld.idx.msk [tilespmem:v15+s16+$0x0], $0xffff  }
0x22e: {  	v36 =	vadd.s32 v6, v14;
	_ =	sdelay $0x3  }
0x22f: {  	[tilespmem:s1+$0x14380] =	vst v13  }
0x230: {  	v13 =	vld.idx.msk [tilespmem:v36+s16+$0x0], $0xffff  }
0x231: {  	v37 =	vadd.s32 v7, v14;
	_ =	sdelay $0x3  }
0x232: {  	[tilespmem:s1+$0x14390] =	vst v13  }
0x233: {  	v13 =	vld.idx.msk [tilespmem:v37+s16+$0x0], $0xffff  }
0x234: {  	v14 =	vadd.s32 v8, v14  }
0x235: {  	v38 =	vbroadcast v12, $0x4;
	_ =	sdelay $0x1  }
0x236: {  	v39 =	vshll.u32 v38, $0x3  }
0x237: {  	v40 =	vand.u32 $0x7F, v38;
	v41 =	vand.u32 $0xFFFFFC00, v39;
	[tilespmem:s1+$0x143A0] =	vst v13  }
0x238: {  	v13 =	vor.u32 v40, v41;
	v14 =	vld.idx.msk [tilespmem:v14+s16+$0x0], $0xffff  }
0x239: {  	v15 =	vadd.s32 v5, v13;
	_ =	sdelay $0x3  }
0x23a: {  	[tilespmem:s1+$0x143B0] =	vst v14  }
0x23b: {  	v14 =	vld.idx.msk [tilespmem:v15+s16+$0x0], $0xffff  }
0x23c: {  	v42 =	vadd.s32 v6, v13;
	_ =	sdelay $0x3  }
0x23d: {  	[tilespmem:s1+$0x14400] =	vst v14  }
0x23e: {  	v14 =	vld.idx.msk [tilespmem:v42+s16+$0x0], $0xffff  }
0x23f: {  	v43 =	vadd.s32 v7, v13;
	_ =	sdelay $0x3  }
0x240: {  	[tilespmem:s1+$0x14410] =	vst v14  }
0x241: {  	v14 =	vld.idx.msk [tilespmem:v43+s16+$0x0], $0xffff  }
0x242: {  	v13 =	vadd.s32 v8, v13  }
0x243: {  	v44 =	vbroadcast v12, $0x5;
	_ =	sdelay $0x1  }
0x244: {  	v45 =	vshll.u32 v44, $0x3  }
0x245: {  	v46 =	vand.u32 $0x7F, v44;
	v47 =	vand.u32 $0xFFFFFC00, v45;
	[tilespmem:s1+$0x14420] =	vst v14  }
0x246: {  	v14 =	vor.u32 v46, v47;
	v13 =	vld.idx.msk [tilespmem:v13+s16+$0x0], $0xffff  }
0x247: {  	v15 =	vadd.s32 v5, v14;
	_ =	sdelay $0x3  }
0x248: {  	[tilespmem:s1+$0x14430] =	vst v13  }
0x249: {  	v13 =	vld.idx.msk [tilespmem:v15+s16+$0x0], $0xffff  }
0x24a: {  	v48 =	vadd.s32 v6, v14;
	_ =	sdelay $0x3  }
0x24b: {  	[tilespmem:s1+$0x14480] =	vst v13  }
0x24c: {  	v13 =	vld.idx.msk [tilespmem:v48+s16+$0x0], $0xffff  }
0x24d: {  	v49 =	vadd.s32 v7, v14;
	_ =	sdelay $0x3  }
0x24e: {  	[tilespmem:s1+$0x14490] =	vst v13  }
0x24f: {  	v13 =	vld.idx.msk [tilespmem:v49+s16+$0x0], $0xffff  }
0x250: {  	v14 =	vadd.s32 v8, v14  }
0x251: {  	v50 =	vbroadcast v12, $0x6;
	_ =	sdelay $0x1  }
0x252: {  	v51 =	vshll.u32 v50, $0x3  }
0x253: {  	v52 =	vand.u32 $0x7F, v50;
	v53 =	vand.u32 $0xFFFFFC00, v51;
	[tilespmem:s1+$0x144A0] =	vst v13  }
0x254: {  	v13 =	vor.u32 v52, v53;
	v14 =	vld.idx.msk [tilespmem:v14+s16+$0x0], $0xffff  }
0x255: {  	v15 =	vadd.s32 v5, v13;
	_ =	sdelay $0x3  }
0x256: {  	[tilespmem:s1+$0x144B0] =	vst v14  }
0x257: {  	v14 =	vld.idx.msk [tilespmem:v15+s16+$0x0], $0xffff  }
0x258: {  	v54 =	vadd.s32 v6, v13;
	_ =	sdelay $0x3  }
0x259: {  	[tilespmem:s1+$0x14500] =	vst v14  }
0x25a: {  	v14 =	vld.idx.msk [tilespmem:v54+s16+$0x0], $0xffff  }
0x25b: {  	v55 =	vadd.s32 v7, v13;
	_ =	sdelay $0x3  }
0x25c: {  	[tilespmem:s1+$0x14510] =	vst v14  }
0x25d: {  	v14 =	vld.idx.msk [tilespmem:v55+s16+$0x0], $0xffff  }
0x25e: {  	v13 =	vadd.s32 v8, v13  }
0x25f: {  	v56 =	vbroadcast v12, $0x7;
	_ =	sdelay $0x1  }
0x260: {  	v57 =	vshll.u32 v56, $0x3  }
0x261: {  	v58 =	vand.u32 $0x7F, v56;
	v59 =	vand.u32 $0xFFFFFC00, v57;
	[tilespmem:s1+$0x14520] =	vst v14  }
0x262: {  	v14 =	vor.u32 v58, v59;
	v13 =	vld.idx.msk [tilespmem:v13+s16+$0x0], $0xffff  }
0x263: {  	v15 =	vadd.s32 v5, v14;
	_ =	sdelay $0x3  }
0x264: {  	[tilespmem:s1+$0x14530] =	vst v13  }
0x265: {  	v13 =	vld.idx.msk [tilespmem:v15+s16+$0x0], $0xffff  }
0x266: {  	v60 =	vadd.s32 v6, v14;
	_ =	sdelay $0x3  }
0x267: {  	[tilespmem:s1+$0x14580] =	vst v13  }
0x268: {  	v13 =	vld.idx.msk [tilespmem:v60+s16+$0x0], $0xffff  }
0x269: {  	v61 =	vadd.s32 v7, v14;
	_ =	sdelay $0x3  }
0x26a: {  	[tilespmem:s1+$0x14590] =	vst v13  }
0x26b: {  	v13 =	vld.idx.msk [tilespmem:v61+s16+$0x0], $0xffff  }
0x26c: {  	v14 =	vadd.s32 v8, v14  }
0x26d: {  	v62 =	vbroadcast v12, $0x8;
	_ =	sdelay $0x1  }
0x26e: {  	v63 =	vshll.u32 v62, $0x3  }
0x26f: {  	v19 =	vand.u32 $0x7F, v62;
	v20 =	vand.u32 $0xFFFFFC00, v63;
	[tilespmem:s1+$0x145A0] =	vst v13  }
0x270: {  	v13 =	vor.u32 v19, v20;
	v14 =	vld.idx.msk [tilespmem:v14+s16+$0x0], $0xffff  }
0x271: {  	v15 =	vadd.s32 v5, v13;
	_ =	sdelay $0x3  }
0x272: {  	[tilespmem:s1+$0x145B0] =	vst v14  }
0x273: {  	v14 =	vld.idx.msk [tilespmem:v15+s16+$0x0], $0xffff  }
0x274: {  	v21 =	vadd.s32 v6, v13;
	_ =	sdelay $0x3  }
0x275: {  	[tilespmem:s1+$0x14600] =	vst v14  }
0x276: {  	v14 =	vld.idx.msk [tilespmem:v21+s16+$0x0], $0xffff  }
0x277: {  	v22 =	vadd.s32 v7, v13;
	_ =	sdelay $0x3  }
0x278: {  	[tilespmem:s1+$0x14610] =	vst v14  }
0x279: {  	v14 =	vld.idx.msk [tilespmem:v22+s16+$0x0], $0xffff  }
0x27a: {  	v13 =	vadd.s32 v8, v13  }
0x27b: {  	v23 =	vbroadcast v12, $0x9;
	_ =	sdelay $0x1  }
0x27c: {  	v24 =	vshll.u32 v23, $0x3  }
0x27d: {  	v26 =	vand.u32 $0xFFFFFC00, v24;
	v25 =	vand.u32 $0x7F, v23;
	[tilespmem:s1+$0x14620] =	vst v14  }
0x27e: {  	v14 =	vor.u32 v25, v26;
	v13 =	vld.idx.msk [tilespmem:v13+s16+$0x0], $0xffff  }
0x27f: {  	v15 =	vadd.s32 v5, v14;
	_ =	sdelay $0x3  }
0x280: {  	[tilespmem:s1+$0x14630] =	vst v13  }
0x281: {  	v13 =	vld.idx.msk [tilespmem:v15+s16+$0x0], $0xffff  }
0x282: {  	v27 =	vadd.s32 v6, v14;
	_ =	sdelay $0x3  }
0x283: {  	[tilespmem:s1+$0x14680] =	vst v13  }
0x284: {  	v13 =	vld.idx.msk [tilespmem:v27+s16+$0x0], $0xffff  }
0x285: {  	v28 =	vadd.s32 v7, v14;
	_ =	sdelay $0x3  }
0x286: {  	[tilespmem:s1+$0x14690] =	vst v13  }
0x287: {  	v13 =	vld.idx.msk [tilespmem:v28+s16+$0x0], $0xffff  }
0x288: {  	v14 =	vadd.s32 v8, v14  }
0x289: {  	v29 =	vbroadcast v12, $0xA;
	_ =	sdelay $0x1  }
0x28a: {  	v30 =	vshll.u32 v29, $0x3  }
0x28b: {  	v32 =	vand.u32 $0xFFFFFC00, v30;
	v31 =	vand.u32 $0x7F, v29;
	[tilespmem:s1+$0x146A0] =	vst v13  }
0x28c: {  	v13 =	vor.u32 v31, v32;
	v14 =	vld.idx.msk [tilespmem:v14+s16+$0x0], $0xffff  }
0x28d: {  	v15 =	vadd.s32 v5, v13;
	_ =	sdelay $0x3  }
0x28e: {  	[tilespmem:s1+$0x146B0] =	vst v14  }
0x28f: {  	v14 =	vld.idx.msk [tilespmem:v15+s16+$0x0], $0xffff  }
0x290: {  	v33 =	vadd.s32 v6, v13;
	_ =	sdelay $0x3  }
0x291: {  	[tilespmem:s1+$0x14700] =	vst v14  }
0x292: {  	v14 =	vld.idx.msk [tilespmem:v33+s16+$0x0], $0xffff  }
0x293: {  	v34 =	vadd.s32 v7, v13;
	_ =	sdelay $0x3  }
0x294: {  	[tilespmem:s1+$0x14710] =	vst v14  }
0x295: {  	v14 =	vld.idx.msk [tilespmem:v34+s16+$0x0], $0xffff  }
0x296: {  	v13 =	vadd.s32 v8, v13  }
0x297: {  	v35 =	vbroadcast v12, $0xB;
	_ =	sdelay $0x1  }
0x298: {  	v36 =	vshll.u32 v35, $0x3  }
0x299: {  	v38 =	vand.u32 $0xFFFFFC00, v36;
	v37 =	vand.u32 $0x7F, v35;
	[tilespmem:s1+$0x14720] =	vst v14  }
0x29a: {  	v14 =	vor.u32 v37, v38;
	v13 =	vld.idx.msk [tilespmem:v13+s16+$0x0], $0xffff  }
0x29b: {  	v15 =	vadd.s32 v5, v14;
	_ =	sdelay $0x3  }
0x29c: {  	[tilespmem:s1+$0x14730] =	vst v13  }
0x29d: {  	v13 =	vld.idx.msk [tilespmem:v15+s16+$0x0], $0xffff  }
0x29e: {  	v39 =	vadd.s32 v6, v14;
	_ =	sdelay $0x3  }
0x29f: {  	[tilespmem:s1+$0x14780] =	vst v13  }
0x2a0: {  	v13 =	vld.idx.msk [tilespmem:v39+s16+$0x0], $0xffff  }
0x2a1: {  	v40 =	vadd.s32 v7, v14;
	_ =	sdelay $0x3  }
0x2a2: {  	[tilespmem:s1+$0x14790] =	vst v13  }
0x2a3: {  	v13 =	vld.idx.msk [tilespmem:v40+s16+$0x0], $0xffff  }
0x2a4: {  	v14 =	vadd.s32 v8, v14  }
0x2a5: {  	v41 =	vbroadcast v12, $0xC;
	_ =	sdelay $0x1  }
0x2a6: {  	v42 =	vshll.u32 v41, $0x3  }
0x2a7: {  	v44 =	vand.u32 $0xFFFFFC00, v42;
	v43 =	vand.u32 $0x7F, v41;
	[tilespmem:s1+$0x147A0] =	vst v13  }
0x2a8: {  	v13 =	vor.u32 v43, v44;
	v14 =	vld.idx.msk [tilespmem:v14+s16+$0x0], $0xffff  }
0x2a9: {  	v15 =	vadd.s32 v5, v13;
	_ =	sdelay $0x3  }
0x2aa: {  	[tilespmem:s1+$0x147B0] =	vst v14  }
0x2ab: {  	v14 =	vld.idx.msk [tilespmem:v15+s16+$0x0], $0xffff  }
0x2ac: {  	v45 =	vadd.s32 v6, v13;
	_ =	sdelay $0x3  }
0x2ad: {  	[tilespmem:s1+$0x14800] =	vst v14  }
0x2ae: {  	v14 =	vld.idx.msk [tilespmem:v45+s16+$0x0], $0xffff  }
0x2af: {  	v46 =	vadd.s32 v7, v13;
	_ =	sdelay $0x3  }
0x2b0: {  	[tilespmem:s1+$0x14810] =	vst v14  }
0x2b1: {  	v14 =	vld.idx.msk [tilespmem:v46+s16+$0x0], $0xffff  }
0x2b2: {  	v13 =	vadd.s32 v8, v13  }
0x2b3: {  	v47 =	vbroadcast v12, $0xD;
	_ =	sdelay $0x1  }
0x2b4: {  	v48 =	vshll.u32 v47, $0x3  }
0x2b5: {  	v50 =	vand.u32 $0xFFFFFC00, v48;
	v49 =	vand.u32 $0x7F, v47;
	[tilespmem:s1+$0x14820] =	vst v14  }
0x2b6: {  	v14 =	vor.u32 v49, v50;
	v13 =	vld.idx.msk [tilespmem:v13+s16+$0x0], $0xffff  }
0x2b7: {  	v15 =	vadd.s32 v5, v14;
	_ =	sdelay $0x3  }
0x2b8: {  	[tilespmem:s1+$0x14830] =	vst v13  }
0x2b9: {  	v13 =	vld.idx.msk [tilespmem:v15+s16+$0x0], $0xffff  }
0x2ba: {  	v51 =	vadd.s32 v6, v14;
	_ =	sdelay $0x3  }
0x2bb: {  	[tilespmem:s1+$0x14880] =	vst v13  }
0x2bc: {  	v13 =	vld.idx.msk [tilespmem:v51+s16+$0x0], $0xffff  }
0x2bd: {  	v52 =	vadd.s32 v7, v14;
	_ =	sdelay $0x3  }
0x2be: {  	[tilespmem:s1+$0x14890] =	vst v13  }
0x2bf: {  	v13 =	vld.idx.msk [tilespmem:v52+s16+$0x0], $0xffff  }
0x2c0: {  	v14 =	vadd.s32 v8, v14  }
0x2c1: {  	v53 =	vbroadcast v12, $0xE;
	_ =	sdelay $0x1  }
0x2c2: {  	v54 =	vshll.u32 v53, $0x3  }
0x2c3: {  	v56 =	vand.u32 $0xFFFFFC00, v54;
	v55 =	vand.u32 $0x7F, v53;
	[tilespmem:s1+$0x148A0] =	vst v13  }
0x2c4: {  	v13 =	vor.u32 v55, v56;
	v14 =	vld.idx.msk [tilespmem:v14+s16+$0x0], $0xffff  }
0x2c5: {  	v15 =	vadd.s32 v5, v13;
	_ =	sdelay $0x3  }
0x2c6: {  	[tilespmem:s1+$0x148B0] =	vst v14  }
0x2c7: {  	v14 =	vld.idx.msk [tilespmem:v15+s16+$0x0], $0xffff  }
0x2c8: {  	v57 =	vadd.s32 v6, v13;
	_ =	sdelay $0x3  }
0x2c9: {  	[tilespmem:s1+$0x14900] =	vst v14  }
0x2ca: {  	v14 =	vld.idx.msk [tilespmem:v57+s16+$0x0], $0xffff  }
0x2cb: {  	v58 =	vadd.s32 v7, v13;
	_ =	sdelay $0x3  }
0x2cc: {  	[tilespmem:s1+$0x14910] =	vst v14  }
0x2cd: {  	v14 =	vld.idx.msk [tilespmem:v58+s16+$0x0], $0xffff  }
0x2ce: {  	v13 =	vadd.s32 v8, v13  }
0x2cf: {  	v12 =	vbroadcast v12, $0xF;
	_ =	sdelay $0x1  }
0x2d0: {  	v59 =	vshll.u32 v12, $0x3  }
0x2d1: {  	v12 =	vand.u32 $0x7F, v12;
	v60 =	vand.u32 $0xFFFFFC00, v59;
	[tilespmem:s1+$0x14920] =	vst v14  }
0x2d2: {  	v12 =	vor.u32 v12, v60;
	v13 =	vld.idx.msk [tilespmem:v13+s16+$0x0], $0xffff  }
0x2d3: {  	v14 =	vadd.s32 v5, v12;
	_ =	sdelay $0x1  }
0x2d4: {  	v62 =	vbroadcast v11, $0x0;
	_ =	sdelay $0x1  }
0x2d5: {  	v11 =	vsel vm15, v11, v62;
	[tilespmem:s1+$0x14930] =	vst v13  }
0x2d6: {  	v11 =	vshll.u32 v11, $0x4;
	v13 =	vld.idx.msk [tilespmem:v14+s16+$0x0], $0xffff  }
0x2d7: {  	(v2sf) =	vpush v11, $0x0;
	v61 =	vadd.s32 v6, v12  }
0x2d8: {  	(v2sf) =	vpush v11, $0x1;
	_ =	sdelay $0x2  }
0x2d9: {  	[tilespmem:s1+$0x14980] =	vst v13  }
0x2da: {  	v13 =	vld.idx.msk [tilespmem:v61+s16+$0x0], $0xffff  }
0x2db: {  	v63 =	vadd.s32 v7, v12;
	_ =	sdelay $0x3  }
0x2dc: {  	(v2sf) =	vpush v11, $0x2;
	[tilespmem:s1+$0x14990] =	vst v13  }
0x2dd: {  	v13 =	vld.idx.msk [tilespmem:v63+s16+$0x0], $0xffff  }
0x2de: {  	(v2sf) =	vpush v11, $0x3;
	v12 =	vadd.s32 v8, v12  }
0x2df: {  	(v2sf) =	vpush v11, $0x4;
	_ =	sdelay $0x1  }
0x2e0: {  	s10 =	spop (v2sf)  }
0x2e1: {  	s22 =	spop (v2sf);
	(v2sf) =	vpush v11, $0x5;
	[tilespmem:s1+$0x149A0] =	vst v13  }
0x2e2: {  	v12 =	vld.idx.msk [tilespmem:v12+s16+$0x0], $0xffff;
	_ =	sdelay $0x3  }
0x2e3: {  	s10 =	sand.u32 $0x1FFFFFF0, s10  }
0x2e4: {  	s21 =	sor.u32 $0x14200, s1;
	s10 =	sadd.s32 s5, s10;
	(v2sf) =	vpush v11, $0x6;
	[tilespmem:s1+$0x149B0] =	vst v12  }
0x2e5: {  	[hbm4b:s10+s4] =	stream.linear.scatter [tilespmem:s21], [sflag:$0x3], $0x80, $0x38;
	[tilespmem:$0x1D600] =	vst v63  }
0x2e6: {  	s10 =	sand.u32 $0x1FFFFFF0, s22  }
0x2e7: {  	s26 =	sor.u32 $0x14280, s1;
	s30 =	spop (v2sf);
	s10 =	sadd.s32 s5, s10  }
0x2e8: {  	[hbm4b:s10+s4] =	stream.linear.scatter [tilespmem:s26], [sflag:$0x3], $0x80, $0x38;
	[tilespmem:$0x1D600] =	vst v63  }
0x2e9: {  	s22 =	spop (v2sf);
	(v2sf) =	vpush v11, $0x7;
	s10 =	sand.u32 $0x1FFFFFF0, s30  }
0x2ea: {  	s31 =	sor.u32 $0x14300, s1;
	s30 =	spop (v2sf);
	s10 =	sadd.s32 s5, s10  }
0x2eb: {  	(v2sf) =	vpush v11, $0x8;
	[hbm4b:s10+s4] =	stream.linear.scatter [tilespmem:s31], [sflag:$0x3], $0x80, $0x38;
	[tilespmem:$0x1D600] =	vst v63  }
0x2ec: {  	s10 =	sand.u32 $0x1FFFFFF0, s22  }
0x2ed: {  	s26 =	sor.u32 $0x14380, s1;
	s22 =	spop (v2sf);
	s10 =	sadd.s32 s5, s10  }
0x2ee: {  	(v2sf) =	vpush v11, $0x9;
	[hbm4b:s10+s4] =	stream.linear.scatter [tilespmem:s26], [sflag:$0x3], $0x80, $0x38;
	[tilespmem:$0x1D600] =	vst v63  }
0x2ef: {  	s10 =	sand.u32 $0x1FFFFFF0, s30  }
0x2f0: {  	s31 =	sor.u32 $0x14400, s1;
	s10 =	sadd.s32 s5, s10  }
0x2f1: {  	(v2sf) =	vpush v11, $0xA;
	[hbm4b:s10+s4] =	stream.linear.scatter [tilespmem:s31], [sflag:$0x3], $0x80, $0x38;
	[tilespmem:$0x1D600] =	vst v63  }
0x2f2: {  	s10 =	sand.u32 $0x1FFFFFF0, s22  }
0x2f3: {  	s26 =	sor.u32 $0x14480, s1;
	s30 =	spop (v2sf);
	(v2sf) =	vpush v11, $0xB;
	s10 =	sadd.s32 s5, s10  }
0x2f4: {  	[hbm4b:s10+s4] =	stream.linear.scatter [tilespmem:s26], [sflag:$0x3], $0x80, $0x38;
	[tilespmem:$0x1D600] =	vst v63  }
0x2f5: {  	s10 =	sand.u32 $0x1FFFFFF0, s30  }
0x2f6: {  	s31 =	sor.u32 $0x14500, s1;
	s10 =	sadd.s32 s5, s10  }
0x2f7: {  	[hbm4b:s10+s4] =	stream.linear.scatter [tilespmem:s31], [sflag:$0x3], $0x80, $0x38;
	[tilespmem:$0x1D600] =	vst v63  }
0x2f8: {  	s22 =	spop (v2sf);
	(v2sf) =	vpush v11, $0xC  }
0x2f9: {  	s10 =	sand.u32 $0x1FFFFFF0, s22  }
0x2fa: {  	s26 =	sor.u32 $0x14580, s1;
	s10 =	sadd.s32 s5, s10;
	s30 =	spop (v2sf);
	(v2sf) =	vpush v11, $0xD  }
0x2fb: {  	[hbm4b:s10+s4] =	stream.linear.scatter [tilespmem:s26], [sflag:$0x3], $0x80, $0x38;
	[tilespmem:$0x1D600] =	vst v63  }
0x2fc: {  	s10 =	sand.u32 $0x1FFFFFF0, s30  }
0x2fd: {  	s31 =	sor.u32 $0x14600, s1;
	s10 =	sadd.s32 s5, s10;
	s22 =	spop (v2sf);
	(v2sf) =	vpush v11, $0xE  }
0x2fe: {  	[hbm4b:s10+s4] =	stream.linear.scatter [tilespmem:s31], [sflag:$0x3], $0x80, $0x38;
	[tilespmem:$0x1D600] =	vst v63  }
0x2ff: {  	s10 =	sand.u32 $0x1FFFFFF0, s22  }
0x300: {  	s26 =	sor.u32 $0x14680, s1;
	s30 =	spop (v2sf);
	(v2sf) =	vpush v11, $0xF;
	s10 =	sadd.s32 s5, s10  }
0x301: {  	[hbm4b:s10+s4] =	stream.linear.scatter [tilespmem:s26], [sflag:$0x3], $0x80, $0x38;
	[tilespmem:$0x1D600] =	vst v63  }
0x302: {  	s31 =	spop (v2sf);
	s10 =	sand.u32 $0x1FFFFFF0, s30  }
0x303: {  	s22 =	sor.u32 $0x14700, s1;
	s26 =	sand.u32 $0x1FFFFFF0, s31;
	s10 =	sadd.s32 s5, s10  }
0x304: {  	[hbm4b:s10+s4] =	stream.linear.scatter [tilespmem:s22], [sflag:$0x3], $0x80, $0x38;
	[tilespmem:$0x1D600] =	vst v63  }
0x305: {  	s31 =	sor.u32 $0x14780, s1;
	s10 =	sadd.s32 s5, s26  }
0x306: {  	[hbm4b:s10+s4] =	stream.linear.scatter [tilespmem:s31], [sflag:$0x3], $0x80, $0x38;
	[tilespmem:$0x1D600] =	vst v63  }
0x307: {  	s30 =	spop (v2sf)  }
0x308: {  	s26 =	sand.u32 $0x1FFFFFF0, s30  }
0x309: {  	s31 =	sadd.s32 $0x14800, s1;
	s30 =	spop (v2sf);
	s10 =	sadd.s32 s5, s26  }
0x30a: {  	[hbm4b:s10+s4] =	stream.linear.scatter [tilespmem:s31], [sflag:$0x3], $0x80, $0x38;
	[tilespmem:$0x1D600] =	vst v63  }
0x30b: {  	s26 =	sand.u32 $0x1FFFFFF0, s30  }
0x30c: {  	s31 =	sadd.s32 $0x14880, s1;
	s30 =	spop (v2sf);
	s10 =	sadd.s32 s5, s26  }
0x30d: {  	[hbm4b:s10+s4] =	stream.linear.scatter [tilespmem:s31], [sflag:$0x3], $0x80, $0x38;
	[tilespmem:$0x1D600] =	vst v63  }
0x30e: {  	s26 =	sand.u32 $0x1FFFFFF0, s30;
	s30 =	sadd.s32 $0x14900, s1  }
.Ltmp19:
0x30f: {  	s31 =	spop (v2sf);
	s10 =	sadd.s32 s5, s26;
	(pc) =	sbr.rel .LBB2_17-.Ltmp19, $4  }
0x310: {  	[hbm4b:s10+s4] =	stream.linear.scatter [tilespmem:s30], [sflag:$0x3], $0x80, $0x38;
	[tilespmem:$0x1D600] =	vst v63  }
0x311: {  	s10 =	sand.u32 $0x1FFFFFF0, s31  }
0x312: {  	s1 =	sadd.s32 $0x14980, s1;
	s10 =	sadd.s32 s5, s10  }
0x313: {  	[hbm4b:s10+s4] =	stream.linear.scatter [tilespmem:s1], [sflag:$0x3], $0x80, $0x38;
	[tilespmem:$0x1D600] =	vst v63  }
.LBB2_21:
0x314: {  	_ =	sfence.sel $0x180000  }
0x315: {  	[bflag:$0x0] =	sbarrier.arrive $0xFFFF  }
0x316: {  	_ =	strace $0x90000047  }
0x317: {  	s0 =	stileid.u32;
	[bflag:$0x2] =	sbarrier.arrive $0xFFFF  }
0x318: {  	p0 =	sne.s32 s0, $0x0;
	s0 =	rddreg [dreg:$0x3]  }
0x319: {  	s0 =	sadd.s32 @!p0 $0x100000, s0  }
0x31a: {  	[sflag:s0] =	ssyncadd.tile.s32 @!p0 $0x1;
	_ =	shalt  }
.Lfunc_end2:
_tile_overlayer_lowered:
.L_overlay_start_2:
0x31b: {  	(tag) =	ssettag $0x2  }
0x31c: {  	s0 =	rddreg [dreg:$0x0];
	s2 =	stileid.u32  }
0x31d: {  	s1 =	rddreg [dreg:$0x1];
	p0 =	sne.s32 s2, $0x0  }
0x31e: {  	s3 =	rddreg [dreg:$0x2];
	[bflag:$0x3] =	sbarrier.arrive $0xFFFF;
	s2 =	simm.s32 @!p0 $0x1C04  }
0x31f: {  	[timem:s3], [sflag:s2] =	dma.local @!p0 [hbm:s0], s1  }
0x320: {  	s0 =	simm.s32 @!p0 $0x4  }
0x321: {  	_ =	swait.ge @!p0 [sflag:s0], s1  }
0x322: {  	s1 =	ssub.s32 @!p0 $0x0, s1;
	[sflag:s0] =	ssyncset.done @!p0 $0x0  }
0x323: {  	[sflag:s0] =	ssyncadd.s32 @!p0 s1  }
0x324: {  	[bflag:$0x3] =	sbarrier.arrive $0xFFFF  }
0x325: {  	_ =	shalt  }

</sc_bundles>
